<compile_context>
chip_gen: v7x
topology: tpu7x:2x2x1
jax: 0.10.2.dev20260603
libtpu: 0.0.44.dev20260713+nightly
codegen_flags: <defaults>
</compile_context>

<pallas_src>
import functools

import jax
import jax.numpy as jnp
from jax import lax
from jax.experimental import pallas as pl
from jax.experimental.pallas import tpu as pltpu
from jax.experimental.pallas import tpu_sc as plsc

N = 100000
E = 1600000
D = 32

NC = 2
NS = 16
NHALF = N // NC
NPAD = 51200
OUT_T = NPAD // NS
LAST_T = NHALF - (NS - 1) * OUT_T

CH = 128
SLOTS = 4
G = 196
ETP = CH * SLOTS * G
NROWS_T = ETP // CH
E_PAD = ETP * NS


def _ln_body(x_ref, g_ref, b_ref, o_ref):
    xb = x_ref[...]
    mu = jnp.mean(xb, axis=-1, keepdims=True)
    xc = xb - mu
    var = jnp.mean(xc * xc, axis=-1, keepdims=True)
    h = xc * lax.rsqrt(var + 1e-5) * g_ref[...] + b_ref[...]
    o_ref[...] = jnp.maximum(h, 0.0)


_LN_B = 4000


def _ln_relu(x, gamma, beta):
    return pl.pallas_call(
        _ln_body,
        out_shape=jax.ShapeDtypeStruct((N, D), jnp.float32),
        grid=(N // _LN_B,),
        in_specs=[
            pl.BlockSpec((_LN_B, D), lambda i: (i, 0)),
            pl.BlockSpec((1, D), lambda i: (0, 0)),
            pl.BlockSpec((1, D), lambda i: (0, 0)),
        ],
        out_specs=pl.BlockSpec((_LN_B, D), lambda i: (i, 0)),
    )(x, gamma.reshape(1, D), beta.reshape(1, D))


_mesh = plsc.VectorSubcoreMesh(core_axis_name="c", subcore_axis_name="s")


@functools.partial(
    pl.kernel,
    out_type=(
        jax.ShapeDtypeStruct((N, D), jnp.float32),
        jax.ShapeDtypeStruct((N,), jnp.float32),
    ),
    mesh=_mesh,
    scratch_types=[
        pltpu.VMEM((SLOTS, CH), jnp.int32),
        pltpu.VMEM((SLOTS, CH), jnp.int32),
        pltpu.VMEM((SLOTS, CH), jnp.int32),
        pltpu.VMEM((SLOTS, CH), jnp.int32),
        pltpu.VMEM((SLOTS, CH), jnp.int32),
        pltpu.VMEM((SLOTS, CH), jnp.int32),
        pltpu.VMEM((SLOTS, CH, D), jnp.float32),
        pltpu.VMEM((CH,), jnp.float32),
        pltpu.VMEM((D, D), jnp.float32),
        pltpu.VMEM_SHARED((NPAD, D), jnp.float32),
        pltpu.VMEM_SHARED((NPAD,), jnp.float32),
        pltpu.SemaphoreType.DMA,
        pltpu.SemaphoreType.DMA,
        pltpu.SemaphoreType.DMA,
        pltpu.SemaphoreType.DMA,
        pltpu.SemaphoreType.DMA,
        pltpu.SemaphoreType.DMA,
        pltpu.SemaphoreType.DMA,
        pltpu.SemaphoreType.DMA,
        pltpu.SemaphoreType.DMA,
    ],
    compiler_params=pltpu.CompilerParams(use_tc_tiling_on_sc=False),
)
def _sc_seg(src_hbm, dst_hbm, h_hbm, agg_out, deg_out,
            srcA, srcB, dstA, dstB, locA, locB, msg, onesb, zb,
            acc, dacc, sem_i, sg0, sg1, sg2, sg3, ss0, ss1, ss2, ss3):
    c = lax.axis_index("c")
    s = lax.axis_index("s")
    base = c * NHALF
    sem_g = (sg0, sg1, sg2, sg3)
    sem_s = (ss0, ss1, ss2, ss3)

    for j in range(CH // 16):
        onesb[pl.ds(j * 16, 16)] = jnp.ones((16,), jnp.float32)
    z16 = jnp.zeros((16,), jnp.float32)
    for j in range(D):
        zb[j, pl.ds(0, 16)] = z16
        zb[j, pl.ds(16, 16)] = z16

    def zbody(i, _):
        pltpu.sync_copy(zb, acc.at[pl.ds(s * OUT_T + i * D, D)])
        return _

    def zbody2(i, _):
        pltpu.sync_copy(zb.at[0], dacc.at[pl.ds(s * OUT_T + i * D, D)])
        return _

    lax.fori_loop(0, OUT_T // D, zbody, None)
    lax.fori_loop(0, OUT_T // D, zbody2, None)
    plsc.subcore_barrier()

    row0 = s * NROWS_T

    def fire_idx(n, srcb, dstb):
        r = row0 + n * SLOTS
        pltpu.async_copy(src_hbm.at[pl.ds(r, SLOTS)], srcb, sem_i)
        pltpu.async_copy(dst_hbm.at[pl.ds(r, SLOTS)], dstb, sem_i)

    def drain_idx(n, srcb, dstb):
        r = row0 + n * SLOTS
        pltpu.make_async_copy(src_hbm.at[pl.ds(r, SLOTS)], srcb, sem_i).wait()
        pltpu.make_async_copy(dst_hbm.at[pl.ds(r, SLOTS)], dstb, sem_i).wait()

    def remap(dstb, locb):
        for j in range(SLOTS):
            for k in range(CH // 16):
                d = dstb[j, pl.ds(k * 16, 16)]
                ok = (d >= base) & (d < base + NHALF)
                trash = NHALF + (d & 1023)
                locb[j, pl.ds(k * 16, 16)] = jnp.where(ok, d - base, trash)

    def group_step(g, srcb, locb, srcb_n, dstb_n, locb_n, srcb_p, dstb_p):
        @pl.when(g < G - 1)
        def _():
            drain_idx(g + 1, srcb_n, dstb_n)
            remap(dstb_n, locb_n)
        for j in range(SLOTS):
            pltpu.make_async_copy(h_hbm.at[srcb.at[j]], msg.at[j], sem_g[j]).wait()
            pltpu.async_copy(msg.at[j], acc.at[locb.at[j]], sem_s[j], add=True)
            pltpu.async_copy(onesb, dacc.at[locb.at[j]], sem_s[j], add=True)
        @pl.when(g < G - 2)
        def _():
            fire_idx(g + 2, srcb_p, dstb_p)
        for j in range(SLOTS):
            pltpu.make_async_copy(msg.at[j], acc.at[locb.at[j]], sem_s[j]).wait()
            pltpu.make_async_copy(onesb, dacc.at[locb.at[j]], sem_s[j]).wait()

            @pl.when(g < G - 1)
            def _():
                pltpu.async_copy(h_hbm.at[srcb_n.at[j]], msg.at[j], sem_g[j])

    pltpu.sync_copy(src_hbm.at[pl.ds(row0, SLOTS)], srcA)
    pltpu.sync_copy(dst_hbm.at[pl.ds(row0, SLOTS)], dstA)
    remap(dstA, locA)
    for j in range(SLOTS):
        pltpu.async_copy(h_hbm.at[srcA.at[j]], msg.at[j], sem_g[j])
    fire_idx(1, srcB, dstB)

    def body(t, _):
        g = 2 * t
        group_step(g, srcA, locA, srcB, dstB, locB, srcA, dstA)
        group_step(g + 1, srcB, locB, srcA, dstA, locA, srcB, dstB)
        return _

    lax.fori_loop(0, G // 2, body, None)

    plsc.subcore_barrier()

    @pl.when(s < NS - 1)
    def _():
        pltpu.sync_copy(acc.at[pl.ds(s * OUT_T, OUT_T)],
                        agg_out.at[pl.ds(base + s * OUT_T, OUT_T)])
        pltpu.sync_copy(dacc.at[pl.ds(s * OUT_T, OUT_T)],
                        deg_out.at[pl.ds(base + s * OUT_T, OUT_T)])

    @pl.when(s == NS - 1)
    def _():
        pltpu.sync_copy(acc.at[pl.ds(s * OUT_T, LAST_T)],
                        agg_out.at[pl.ds(base + s * OUT_T, LAST_T)])
        pltpu.sync_copy(dacc.at[pl.ds(s * OUT_T, LAST_T)],
                        deg_out.at[pl.ds(base + s * OUT_T, LAST_T)])


def _comb_body(agg_ref, deg_ref, h_ref, wl_ref, bl_ref, wr_ref, o_ref):
    r = 1.0 / jnp.maximum(deg_ref[...], 1.0)
    a = agg_ref[...] * r
    o_ref[...] = (jnp.dot(a, wl_ref[...], preferred_element_type=jnp.float32)
                  + bl_ref[...]
                  + jnp.dot(h_ref[...], wr_ref[...], preferred_element_type=jnp.float32))


def _combine(agg, deg, h, wlT, bl, wrT):
    return pl.pallas_call(
        _comb_body,
        out_shape=jax.ShapeDtypeStruct((N, D), jnp.float32),
        grid=(N // _LN_B,),
        in_specs=[
            pl.BlockSpec((_LN_B, D), lambda i: (i, 0)),
            pl.BlockSpec((_LN_B, 1), lambda i: (i, 0)),
            pl.BlockSpec((_LN_B, D), lambda i: (i, 0)),
            pl.BlockSpec((D, D), lambda i: (0, 0)),
            pl.BlockSpec((1, D), lambda i: (0, 0)),
            pl.BlockSpec((D, D), lambda i: (0, 0)),
        ],
        out_specs=pl.BlockSpec((_LN_B, D), lambda i: (i, 0)),
    )(agg, deg.reshape(N, 1), h, wlT, bl.reshape(1, D), wrT)


def kernel(x, edge_index, gamma, beta, W_l, b_l, W_r):
    h = _ln_relu(x, gamma, beta)
    src = edge_index[0].astype(jnp.int32)
    dst = edge_index[1].astype(jnp.int32)
    src = jnp.concatenate([src, jnp.zeros((E_PAD - E,), jnp.int32)])
    dst = jnp.concatenate([dst, jnp.full((E_PAD - E,), 1 << 30, jnp.int32)])
    agg, deg = _sc_seg(src.reshape(E_PAD // CH, CH), dst.reshape(E_PAD // CH, CH), h)
    return _combine(agg, deg, h, W_l.T, b_l, W_r.T)

# --- scband reference (transcript-rebuilt; emitter-appended) ---
"""Pipeline reference for scband-rev-gnnlayer-21277267984968 (READ-ONLY COPY).

The authoritative reference and input builder live on the scoring server;
editing this copy changes nothing except your own understanding.
"""

import jax, jax.numpy as jnp
import numpy as np

N_NODES = 100000
N_EDGES = 1600000
D = 32  # d_hidden // n_groups = 128 // 4

def setup_inputs(seed: int = 0) -> dict:
    key = jax.random.key(seed)
    k1, k2, k3, k4, k5 = jax.random.split(key, 5)
    x = jax.random.normal(k1, (N_NODES, D), dtype=jnp.float32)
    edge_index = jax.random.randint(k2, (2, N_EDGES), 0, N_NODES, dtype=jnp.int64)
    # LayerNorm affine params
    gamma = jnp.ones((D,), dtype=jnp.float32)
    beta = jnp.zeros((D,), dtype=jnp.float32)
    # SAGEConv params: lin_l (applied to aggregated neighbors, has bias), lin_r (root)
    bound = 1.0 / np.sqrt(D)
    W_l = jax.random.uniform(k3, (D, D), dtype=jnp.float32, minval=-bound, maxval=bound)
    b_l = jax.random.uniform(k4, (D,), dtype=jnp.float32, minval=-bound, maxval=bound)
    W_r = jax.random.uniform(k5, (D, D), dtype=jnp.float32, minval=-bound, maxval=bound)
    return {"x": x, "edge_index": edge_index, "gamma": gamma, "beta": beta, "W_l": W_l, "b_l": b_l, "W_r": W_r}

def reference(x, edge_index, gamma, beta, W_l, b_l, W_r):
    # LayerNorm (biased variance, eps=1e-5) + ReLU
    mu = jnp.mean(x, axis=-1, keepdims=True)
    var = jnp.var(x, axis=-1, keepdims=True)
    h = (x - mu) / jnp.sqrt(var + 1e-5) * gamma + beta
    h = jax.nn.relu(h)
    # SAGEConv with mean aggregation: out = lin_l(mean_j h[src]) + lin_r(h)
    src = edge_index[0]
    dst = edge_index[1]
    msg = jnp.take(h, src, axis=0)                      # gather [E, D]
    agg_sum = jax.ops.segment_sum(msg, dst, num_segments=N_NODES)   # scatter-add
    deg = jax.ops.segment_sum(jnp.ones((N_EDGES,), dtype=jnp.float32), dst, num_segments=N_NODES)
    agg = agg_sum / jnp.clip(deg, 1.0, None)[:, None]   # mean (0 where no neighbors)
    out = agg @ W_l.T + b_l + h @ W_r.T
    return out

if __name__ == "__main__":
    import jax
    _d = setup_inputs()
    print(jax.jit(kernel)(*tuple(_d.values())))

</pallas_src>

<mosaic_0001>
#map = affine_map<(d0, d1) -> (0, 0)>
#map1 = affine_map<(d0, d1) -> (0)>
module attributes {stable_mosaic.version = 14 : i64} {
  func.func @_sc_seg(%arg0: i32, %arg1: i32, %arg2: memref<12544x128xi32, #tpu.memory_space<hbm>>, %arg3: memref<12544x128xi32, #tpu.memory_space<hbm>>, %arg4: memref<100000x32xf32, #tpu.memory_space<hbm>>, %arg5: memref<100000x32xf32, #tpu.memory_space<hbm>>, %arg6: memref<100000xf32, #tpu.memory_space<hbm>>, %arg7: memref<4x128xi32, #tpu.memory_space<vmem>>, %arg8: memref<4x128xi32, #tpu.memory_space<vmem>>, %arg9: memref<4x128xi32, #tpu.memory_space<vmem>>, %arg10: memref<4x128xi32, #tpu.memory_space<vmem>>, %arg11: memref<4x128xi32, #tpu.memory_space<vmem>>, %arg12: memref<4x128xi32, #tpu.memory_space<vmem>>, %arg13: memref<4x128x32xf32, #tpu.memory_space<vmem>>, %arg14: memref<128xf32, #tpu.memory_space<vmem>>, %arg15: memref<32x32xf32, #tpu.memory_space<vmem>>, %arg16: memref<51200x32xf32, #tpu.memory_space<vmem_shared>>, %arg17: memref<51200xf32, #tpu.memory_space<vmem_shared>>, %arg18: memref<!tpu.dma_semaphore, #tpu.memory_space<semaphore_mem>>, %arg19: memref<!tpu.dma_semaphore, #tpu.memory_space<semaphore_mem>>, %arg20: memref<!tpu.dma_semaphore, #tpu.memory_space<semaphore_mem>>, %arg21: memref<!tpu.dma_semaphore, #tpu.memory_space<semaphore_mem>>, %arg22: memref<!tpu.dma_semaphore, #tpu.memory_space<semaphore_mem>>, %arg23: memref<!tpu.dma_semaphore, #tpu.memory_space<semaphore_mem>>, %arg24: memref<!tpu.dma_semaphore, #tpu.memory_space<semaphore_mem>>, %arg25: memref<!tpu.dma_semaphore, #tpu.memory_space<semaphore_mem>>, %arg26: memref<!tpu.dma_semaphore, #tpu.memory_space<semaphore_mem>>) attributes {dimension_semantics = [#tpu.dimension_semantics<core_parallel>, #tpu.dimension_semantics<subcore_parallel>], iteration_bounds = array<i64: 2, 16>, scalar_prefetch = 0 : i64, scratch_operands = 20 : i64, tpu.core_type = #tpu.core_type<sc_vector_subcore>, window_params = [{transform_indices = #map}, {transform_indices = #map}, {transform_indices = #map}, {transform_indices = #map}, {transform_indices = #map1}]} {
    %mul3A = arith.constant 50000 : i32
    %mul3A_0 = arith.muli %arg0, %mul3A : i32
    %broadcast_in_dim3A = arith.constant 1.000000e+00 : f32
    %broadcast_in_dim3A_1 = vector.broadcast %broadcast_in_dim3A : f32 to vector<16xf32>
    %swap3A = arith.constant 0 : index
    %swap3A_2 = tpu.vector_load %arg14[%swap3A] {strides = array<i32>} : memref<128xf32, #tpu.memory_space<vmem>>, vector<16xf32>,
    %swap3A_3 = vector.shape_cast %swap3A_2 : vector<16xf32> to vector<16xf32>
    %swap3A_4 = vector.shape_cast %broadcast_in_dim3A_1 : vector<16xf32> to vector<16xf32>
    tpu.vector_store %arg14[%swap3A], %swap3A_4 {strides = array<i32>} : memref<128xf32, #tpu.memory_space<vmem>>, vector<16xf32>,
    %broadcast_in_dim3A_5 = arith.constant 1.000000e+00 : f32
    %broadcast_in_dim3A_6 = vector.broadcast %broadcast_in_dim3A_5 : f32 to vector<16xf32>
    %swap3A_7 = arith.constant 16 : index
    %swap3A_8 = tpu.vector_load %arg14[%swap3A_7] {strides = array<i32>} : memref<128xf32, #tpu.memory_space<vmem>>, vector<16xf32>,
    %swap3A_9 = vector.shape_cast %swap3A_8 : vector<16xf32> to vector<16xf32>
    %swap3A_10 = vector.shape_cast %broadcast_in_dim3A_6 : vector<16xf32> to vector<16xf32>
    tpu.vector_store %arg14[%swap3A_7], %swap3A_10 {strides = array<i32>} : memref<128xf32, #tpu.memory_space<vmem>>, vector<16xf32>,
    %broadcast_in_dim3A_11 = arith.constant 1.000000e+00 : f32
    %broadcast_in_dim3A_12 = vector.broadcast %broadcast_in_dim3A_11 : f32 to vector<16xf32>
    %swap3A_13 = arith.constant 32 : index
    %swap3A_14 = tpu.vector_load %arg14[%swap3A_13] {strides = array<i32>} : memref<128xf32, #tpu.memory_space<vmem>>, vector<16xf32>,
    %swap3A_15 = vector.shape_cast %swap3A_14 : vector<16xf32> to vector<16xf32>
    %swap3A_16 = vector.shape_cast %broadcast_in_dim3A_12 : vector<16xf32> to vector<16xf32>
    tpu.vector_store %arg14[%swap3A_13], %swap3A_16 {strides = array<i32>} : memref<128xf32, #tpu.memory_space<vmem>>, vector<16xf32>,
    %broadcast_in_dim3A_17 = arith.constant 1.000000e+00 : f32
    %broadcast_in_dim3A_18 = vector.broadcast %broadcast_in_dim3A_17 : f32 to vector<16xf32>
    %swap3A_19 = arith.constant 48 : index
    %swap3A_20 = tpu.vector_load %arg14[%swap3A_19] {strides = array<i32>} : memref<128xf32, #tpu.memory_space<vmem>>, vector<16xf32>,
    %swap3A_21 = vector.shape_cast %swap3A_20 : vector<16xf32> to vector<16xf32>
    %swap3A_22 = vector.shape_cast %broadcast_in_dim3A_18 : vector<16xf32> to vector<16xf32>
    tpu.vector_store %arg14[%swap3A_19], %swap3A_22 {strides = array<i32>} : memref<128xf32, #tpu.memory_space<vmem>>, vector<16xf32>,
    %broadcast_in_dim3A_23 = arith.constant 1.000000e+00 : f32
    %broadcast_in_dim3A_24 = vector.broadcast %broadcast_in_dim3A_23 : f32 to vector<16xf32>
    %swap3A_25 = arith.constant 64 : index
    %swap3A_26 = tpu.vector_load %arg14[%swap3A_25] {strides = array<i32>} : memref<128xf32, #tpu.memory_space<vmem>>, vector<16xf32>,
    %swap3A_27 = vector.shape_cast %swap3A_26 : vector<16xf32> to vector<16xf32>
    %swap3A_28 = vector.shape_cast %broadcast_in_dim3A_24 : vector<16xf32> to vector<16xf32>
    tpu.vector_store %arg14[%swap3A_25], %swap3A_28 {strides = array<i32>} : memref<128xf32, #tpu.memory_space<vmem>>, vector<16xf32>,
    %broadcast_in_dim3A_29 = arith.constant 1.000000e+00 : f32
    %broadcast_in_dim3A_30 = vector.broadcast %broadcast_in_dim3A_29 : f32 to vector<16xf32>
    %swap3A_31 = arith.constant 80 : index
    %swap3A_32 = tpu.vector_load %arg14[%swap3A_31] {strides = array<i32>} : memref<128xf32, #tpu.memory_space<vmem>>, vector<16xf32>,
    %swap3A_33 = vector.shape_cast %swap3A_32 : vector<16xf32> to vector<16xf32>
    %swap3A_34 = vector.shape_cast %broadcast_in_dim3A_30 : vector<16xf32> to vector<16xf32>
    tpu.vector_store %arg14[%swap3A_31], %swap3A_34 {strides = array<i32>} : memref<128xf32, #tpu.memory_space<vmem>>, vector<16xf32>,
    %broadcast_in_dim3A_35 = arith.constant 1.000000e+00 : f32
    %broadcast_in_dim3A_36 = vector.broadcast %broadcast_in_dim3A_35 : f32 to vector<16xf32>
    %swap3A_37 = arith.constant 96 : index
    %swap3A_38 = tpu.vector_load %arg14[%swap3A_37] {strides = array<i32>} : memref<128xf32, #tpu.memory_space<vmem>>, vector<16xf32>,
    %swap3A_39 = vector.shape_cast %swap3A_38 : vector<16xf32> to vector<16xf32>
    %swap3A_40 = vector.shape_cast %broadcast_in_dim3A_36 : vector<16xf32> to vector<16xf32>
    tpu.vector_store %arg14[%swap3A_37], %swap3A_40 {strides = array<i32>} : memref<128xf32, #tpu.memory_space<vmem>>, vector<16xf32>,
    %broadcast_in_dim3A_41 = arith.constant 1.000000e+00 : f32
    %broadcast_in_dim3A_42 = vector.broadcast %broadcast_in_dim3A_41 : f32 to vector<16xf32>
    %swap3A_43 = arith.constant 112 : index
    %swap3A_44 = tpu.vector_load %arg14[%swap3A_43] {strides = array<i32>} : memref<128xf32, #tpu.memory_space<vmem>>, vector<16xf32>,
    %swap3A_45 = vector.shape_cast %swap3A_44 : vector<16xf32> to vector<16xf32>
    %swap3A_46 = vector.shape_cast %broadcast_in_dim3A_42 : vector<16xf32> to vector<16xf32>
    tpu.vector_store %arg14[%swap3A_43], %swap3A_46 {strides = array<i32>} : memref<128xf32, #tpu.memory_space<vmem>>, vector<16xf32>,
    %broadcast_in_dim3A_47 = arith.constant 0.000000e+00 : f32
    %broadcast_in_dim3A_48 = vector.broadcast %broadcast_in_dim3A_47 : f32 to vector<16xf32>
    %swap3A_49 = arith.constant 0 : i32
    %swap3A_50 = arith.index_cast %swap3A_49 : i32 to index
    %swap3A_51 = arith.constant 0 : index
    %swap3A_52 = tpu.vector_load %arg15[%swap3A_50, %swap3A_51] {strides = array<i32>} : memref<32x32xf32, #tpu.memory_space<vmem>>, vector<1x16xf32>,
    %swap3A_53 = vector.shape_cast %swap3A_52 : vector<1x16xf32> to vector<16xf32>
    %swap3A_54 = vector.shape_cast %broadcast_in_dim3A_48 : vector<16xf32> to vector<1x16xf32>
    tpu.vector_store %arg15[%swap3A_50, %swap3A_51], %swap3A_54 {strides = array<i32>} : memref<32x32xf32, #tpu.memory_space<vmem>>, vector<1x16xf32>,
    %swap3A_55 = arith.constant 0 : i32
    %swap3A_56 = arith.index_cast %swap3A_55 : i32 to index
    %swap3A_57 = arith.constant 16 : index
    %swap3A_58 = tpu.vector_load %arg15[%swap3A_56, %swap3A_57] {strides = array<i32>} : memref<32x32xf32, #tpu.memory_space<vmem>>, vector<1x16xf32>,
    %swap3A_59 = vector.shape_cast %swap3A_58 : vector<1x16xf32> to vector<16xf32>
    %swap3A_60 = vector.shape_cast %broadcast_in_dim3A_48 : vector<16xf32> to vector<1x16xf32>
    tpu.vector_store %arg15[%swap3A_56, %swap3A_57], %swap3A_60 {strides = array<i32>} : memref<32x32xf32, #tpu.memory_space<vmem>>, vector<1x16xf32>,
    %swap3A_61 = arith.constant 1 : i32
    %swap3A_62 = arith.index_cast %swap3A_61 : i32 to index
    %swap3A_63 = arith.constant 0 : index
    %swap3A_64 = tpu.vector_load %arg15[%swap3A_62, %swap3A_63] {strides = array<i32>} : memref<32x32xf32, #tpu.memory_space<vmem>>, vector<1x16xf32>,
    %swap3A_65 = vector.shape_cast %swap3A_64 : vector<1x16xf32> to vector<16xf32>
    %swap3A_66 = vector.shape_cast %broadcast_in_dim3A_48 : vector<16xf32> to vector<1x16xf32>
    tpu.vector_store %arg15[%swap3A_62, %swap3A_63], %swap3A_66 {strides = array<i32>} : memref<32x32xf32, #tpu.memory_space<vmem>>, vector<1x16xf32>,
    %swap3A_67 = arith.constant 1 : i32
    %swap3A_68 = arith.index_cast %swap3A_67 : i32 to index
    %swap3A_69 = arith.constant 16 : index
    %swap3A_70 = tpu.vector_load %arg15[%swap3A_68, %swap3A_69] {strides = array<i32>} : memref<32x32xf32, #tpu.memory_space<vmem>>, vector<1x16xf32>,
    %swap3A_71 = vector.shape_cast %swap3A_70 : vector<1x16xf32> to vector<16xf32>
    %swap3A_72 = vector.shape_cast %broadcast_in_dim3A_48 : vector<16xf32> to vector<1x16xf32>
    tpu.vector_store %arg15[%swap3A_68, %swap3A_69], %swap3A_72 {strides = array<i32>} : memref<32x32xf32, #tpu.memory_space<vmem>>, vector<1x16xf32>,
    %swap3A_73 = arith.constant 2 : i32
    %swap3A_74 = arith.index_cast %swap3A_73 : i32 to index
    %swap3A_75 = arith.constant 0 : index
    %swap3A_76 = tpu.vector_load %arg15[%swap3A_74, %swap3A_75] {strides = array<i32>} : memref<32x32xf32, #tpu.memory_space<vmem>>, vector<1x16xf32>,
    %swap3A_77 = vector.shape_cast %swap3A_76 : vector<1x16xf32> to vector<16xf32>
    %swap3A_78 = vector.shape_cast %broadcast_in_dim3A_48 : vector<16xf32> to vector<1x16xf32>
    tpu.vector_store %arg15[%swap3A_74, %swap3A_75], %swap3A_78 {strides = array<i32>} : memref<32x32xf32, #tpu.memory_space<vmem>>, vector<1x16xf32>,
    %swap3A_79 = arith.constant 2 : i32
    %swap3A_80 = arith.index_cast %swap3A_79 : i32 to index
    %swap3A_81 = arith.constant 16 : index
    %swap3A_82 = tpu.vector_load %arg15[%swap3A_80, %swap3A_81] {strides = array<i32>} : memref<32x32xf32, #tpu.memory_space<vmem>>, vector<1x16xf32>,
    %swap3A_83 = vector.shape_cast %swap3A_82 : vector<1x16xf32> to vector<16xf32>
    %swap3A_84 = vector.shape_cast %broadcast_in_dim3A_48 : vector<16xf32> to vector<1x16xf32>
    tpu.vector_store %arg15[%swap3A_80, %swap3A_81], %swap3A_84 {strides = array<i32>} : memref<32x32xf32, #tpu.memory_space<vmem>>, vector<1x16xf32>,
    %swap3A_85 = arith.constant 3 : i32
    %swap3A_86 = arith.index_cast %swap3A_85 : i32 to index
    %swap3A_87 = arith.constant 0 : index
    %swap3A_88 = tpu.vector_load %arg15[%swap3A_86, %swap3A_87] {strides = array<i32>} : memref<32x32xf32, #tpu.memory_space<vmem>>, vector<1x16xf32>,
    %swap3A_89 = vector.shape_cast %swap3A_88 : vector<1x16xf32> to vector<16xf32>
    %swap3A_90 = vector.shape_cast %broadcast_in_dim3A_48 : vector<16xf32> to vector<1x16xf32>
    tpu.vector_store %arg15[%swap3A_86, %swap3A_87], %swap3A_90 {strides = array<i32>} : memref<32x32xf32, #tpu.memory_space<vmem>>, vector<1x16xf32>,
    %swap3A_91 = arith.constant 3 : i32
    %swap3A_92 = arith.index_cast %swap3A_91 : i32 to index
    %swap3A_93 = arith.constant 16 : index
    %swap3A_94 = tpu.vector_load %arg15[%swap3A_92, %swap3A_93] {strides = array<i32>} : memref<32x32xf32, #tpu.memory_space<vmem>>, vector<1x16xf32>,
    %swap3A_95 = vector.shape_cast %swap3A_94 : vector<1x16xf32> to vector<16xf32>
    %swap3A_96 = vector.shape_cast %broadcast_in_dim3A_48 : vector<16xf32> to vector<1x16xf32>
    tpu.vector_store %arg15[%swap3A_92, %swap3A_93], %swap3A_96 {strides = array<i32>} : memref<32x32xf32, #tpu.memory_space<vmem>>, vector<1x16xf32>,
    %swap3A_97 = arith.constant 4 : i32
    %swap3A_98 = arith.index_cast %swap3A_97 : i32 to index
    %swap3A_99 = arith.constant 0 : index
    %swap3A_100 = tpu.vector_load %arg15[%swap3A_98, %swap3A_99] {strides = array<i32>} : memref<32x32xf32, #tpu.memory_space<vmem>>, vector<1x16xf32>,
    %swap3A_101 = vector.shape_cast %swap3A_100 : vector<1x16xf32> to vector<16xf32>
    %swap3A_102 = vector.shape_cast %broadcast_in_dim3A_48 : vector<16xf32> to vector<1x16xf32>
    tpu.vector_store %arg15[%swap3A_98, %swap3A_99], %swap3A_102 {strides = array<i32>} : memref<32x32xf32, #tpu.memory_space<vmem>>, vector<1x16xf32>,
    %swap3A_103 = arith.constant 4 : i32
    %swap3A_104 = arith.index_cast %swap3A_103 : i32 to index
    %swap3A_105 = arith.constant 16 : index
    %swap3A_106 = tpu.vector_load %arg15[%swap3A_104, %swap3A_105] {strides = array<i32>} : memref<32x32xf32, #tpu.memory_space<vmem>>, vector<1x16xf32>,
    %swap3A_107 = vector.shape_cast %swap3A_106 : vector<1x16xf32> to vector<16xf32>
    %swap3A_108 = vector.shape_cast %broadcast_in_dim3A_48 : vector<16xf32> to vector<1x16xf32>
    tpu.vector_store %arg15[%swap3A_104, %swap3A_105], %swap3A_108 {strides = array<i32>} : memref<32x32xf32, #tpu.memory_space<vmem>>, vector<1x16xf32>,
    %swap3A_109 = arith.constant 5 : i32
    %swap3A_110 = arith.index_cast %swap3A_109 : i32 to index
    %swap3A_111 = arith.constant 0 : index
    %swap3A_112 = tpu.vector_load %arg15[%swap3A_110, %swap3A_111] {strides = array<i32>} : memref<32x32xf32, #tpu.memory_space<vmem>>, vector<1x16xf32>,
    %swap3A_113 = vector.shape_cast %swap3A_112 : vector<1x16xf32> to vector<16xf32>
    %swap3A_114 = vector.shape_cast %broadcast_in_dim3A_48 : vector<16xf32> to vector<1x16xf32>
    tpu.vector_store %arg15[%swap3A_110, %swap3A_111], %swap3A_114 {strides = array<i32>} : memref<32x32xf32, #tpu.memory_space<vmem>>, vector<1x16xf32>,
    %swap3A_115 = arith.constant 5 : i32
    %swap3A_116 = arith.index_cast %swap3A_115 : i32 to index
    %swap3A_117 = arith.constant 16 : index
    %swap3A_118 = tpu.vector_load %arg15[%swap3A_116, %swap3A_117] {strides = array<i32>} : memref<32x32xf32, #tpu.memory_space<vmem>>, vector<1x16xf32>,
    %swap3A_119 = vector.shape_cast %swap3A_118 : vector<1x16xf32> to vector<16xf32>
    %swap3A_120 = vector.shape_cast %broadcast_in_dim3A_48 : vector<16xf32> to vector<1x16xf32>
    tpu.vector_store %arg15[%swap3A_116, %swap3A_117], %swap3A_120 {strides = array<i32>} : memref<32x32xf32, #tpu.memory_space<vmem>>, vector<1x16xf32>,
    %swap3A_121 = arith.constant 6 : i32
    %swap3A_122 = arith.index_cast %swap3A_121 : i32 to index
    %swap3A_123 = arith.constant 0 : index
    %swap3A_124 = tpu.vector_load %arg15[%swap3A_122, %swap3A_123] {strides = array<i32>} : memref<32x32xf32, #tpu.memory_space<vmem>>, vector<1x16xf32>,
    %swap3A_125 = vector.shape_cast %swap3A_124 : vector<1x16xf32> to vector<16xf32>
    %swap3A_126 = vector.shape_cast %broadcast_in_dim3A_48 : vector<16xf32> to vector<1x16xf32>
    tpu.vector_store %arg15[%swap3A_122, %swap3A_123], %swap3A_126 {strides = array<i32>} : memref<32x32xf32, #tpu.memory_space<vmem>>, vector<1x16xf32>,
    %swap3A_127 = arith.constant 6 : i32
    %swap3A_128 = arith.index_cast %swap3A_127 : i32 to index
    %swap3A_129 = arith.constant 16 : index
    %swap3A_130 = tpu.vector_load %arg15[%swap3A_128, %swap3A_129] {strides = array<i32>} : memref<32x32xf32, #tpu.memory_space<vmem>>, vector<1x16xf32>,
    %swap3A_131 = vector.shape_cast %swap3A_130 : vector<1x16xf32> to vector<16xf32>
    %swap3A_132 = vector.shape_cast %broadcast_in_dim3A_48 : vector<16xf32> to vector<1x16xf32>
    tpu.vector_store %arg15[%swap3A_128, %swap3A_129], %swap3A_132 {strides = array<i32>} : memref<32x32xf32, #tpu.memory_space<vmem>>, vector<1x16xf32>,
    %swap3A_133 = arith.constant 7 : i32
    %swap3A_134 = arith.index_cast %swap3A_133 : i32 to index
    %swap3A_135 = arith.constant 0 : index
    %swap3A_136 = tpu.vector_load %arg15[%swap3A_134, %swap3A_135] {strides = array<i32>} : memref<32x32xf32, #tpu.memory_space<vmem>>, vector<1x16xf32>,
    %swap3A_137 = vector.shape_cast %swap3A_136 : vector<1x16xf32> to vector<16xf32>
    %swap3A_138 = vector.shape_cast %broadcast_in_dim3A_48 : vector<16xf32> to vector<1x16xf32>
    tpu.vector_store %arg15[%swap3A_134, %swap3A_135], %swap3A_138 {strides = array<i32>} : memref<32x32xf32, #tpu.memory_space<vmem>>, vector<1x16xf32>,
    %swap3A_139 = arith.constant 7 : i32
    %swap3A_140 = arith.index_cast %swap3A_139 : i32 to index
    %swap3A_141 = arith.constant 16 : index
    %swap3A_142 = tpu.vector_load %arg15[%swap3A_140, %swap3A_141] {strides = array<i32>} : memref<32x32xf32, #tpu.memory_space<vmem>>, vector<1x16xf32>,
    %swap3A_143 = vector.shape_cast %swap3A_142 : vector<1x16xf32> to vector<16xf32>
    %swap3A_144 = vector.shape_cast %broadcast_in_dim3A_48 : vector<16xf32> to vector<1x16xf32>
    tpu.vector_store %arg15[%swap3A_140, %swap3A_141], %swap3A_144 {strides = array<i32>} : memref<32x32xf32, #tpu.memory_space<vmem>>, vector<1x16xf32>,
    %swap3A_145 = arith.constant 8 : i32
    %swap3A_146 = arith.index_cast %swap3A_145 : i32 to index
    %swap3A_147 = arith.constant 0 : index
    %swap3A_148 = tpu.vector_load %arg15[%swap3A_146, %swap3A_147] {strides = array<i32>} : memref<32x32xf32, #tpu.memory_space<vmem>>, vector<1x16xf32>,
    %swap3A_149 = vector.shape_cast %swap3A_148 : vector<1x16xf32> to vector<16xf32>
    %swap3A_150 = vector.shape_cast %broadcast_in_dim3A_48 : vector<16xf32> to vector<1x16xf32>
    tpu.vector_store %arg15[%swap3A_146, %swap3A_147], %swap3A_150 {strides = array<i32>} : memref<32x32xf32, #tpu.memory_space<vmem>>, vector<1x16xf32>,
    %swap3A_151 = arith.constant 8 : i32
    %swap3A_152 = arith.index_cast %swap3A_151 : i32 to index
    %swap3A_153 = arith.constant 16 : index
    %swap3A_154 = tpu.vector_load %arg15[%swap3A_152, %swap3A_153] {strides = array<i32>} : memref<32x32xf32, #tpu.memory_space<vmem>>, vector<1x16xf32>,
    %swap3A_155 = vector.shape_cast %swap3A_154 : vector<1x16xf32> to vector<16xf32>
    %swap3A_156 = vector.shape_cast %broadcast_in_dim3A_48 : vector<16xf32> to vector<1x16xf32>
    tpu.vector_store %arg15[%swap3A_152, %swap3A_153], %swap3A_156 {strides = array<i32>} : memref<32x32xf32, #tpu.memory_space<vmem>>, vector<1x16xf32>,
    %swap3A_157 = arith.constant 9 : i32
    %swap3A_158 = arith.index_cast %swap3A_157 : i32 to index
    %swap3A_159 = arith.constant 0 : index
    %swap3A_160 = tpu.vector_load %arg15[%swap3A_158, %swap3A_159] {strides = array<i32>} : memref<32x32xf32, #tpu.memory_space<vmem>>, vector<1x16xf32>,
    %swap3A_161 = vector.shape_cast %swap3A_160 : vector<1x16xf32> to vector<16xf32>
    %swap3A_162 = vector.shape_cast %broadcast_in_dim3A_48 : vector<16xf32> to vector<1x16xf32>
    tpu.vector_store %arg15[%swap3A_158, %swap3A_159], %swap3A_162 {strides = array<i32>} : memref<32x32xf32, #tpu.memory_space<vmem>>, vector<1x16xf32>,
    %swap3A_163 = arith.constant 9 : i32
    %swap3A_164 = arith.index_cast %swap3A_163 : i32 to index
    %swap3A_165 = arith.constant 16 : index
    %swap3A_166 = tpu.vector_load %arg15[%swap3A_164, %swap3A_165] {strides = array<i32>} : memref<32x32xf32, #tpu.memory_space<vmem>>, vector<1x16xf32>,
    %swap3A_167 = vector.shape_cast %swap3A_166 : vector<1x16xf32> to vector<16xf32>
    %swap3A_168 = vector.shape_cast %broadcast_in_dim3A_48 : vector<16xf32> to vector<1x16xf32>
    tpu.vector_store %arg15[%swap3A_164, %swap3A_165], %swap3A_168 {strides = array<i32>} : memref<32x32xf32, #tpu.memory_space<vmem>>, vector<1x16xf32>,
    %swap3A_169 = arith.constant 10 : i32
    %swap3A_170 = arith.index_cast %swap3A_169 : i32 to index
    %swap3A_171 = arith.constant 0 : index
    %swap3A_172 = tpu.vector_load %arg15[%swap3A_170, %swap3A_171] {strides = array<i32>} : memref<32x32xf32, #tpu.memory_space<vmem>>, vector<1x16xf32>,
    %swap3A_173 = vector.shape_cast %swap3A_172 : vector<1x16xf32> to vector<16xf32>
    %swap3A_174 = vector.shape_cast %broadcast_in_dim3A_48 : vector<16xf32> to vector<1x16xf32>
    tpu.vector_store %arg15[%swap3A_170, %swap3A_171], %swap3A_174 {strides = array<i32>} : memref<32x32xf32, #tpu.memory_space<vmem>>, vector<1x16xf32>,
    %swap3A_175 = arith.constant 10 : i32
    %swap3A_176 = arith.index_cast %swap3A_175 : i32 to index
    %swap3A_177 = arith.constant 16 : index
    %swap3A_178 = tpu.vector_load %arg15[%swap3A_176, %swap3A_177] {strides = array<i32>} : memref<32x32xf32, #tpu.memory_space<vmem>>, vector<1x16xf32>,
    %swap3A_179 = vector.shape_cast %swap3A_178 : vector<1x16xf32> to vector<16xf32>
    %swap3A_180 = vector.shape_cast %broadcast_in_dim3A_48 : vector<16xf32> to vector<1x16xf32>
    tpu.vector_store %arg15[%swap3A_176, %swap3A_177], %swap3A_180 {strides = array<i32>} : memref<32x32xf32, #tpu.memory_space<vmem>>, vector<1x16xf32>,
    %swap3A_181 = arith.constant 11 : i32
    %swap3A_182 = arith.index_cast %swap3A_181 : i32 to index
    %swap3A_183 = arith.constant 0 : index
    %swap3A_184 = tpu.vector_load %arg15[%swap3A_182, %swap3A_183] {strides = array<i32>} : memref<32x32xf32, #tpu.memory_space<vmem>>, vector<1x16xf32>,
    %swap3A_185 = vector.shape_cast %swap3A_184 : vector<1x16xf32> to vector<16xf32>
    %swap3A_186 = vector.shape_cast %broadcast_in_dim3A_48 : vector<16xf32> to vector<1x16xf32>
    tpu.vector_store %arg15[%swap3A_182, %swap3A_183], %swap3A_186 {strides = array<i32>} : memref<32x32xf32, #tpu.memory_space<vmem>>, vector<1x16xf32>,
    %swap3A_187 = arith.constant 11 : i32
    %swap3A_188 = arith.index_cast %swap3A_187 : i32 to index
    %swap3A_189 = arith.constant 16 : index
    %swap3A_190 = tpu.vector_load %arg15[%swap3A_188, %swap3A_189] {strides = array<i32>} : memref<32x32xf32, #tpu.memory_space<vmem>>, vector<1x16xf32>,
    %swap3A_191 = vector.shape_cast %swap3A_190 : vector<1x16xf32> to vector<16xf32>
    %swap3A_192 = vector.shape_cast %broadcast_in_dim3A_48 : vector<16xf32> to vector<1x16xf32>
    tpu.vector_store %arg15[%swap3A_188, %swap3A_189], %swap3A_192 {strides = array<i32>} : memref<32x32xf32, #tpu.memory_space<vmem>>, vector<1x16xf32>,
    %swap3A_193 = arith.constant 12 : i32
    %swap3A_194 = arith.index_cast %swap3A_193 : i32 to index
    %swap3A_195 = arith.constant 0 : index
    %swap3A_196 = tpu.vector_load %arg15[%swap3A_194, %swap3A_195] {strides = array<i32>} : memref<32x32xf32, #tpu.memory_space<vmem>>, vector<1x16xf32>,
    %swap3A_197 = vector.shape_cast %swap3A_196 : vector<1x16xf32> to vector<16xf32>
    %swap3A_198 = vector.shape_cast %broadcast_in_dim3A_48 : vector<16xf32> to vector<1x16xf32>
    tpu.vector_store %arg15[%swap3A_194, %swap3A_195], %swap3A_198 {strides = array<i32>} : memref<32x32xf32, #tpu.memory_space<vmem>>, vector<1x16xf32>,
    %swap3A_199 = arith.constant 12 : i32
    %swap3A_200 = arith.index_cast %swap3A_199 : i32 to index
    %swap3A_201 = arith.constant 16 : index
    %swap3A_202 = tpu.vector_load %arg15[%swap3A_200, %swap3A_201] {strides = array<i32>} : memref<32x32xf32, #tpu.memory_space<vmem>>, vector<1x16xf32>,
    %swap3A_203 = vector.shape_cast %swap3A_202 : vector<1x16xf32> to vector<16xf32>
    %swap3A_204 = vector.shape_cast %broadcast_in_dim3A_48 : vector<16xf32> to vector<1x16xf32>
    tpu.vector_store %arg15[%swap3A_200, %swap3A_201], %swap3A_204 {strides = array<i32>} : memref<32x32xf32, #tpu.memory_space<vmem>>, vector<1x16xf32>,
    %swap3A_205 = arith.constant 13 : i32
    %swap3A_206 = arith.index_cast %swap3A_205 : i32 to index
    %swap3A_207 = arith.constant 0 : index
    %swap3A_208 = tpu.vector_load %arg15[%swap3A_206, %swap3A_207] {strides = array<i32>} : memref<32x32xf32, #tpu.memory_space<vmem>>, vector<1x16xf32>,
    %swap3A_209 = vector.shape_cast %swap3A_208 : vector<1x16xf32> to vector<16xf32>
    %swap3A_210 = vector.shape_cast %broadcast_in_dim3A_48 : vector<16xf32> to vector<1x16xf32>
    tpu.vector_store %arg15[%swap3A_206, %swap3A_207], %swap3A_210 {strides = array<i32>} : memref<32x32xf32, #tpu.memory_space<vmem>>, vector<1x16xf32>,
    %swap3A_211 = arith.constant 13 : i32
    %swap3A_212 = arith.index_cast %swap3A_211 : i32 to index
    %swap3A_213 = arith.constant 16 : index
    %swap3A_214 = tpu.vector_load %arg15[%swap3A_212, %swap3A_213] {strides = array<i32>} : memref<32x32xf32, #tpu.memory_space<vmem>>, vector<1x16xf32>,
    %swap3A_215 = vector.shape_cast %swap3A_214 : vector<1x16xf32> to vector<16xf32>
    %swap3A_216 = vector.shape_cast %broadcast_in_dim3A_48 : vector<16xf32> to vector<1x16xf32>
    tpu.vector_store %arg15[%swap3A_212, %swap3A_213], %swap3A_216 {strides = array<i32>} : memref<32x32xf32, #tpu.memory_space<vmem>>, vector<1x16xf32>,
    %swap3A_217 = arith.constant 14 : i32
    %swap3A_218 = arith.index_cast %swap3A_217 : i32 to index
    %swap3A_219 = arith.constant 0 : index
    %swap3A_220 = tpu.vector_load %arg15[%swap3A_218, %swap3A_219] {strides = array<i32>} : memref<32x32xf32, #tpu.memory_space<vmem>>, vector<1x16xf32>,
    %swap3A_221 = vector.shape_cast %swap3A_220 : vector<1x16xf32> to vector<16xf32>
    %swap3A_222 = vector.shape_cast %broadcast_in_dim3A_48 : vector<16xf32> to vector<1x16xf32>
    tpu.vector_store %arg15[%swap3A_218, %swap3A_219], %swap3A_222 {strides = array<i32>} : memref<32x32xf32, #tpu.memory_space<vmem>>, vector<1x16xf32>,
    %swap3A_223 = arith.constant 14 : i32
    %swap3A_224 = arith.index_cast %swap3A_223 : i32 to index
    %swap3A_225 = arith.constant 16 : index
    %swap3A_226 = tpu.vector_load %arg15[%swap3A_224, %swap3A_225] {strides = array<i32>} : memref<32x32xf32, #tpu.memory_space<vmem>>, vector<1x16xf32>,
    %swap3A_227 = vector.shape_cast %swap3A_226 : vector<1x16xf32> to vector<16xf32>
    %swap3A_228 = vector.shape_cast %broadcast_in_dim3A_48 : vector<16xf32> to vector<1x16xf32>
    tpu.vector_store %arg15[%swap3A_224, %swap3A_225], %swap3A_228 {strides = array<i32>} : memref<32x32xf32, #tpu.memory_space<vmem>>, vector<1x16xf32>,
    %swap3A_229 = arith.constant 15 : i32
    %swap3A_230 = arith.index_cast %swap3A_229 : i32 to index
    %swap3A_231 = arith.constant 0 : index
    %swap3A_232 = tpu.vector_load %arg15[%swap3A_230, %swap3A_231] {strides = array<i32>} : memref<32x32xf32, #tpu.memory_space<vmem>>, vector<1x16xf32>,
    %swap3A_233 = vector.shape_cast %swap3A_232 : vector<1x16xf32> to vector<16xf32>
    %swap3A_234 = vector.shape_cast %broadcast_in_dim3A_48 : vector<16xf32> to vector<1x16xf32>
    tpu.vector_store %arg15[%swap3A_230, %swap3A_231], %swap3A_234 {strides = array<i32>} : memref<32x32xf32, #tpu.memory_space<vmem>>, vector<1x16xf32>,
    %swap3A_235 = arith.constant 15 : i32
    %swap3A_236 = arith.index_cast %swap3A_235 : i32 to index
    %swap3A_237 = arith.constant 16 : index
    %swap3A_238 = tpu.vector_load %arg15[%swap3A_236, %swap3A_237] {strides = array<i32>} : memref<32x32xf32, #tpu.memory_space<vmem>>, vector<1x16xf32>,
    %swap3A_239 = vector.shape_cast %swap3A_238 : vector<1x16xf32> to vector<16xf32>
    %swap3A_240 = vector.shape_cast %broadcast_in_dim3A_48 : vector<16xf32> to vector<1x16xf32>
    tpu.vector_store %arg15[%swap3A_236, %swap3A_237], %swap3A_240 {strides = array<i32>} : memref<32x32xf32, #tpu.memory_space<vmem>>, vector<1x16xf32>,
    %swap3A_241 = arith.constant 16 : i32
    %swap3A_242 = arith.index_cast %swap3A_241 : i32 to index
    %swap3A_243 = arith.constant 0 : index
    %swap3A_244 = tpu.vector_load %arg15[%swap3A_242, %swap3A_243] {strides = array<i32>} : memref<32x32xf32, #tpu.memory_space<vmem>>, vector<1x16xf32>,
    %swap3A_245 = vector.shape_cast %swap3A_244 : vector<1x16xf32> to vector<16xf32>
    %swap3A_246 = vector.shape_cast %broadcast_in_dim3A_48 : vector<16xf32> to vector<1x16xf32>
    tpu.vector_store %arg15[%swap3A_242, %swap3A_243], %swap3A_246 {strides = array<i32>} : memref<32x32xf32, #tpu.memory_space<vmem>>, vector<1x16xf32>,
    %swap3A_247 = arith.constant 16 : i32
    %swap3A_248 = arith.index_cast %swap3A_247 : i32 to index
    %swap3A_249 = arith.constant 16 : index
    %swap3A_250 = tpu.vector_load %arg15[%swap3A_248, %swap3A_249] {strides = array<i32>} : memref<32x32xf32, #tpu.memory_space<vmem>>, vector<1x16xf32>,
    %swap3A_251 = vector.shape_cast %swap3A_250 : vector<1x16xf32> to vector<16xf32>
    %swap3A_252 = vector.shape_cast %broadcast_in_dim3A_48 : vector<16xf32> to vector<1x16xf32>
    tpu.vector_store %arg15[%swap3A_248, %swap3A_249], %swap3A_252 {strides = array<i32>} : memref<32x32xf32, #tpu.memory_space<vmem>>, vector<1x16xf32>,
    %swap3A_253 = arith.constant 17 : i32
    %swap3A_254 = arith.index_cast %swap3A_253 : i32 to index
    %swap3A_255 = arith.constant 0 : index
    %swap3A_256 = tpu.vector_load %arg15[%swap3A_254, %swap3A_255] {strides = array<i32>} : memref<32x32xf32, #tpu.memory_space<vmem>>, vector<1x16xf32>,
    %swap3A_257 = vector.shape_cast %swap3A_256 : vector<1x16xf32> to vector<16xf32>
    %swap3A_258 = vector.shape_cast %broadcast_in_dim3A_48 : vector<16xf32> to vector<1x16xf32>
    tpu.vector_store %arg15[%swap3A_254, %swap3A_255], %swap3A_258 {strides = array<i32>} : memref<32x32xf32, #tpu.memory_space<vmem>>, vector<1x16xf32>,
    %swap3A_259 = arith.constant 17 : i32
    %swap3A_260 = arith.index_cast %swap3A_259 : i32 to index
    %swap3A_261 = arith.constant 16 : index
    %swap3A_262 = tpu.vector_load %arg15[%swap3A_260, %swap3A_261] {strides = array<i32>} : memref<32x32xf32, #tpu.memory_space<vmem>>, vector<1x16xf32>,
    %swap3A_263 = vector.shape_cast %swap3A_262 : vector<1x16xf32> to vector<16xf32>
    %swap3A_264 = vector.shape_cast %broadcast_in_dim3A_48 : vector<16xf32> to vector<1x16xf32>
    tpu.vector_store %arg15[%swap3A_260, %swap3A_261], %swap3A_264 {strides = array<i32>} : memref<32x32xf32, #tpu.memory_space<vmem>>, vector<1x16xf32>,
    %swap3A_265 = arith.constant 18 : i32
    %swap3A_266 = arith.index_cast %swap3A_265 : i32 to index
    %swap3A_267 = arith.constant 0 : index
    %swap3A_268 = tpu.vector_load %arg15[%swap3A_266, %swap3A_267] {strides = array<i32>} : memref<32x32xf32, #tpu.memory_space<vmem>>, vector<1x16xf32>,
    %swap3A_269 = vector.shape_cast %swap3A_268 : vector<1x16xf32> to vector<16xf32>
    %swap3A_270 = vector.shape_cast %broadcast_in_dim3A_48 : vector<16xf32> to vector<1x16xf32>
    tpu.vector_store %arg15[%swap3A_266, %swap3A_267], %swap3A_270 {strides = array<i32>} : memref<32x32xf32, #tpu.memory_space<vmem>>, vector<1x16xf32>,
    %swap3A_271 = arith.constant 18 : i32
    %swap3A_272 = arith.index_cast %swap3A_271 : i32 to index
    %swap3A_273 = arith.constant 16 : index
    %swap3A_274 = tpu.vector_load %arg15[%swap3A_272, %swap3A_273] {strides = array<i32>} : memref<32x32xf32, #tpu.memory_space<vmem>>, vector<1x16xf32>,
    %swap3A_275 = vector.shape_cast %swap3A_274 : vector<1x16xf32> to vector<16xf32>
    %swap3A_276 = vector.shape_cast %broadcast_in_dim3A_48 : vector<16xf32> to vector<1x16xf32>
    tpu.vector_store %arg15[%swap3A_272, %swap3A_273], %swap3A_276 {strides = array<i32>} : memref<32x32xf32, #tpu.memory_space<vmem>>, vector<1x16xf32>,
    %swap3A_277 = arith.constant 19 : i32
    %swap3A_278 = arith.index_cast %swap3A_277 : i32 to index
    %swap3A_279 = arith.constant 0 : index
    %swap3A_280 = tpu.vector_load %arg15[%swap3A_278, %swap3A_279] {strides = array<i32>} : memref<32x32xf32, #tpu.memory_space<vmem>>, vector<1x16xf32>,
    %swap3A_281 = vector.shape_cast %swap3A_280 : vector<1x16xf32> to vector<16xf32>
    %swap3A_282 = vector.shape_cast %broadcast_in_dim3A_48 : vector<16xf32> to vector<1x16xf32>
    tpu.vector_store %arg15[%swap3A_278, %swap3A_279], %swap3A_282 {strides = array<i32>} : memref<32x32xf32, #tpu.memory_space<vmem>>, vector<1x16xf32>,
    %swap3A_283 = arith.constant 19 : i32
    %swap3A_284 = arith.index_cast %swap3A_283 : i32 to index
    %swap3A_285 = arith.constant 16 : index
    %swap3A_286 = tpu.vector_load %arg15[%swap3A_284, %swap3A_285] {strides = array<i32>} : memref<32x32xf32, #tpu.memory_space<vmem>>, vector<1x16xf32>,
    %swap3A_287 = vector.shape_cast %swap3A_286 : vector<1x16xf32> to vector<16xf32>
    %swap3A_288 = vector.shape_cast %broadcast_in_dim3A_48 : vector<16xf32> to vector<1x16xf32>
    tpu.vector_store %arg15[%swap3A_284, %swap3A_285], %swap3A_288 {strides = array<i32>} : memref<32x32xf32, #tpu.memory_space<vmem>>, vector<1x16xf32>,
    %swap3A_289 = arith.constant 20 : i32
    %swap3A_290 = arith.index_cast %swap3A_289 : i32 to index
    %swap3A_291 = arith.constant 0 : index
    %swap3A_292 = tpu.vector_load %arg15[%swap3A_290, %swap3A_291] {strides = array<i32>} : memref<32x32xf32, #tpu.memory_space<vmem>>, vector<1x16xf32>,
    %swap3A_293 = vector.shape_cast %swap3A_292 : vector<1x16xf32> to vector<16xf32>
    %swap3A_294 = vector.shape_cast %broadcast_in_dim3A_48 : vector<16xf32> to vector<1x16xf32>
    tpu.vector_store %arg15[%swap3A_290, %swap3A_291], %swap3A_294 {strides = array<i32>} : memref<32x32xf32, #tpu.memory_space<vmem>>, vector<1x16xf32>,
    %swap3A_295 = arith.constant 20 : i32
    %swap3A_296 = arith.index_cast %swap3A_295 : i32 to index
    %swap3A_297 = arith.constant 16 : index
    %swap3A_298 = tpu.vector_load %arg15[%swap3A_296, %swap3A_297] {strides = array<i32>} : memref<32x32xf32, #tpu.memory_space<vmem>>, vector<1x16xf32>,
    %swap3A_299 = vector.shape_cast %swap3A_298 : vector<1x16xf32> to vector<16xf32>
    %swap3A_300 = vector.shape_cast %broadcast_in_dim3A_48 : vector<16xf32> to vector<1x16xf32>
    tpu.vector_store %arg15[%swap3A_296, %swap3A_297], %swap3A_300 {strides = array<i32>} : memref<32x32xf32, #tpu.memory_space<vmem>>, vector<1x16xf32>,
    %swap3A_301 = arith.constant 21 : i32
    %swap3A_302 = arith.index_cast %swap3A_301 : i32 to index
    %swap3A_303 = arith.constant 0 : index
    %swap3A_304 = tpu.vector_load %arg15[%swap3A_302, %swap3A_303] {strides = array<i32>} : memref<32x32xf32, #tpu.memory_space<vmem>>, vector<1x16xf32>,
    %swap3A_305 = vector.shape_cast %swap3A_304 : vector<1x16xf32> to vector<16xf32>
    %swap3A_306 = vector.shape_cast %broadcast_in_dim3A_48 : vector<16xf32> to vector<1x16xf32>
    tpu.vector_store %arg15[%swap3A_302, %swap3A_303], %swap3A_306 {strides = array<i32>} : memref<32x32xf32, #tpu.memory_space<vmem>>, vector<1x16xf32>,
    %swap3A_307 = arith.constant 21 : i32
    %swap3A_308 = arith.index_cast %swap3A_307 : i32 to index
    %swap3A_309 = arith.constant 16 : index
    %swap3A_310 = tpu.vector_load %arg15[%swap3A_308, %swap3A_309] {strides = array<i32>} : memref<32x32xf32, #tpu.memory_space<vmem>>, vector<1x16xf32>,
    %swap3A_311 = vector.shape_cast %swap3A_310 : vector<1x16xf32> to vector<16xf32>
    %swap3A_312 = vector.shape_cast %broadcast_in_dim3A_48 : vector<16xf32> to vector<1x16xf32>
    tpu.vector_store %arg15[%swap3A_308, %swap3A_309], %swap3A_312 {strides = array<i32>} : memref<32x32xf32, #tpu.memory_space<vmem>>, vector<1x16xf32>,
    %swap3A_313 = arith.constant 22 : i32
    %swap3A_314 = arith.index_cast %swap3A_313 : i32 to index
    %swap3A_315 = arith.constant 0 : index
    %swap3A_316 = tpu.vector_load %arg15[%swap3A_314, %swap3A_315] {strides = array<i32>} : memref<32x32xf32, #tpu.memory_space<vmem>>, vector<1x16xf32>,
    %swap3A_317 = vector.shape_cast %swap3A_316 : vector<1x16xf32> to vector<16xf32>
    %swap3A_318 = vector.shape_cast %broadcast_in_dim3A_48 : vector<16xf32> to vector<1x16xf32>
    tpu.vector_store %arg15[%swap3A_314, %swap3A_315], %swap3A_318 {strides = array<i32>} : memref<32x32xf32, #tpu.memory_space<vmem>>, vector<1x16xf32>,
    %swap3A_319 = arith.constant 22 : i32
    %swap3A_320 = arith.index_cast %swap3A_319 : i32 to index
    %swap3A_321 = arith.constant 16 : index
    %swap3A_322 = tpu.vector_load %arg15[%swap3A_320, %swap3A_321] {strides = array<i32>} : memref<32x32xf32, #tpu.memory_space<vmem>>, vector<1x16xf32>,
    %swap3A_323 = vector.shape_cast %swap3A_322 : vector<1x16xf32> to vector<16xf32>
    %swap3A_324 = vector.shape_cast %broadcast_in_dim3A_48 : vector<16xf32> to vector<1x16xf32>
    tpu.vector_store %arg15[%swap3A_320, %swap3A_321], %swap3A_324 {strides = array<i32>} : memref<32x32xf32, #tpu.memory_space<vmem>>, vector<1x16xf32>,
    %swap3A_325 = arith.constant 23 : i32
    %swap3A_326 = arith.index_cast %swap3A_325 : i32 to index
    %swap3A_327 = arith.constant 0 : index
    %swap3A_328 = tpu.vector_load %arg15[%swap3A_326, %swap3A_327] {strides = array<i32>} : memref<32x32xf32, #tpu.memory_space<vmem>>, vector<1x16xf32>,
    %swap3A_329 = vector.shape_cast %swap3A_328 : vector<1x16xf32> to vector<16xf32>
    %swap3A_330 = vector.shape_cast %broadcast_in_dim3A_48 : vector<16xf32> to vector<1x16xf32>
    tpu.vector_store %arg15[%swap3A_326, %swap3A_327], %swap3A_330 {strides = array<i32>} : memref<32x32xf32, #tpu.memory_space<vmem>>, vector<1x16xf32>,
    %swap3A_331 = arith.constant 23 : i32
    %swap3A_332 = arith.index_cast %swap3A_331 : i32 to index
    %swap3A_333 = arith.constant 16 : index
    %swap3A_334 = tpu.vector_load %arg15[%swap3A_332, %swap3A_333] {strides = array<i32>} : memref<32x32xf32, #tpu.memory_space<vmem>>, vector<1x16xf32>,
    %swap3A_335 = vector.shape_cast %swap3A_334 : vector<1x16xf32> to vector<16xf32>
    %swap3A_336 = vector.shape_cast %broadcast_in_dim3A_48 : vector<16xf32> to vector<1x16xf32>
    tpu.vector_store %arg15[%swap3A_332, %swap3A_333], %swap3A_336 {strides = array<i32>} : memref<32x32xf32, #tpu.memory_space<vmem>>, vector<1x16xf32>,
    %swap3A_337 = arith.constant 24 : i32
    %swap3A_338 = arith.index_cast %swap3A_337 : i32 to index
    %swap3A_339 = arith.constant 0 : index
    %swap3A_340 = tpu.vector_load %arg15[%swap3A_338, %swap3A_339] {strides = array<i32>} : memref<32x32xf32, #tpu.memory_space<vmem>>, vector<1x16xf32>,
    %swap3A_341 = vector.shape_cast %swap3A_340 : vector<1x16xf32> to vector<16xf32>
    %swap3A_342 = vector.shape_cast %broadcast_in_dim3A_48 : vector<16xf32> to vector<1x16xf32>
    tpu.vector_store %arg15[%swap3A_338, %swap3A_339], %swap3A_342 {strides = array<i32>} : memref<32x32xf32, #tpu.memory_space<vmem>>, vector<1x16xf32>,
    %swap3A_343 = arith.constant 24 : i32
    %swap3A_344 = arith.index_cast %swap3A_343 : i32 to index
    %swap3A_345 = arith.constant 16 : index
    %swap3A_346 = tpu.vector_load %arg15[%swap3A_344, %swap3A_345] {strides = array<i32>} : memref<32x32xf32, #tpu.memory_space<vmem>>, vector<1x16xf32>,
    %swap3A_347 = vector.shape_cast %swap3A_346 : vector<1x16xf32> to vector<16xf32>
    %swap3A_348 = vector.shape_cast %broadcast_in_dim3A_48 : vector<16xf32> to vector<1x16xf32>
    tpu.vector_store %arg15[%swap3A_344, %swap3A_345], %swap3A_348 {strides = array<i32>} : memref<32x32xf32, #tpu.memory_space<vmem>>, vector<1x16xf32>,
    %swap3A_349 = arith.constant 25 : i32
    %swap3A_350 = arith.index_cast %swap3A_349 : i32 to index
    %swap3A_351 = arith.constant 0 : index
    %swap3A_352 = tpu.vector_load %arg15[%swap3A_350, %swap3A_351] {strides = array<i32>} : memref<32x32xf32, #tpu.memory_space<vmem>>, vector<1x16xf32>,
    %swap3A_353 = vector.shape_cast %swap3A_352 : vector<1x16xf32> to vector<16xf32>
    %swap3A_354 = vector.shape_cast %broadcast_in_dim3A_48 : vector<16xf32> to vector<1x16xf32>
    tpu.vector_store %arg15[%swap3A_350, %swap3A_351], %swap3A_354 {strides = array<i32>} : memref<32x32xf32, #tpu.memory_space<vmem>>, vector<1x16xf32>,
    %swap3A_355 = arith.constant 25 : i32
    %swap3A_356 = arith.index_cast %swap3A_355 : i32 to index
    %swap3A_357 = arith.constant 16 : index
    %swap3A_358 = tpu.vector_load %arg15[%swap3A_356, %swap3A_357] {strides = array<i32>} : memref<32x32xf32, #tpu.memory_space<vmem>>, vector<1x16xf32>,
    %swap3A_359 = vector.shape_cast %swap3A_358 : vector<1x16xf32> to vector<16xf32>
    %swap3A_360 = vector.shape_cast %broadcast_in_dim3A_48 : vector<16xf32> to vector<1x16xf32>
    tpu.vector_store %arg15[%swap3A_356, %swap3A_357], %swap3A_360 {strides = array<i32>} : memref<32x32xf32, #tpu.memory_space<vmem>>, vector<1x16xf32>,
    %swap3A_361 = arith.constant 26 : i32
    %swap3A_362 = arith.index_cast %swap3A_361 : i32 to index
    %swap3A_363 = arith.constant 0 : index
    %swap3A_364 = tpu.vector_load %arg15[%swap3A_362, %swap3A_363] {strides = array<i32>} : memref<32x32xf32, #tpu.memory_space<vmem>>, vector<1x16xf32>,
    %swap3A_365 = vector.shape_cast %swap3A_364 : vector<1x16xf32> to vector<16xf32>
    %swap3A_366 = vector.shape_cast %broadcast_in_dim3A_48 : vector<16xf32> to vector<1x16xf32>
    tpu.vector_store %arg15[%swap3A_362, %swap3A_363], %swap3A_366 {strides = array<i32>} : memref<32x32xf32, #tpu.memory_space<vmem>>, vector<1x16xf32>,
    %swap3A_367 = arith.constant 26 : i32
    %swap3A_368 = arith.index_cast %swap3A_367 : i32 to index
    %swap3A_369 = arith.constant 16 : index
    %swap3A_370 = tpu.vector_load %arg15[%swap3A_368, %swap3A_369] {strides = array<i32>} : memref<32x32xf32, #tpu.memory_space<vmem>>, vector<1x16xf32>,
    %swap3A_371 = vector.shape_cast %swap3A_370 : vector<1x16xf32> to vector<16xf32>
    %swap3A_372 = vector.shape_cast %broadcast_in_dim3A_48 : vector<16xf32> to vector<1x16xf32>
    tpu.vector_store %arg15[%swap3A_368, %swap3A_369], %swap3A_372 {strides = array<i32>} : memref<32x32xf32, #tpu.memory_space<vmem>>, vector<1x16xf32>,
    %swap3A_373 = arith.constant 27 : i32
    %swap3A_374 = arith.index_cast %swap3A_373 : i32 to index
    %swap3A_375 = arith.constant 0 : index
    %swap3A_376 = tpu.vector_load %arg15[%swap3A_374, %swap3A_375] {strides = array<i32>} : memref<32x32xf32, #tpu.memory_space<vmem>>, vector<1x16xf32>,
    %swap3A_377 = vector.shape_cast %swap3A_376 : vector<1x16xf32> to vector<16xf32>
    %swap3A_378 = vector.shape_cast %broadcast_in_dim3A_48 : vector<16xf32> to vector<1x16xf32>
    tpu.vector_store %arg15[%swap3A_374, %swap3A_375], %swap3A_378 {strides = array<i32>} : memref<32x32xf32, #tpu.memory_space<vmem>>, vector<1x16xf32>,
    %swap3A_379 = arith.constant 27 : i32
    %swap3A_380 = arith.index_cast %swap3A_379 : i32 to index
    %swap3A_381 = arith.constant 16 : index
    %swap3A_382 = tpu.vector_load %arg15[%swap3A_380, %swap3A_381] {strides = array<i32>} : memref<32x32xf32, #tpu.memory_space<vmem>>, vector<1x16xf32>,
    %swap3A_383 = vector.shape_cast %swap3A_382 : vector<1x16xf32> to vector<16xf32>
    %swap3A_384 = vector.shape_cast %broadcast_in_dim3A_48 : vector<16xf32> to vector<1x16xf32>
    tpu.vector_store %arg15[%swap3A_380, %swap3A_381], %swap3A_384 {strides = array<i32>} : memref<32x32xf32, #tpu.memory_space<vmem>>, vector<1x16xf32>,
    %swap3A_385 = arith.constant 28 : i32
    %swap3A_386 = arith.index_cast %swap3A_385 : i32 to index
    %swap3A_387 = arith.constant 0 : index
    %swap3A_388 = tpu.vector_load %arg15[%swap3A_386, %swap3A_387] {strides = array<i32>} : memref<32x32xf32, #tpu.memory_space<vmem>>, vector<1x16xf32>,
    %swap3A_389 = vector.shape_cast %swap3A_388 : vector<1x16xf32> to vector<16xf32>
    %swap3A_390 = vector.shape_cast %broadcast_in_dim3A_48 : vector<16xf32> to vector<1x16xf32>
    tpu.vector_store %arg15[%swap3A_386, %swap3A_387], %swap3A_390 {strides = array<i32>} : memref<32x32xf32, #tpu.memory_space<vmem>>, vector<1x16xf32>,
    %swap3A_391 = arith.constant 28 : i32
    %swap3A_392 = arith.index_cast %swap3A_391 : i32 to index
    %swap3A_393 = arith.constant 16 : index
    %swap3A_394 = tpu.vector_load %arg15[%swap3A_392, %swap3A_393] {strides = array<i32>} : memref<32x32xf32, #tpu.memory_space<vmem>>, vector<1x16xf32>,
    %swap3A_395 = vector.shape_cast %swap3A_394 : vector<1x16xf32> to vector<16xf32>
    %swap3A_396 = vector.shape_cast %broadcast_in_dim3A_48 : vector<16xf32> to vector<1x16xf32>
    tpu.vector_store %arg15[%swap3A_392, %swap3A_393], %swap3A_396 {strides = array<i32>} : memref<32x32xf32, #tpu.memory_space<vmem>>, vector<1x16xf32>,
    %swap3A_397 = arith.constant 29 : i32
    %swap3A_398 = arith.index_cast %swap3A_397 : i32 to index
    %swap3A_399 = arith.constant 0 : index
    %swap3A_400 = tpu.vector_load %arg15[%swap3A_398, %swap3A_399] {strides = array<i32>} : memref<32x32xf32, #tpu.memory_space<vmem>>, vector<1x16xf32>,
    %swap3A_401 = vector.shape_cast %swap3A_400 : vector<1x16xf32> to vector<16xf32>
    %swap3A_402 = vector.shape_cast %broadcast_in_dim3A_48 : vector<16xf32> to vector<1x16xf32>
    tpu.vector_store %arg15[%swap3A_398, %swap3A_399], %swap3A_402 {strides = array<i32>} : memref<32x32xf32, #tpu.memory_space<vmem>>, vector<1x16xf32>,
    %swap3A_403 = arith.constant 29 : i32
    %swap3A_404 = arith.index_cast %swap3A_403 : i32 to index
    %swap3A_405 = arith.constant 16 : index
    %swap3A_406 = tpu.vector_load %arg15[%swap3A_404, %swap3A_405] {strides = array<i32>} : memref<32x32xf32, #tpu.memory_space<vmem>>, vector<1x16xf32>,
    %swap3A_407 = vector.shape_cast %swap3A_406 : vector<1x16xf32> to vector<16xf32>
    %swap3A_408 = vector.shape_cast %broadcast_in_dim3A_48 : vector<16xf32> to vector<1x16xf32>
    tpu.vector_store %arg15[%swap3A_404, %swap3A_405], %swap3A_408 {strides = array<i32>} : memref<32x32xf32, #tpu.memory_space<vmem>>, vector<1x16xf32>,
    %swap3A_409 = arith.constant 30 : i32
    %swap3A_410 = arith.index_cast %swap3A_409 : i32 to index
    %swap3A_411 = arith.constant 0 : index
    %swap3A_412 = tpu.vector_load %arg15[%swap3A_410, %swap3A_411] {strides = array<i32>} : memref<32x32xf32, #tpu.memory_space<vmem>>, vector<1x16xf32>,
    %swap3A_413 = vector.shape_cast %swap3A_412 : vector<1x16xf32> to vector<16xf32>
    %swap3A_414 = vector.shape_cast %broadcast_in_dim3A_48 : vector<16xf32> to vector<1x16xf32>
    tpu.vector_store %arg15[%swap3A_410, %swap3A_411], %swap3A_414 {strides = array<i32>} : memref<32x32xf32, #tpu.memory_space<vmem>>, vector<1x16xf32>,
    %swap3A_415 = arith.constant 30 : i32
    %swap3A_416 = arith.index_cast %swap3A_415 : i32 to index
    %swap3A_417 = arith.constant 16 : index
    %swap3A_418 = tpu.vector_load %arg15[%swap3A_416, %swap3A_417] {strides = array<i32>} : memref<32x32xf32, #tpu.memory_space<vmem>>, vector<1x16xf32>,
    %swap3A_419 = vector.shape_cast %swap3A_418 : vector<1x16xf32> to vector<16xf32>
    %swap3A_420 = vector.shape_cast %broadcast_in_dim3A_48 : vector<16xf32> to vector<1x16xf32>
    tpu.vector_store %arg15[%swap3A_416, %swap3A_417], %swap3A_420 {strides = array<i32>} : memref<32x32xf32, #tpu.memory_space<vmem>>, vector<1x16xf32>,
    %swap3A_421 = arith.constant 31 : i32
    %swap3A_422 = arith.index_cast %swap3A_421 : i32 to index
    %swap3A_423 = arith.constant 0 : index
    %swap3A_424 = tpu.vector_load %arg15[%swap3A_422, %swap3A_423] {strides = array<i32>} : memref<32x32xf32, #tpu.memory_space<vmem>>, vector<1x16xf32>,
    %swap3A_425 = vector.shape_cast %swap3A_424 : vector<1x16xf32> to vector<16xf32>
    %swap3A_426 = vector.shape_cast %broadcast_in_dim3A_48 : vector<16xf32> to vector<1x16xf32>
    tpu.vector_store %arg15[%swap3A_422, %swap3A_423], %swap3A_426 {strides = array<i32>} : memref<32x32xf32, #tpu.memory_space<vmem>>, vector<1x16xf32>,
    %swap3A_427 = arith.constant 31 : i32
    %swap3A_428 = arith.index_cast %swap3A_427 : i32 to index
    %swap3A_429 = arith.constant 16 : index
    %swap3A_430 = tpu.vector_load %arg15[%swap3A_428, %swap3A_429] {strides = array<i32>} : memref<32x32xf32, #tpu.memory_space<vmem>>, vector<1x16xf32>,
    %swap3A_431 = vector.shape_cast %swap3A_430 : vector<1x16xf32> to vector<16xf32>
    %swap3A_432 = vector.shape_cast %broadcast_in_dim3A_48 : vector<16xf32> to vector<1x16xf32>
    tpu.vector_store %arg15[%swap3A_428, %swap3A_429], %swap3A_432 {strides = array<i32>} : memref<32x32xf32, #tpu.memory_space<vmem>>, vector<1x16xf32>,
    %scan3A = arith.constant 0 : i32
    %scan3A_433 = arith.constant 100 : i32
    %scan3A_434 = arith.addi %scan3A, %scan3A_433 : i32
    %scan3A_435 = arith.constant 1 : i32
    scf.for %scan3A_1371 = %scan3A to %scan3A_434 step %scan3A_435  : i32 {
      %mul3A_1372 = arith.constant 3200 : i32
      %mul3A_1373 = arith.muli %arg1, %mul3A_1372 : i32
      %mul3A_1374 = arith.constant 32 : i32
      %mul3A_1375 = arith.muli %scan3A_1371, %mul3A_1374 : i32
      %add3A_1376 = arith.addi %mul3A_1373, %mul3A_1375 : i32
      "tpu.region"() ({
        %run_scoped3A = tpu.sem_alloc : memref<!tpu.dma_semaphore, #tpu.memory_space<semaphore_mem>>
        %dma_start3A_1377 = arith.constant 0 : i32
        %dma_start3A_1378 = tpu.memref_slice %arg16[%add3A_1376, %dma_start3A_1377] : memref<51200x32xf32, #tpu.memory_space<vmem_shared>> -> memref<32x32xf32, #tpu.memory_space<vmem_shared>>
        %dma_start3A_1379 = arith.constant 0 : i32
        %dma_start3A_1380 = tpu.memref_slice %arg16[%add3A_1376, %dma_start3A_1379] : memref<51200x32xf32, #tpu.memory_space<vmem_shared>> -> memref<32x32xf32, #tpu.memory_space<vmem_shared>>
        tpu.enqueue_dma source(%arg15 : memref<32x32xf32, #tpu.memory_space<vmem>>) target(%dma_start3A_1380 : memref<32x32xf32, #tpu.memory_space<vmem_shared>>) target_semaphore(%run_scoped3A : memref<!tpu.dma_semaphore, #tpu.memory_space<semaphore_mem>>)
        %dma_wait3A = arith.constant 0 : i32
        %dma_wait3A_1381 = tpu.memref_slice %arg16[%add3A_1376, %dma_wait3A] : memref<51200x32xf32, #tpu.memory_space<vmem_shared>> -> memref<32x32xf32, #tpu.memory_space<vmem_shared>>
        %dma_wait3A_1382 = arith.constant 0 : i32
        %dma_wait3A_1383 = tpu.memref_slice %arg16[%add3A_1376, %dma_wait3A_1382] : memref<51200x32xf32, #tpu.memory_space<vmem_shared>> -> memref<32x32xf32, #tpu.memory_space<vmem_shared>>
        tpu.wait_dma2 semaphore(%run_scoped3A : memref<!tpu.dma_semaphore, #tpu.memory_space<semaphore_mem>>) src(%arg15 : memref<32x32xf32, #tpu.memory_space<vmem>>) dst(%dma_wait3A_1383 : memref<32x32xf32, #tpu.memory_space<vmem_shared>>)
        tpu.yield
      }) : () -> ()
    }
    %scan3A_436 = arith.constant 100 : i32
    %scan3A_437 = arith.constant 0 : i32
    %scan3A_438 = arith.constant 100 : i32
    %scan3A_439 = arith.addi %scan3A_437, %scan3A_438 : i32
    %scan3A_440 = arith.constant 1 : i32
    scf.for %scan3A_1371 = %scan3A_437 to %scan3A_439 step %scan3A_440  : i32 {
      %mul3A_1372 = arith.constant 3200 : i32
      %mul3A_1373 = arith.muli %arg1, %mul3A_1372 : i32
      %mul3A_1374 = arith.constant 32 : i32
      %mul3A_1375 = arith.muli %scan3A_1371, %mul3A_1374 : i32
      %add3A_1376 = arith.addi %mul3A_1373, %mul3A_1375 : i32
      %run_scoped3A = arith.constant 0 : i32
      "tpu.region"() ({
        %run_scoped3A_1377 = tpu.sem_alloc : memref<!tpu.dma_semaphore, #tpu.memory_space<semaphore_mem>>
        %dma_start3A_1378 = arith.constant 0 : i32
        %dma_start3A_1379 = tpu.memref_slice %arg15[%run_scoped3A, %dma_start3A_1378] : memref<32x32xf32, #tpu.memory_space<vmem>> -> memref<1x32xf32, #tpu.memory_space<vmem>>
        %dma_start3A_1380 = tpu.memref_squeeze %dma_start3A_1379 : memref<1x32xf32, #tpu.memory_space<vmem>> -> memref<32xf32, #tpu.memory_space<vmem>>
        %dma_start3A_1381 = tpu.memref_slice %arg17[%add3A_1376] : memref<51200xf32, #tpu.memory_space<vmem_shared>> -> memref<32xf32, #tpu.memory_space<vmem_shared>>
        %dma_start3A_1382 = tpu.memref_slice %arg17[%add3A_1376] : memref<51200xf32, #tpu.memory_space<vmem_shared>> -> memref<32xf32, #tpu.memory_space<vmem_shared>>
        %dma_start3A_1383 = arith.constant 0 : i32
        %dma_start3A_1384 = tpu.memref_slice %arg15[%run_scoped3A, %dma_start3A_1383] : memref<32x32xf32, #tpu.memory_space<vmem>> -> memref<1x32xf32, #tpu.memory_space<vmem>>
        %dma_start3A_1385 = tpu.memref_squeeze %dma_start3A_1384 : memref<1x32xf32, #tpu.memory_space<vmem>> -> memref<32xf32, #tpu.memory_space<vmem>>
        tpu.enqueue_dma source(%dma_start3A_1385 : memref<32xf32, #tpu.memory_space<vmem>>) target(%dma_start3A_1382 : memref<32xf32, #tpu.memory_space<vmem_shared>>) target_semaphore(%run_scoped3A_1377 : memref<!tpu.dma_semaphore, #tpu.memory_space<semaphore_mem>>)
        %dma_wait3A = arith.constant 0 : i32
        %dma_wait3A_1386 = tpu.memref_slice %arg15[%run_scoped3A, %dma_wait3A] : memref<32x32xf32, #tpu.memory_space<vmem>> -> memref<1x32xf32, #tpu.memory_space<vmem>>
        %dma_wait3A_1387 = tpu.memref_squeeze %dma_wait3A_1386 : memref<1x32xf32, #tpu.memory_space<vmem>> -> memref<32xf32, #tpu.memory_space<vmem>>
        %dma_wait3A_1388 = tpu.memref_slice %arg17[%add3A_1376] : memref<51200xf32, #tpu.memory_space<vmem_shared>> -> memref<32xf32, #tpu.memory_space<vmem_shared>>
        %dma_wait3A_1389 = tpu.memref_slice %arg17[%add3A_1376] : memref<51200xf32, #tpu.memory_space<vmem_shared>> -> memref<32xf32, #tpu.memory_space<vmem_shared>>
        %dma_wait3A_1390 = arith.constant 0 : i32
        %dma_wait3A_1391 = tpu.memref_slice %arg15[%run_scoped3A, %dma_wait3A_1390] : memref<32x32xf32, #tpu.memory_space<vmem>> -> memref<1x32xf32, #tpu.memory_space<vmem>>
        %dma_wait3A_1392 = tpu.memref_squeeze %dma_wait3A_1391 : memref<1x32xf32, #tpu.memory_space<vmem>> -> memref<32xf32, #tpu.memory_space<vmem>>
        tpu.wait_dma2 semaphore(%run_scoped3A_1377 : memref<!tpu.dma_semaphore, #tpu.memory_space<semaphore_mem>>) src(%dma_wait3A_1392 : memref<32xf32, #tpu.memory_space<vmem>>) dst(%dma_wait3A_1389 : memref<32xf32, #tpu.memory_space<vmem_shared>>)
        tpu.yield
      }) : () -> ()
    }
    %scan3A_441 = arith.constant 100 : i32
    %barrier3A = arith.constant 0 : index
    tpu.barrier barrier_id(%barrier3A)
    %mul3A_442 = arith.constant 784 : i32
    %mul3A_443 = arith.muli %arg1, %mul3A_442 : i32
    "tpu.region"() ({
      %run_scoped3A = tpu.sem_alloc : memref<!tpu.dma_semaphore, #tpu.memory_space<semaphore_mem>>
      %dma_start3A_1371 = arith.constant 0 : i32
      %dma_start3A_1372 = tpu.memref_slice %arg2[%mul3A_443, %dma_start3A_1371] : memref<12544x128xi32, #tpu.memory_space<hbm>> -> memref<4x128xi32, #tpu.memory_space<hbm>>
      %dma_start3A_1373 = arith.constant 0 : i32
      %dma_start3A_1374 = tpu.memref_slice %arg2[%mul3A_443, %dma_start3A_1373] : memref<12544x128xi32, #tpu.memory_space<hbm>> -> memref<4x128xi32, #tpu.memory_space<hbm>>
      tpu.enqueue_dma source(%dma_start3A_1374 : memref<4x128xi32, #tpu.memory_space<hbm>>) target(%arg7 : memref<4x128xi32, #tpu.memory_space<vmem>>) target_semaphore(%run_scoped3A : memref<!tpu.dma_semaphore, #tpu.memory_space<semaphore_mem>>)
      %dma_wait3A = arith.constant 0 : i32
      %dma_wait3A_1375 = tpu.memref_slice %arg2[%mul3A_443, %dma_wait3A] : memref<12544x128xi32, #tpu.memory_space<hbm>> -> memref<4x128xi32, #tpu.memory_space<hbm>>
      %dma_wait3A_1376 = arith.constant 0 : i32
      %dma_wait3A_1377 = tpu.memref_slice %arg2[%mul3A_443, %dma_wait3A_1376] : memref<12544x128xi32, #tpu.memory_space<hbm>> -> memref<4x128xi32, #tpu.memory_space<hbm>>
      tpu.wait_dma2 semaphore(%run_scoped3A : memref<!tpu.dma_semaphore, #tpu.memory_space<semaphore_mem>>) src(%dma_wait3A_1377 : memref<4x128xi32, #tpu.memory_space<hbm>>) dst(%arg7 : memref<4x128xi32, #tpu.memory_space<vmem>>)
      tpu.yield
    }) : () -> ()
    "tpu.region"() ({
      %run_scoped3A = tpu.sem_alloc : memref<!tpu.dma_semaphore, #tpu.memory_space<semaphore_mem>>
      %dma_start3A_1371 = arith.constant 0 : i32
      %dma_start3A_1372 = tpu.memref_slice %arg3[%mul3A_443, %dma_start3A_1371] : memref<12544x128xi32, #tpu.memory_space<hbm>> -> memref<4x128xi32, #tpu.memory_space<hbm>>
      %dma_start3A_1373 = arith.constant 0 : i32
      %dma_start3A_1374 = tpu.memref_slice %arg3[%mul3A_443, %dma_start3A_1373] : memref<12544x128xi32, #tpu.memory_space<hbm>> -> memref<4x128xi32, #tpu.memory_space<hbm>>
      tpu.enqueue_dma source(%dma_start3A_1374 : memref<4x128xi32, #tpu.memory_space<hbm>>) target(%arg9 : memref<4x128xi32, #tpu.memory_space<vmem>>) target_semaphore(%run_scoped3A : memref<!tpu.dma_semaphore, #tpu.memory_space<semaphore_mem>>)
      %dma_wait3A = arith.constant 0 : i32
      %dma_wait3A_1375 = tpu.memref_slice %arg3[%mul3A_443, %dma_wait3A] : memref<12544x128xi32, #tpu.memory_space<hbm>> -> memref<4x128xi32, #tpu.memory_space<hbm>>
      %dma_wait3A_1376 = arith.constant 0 : i32
      %dma_wait3A_1377 = tpu.memref_slice %arg3[%mul3A_443, %dma_wait3A_1376] : memref<12544x128xi32, #tpu.memory_space<hbm>> -> memref<4x128xi32, #tpu.memory_space<hbm>>
      tpu.wait_dma2 semaphore(%run_scoped3A : memref<!tpu.dma_semaphore, #tpu.memory_space<semaphore_mem>>) src(%dma_wait3A_1377 : memref<4x128xi32, #tpu.memory_space<hbm>>) dst(%arg9 : memref<4x128xi32, #tpu.memory_space<vmem>>)
      tpu.yield
    }) : () -> ()
    %get3A = arith.constant 0 : i32
    %get3A_444 = arith.index_cast %get3A : i32 to index
    %get3A_445 = arith.constant 0 : index
    %get3A_446 = tpu.vector_load %arg9[%get3A_444, %get3A_445] {strides = array<i32>} : memref<4x128xi32, #tpu.memory_space<vmem>>, vector<1x16xi32>,
    %get3A_447 = vector.shape_cast %get3A_446 : vector<1x16xi32> to vector<16xi32>
    %ge3A = vector.broadcast %mul3A_0 : i32 to vector<16xi32>
    %ge3A_448 = arith.cmpi sge, %get3A_447, %ge3A : vector<16xi32>
    %add3A = arith.constant 50000 : i32
    %add3A_449 = arith.addi %mul3A_0, %add3A : i32
    %lt3A = vector.broadcast %add3A_449 : i32 to vector<16xi32>
    %lt3A_450 = arith.cmpi slt, %get3A_447, %lt3A : vector<16xi32>
    %and3A = arith.andi %ge3A_448, %lt3A_450 : vector<16xi1>
    %and3A_451 = arith.constant 1023 : i32
    %and3A_452 = vector.broadcast %and3A_451 : i32 to vector<16xi32>
    %and3A_453 = arith.andi %get3A_447, %and3A_452 : vector<16xi32>
    %add3A_454 = arith.constant 50000 : i32
    %add3A_455 = vector.broadcast %add3A_454 : i32 to vector<16xi32>
    %add3A_456 = arith.addi %add3A_455, %and3A_453 : vector<16xi32>
    %sub3A = vector.broadcast %mul3A_0 : i32 to vector<16xi32>
    %sub3A_457 = arith.subi %get3A_447, %sub3A : vector<16xi32>
    %select_n3A = arith.select %and3A, %sub3A_457, %add3A_456 : vector<16xi1>, vector<16xi32>
    %swap3A_458 = arith.constant 0 : i32
    %swap3A_459 = arith.index_cast %swap3A_458 : i32 to index
    %swap3A_460 = arith.constant 0 : index
    %swap3A_461 = tpu.vector_load %arg11[%swap3A_459, %swap3A_460] {strides = array<i32>} : memref<4x128xi32, #tpu.memory_space<vmem>>, vector<1x16xi32>,
    %swap3A_462 = vector.shape_cast %swap3A_461 : vector<1x16xi32> to vector<16xi32>
    %swap3A_463 = vector.shape_cast %select_n3A : vector<16xi32> to vector<1x16xi32>
    tpu.vector_store %arg11[%swap3A_459, %swap3A_460], %swap3A_463 {strides = array<i32>} : memref<4x128xi32, #tpu.memory_space<vmem>>, vector<1x16xi32>,
    %get3A_464 = arith.constant 0 : i32
    %get3A_465 = arith.index_cast %get3A_464 : i32 to index
    %get3A_466 = arith.constant 16 : index
    %get3A_467 = tpu.vector_load %arg9[%get3A_465, %get3A_466] {strides = array<i32>} : memref<4x128xi32, #tpu.memory_space<vmem>>, vector<1x16xi32>,
    %get3A_468 = vector.shape_cast %get3A_467 : vector<1x16xi32> to vector<16xi32>
    %ge3A_469 = vector.broadcast %mul3A_0 : i32 to vector<16xi32>
    %ge3A_470 = arith.cmpi sge, %get3A_468, %ge3A_469 : vector<16xi32>
    %add3A_471 = arith.constant 50000 : i32
    %add3A_472 = arith.addi %mul3A_0, %add3A_471 : i32
    %lt3A_473 = vector.broadcast %add3A_472 : i32 to vector<16xi32>
    %lt3A_474 = arith.cmpi slt, %get3A_468, %lt3A_473 : vector<16xi32>
    %and3A_475 = arith.andi %ge3A_470, %lt3A_474 : vector<16xi1>
    %and3A_476 = arith.constant 1023 : i32
    %and3A_477 = vector.broadcast %and3A_476 : i32 to vector<16xi32>
    %and3A_478 = arith.andi %get3A_468, %and3A_477 : vector<16xi32>
    %add3A_479 = arith.constant 50000 : i32
    %add3A_480 = vector.broadcast %add3A_479 : i32 to vector<16xi32>
    %add3A_481 = arith.addi %add3A_480, %and3A_478 : vector<16xi32>
    %sub3A_482 = vector.broadcast %mul3A_0 : i32 to vector<16xi32>
    %sub3A_483 = arith.subi %get3A_468, %sub3A_482 : vector<16xi32>
    %select_n3A_484 = arith.select %and3A_475, %sub3A_483, %add3A_481 : vector<16xi1>, vector<16xi32>
    %swap3A_485 = arith.constant 0 : i32
    %swap3A_486 = arith.index_cast %swap3A_485 : i32 to index
    %swap3A_487 = arith.constant 16 : index
    %swap3A_488 = tpu.vector_load %arg11[%swap3A_486, %swap3A_487] {strides = array<i32>} : memref<4x128xi32, #tpu.memory_space<vmem>>, vector<1x16xi32>,
    %swap3A_489 = vector.shape_cast %swap3A_488 : vector<1x16xi32> to vector<16xi32>
    %swap3A_490 = vector.shape_cast %select_n3A_484 : vector<16xi32> to vector<1x16xi32>
    tpu.vector_store %arg11[%swap3A_486, %swap3A_487], %swap3A_490 {strides = array<i32>} : memref<4x128xi32, #tpu.memory_space<vmem>>, vector<1x16xi32>,
    %get3A_491 = arith.constant 0 : i32
    %get3A_492 = arith.index_cast %get3A_491 : i32 to index
    %get3A_493 = arith.constant 32 : index
    %get3A_494 = tpu.vector_load %arg9[%get3A_492, %get3A_493] {strides = array<i32>} : memref<4x128xi32, #tpu.memory_space<vmem>>, vector<1x16xi32>,
    %get3A_495 = vector.shape_cast %get3A_494 : vector<1x16xi32> to vector<16xi32>
    %ge3A_496 = vector.broadcast %mul3A_0 : i32 to vector<16xi32>
    %ge3A_497 = arith.cmpi sge, %get3A_495, %ge3A_496 : vector<16xi32>
    %add3A_498 = arith.constant 50000 : i32
    %add3A_499 = arith.addi %mul3A_0, %add3A_498 : i32
    %lt3A_500 = vector.broadcast %add3A_499 : i32 to vector<16xi32>
    %lt3A_501 = arith.cmpi slt, %get3A_495, %lt3A_500 : vector<16xi32>
    %and3A_502 = arith.andi %ge3A_497, %lt3A_501 : vector<16xi1>
    %and3A_503 = arith.constant 1023 : i32
    %and3A_504 = vector.broadcast %and3A_503 : i32 to vector<16xi32>
    %and3A_505 = arith.andi %get3A_495, %and3A_504 : vector<16xi32>
    %add3A_506 = arith.constant 50000 : i32
    %add3A_507 = vector.broadcast %add3A_506 : i32 to vector<16xi32>
    %add3A_508 = arith.addi %add3A_507, %and3A_505 : vector<16xi32>
    %sub3A_509 = vector.broadcast %mul3A_0 : i32 to vector<16xi32>
    %sub3A_510 = arith.subi %get3A_495, %sub3A_509 : vector<16xi32>
    %select_n3A_511 = arith.select %and3A_502, %sub3A_510, %add3A_508 : vector<16xi1>, vector<16xi32>
    %swap3A_512 = arith.constant 0 : i32
    %swap3A_513 = arith.index_cast %swap3A_512 : i32 to index
    %swap3A_514 = arith.constant 32 : index
    %swap3A_515 = tpu.vector_load %arg11[%swap3A_513, %swap3A_514] {strides = array<i32>} : memref<4x128xi32, #tpu.memory_space<vmem>>, vector<1x16xi32>,
    %swap3A_516 = vector.shape_cast %swap3A_515 : vector<1x16xi32> to vector<16xi32>
    %swap3A_517 = vector.shape_cast %select_n3A_511 : vector<16xi32> to vector<1x16xi32>
    tpu.vector_store %arg11[%swap3A_513, %swap3A_514], %swap3A_517 {strides = array<i32>} : memref<4x128xi32, #tpu.memory_space<vmem>>, vector<1x16xi32>,
    %get3A_518 = arith.constant 0 : i32
    %get3A_519 = arith.index_cast %get3A_518 : i32 to index
    %get3A_520 = arith.constant 48 : index
    %get3A_521 = tpu.vector_load %arg9[%get3A_519, %get3A_520] {strides = array<i32>} : memref<4x128xi32, #tpu.memory_space<vmem>>, vector<1x16xi32>,
    %get3A_522 = vector.shape_cast %get3A_521 : vector<1x16xi32> to vector<16xi32>
    %ge3A_523 = vector.broadcast %mul3A_0 : i32 to vector<16xi32>
    %ge3A_524 = arith.cmpi sge, %get3A_522, %ge3A_523 : vector<16xi32>
    %add3A_525 = arith.constant 50000 : i32
    %add3A_526 = arith.addi %mul3A_0, %add3A_525 : i32
    %lt3A_527 = vector.broadcast %add3A_526 : i32 to vector<16xi32>
    %lt3A_528 = arith.cmpi slt, %get3A_522, %lt3A_527 : vector<16xi32>
    %and3A_529 = arith.andi %ge3A_524, %lt3A_528 : vector<16xi1>
    %and3A_530 = arith.constant 1023 : i32
    %and3A_531 = vector.broadcast %and3A_530 : i32 to vector<16xi32>
    %and3A_532 = arith.andi %get3A_522, %and3A_531 : vector<16xi32>
    %add3A_533 = arith.constant 50000 : i32
    %add3A_534 = vector.broadcast %add3A_533 : i32 to vector<16xi32>
    %add3A_535 = arith.addi %add3A_534, %and3A_532 : vector<16xi32>
    %sub3A_536 = vector.broadcast %mul3A_0 : i32 to vector<16xi32>
    %sub3A_537 = arith.subi %get3A_522, %sub3A_536 : vector<16xi32>
    %select_n3A_538 = arith.select %and3A_529, %sub3A_537, %add3A_535 : vector<16xi1>, vector<16xi32>
    %swap3A_539 = arith.constant 0 : i32
    %swap3A_540 = arith.index_cast %swap3A_539 : i32 to index
    %swap3A_541 = arith.constant 48 : index
    %swap3A_542 = tpu.vector_load %arg11[%swap3A_540, %swap3A_541] {strides = array<i32>} : memref<4x128xi32, #tpu.memory_space<vmem>>, vector<1x16xi32>,
    %swap3A_543 = vector.shape_cast %swap3A_542 : vector<1x16xi32> to vector<16xi32>
    %swap3A_544 = vector.shape_cast %select_n3A_538 : vector<16xi32> to vector<1x16xi32>
    tpu.vector_store %arg11[%swap3A_540, %swap3A_541], %swap3A_544 {strides = array<i32>} : memref<4x128xi32, #tpu.memory_space<vmem>>, vector<1x16xi32>,
    %get3A_545 = arith.constant 0 : i32
    %get3A_546 = arith.index_cast %get3A_545 : i32 to index
    %get3A_547 = arith.constant 64 : index
    %get3A_548 = tpu.vector_load %arg9[%get3A_546, %get3A_547] {strides = array<i32>} : memref<4x128xi32, #tpu.memory_space<vmem>>, vector<1x16xi32>,
    %get3A_549 = vector.shape_cast %get3A_548 : vector<1x16xi32> to vector<16xi32>
    %ge3A_550 = vector.broadcast %mul3A_0 : i32 to vector<16xi32>
    %ge3A_551 = arith.cmpi sge, %get3A_549, %ge3A_550 : vector<16xi32>
    %add3A_552 = arith.constant 50000 : i32
    %add3A_553 = arith.addi %mul3A_0, %add3A_552 : i32
    %lt3A_554 = vector.broadcast %add3A_553 : i32 to vector<16xi32>
    %lt3A_555 = arith.cmpi slt, %get3A_549, %lt3A_554 : vector<16xi32>
    %and3A_556 = arith.andi %ge3A_551, %lt3A_555 : vector<16xi1>
    %and3A_557 = arith.constant 1023 : i32
    %and3A_558 = vector.broadcast %and3A_557 : i32 to vector<16xi32>
    %and3A_559 = arith.andi %get3A_549, %and3A_558 : vector<16xi32>
    %add3A_560 = arith.constant 50000 : i32
    %add3A_561 = vector.broadcast %add3A_560 : i32 to vector<16xi32>
    %add3A_562 = arith.addi %add3A_561, %and3A_559 : vector<16xi32>
    %sub3A_563 = vector.broadcast %mul3A_0 : i32 to vector<16xi32>
    %sub3A_564 = arith.subi %get3A_549, %sub3A_563 : vector<16xi32>
    %select_n3A_565 = arith.select %and3A_556, %sub3A_564, %add3A_562 : vector<16xi1>, vector<16xi32>
    %swap3A_566 = arith.constant 0 : i32
    %swap3A_567 = arith.index_cast %swap3A_566 : i32 to index
    %swap3A_568 = arith.constant 64 : index
    %swap3A_569 = tpu.vector_load %arg11[%swap3A_567, %swap3A_568] {strides = array<i32>} : memref<4x128xi32, #tpu.memory_space<vmem>>, vector<1x16xi32>,
    %swap3A_570 = vector.shape_cast %swap3A_569 : vector<1x16xi32> to vector<16xi32>
    %swap3A_571 = vector.shape_cast %select_n3A_565 : vector<16xi32> to vector<1x16xi32>
    tpu.vector_store %arg11[%swap3A_567, %swap3A_568], %swap3A_571 {strides = array<i32>} : memref<4x128xi32, #tpu.memory_space<vmem>>, vector<1x16xi32>,
    %get3A_572 = arith.constant 0 : i32
    %get3A_573 = arith.index_cast %get3A_572 : i32 to index
    %get3A_574 = arith.constant 80 : index
    %get3A_575 = tpu.vector_load %arg9[%get3A_573, %get3A_574] {strides = array<i32>} : memref<4x128xi32, #tpu.memory_space<vmem>>, vector<1x16xi32>,
    %get3A_576 = vector.shape_cast %get3A_575 : vector<1x16xi32> to vector<16xi32>
    %ge3A_577 = vector.broadcast %mul3A_0 : i32 to vector<16xi32>
    %ge3A_578 = arith.cmpi sge, %get3A_576, %ge3A_577 : vector<16xi32>
    %add3A_579 = arith.constant 50000 : i32
    %add3A_580 = arith.addi %mul3A_0, %add3A_579 : i32
    %lt3A_581 = vector.broadcast %add3A_580 : i32 to vector<16xi32>
    %lt3A_582 = arith.cmpi slt, %get3A_576, %lt3A_581 : vector<16xi32>
    %and3A_583 = arith.andi %ge3A_578, %lt3A_582 : vector<16xi1>
    %and3A_584 = arith.constant 1023 : i32
    %and3A_585 = vector.broadcast %and3A_584 : i32 to vector<16xi32>
    %and3A_586 = arith.andi %get3A_576, %and3A_585 : vector<16xi32>
    %add3A_587 = arith.constant 50000 : i32
    %add3A_588 = vector.broadcast %add3A_587 : i32 to vector<16xi32>
    %add3A_589 = arith.addi %add3A_588, %and3A_586 : vector<16xi32>
    %sub3A_590 = vector.broadcast %mul3A_0 : i32 to vector<16xi32>
    %sub3A_591 = arith.subi %get3A_576, %sub3A_590 : vector<16xi32>
    %select_n3A_592 = arith.select %and3A_583, %sub3A_591, %add3A_589 : vector<16xi1>, vector<16xi32>
    %swap3A_593 = arith.constant 0 : i32
    %swap3A_594 = arith.index_cast %swap3A_593 : i32 to index
    %swap3A_595 = arith.constant 80 : index
    %swap3A_596 = tpu.vector_load %arg11[%swap3A_594, %swap3A_595] {strides = array<i32>} : memref<4x128xi32, #tpu.memory_space<vmem>>, vector<1x16xi32>,
    %swap3A_597 = vector.shape_cast %swap3A_596 : vector<1x16xi32> to vector<16xi32>
    %swap3A_598 = vector.shape_cast %select_n3A_592 : vector<16xi32> to vector<1x16xi32>
    tpu.vector_store %arg11[%swap3A_594, %swap3A_595], %swap3A_598 {strides = array<i32>} : memref<4x128xi32, #tpu.memory_space<vmem>>, vector<1x16xi32>,
    %get3A_599 = arith.constant 0 : i32
    %get3A_600 = arith.index_cast %get3A_599 : i32 to index
    %get3A_601 = arith.constant 96 : index
    %get3A_602 = tpu.vector_load %arg9[%get3A_600, %get3A_601] {strides = array<i32>} : memref<4x128xi32, #tpu.memory_space<vmem>>, vector<1x16xi32>,
    %get3A_603 = vector.shape_cast %get3A_602 : vector<1x16xi32> to vector<16xi32>
    %ge3A_604 = vector.broadcast %mul3A_0 : i32 to vector<16xi32>
    %ge3A_605 = arith.cmpi sge, %get3A_603, %ge3A_604 : vector<16xi32>
    %add3A_606 = arith.constant 50000 : i32
    %add3A_607 = arith.addi %mul3A_0, %add3A_606 : i32
    %lt3A_608 = vector.broadcast %add3A_607 : i32 to vector<16xi32>
    %lt3A_609 = arith.cmpi slt, %get3A_603, %lt3A_608 : vector<16xi32>
    %and3A_610 = arith.andi %ge3A_605, %lt3A_609 : vector<16xi1>
    %and3A_611 = arith.constant 1023 : i32
    %and3A_612 = vector.broadcast %and3A_611 : i32 to vector<16xi32>
    %and3A_613 = arith.andi %get3A_603, %and3A_612 : vector<16xi32>
    %add3A_614 = arith.constant 50000 : i32
    %add3A_615 = vector.broadcast %add3A_614 : i32 to vector<16xi32>
    %add3A_616 = arith.addi %add3A_615, %and3A_613 : vector<16xi32>
    %sub3A_617 = vector.broadcast %mul3A_0 : i32 to vector<16xi32>
    %sub3A_618 = arith.subi %get3A_603, %sub3A_617 : vector<16xi32>
    %select_n3A_619 = arith.select %and3A_610, %sub3A_618, %add3A_616 : vector<16xi1>, vector<16xi32>
    %swap3A_620 = arith.constant 0 : i32
    %swap3A_621 = arith.index_cast %swap3A_620 : i32 to index
    %swap3A_622 = arith.constant 96 : index
    %swap3A_623 = tpu.vector_load %arg11[%swap3A_621, %swap3A_622] {strides = array<i32>} : memref<4x128xi32, #tpu.memory_space<vmem>>, vector<1x16xi32>,
    %swap3A_624 = vector.shape_cast %swap3A_623 : vector<1x16xi32> to vector<16xi32>
    %swap3A_625 = vector.shape_cast %select_n3A_619 : vector<16xi32> to vector<1x16xi32>
    tpu.vector_store %arg11[%swap3A_621, %swap3A_622], %swap3A_625 {strides = array<i32>} : memref<4x128xi32, #tpu.memory_space<vmem>>, vector<1x16xi32>,
    %get3A_626 = arith.constant 0 : i32
    %get3A_627 = arith.index_cast %get3A_626 : i32 to index
    %get3A_628 = arith.constant 112 : index
    %get3A_629 = tpu.vector_load %arg9[%get3A_627, %get3A_628] {strides = array<i32>} : memref<4x128xi32, #tpu.memory_space<vmem>>, vector<1x16xi32>,
    %get3A_630 = vector.shape_cast %get3A_629 : vector<1x16xi32> to vector<16xi32>
    %ge3A_631 = vector.broadcast %mul3A_0 : i32 to vector<16xi32>
    %ge3A_632 = arith.cmpi sge, %get3A_630, %ge3A_631 : vector<16xi32>
    %add3A_633 = arith.constant 50000 : i32
    %add3A_634 = arith.addi %mul3A_0, %add3A_633 : i32
    %lt3A_635 = vector.broadcast %add3A_634 : i32 to vector<16xi32>
    %lt3A_636 = arith.cmpi slt, %get3A_630, %lt3A_635 : vector<16xi32>
    %and3A_637 = arith.andi %ge3A_632, %lt3A_636 : vector<16xi1>
    %and3A_638 = arith.constant 1023 : i32
    %and3A_639 = vector.broadcast %and3A_638 : i32 to vector<16xi32>
    %and3A_640 = arith.andi %get3A_630, %and3A_639 : vector<16xi32>
    %add3A_641 = arith.constant 50000 : i32
    %add3A_642 = vector.broadcast %add3A_641 : i32 to vector<16xi32>
    %add3A_643 = arith.addi %add3A_642, %and3A_640 : vector<16xi32>
    %sub3A_644 = vector.broadcast %mul3A_0 : i32 to vector<16xi32>
    %sub3A_645 = arith.subi %get3A_630, %sub3A_644 : vector<16xi32>
    %select_n3A_646 = arith.select %and3A_637, %sub3A_645, %add3A_643 : vector<16xi1>, vector<16xi32>
    %swap3A_647 = arith.constant 0 : i32
    %swap3A_648 = arith.index_cast %swap3A_647 : i32 to index
    %swap3A_649 = arith.constant 112 : index
    %swap3A_650 = tpu.vector_load %arg11[%swap3A_648, %swap3A_649] {strides = array<i32>} : memref<4x128xi32, #tpu.memory_space<vmem>>, vector<1x16xi32>,
    %swap3A_651 = vector.shape_cast %swap3A_650 : vector<1x16xi32> to vector<16xi32>
    %swap3A_652 = vector.shape_cast %select_n3A_646 : vector<16xi32> to vector<1x16xi32>
    tpu.vector_store %arg11[%swap3A_648, %swap3A_649], %swap3A_652 {strides = array<i32>} : memref<4x128xi32, #tpu.memory_space<vmem>>, vector<1x16xi32>,
    %get3A_653 = arith.constant 1 : i32
    %get3A_654 = arith.index_cast %get3A_653 : i32 to index
    %get3A_655 = arith.constant 0 : index
    %get3A_656 = tpu.vector_load %arg9[%get3A_654, %get3A_655] {strides = array<i32>} : memref<4x128xi32, #tpu.memory_space<vmem>>, vector<1x16xi32>,
    %get3A_657 = vector.shape_cast %get3A_656 : vector<1x16xi32> to vector<16xi32>
    %ge3A_658 = vector.broadcast %mul3A_0 : i32 to vector<16xi32>
    %ge3A_659 = arith.cmpi sge, %get3A_657, %ge3A_658 : vector<16xi32>
    %add3A_660 = arith.constant 50000 : i32
    %add3A_661 = arith.addi %mul3A_0, %add3A_660 : i32
    %lt3A_662 = vector.broadcast %add3A_661 : i32 to vector<16xi32>
    %lt3A_663 = arith.cmpi slt, %get3A_657, %lt3A_662 : vector<16xi32>
    %and3A_664 = arith.andi %ge3A_659, %lt3A_663 : vector<16xi1>
    %and3A_665 = arith.constant 1023 : i32
    %and3A_666 = vector.broadcast %and3A_665 : i32 to vector<16xi32>
    %and3A_667 = arith.andi %get3A_657, %and3A_666 : vector<16xi32>
    %add3A_668 = arith.constant 50000 : i32
    %add3A_669 = vector.broadcast %add3A_668 : i32 to vector<16xi32>
    %add3A_670 = arith.addi %add3A_669, %and3A_667 : vector<16xi32>
    %sub3A_671 = vector.broadcast %mul3A_0 : i32 to vector<16xi32>
    %sub3A_672 = arith.subi %get3A_657, %sub3A_671 : vector<16xi32>
    %select_n3A_673 = arith.select %and3A_664, %sub3A_672, %add3A_670 : vector<16xi1>, vector<16xi32>
    %swap3A_674 = arith.constant 1 : i32
    %swap3A_675 = arith.index_cast %swap3A_674 : i32 to index
    %swap3A_676 = arith.constant 0 : index
    %swap3A_677 = tpu.vector_load %arg11[%swap3A_675, %swap3A_676] {strides = array<i32>} : memref<4x128xi32, #tpu.memory_space<vmem>>, vector<1x16xi32>,
    %swap3A_678 = vector.shape_cast %swap3A_677 : vector<1x16xi32> to vector<16xi32>
    %swap3A_679 = vector.shape_cast %select_n3A_673 : vector<16xi32> to vector<1x16xi32>
    tpu.vector_store %arg11[%swap3A_675, %swap3A_676], %swap3A_679 {strides = array<i32>} : memref<4x128xi32, #tpu.memory_space<vmem>>, vector<1x16xi32>,
    %get3A_680 = arith.constant 1 : i32
    %get3A_681 = arith.index_cast %get3A_680 : i32 to index
    %get3A_682 = arith.constant 16 : index
    %get3A_683 = tpu.vector_load %arg9[%get3A_681, %get3A_682] {strides = array<i32>} : memref<4x128xi32, #tpu.memory_space<vmem>>, vector<1x16xi32>,
    %get3A_684 = vector.shape_cast %get3A_683 : vector<1x16xi32> to vector<16xi32>
    %ge3A_685 = vector.broadcast %mul3A_0 : i32 to vector<16xi32>
    %ge3A_686 = arith.cmpi sge, %get3A_684, %ge3A_685 : vector<16xi32>
    %add3A_687 = arith.constant 50000 : i32
    %add3A_688 = arith.addi %mul3A_0, %add3A_687 : i32
    %lt3A_689 = vector.broadcast %add3A_688 : i32 to vector<16xi32>
    %lt3A_690 = arith.cmpi slt, %get3A_684, %lt3A_689 : vector<16xi32>
    %and3A_691 = arith.andi %ge3A_686, %lt3A_690 : vector<16xi1>
    %and3A_692 = arith.constant 1023 : i32
    %and3A_693 = vector.broadcast %and3A_692 : i32 to vector<16xi32>
    %and3A_694 = arith.andi %get3A_684, %and3A_693 : vector<16xi32>
    %add3A_695 = arith.constant 50000 : i32
    %add3A_696 = vector.broadcast %add3A_695 : i32 to vector<16xi32>
    %add3A_697 = arith.addi %add3A_696, %and3A_694 : vector<16xi32>
    %sub3A_698 = vector.broadcast %mul3A_0 : i32 to vector<16xi32>
    %sub3A_699 = arith.subi %get3A_684, %sub3A_698 : vector<16xi32>
    %select_n3A_700 = arith.select %and3A_691, %sub3A_699, %add3A_697 : vector<16xi1>, vector<16xi32>
    %swap3A_701 = arith.constant 1 : i32
    %swap3A_702 = arith.index_cast %swap3A_701 : i32 to index
    %swap3A_703 = arith.constant 16 : index
    %swap3A_704 = tpu.vector_load %arg11[%swap3A_702, %swap3A_703] {strides = array<i32>} : memref<4x128xi32, #tpu.memory_space<vmem>>, vector<1x16xi32>,
    %swap3A_705 = vector.shape_cast %swap3A_704 : vector<1x16xi32> to vector<16xi32>
    %swap3A_706 = vector.shape_cast %select_n3A_700 : vector<16xi32> to vector<1x16xi32>
    tpu.vector_store %arg11[%swap3A_702, %swap3A_703], %swap3A_706 {strides = array<i32>} : memref<4x128xi32, #tpu.memory_space<vmem>>, vector<1x16xi32>,
    %get3A_707 = arith.constant 1 : i32
    %get3A_708 = arith.index_cast %get3A_707 : i32 to index
    %get3A_709 = arith.constant 32 : index
    %get3A_710 = tpu.vector_load %arg9[%get3A_708, %get3A_709] {strides = array<i32>} : memref<4x128xi32, #tpu.memory_space<vmem>>, vector<1x16xi32>,
    %get3A_711 = vector.shape_cast %get3A_710 : vector<1x16xi32> to vector<16xi32>
    %ge3A_712 = vector.broadcast %mul3A_0 : i32 to vector<16xi32>
    %ge3A_713 = arith.cmpi sge, %get3A_711, %ge3A_712 : vector<16xi32>
    %add3A_714 = arith.constant 50000 : i32
    %add3A_715 = arith.addi %mul3A_0, %add3A_714 : i32
    %lt3A_716 = vector.broadcast %add3A_715 : i32 to vector<16xi32>
    %lt3A_717 = arith.cmpi slt, %get3A_711, %lt3A_716 : vector<16xi32>
    %and3A_718 = arith.andi %ge3A_713, %lt3A_717 : vector<16xi1>
    %and3A_719 = arith.constant 1023 : i32
    %and3A_720 = vector.broadcast %and3A_719 : i32 to vector<16xi32>
    %and3A_721 = arith.andi %get3A_711, %and3A_720 : vector<16xi32>
    %add3A_722 = arith.constant 50000 : i32
    %add3A_723 = vector.broadcast %add3A_722 : i32 to vector<16xi32>
    %add3A_724 = arith.addi %add3A_723, %and3A_721 : vector<16xi32>
    %sub3A_725 = vector.broadcast %mul3A_0 : i32 to vector<16xi32>
    %sub3A_726 = arith.subi %get3A_711, %sub3A_725 : vector<16xi32>
    %select_n3A_727 = arith.select %and3A_718, %sub3A_726, %add3A_724 : vector<16xi1>, vector<16xi32>
    %swap3A_728 = arith.constant 1 : i32
    %swap3A_729 = arith.index_cast %swap3A_728 : i32 to index
    %swap3A_730 = arith.constant 32 : index
    %swap3A_731 = tpu.vector_load %arg11[%swap3A_729, %swap3A_730] {strides = array<i32>} : memref<4x128xi32, #tpu.memory_space<vmem>>, vector<1x16xi32>,
    %swap3A_732 = vector.shape_cast %swap3A_731 : vector<1x16xi32> to vector<16xi32>
    %swap3A_733 = vector.shape_cast %select_n3A_727 : vector<16xi32> to vector<1x16xi32>
    tpu.vector_store %arg11[%swap3A_729, %swap3A_730], %swap3A_733 {strides = array<i32>} : memref<4x128xi32, #tpu.memory_space<vmem>>, vector<1x16xi32>,
    %get3A_734 = arith.constant 1 : i32
    %get3A_735 = arith.index_cast %get3A_734 : i32 to index
    %get3A_736 = arith.constant 48 : index
    %get3A_737 = tpu.vector_load %arg9[%get3A_735, %get3A_736] {strides = array<i32>} : memref<4x128xi32, #tpu.memory_space<vmem>>, vector<1x16xi32>,
    %get3A_738 = vector.shape_cast %get3A_737 : vector<1x16xi32> to vector<16xi32>
    %ge3A_739 = vector.broadcast %mul3A_0 : i32 to vector<16xi32>
    %ge3A_740 = arith.cmpi sge, %get3A_738, %ge3A_739 : vector<16xi32>
    %add3A_741 = arith.constant 50000 : i32
    %add3A_742 = arith.addi %mul3A_0, %add3A_741 : i32
    %lt3A_743 = vector.broadcast %add3A_742 : i32 to vector<16xi32>
    %lt3A_744 = arith.cmpi slt, %get3A_738, %lt3A_743 : vector<16xi32>
    %and3A_745 = arith.andi %ge3A_740, %lt3A_744 : vector<16xi1>
    %and3A_746 = arith.constant 1023 : i32
    %and3A_747 = vector.broadcast %and3A_746 : i32 to vector<16xi32>
    %and3A_748 = arith.andi %get3A_738, %and3A_747 : vector<16xi32>
    %add3A_749 = arith.constant 50000 : i32
    %add3A_750 = vector.broadcast %add3A_749 : i32 to vector<16xi32>
    %add3A_751 = arith.addi %add3A_750, %and3A_748 : vector<16xi32>
    %sub3A_752 = vector.broadcast %mul3A_0 : i32 to vector<16xi32>
    %sub3A_753 = arith.subi %get3A_738, %sub3A_752 : vector<16xi32>
    %select_n3A_754 = arith.select %and3A_745, %sub3A_753, %add3A_751 : vector<16xi1>, vector<16xi32>
    %swap3A_755 = arith.constant 1 : i32
    %swap3A_756 = arith.index_cast %swap3A_755 : i32 to index
    %swap3A_757 = arith.constant 48 : index
    %swap3A_758 = tpu.vector_load %arg11[%swap3A_756, %swap3A_757] {strides = array<i32>} : memref<4x128xi32, #tpu.memory_space<vmem>>, vector<1x16xi32>,
    %swap3A_759 = vector.shape_cast %swap3A_758 : vector<1x16xi32> to vector<16xi32>
    %swap3A_760 = vector.shape_cast %select_n3A_754 : vector<16xi32> to vector<1x16xi32>
    tpu.vector_store %arg11[%swap3A_756, %swap3A_757], %swap3A_760 {strides = array<i32>} : memref<4x128xi32, #tpu.memory_space<vmem>>, vector<1x16xi32>,
    %get3A_761 = arith.constant 1 : i32
    %get3A_762 = arith.index_cast %get3A_761 : i32 to index
    %get3A_763 = arith.constant 64 : index
    %get3A_764 = tpu.vector_load %arg9[%get3A_762, %get3A_763] {strides = array<i32>} : memref<4x128xi32, #tpu.memory_space<vmem>>, vector<1x16xi32>,
    %get3A_765 = vector.shape_cast %get3A_764 : vector<1x16xi32> to vector<16xi32>
    %ge3A_766 = vector.broadcast %mul3A_0 : i32 to vector<16xi32>
    %ge3A_767 = arith.cmpi sge, %get3A_765, %ge3A_766 : vector<16xi32>
    %add3A_768 = arith.constant 50000 : i32
    %add3A_769 = arith.addi %mul3A_0, %add3A_768 : i32
    %lt3A_770 = vector.broadcast %add3A_769 : i32 to vector<16xi32>
    %lt3A_771 = arith.cmpi slt, %get3A_765, %lt3A_770 : vector<16xi32>
    %and3A_772 = arith.andi %ge3A_767, %lt3A_771 : vector<16xi1>
    %and3A_773 = arith.constant 1023 : i32
    %and3A_774 = vector.broadcast %and3A_773 : i32 to vector<16xi32>
    %and3A_775 = arith.andi %get3A_765, %and3A_774 : vector<16xi32>
    %add3A_776 = arith.constant 50000 : i32
    %add3A_777 = vector.broadcast %add3A_776 : i32 to vector<16xi32>
    %add3A_778 = arith.addi %add3A_777, %and3A_775 : vector<16xi32>
    %sub3A_779 = vector.broadcast %mul3A_0 : i32 to vector<16xi32>
    %sub3A_780 = arith.subi %get3A_765, %sub3A_779 : vector<16xi32>
    %select_n3A_781 = arith.select %and3A_772, %sub3A_780, %add3A_778 : vector<16xi1>, vector<16xi32>
    %swap3A_782 = arith.constant 1 : i32
    %swap3A_783 = arith.index_cast %swap3A_782 : i32 to index
    %swap3A_784 = arith.constant 64 : index
    %swap3A_785 = tpu.vector_load %arg11[%swap3A_783, %swap3A_784] {strides = array<i32>} : memref<4x128xi32, #tpu.memory_space<vmem>>, vector<1x16xi32>,
    %swap3A_786 = vector.shape_cast %swap3A_785 : vector<1x16xi32> to vector<16xi32>
    %swap3A_787 = vector.shape_cast %select_n3A_781 : vector<16xi32> to vector<1x16xi32>
    tpu.vector_store %arg11[%swap3A_783, %swap3A_784], %swap3A_787 {strides = array<i32>} : memref<4x128xi32, #tpu.memory_space<vmem>>, vector<1x16xi32>,
    %get3A_788 = arith.constant 1 : i32
    %get3A_789 = arith.index_cast %get3A_788 : i32 to index
    %get3A_790 = arith.constant 80 : index
    %get3A_791 = tpu.vector_load %arg9[%get3A_789, %get3A_790] {strides = array<i32>} : memref<4x128xi32, #tpu.memory_space<vmem>>, vector<1x16xi32>,
    %get3A_792 = vector.shape_cast %get3A_791 : vector<1x16xi32> to vector<16xi32>
    %ge3A_793 = vector.broadcast %mul3A_0 : i32 to vector<16xi32>
    %ge3A_794 = arith.cmpi sge, %get3A_792, %ge3A_793 : vector<16xi32>
    %add3A_795 = arith.constant 50000 : i32
    %add3A_796 = arith.addi %mul3A_0, %add3A_795 : i32
    %lt3A_797 = vector.broadcast %add3A_796 : i32 to vector<16xi32>
    %lt3A_798 = arith.cmpi slt, %get3A_792, %lt3A_797 : vector<16xi32>
    %and3A_799 = arith.andi %ge3A_794, %lt3A_798 : vector<16xi1>
    %and3A_800 = arith.constant 1023 : i32
    %and3A_801 = vector.broadcast %and3A_800 : i32 to vector<16xi32>
    %and3A_802 = arith.andi %get3A_792, %and3A_801 : vector<16xi32>
    %add3A_803 = arith.constant 50000 : i32
    %add3A_804 = vector.broadcast %add3A_803 : i32 to vector<16xi32>
    %add3A_805 = arith.addi %add3A_804, %and3A_802 : vector<16xi32>
    %sub3A_806 = vector.broadcast %mul3A_0 : i32 to vector<16xi32>
    %sub3A_807 = arith.subi %get3A_792, %sub3A_806 : vector<16xi32>
    %select_n3A_808 = arith.select %and3A_799, %sub3A_807, %add3A_805 : vector<16xi1>, vector<16xi32>
    %swap3A_809 = arith.constant 1 : i32
    %swap3A_810 = arith.index_cast %swap3A_809 : i32 to index
    %swap3A_811 = arith.constant 80 : index
    %swap3A_812 = tpu.vector_load %arg11[%swap3A_810, %swap3A_811] {strides = array<i32>} : memref<4x128xi32, #tpu.memory_space<vmem>>, vector<1x16xi32>,
    %swap3A_813 = vector.shape_cast %swap3A_812 : vector<1x16xi32> to vector<16xi32>
    %swap3A_814 = vector.shape_cast %select_n3A_808 : vector<16xi32> to vector<1x16xi32>
    tpu.vector_store %arg11[%swap3A_810, %swap3A_811], %swap3A_814 {strides = array<i32>} : memref<4x128xi32, #tpu.memory_space<vmem>>, vector<1x16xi32>,
    %get3A_815 = arith.constant 1 : i32
    %get3A_816 = arith.index_cast %get3A_815 : i32 to index
    %get3A_817 = arith.constant 96 : index
    %get3A_818 = tpu.vector_load %arg9[%get3A_816, %get3A_817] {strides = array<i32>} : memref<4x128xi32, #tpu.memory_space<vmem>>, vector<1x16xi32>,
    %get3A_819 = vector.shape_cast %get3A_818 : vector<1x16xi32> to vector<16xi32>
    %ge3A_820 = vector.broadcast %mul3A_0 : i32 to vector<16xi32>
    %ge3A_821 = arith.cmpi sge, %get3A_819, %ge3A_820 : vector<16xi32>
    %add3A_822 = arith.constant 50000 : i32
    %add3A_823 = arith.addi %mul3A_0, %add3A_822 : i32
    %lt3A_824 = vector.broadcast %add3A_823 : i32 to vector<16xi32>
    %lt3A_825 = arith.cmpi slt, %get3A_819, %lt3A_824 : vector<16xi32>
    %and3A_826 = arith.andi %ge3A_821, %lt3A_825 : vector<16xi1>
    %and3A_827 = arith.constant 1023 : i32
    %and3A_828 = vector.broadcast %and3A_827 : i32 to vector<16xi32>
    %and3A_829 = arith.andi %get3A_819, %and3A_828 : vector<16xi32>
    %add3A_830 = arith.constant 50000 : i32
    %add3A_831 = vector.broadcast %add3A_830 : i32 to vector<16xi32>
    %add3A_832 = arith.addi %add3A_831, %and3A_829 : vector<16xi32>
    %sub3A_833 = vector.broadcast %mul3A_0 : i32 to vector<16xi32>
    %sub3A_834 = arith.subi %get3A_819, %sub3A_833 : vector<16xi32>
    %select_n3A_835 = arith.select %and3A_826, %sub3A_834, %add3A_832 : vector<16xi1>, vector<16xi32>
    %swap3A_836 = arith.constant 1 : i32
    %swap3A_837 = arith.index_cast %swap3A_836 : i32 to index
    %swap3A_838 = arith.constant 96 : index
    %swap3A_839 = tpu.vector_load %arg11[%swap3A_837, %swap3A_838] {strides = array<i32>} : memref<4x128xi32, #tpu.memory_space<vmem>>, vector<1x16xi32>,
    %swap3A_840 = vector.shape_cast %swap3A_839 : vector<1x16xi32> to vector<16xi32>
    %swap3A_841 = vector.shape_cast %select_n3A_835 : vector<16xi32> to vector<1x16xi32>
    tpu.vector_store %arg11[%swap3A_837, %swap3A_838], %swap3A_841 {strides = array<i32>} : memref<4x128xi32, #tpu.memory_space<vmem>>, vector<1x16xi32>,
    %get3A_842 = arith.constant 1 : i32
    %get3A_843 = arith.index_cast %get3A_842 : i32 to index
    %get3A_844 = arith.constant 112 : index
    %get3A_845 = tpu.vector_load %arg9[%get3A_843, %get3A_844] {strides = array<i32>} : memref<4x128xi32, #tpu.memory_space<vmem>>, vector<1x16xi32>,
    %get3A_846 = vector.shape_cast %get3A_845 : vector<1x16xi32> to vector<16xi32>
    %ge3A_847 = vector.broadcast %mul3A_0 : i32 to vector<16xi32>
    %ge3A_848 = arith.cmpi sge, %get3A_846, %ge3A_847 : vector<16xi32>
    %add3A_849 = arith.constant 50000 : i32
    %add3A_850 = arith.addi %mul3A_0, %add3A_849 : i32
    %lt3A_851 = vector.broadcast %add3A_850 : i32 to vector<16xi32>
    %lt3A_852 = arith.cmpi slt, %get3A_846, %lt3A_851 : vector<16xi32>
    %and3A_853 = arith.andi %ge3A_848, %lt3A_852 : vector<16xi1>
    %and3A_854 = arith.constant 1023 : i32
    %and3A_855 = vector.broadcast %and3A_854 : i32 to vector<16xi32>
    %and3A_856 = arith.andi %get3A_846, %and3A_855 : vector<16xi32>
    %add3A_857 = arith.constant 50000 : i32
    %add3A_858 = vector.broadcast %add3A_857 : i32 to vector<16xi32>
    %add3A_859 = arith.addi %add3A_858, %and3A_856 : vector<16xi32>
    %sub3A_860 = vector.broadcast %mul3A_0 : i32 to vector<16xi32>
    %sub3A_861 = arith.subi %get3A_846, %sub3A_860 : vector<16xi32>
    %select_n3A_862 = arith.select %and3A_853, %sub3A_861, %add3A_859 : vector<16xi1>, vector<16xi32>
    %swap3A_863 = arith.constant 1 : i32
    %swap3A_864 = arith.index_cast %swap3A_863 : i32 to index
    %swap3A_865 = arith.constant 112 : index
    %swap3A_866 = tpu.vector_load %arg11[%swap3A_864, %swap3A_865] {strides = array<i32>} : memref<4x128xi32, #tpu.memory_space<vmem>>, vector<1x16xi32>,
    %swap3A_867 = vector.shape_cast %swap3A_866 : vector<1x16xi32> to vector<16xi32>
    %swap3A_868 = vector.shape_cast %select_n3A_862 : vector<16xi32> to vector<1x16xi32>
    tpu.vector_store %arg11[%swap3A_864, %swap3A_865], %swap3A_868 {strides = array<i32>} : memref<4x128xi32, #tpu.memory_space<vmem>>, vector<1x16xi32>,
    %get3A_869 = arith.constant 2 : i32
    %get3A_870 = arith.index_cast %get3A_869 : i32 to index
    %get3A_871 = arith.constant 0 : index
    %get3A_872 = tpu.vector_load %arg9[%get3A_870, %get3A_871] {strides = array<i32>} : memref<4x128xi32, #tpu.memory_space<vmem>>, vector<1x16xi32>,
    %get3A_873 = vector.shape_cast %get3A_872 : vector<1x16xi32> to vector<16xi32>
    %ge3A_874 = vector.broadcast %mul3A_0 : i32 to vector<16xi32>
    %ge3A_875 = arith.cmpi sge, %get3A_873, %ge3A_874 : vector<16xi32>
    %add3A_876 = arith.constant 50000 : i32
    %add3A_877 = arith.addi %mul3A_0, %add3A_876 : i32
    %lt3A_878 = vector.broadcast %add3A_877 : i32 to vector<16xi32>
    %lt3A_879 = arith.cmpi slt, %get3A_873, %lt3A_878 : vector<16xi32>
    %and3A_880 = arith.andi %ge3A_875, %lt3A_879 : vector<16xi1>
    %and3A_881 = arith.constant 1023 : i32
    %and3A_882 = vector.broadcast %and3A_881 : i32 to vector<16xi32>
    %and3A_883 = arith.andi %get3A_873, %and3A_882 : vector<16xi32>
    %add3A_884 = arith.constant 50000 : i32
    %add3A_885 = vector.broadcast %add3A_884 : i32 to vector<16xi32>
    %add3A_886 = arith.addi %add3A_885, %and3A_883 : vector<16xi32>
    %sub3A_887 = vector.broadcast %mul3A_0 : i32 to vector<16xi32>
    %sub3A_888 = arith.subi %get3A_873, %sub3A_887 : vector<16xi32>
    %select_n3A_889 = arith.select %and3A_880, %sub3A_888, %add3A_886 : vector<16xi1>, vector<16xi32>
    %swap3A_890 = arith.constant 2 : i32
    %swap3A_891 = arith.index_cast %swap3A_890 : i32 to index
    %swap3A_892 = arith.constant 0 : index
    %swap3A_893 = tpu.vector_load %arg11[%swap3A_891, %swap3A_892] {strides = array<i32>} : memref<4x128xi32, #tpu.memory_space<vmem>>, vector<1x16xi32>,
    %swap3A_894 = vector.shape_cast %swap3A_893 : vector<1x16xi32> to vector<16xi32>
    %swap3A_895 = vector.shape_cast %select_n3A_889 : vector<16xi32> to vector<1x16xi32>
    tpu.vector_store %arg11[%swap3A_891, %swap3A_892], %swap3A_895 {strides = array<i32>} : memref<4x128xi32, #tpu.memory_space<vmem>>, vector<1x16xi32>,
    %get3A_896 = arith.constant 2 : i32
    %get3A_897 = arith.index_cast %get3A_896 : i32 to index
    %get3A_898 = arith.constant 16 : index
    %get3A_899 = tpu.vector_load %arg9[%get3A_897, %get3A_898] {strides = array<i32>} : memref<4x128xi32, #tpu.memory_space<vmem>>, vector<1x16xi32>,
    %get3A_900 = vector.shape_cast %get3A_899 : vector<1x16xi32> to vector<16xi32>
    %ge3A_901 = vector.broadcast %mul3A_0 : i32 to vector<16xi32>
    %ge3A_902 = arith.cmpi sge, %get3A_900, %ge3A_901 : vector<16xi32>
    %add3A_903 = arith.constant 50000 : i32
    %add3A_904 = arith.addi %mul3A_0, %add3A_903 : i32
    %lt3A_905 = vector.broadcast %add3A_904 : i32 to vector<16xi32>
    %lt3A_906 = arith.cmpi slt, %get3A_900, %lt3A_905 : vector<16xi32>
    %and3A_907 = arith.andi %ge3A_902, %lt3A_906 : vector<16xi1>
    %and3A_908 = arith.constant 1023 : i32
    %and3A_909 = vector.broadcast %and3A_908 : i32 to vector<16xi32>
    %and3A_910 = arith.andi %get3A_900, %and3A_909 : vector<16xi32>
    %add3A_911 = arith.constant 50000 : i32
    %add3A_912 = vector.broadcast %add3A_911 : i32 to vector<16xi32>
    %add3A_913 = arith.addi %add3A_912, %and3A_910 : vector<16xi32>
    %sub3A_914 = vector.broadcast %mul3A_0 : i32 to vector<16xi32>
    %sub3A_915 = arith.subi %get3A_900, %sub3A_914 : vector<16xi32>
    %select_n3A_916 = arith.select %and3A_907, %sub3A_915, %add3A_913 : vector<16xi1>, vector<16xi32>
    %swap3A_917 = arith.constant 2 : i32
    %swap3A_918 = arith.index_cast %swap3A_917 : i32 to index
    %swap3A_919 = arith.constant 16 : index
    %swap3A_920 = tpu.vector_load %arg11[%swap3A_918, %swap3A_919] {strides = array<i32>} : memref<4x128xi32, #tpu.memory_space<vmem>>, vector<1x16xi32>,
    %swap3A_921 = vector.shape_cast %swap3A_920 : vector<1x16xi32> to vector<16xi32>
    %swap3A_922 = vector.shape_cast %select_n3A_916 : vector<16xi32> to vector<1x16xi32>
    tpu.vector_store %arg11[%swap3A_918, %swap3A_919], %swap3A_922 {strides = array<i32>} : memref<4x128xi32, #tpu.memory_space<vmem>>, vector<1x16xi32>,
    %get3A_923 = arith.constant 2 : i32
    %get3A_924 = arith.index_cast %get3A_923 : i32 to index
    %get3A_925 = arith.constant 32 : index
    %get3A_926 = tpu.vector_load %arg9[%get3A_924, %get3A_925] {strides = array<i32>} : memref<4x128xi32, #tpu.memory_space<vmem>>, vector<1x16xi32>,
    %get3A_927 = vector.shape_cast %get3A_926 : vector<1x16xi32> to vector<16xi32>
    %ge3A_928 = vector.broadcast %mul3A_0 : i32 to vector<16xi32>
    %ge3A_929 = arith.cmpi sge, %get3A_927, %ge3A_928 : vector<16xi32>
    %add3A_930 = arith.constant 50000 : i32
    %add3A_931 = arith.addi %mul3A_0, %add3A_930 : i32
    %lt3A_932 = vector.broadcast %add3A_931 : i32 to vector<16xi32>
    %lt3A_933 = arith.cmpi slt, %get3A_927, %lt3A_932 : vector<16xi32>
    %and3A_934 = arith.andi %ge3A_929, %lt3A_933 : vector<16xi1>
    %and3A_935 = arith.constant 1023 : i32
    %and3A_936 = vector.broadcast %and3A_935 : i32 to vector<16xi32>
    %and3A_937 = arith.andi %get3A_927, %and3A_936 : vector<16xi32>
    %add3A_938 = arith.constant 50000 : i32
    %add3A_939 = vector.broadcast %add3A_938 : i32 to vector<16xi32>
    %add3A_940 = arith.addi %add3A_939, %and3A_937 : vector<16xi32>
    %sub3A_941 = vector.broadcast %mul3A_0 : i32 to vector<16xi32>
    %sub3A_942 = arith.subi %get3A_927, %sub3A_941 : vector<16xi32>
    %select_n3A_943 = arith.select %and3A_934, %sub3A_942, %add3A_940 : vector<16xi1>, vector<16xi32>
    %swap3A_944 = arith.constant 2 : i32
    %swap3A_945 = arith.index_cast %swap3A_944 : i32 to index
    %swap3A_946 = arith.constant 32 : index
    %swap3A_947 = tpu.vector_load %arg11[%swap3A_945, %swap3A_946] {strides = array<i32>} : memref<4x128xi32, #tpu.memory_space<vmem>>, vector<1x16xi32>,
    %swap3A_948 = vector.shape_cast %swap3A_947 : vector<1x16xi32> to vector<16xi32>
    %swap3A_949 = vector.shape_cast %select_n3A_943 : vector<16xi32> to vector<1x16xi32>
    tpu.vector_store %arg11[%swap3A_945, %swap3A_946], %swap3A_949 {strides = array<i32>} : memref<4x128xi32, #tpu.memory_space<vmem>>, vector<1x16xi32>,
    %get3A_950 = arith.constant 2 : i32
    %get3A_951 = arith.index_cast %get3A_950 : i32 to index
    %get3A_952 = arith.constant 48 : index
    %get3A_953 = tpu.vector_load %arg9[%get3A_951, %get3A_952] {strides = array<i32>} : memref<4x128xi32, #tpu.memory_space<vmem>>, vector<1x16xi32>,
    %get3A_954 = vector.shape_cast %get3A_953 : vector<1x16xi32> to vector<16xi32>
    %ge3A_955 = vector.broadcast %mul3A_0 : i32 to vector<16xi32>
    %ge3A_956 = arith.cmpi sge, %get3A_954, %ge3A_955 : vector<16xi32>
    %add3A_957 = arith.constant 50000 : i32
    %add3A_958 = arith.addi %mul3A_0, %add3A_957 : i32
    %lt3A_959 = vector.broadcast %add3A_958 : i32 to vector<16xi32>
    %lt3A_960 = arith.cmpi slt, %get3A_954, %lt3A_959 : vector<16xi32>
    %and3A_961 = arith.andi %ge3A_956, %lt3A_960 : vector<16xi1>
    %and3A_962 = arith.constant 1023 : i32
    %and3A_963 = vector.broadcast %and3A_962 : i32 to vector<16xi32>
    %and3A_964 = arith.andi %get3A_954, %and3A_963 : vector<16xi32>
    %add3A_965 = arith.constant 50000 : i32
    %add3A_966 = vector.broadcast %add3A_965 : i32 to vector<16xi32>
    %add3A_967 = arith.addi %add3A_966, %and3A_964 : vector<16xi32>
    %sub3A_968 = vector.broadcast %mul3A_0 : i32 to vector<16xi32>
    %sub3A_969 = arith.subi %get3A_954, %sub3A_968 : vector<16xi32>
    %select_n3A_970 = arith.select %and3A_961, %sub3A_969, %add3A_967 : vector<16xi1>, vector<16xi32>
    %swap3A_971 = arith.constant 2 : i32
    %swap3A_972 = arith.index_cast %swap3A_971 : i32 to index
    %swap3A_973 = arith.constant 48 : index
    %swap3A_974 = tpu.vector_load %arg11[%swap3A_972, %swap3A_973] {strides = array<i32>} : memref<4x128xi32, #tpu.memory_space<vmem>>, vector<1x16xi32>,
    %swap3A_975 = vector.shape_cast %swap3A_974 : vector<1x16xi32> to vector<16xi32>
    %swap3A_976 = vector.shape_cast %select_n3A_970 : vector<16xi32> to vector<1x16xi32>
    tpu.vector_store %arg11[%swap3A_972, %swap3A_973], %swap3A_976 {strides = array<i32>} : memref<4x128xi32, #tpu.memory_space<vmem>>, vector<1x16xi32>,
    %get3A_977 = arith.constant 2 : i32
    %get3A_978 = arith.index_cast %get3A_977 : i32 to index
    %get3A_979 = arith.constant 64 : index
    %get3A_980 = tpu.vector_load %arg9[%get3A_978, %get3A_979] {strides = array<i32>} : memref<4x128xi32, #tpu.memory_space<vmem>>, vector<1x16xi32>,
    %get3A_981 = vector.shape_cast %get3A_980 : vector<1x16xi32> to vector<16xi32>
    %ge3A_982 = vector.broadcast %mul3A_0 : i32 to vector<16xi32>
    %ge3A_983 = arith.cmpi sge, %get3A_981, %ge3A_982 : vector<16xi32>
    %add3A_984 = arith.constant 50000 : i32
    %add3A_985 = arith.addi %mul3A_0, %add3A_984 : i32
    %lt3A_986 = vector.broadcast %add3A_985 : i32 to vector<16xi32>
    %lt3A_987 = arith.cmpi slt, %get3A_981, %lt3A_986 : vector<16xi32>
    %and3A_988 = arith.andi %ge3A_983, %lt3A_987 : vector<16xi1>
    %and3A_989 = arith.constant 1023 : i32
    %and3A_990 = vector.broadcast %and3A_989 : i32 to vector<16xi32>
    %and3A_991 = arith.andi %get3A_981, %and3A_990 : vector<16xi32>
    %add3A_992 = arith.constant 50000 : i32
    %add3A_993 = vector.broadcast %add3A_992 : i32 to vector<16xi32>
    %add3A_994 = arith.addi %add3A_993, %and3A_991 : vector<16xi32>
    %sub3A_995 = vector.broadcast %mul3A_0 : i32 to vector<16xi32>
    %sub3A_996 = arith.subi %get3A_981, %sub3A_995 : vector<16xi32>
    %select_n3A_997 = arith.select %and3A_988, %sub3A_996, %add3A_994 : vector<16xi1>, vector<16xi32>
    %swap3A_998 = arith.constant 2 : i32
    %swap3A_999 = arith.index_cast %swap3A_998 : i32 to index
    %swap3A_1000 = arith.constant 64 : index
    %swap3A_1001 = tpu.vector_load %arg11[%swap3A_999, %swap3A_1000] {strides = array<i32>} : memref<4x128xi32, #tpu.memory_space<vmem>>, vector<1x16xi32>,
    %swap3A_1002 = vector.shape_cast %swap3A_1001 : vector<1x16xi32> to vector<16xi32>
    %swap3A_1003 = vector.shape_cast %select_n3A_997 : vector<16xi32> to vector<1x16xi32>
    tpu.vector_store %arg11[%swap3A_999, %swap3A_1000], %swap3A_1003 {strides = array<i32>} : memref<4x128xi32, #tpu.memory_space<vmem>>, vector<1x16xi32>,
    %get3A_1004 = arith.constant 2 : i32
    %get3A_1005 = arith.index_cast %get3A_1004 : i32 to index
    %get3A_1006 = arith.constant 80 : index
    %get3A_1007 = tpu.vector_load %arg9[%get3A_1005, %get3A_1006] {strides = array<i32>} : memref<4x128xi32, #tpu.memory_space<vmem>>, vector<1x16xi32>,
    %get3A_1008 = vector.shape_cast %get3A_1007 : vector<1x16xi32> to vector<16xi32>
    %ge3A_1009 = vector.broadcast %mul3A_0 : i32 to vector<16xi32>
    %ge3A_1010 = arith.cmpi sge, %get3A_1008, %ge3A_1009 : vector<16xi32>
    %add3A_1011 = arith.constant 50000 : i32
    %add3A_1012 = arith.addi %mul3A_0, %add3A_1011 : i32
    %lt3A_1013 = vector.broadcast %add3A_1012 : i32 to vector<16xi32>
    %lt3A_1014 = arith.cmpi slt, %get3A_1008, %lt3A_1013 : vector<16xi32>
    %and3A_1015 = arith.andi %ge3A_1010, %lt3A_1014 : vector<16xi1>
    %and3A_1016 = arith.constant 1023 : i32
    %and3A_1017 = vector.broadcast %and3A_1016 : i32 to vector<16xi32>
    %and3A_1018 = arith.andi %get3A_1008, %and3A_1017 : vector<16xi32>
    %add3A_1019 = arith.constant 50000 : i32
    %add3A_1020 = vector.broadcast %add3A_1019 : i32 to vector<16xi32>
    %add3A_1021 = arith.addi %add3A_1020, %and3A_1018 : vector<16xi32>
    %sub3A_1022 = vector.broadcast %mul3A_0 : i32 to vector<16xi32>
    %sub3A_1023 = arith.subi %get3A_1008, %sub3A_1022 : vector<16xi32>
    %select_n3A_1024 = arith.select %and3A_1015, %sub3A_1023, %add3A_1021 : vector<16xi1>, vector<16xi32>
    %swap3A_1025 = arith.constant 2 : i32
    %swap3A_1026 = arith.index_cast %swap3A_1025 : i32 to index
    %swap3A_1027 = arith.constant 80 : index
    %swap3A_1028 = tpu.vector_load %arg11[%swap3A_1026, %swap3A_1027] {strides = array<i32>} : memref<4x128xi32, #tpu.memory_space<vmem>>, vector<1x16xi32>,
    %swap3A_1029 = vector.shape_cast %swap3A_1028 : vector<1x16xi32> to vector<16xi32>
    %swap3A_1030 = vector.shape_cast %select_n3A_1024 : vector<16xi32> to vector<1x16xi32>
    tpu.vector_store %arg11[%swap3A_1026, %swap3A_1027], %swap3A_1030 {strides = array<i32>} : memref<4x128xi32, #tpu.memory_space<vmem>>, vector<1x16xi32>,
    %get3A_1031 = arith.constant 2 : i32
    %get3A_1032 = arith.index_cast %get3A_1031 : i32 to index
    %get3A_1033 = arith.constant 96 : index
    %get3A_1034 = tpu.vector_load %arg9[%get3A_1032, %get3A_1033] {strides = array<i32>} : memref<4x128xi32, #tpu.memory_space<vmem>>, vector<1x16xi32>,
    %get3A_1035 = vector.shape_cast %get3A_1034 : vector<1x16xi32> to vector<16xi32>
    %ge3A_1036 = vector.broadcast %mul3A_0 : i32 to vector<16xi32>
    %ge3A_1037 = arith.cmpi sge, %get3A_1035, %ge3A_1036 : vector<16xi32>
    %add3A_1038 = arith.constant 50000 : i32
    %add3A_1039 = arith.addi %mul3A_0, %add3A_1038 : i32
    %lt3A_1040 = vector.broadcast %add3A_1039 : i32 to vector<16xi32>
    %lt3A_1041 = arith.cmpi slt, %get3A_1035, %lt3A_1040 : vector<16xi32>
    %and3A_1042 = arith.andi %ge3A_1037, %lt3A_1041 : vector<16xi1>
    %and3A_1043 = arith.constant 1023 : i32
    %and3A_1044 = vector.broadcast %and3A_1043 : i32 to vector<16xi32>
    %and3A_1045 = arith.andi %get3A_1035, %and3A_1044 : vector<16xi32>
    %add3A_1046 = arith.constant 50000 : i32
    %add3A_1047 = vector.broadcast %add3A_1046 : i32 to vector<16xi32>
    %add3A_1048 = arith.addi %add3A_1047, %and3A_1045 : vector<16xi32>
    %sub3A_1049 = vector.broadcast %mul3A_0 : i32 to vector<16xi32>
    %sub3A_1050 = arith.subi %get3A_1035, %sub3A_1049 : vector<16xi32>
    %select_n3A_1051 = arith.select %and3A_1042, %sub3A_1050, %add3A_1048 : vector<16xi1>, vector<16xi32>
    %swap3A_1052 = arith.constant 2 : i32
    %swap3A_1053 = arith.index_cast %swap3A_1052 : i32 to index
    %swap3A_1054 = arith.constant 96 : index
    %swap3A_1055 = tpu.vector_load %arg11[%swap3A_1053, %swap3A_1054] {strides = array<i32>} : memref<4x128xi32, #tpu.memory_space<vmem>>, vector<1x16xi32>,
    %swap3A_1056 = vector.shape_cast %swap3A_1055 : vector<1x16xi32> to vector<16xi32>
    %swap3A_1057 = vector.shape_cast %select_n3A_1051 : vector<16xi32> to vector<1x16xi32>
    tpu.vector_store %arg11[%swap3A_1053, %swap3A_1054], %swap3A_1057 {strides = array<i32>} : memref<4x128xi32, #tpu.memory_space<vmem>>, vector<1x16xi32>,
    %get3A_1058 = arith.constant 2 : i32
    %get3A_1059 = arith.index_cast %get3A_1058 : i32 to index
    %get3A_1060 = arith.constant 112 : index
    %get3A_1061 = tpu.vector_load %arg9[%get3A_1059, %get3A_1060] {strides = array<i32>} : memref<4x128xi32, #tpu.memory_space<vmem>>, vector<1x16xi32>,
    %get3A_1062 = vector.shape_cast %get3A_1061 : vector<1x16xi32> to vector<16xi32>
    %ge3A_1063 = vector.broadcast %mul3A_0 : i32 to vector<16xi32>
    %ge3A_1064 = arith.cmpi sge, %get3A_1062, %ge3A_1063 : vector<16xi32>
    %add3A_1065 = arith.constant 50000 : i32
    %add3A_1066 = arith.addi %mul3A_0, %add3A_1065 : i32
    %lt3A_1067 = vector.broadcast %add3A_1066 : i32 to vector<16xi32>
    %lt3A_1068 = arith.cmpi slt, %get3A_1062, %lt3A_1067 : vector<16xi32>
    %and3A_1069 = arith.andi %ge3A_1064, %lt3A_1068 : vector<16xi1>
    %and3A_1070 = arith.constant 1023 : i32
    %and3A_1071 = vector.broadcast %and3A_1070 : i32 to vector<16xi32>
    %and3A_1072 = arith.andi %get3A_1062, %and3A_1071 : vector<16xi32>
    %add3A_1073 = arith.constant 50000 : i32
    %add3A_1074 = vector.broadcast %add3A_1073 : i32 to vector<16xi32>
    %add3A_1075 = arith.addi %add3A_1074, %and3A_1072 : vector<16xi32>
    %sub3A_1076 = vector.broadcast %mul3A_0 : i32 to vector<16xi32>
    %sub3A_1077 = arith.subi %get3A_1062, %sub3A_1076 : vector<16xi32>
    %select_n3A_1078 = arith.select %and3A_1069, %sub3A_1077, %add3A_1075 : vector<16xi1>, vector<16xi32>
    %swap3A_1079 = arith.constant 2 : i32
    %swap3A_1080 = arith.index_cast %swap3A_1079 : i32 to index
    %swap3A_1081 = arith.constant 112 : index
    %swap3A_1082 = tpu.vector_load %arg11[%swap3A_1080, %swap3A_1081] {strides = array<i32>} : memref<4x128xi32, #tpu.memory_space<vmem>>, vector<1x16xi32>,
    %swap3A_1083 = vector.shape_cast %swap3A_1082 : vector<1x16xi32> to vector<16xi32>
    %swap3A_1084 = vector.shape_cast %select_n3A_1078 : vector<16xi32> to vector<1x16xi32>
    tpu.vector_store %arg11[%swap3A_1080, %swap3A_1081], %swap3A_1084 {strides = array<i32>} : memref<4x128xi32, #tpu.memory_space<vmem>>, vector<1x16xi32>,
    %get3A_1085 = arith.constant 3 : i32
    %get3A_1086 = arith.index_cast %get3A_1085 : i32 to index
    %get3A_1087 = arith.constant 0 : index
    %get3A_1088 = tpu.vector_load %arg9[%get3A_1086, %get3A_1087] {strides = array<i32>} : memref<4x128xi32, #tpu.memory_space<vmem>>, vector<1x16xi32>,
    %get3A_1089 = vector.shape_cast %get3A_1088 : vector<1x16xi32> to vector<16xi32>
    %ge3A_1090 = vector.broadcast %mul3A_0 : i32 to vector<16xi32>
    %ge3A_1091 = arith.cmpi sge, %get3A_1089, %ge3A_1090 : vector<16xi32>
    %add3A_1092 = arith.constant 50000 : i32
    %add3A_1093 = arith.addi %mul3A_0, %add3A_1092 : i32
    %lt3A_1094 = vector.broadcast %add3A_1093 : i32 to vector<16xi32>
    %lt3A_1095 = arith.cmpi slt, %get3A_1089, %lt3A_1094 : vector<16xi32>
    %and3A_1096 = arith.andi %ge3A_1091, %lt3A_1095 : vector<16xi1>
    %and3A_1097 = arith.constant 1023 : i32
    %and3A_1098 = vector.broadcast %and3A_1097 : i32 to vector<16xi32>
    %and3A_1099 = arith.andi %get3A_1089, %and3A_1098 : vector<16xi32>
    %add3A_1100 = arith.constant 50000 : i32
    %add3A_1101 = vector.broadcast %add3A_1100 : i32 to vector<16xi32>
    %add3A_1102 = arith.addi %add3A_1101, %and3A_1099 : vector<16xi32>
    %sub3A_1103 = vector.broadcast %mul3A_0 : i32 to vector<16xi32>
    %sub3A_1104 = arith.subi %get3A_1089, %sub3A_1103 : vector<16xi32>
    %select_n3A_1105 = arith.select %and3A_1096, %sub3A_1104, %add3A_1102 : vector<16xi1>, vector<16xi32>
    %swap3A_1106 = arith.constant 3 : i32
    %swap3A_1107 = arith.index_cast %swap3A_1106 : i32 to index
    %swap3A_1108 = arith.constant 0 : index
    %swap3A_1109 = tpu.vector_load %arg11[%swap3A_1107, %swap3A_1108] {strides = array<i32>} : memref<4x128xi32, #tpu.memory_space<vmem>>, vector<1x16xi32>,
    %swap3A_1110 = vector.shape_cast %swap3A_1109 : vector<1x16xi32> to vector<16xi32>
    %swap3A_1111 = vector.shape_cast %select_n3A_1105 : vector<16xi32> to vector<1x16xi32>
    tpu.vector_store %arg11[%swap3A_1107, %swap3A_1108], %swap3A_1111 {strides = array<i32>} : memref<4x128xi32, #tpu.memory_space<vmem>>, vector<1x16xi32>,
    %get3A_1112 = arith.constant 3 : i32
    %get3A_1113 = arith.index_cast %get3A_1112 : i32 to index
    %get3A_1114 = arith.constant 16 : index
    %get3A_1115 = tpu.vector_load %arg9[%get3A_1113, %get3A_1114] {strides = array<i32>} : memref<4x128xi32, #tpu.memory_space<vmem>>, vector<1x16xi32>,
    %get3A_1116 = vector.shape_cast %get3A_1115 : vector<1x16xi32> to vector<16xi32>
    %ge3A_1117 = vector.broadcast %mul3A_0 : i32 to vector<16xi32>
    %ge3A_1118 = arith.cmpi sge, %get3A_1116, %ge3A_1117 : vector<16xi32>
    %add3A_1119 = arith.constant 50000 : i32
    %add3A_1120 = arith.addi %mul3A_0, %add3A_1119 : i32
    %lt3A_1121 = vector.broadcast %add3A_1120 : i32 to vector<16xi32>
    %lt3A_1122 = arith.cmpi slt, %get3A_1116, %lt3A_1121 : vector<16xi32>
    %and3A_1123 = arith.andi %ge3A_1118, %lt3A_1122 : vector<16xi1>
    %and3A_1124 = arith.constant 1023 : i32
    %and3A_1125 = vector.broadcast %and3A_1124 : i32 to vector<16xi32>
    %and3A_1126 = arith.andi %get3A_1116, %and3A_1125 : vector<16xi32>
    %add3A_1127 = arith.constant 50000 : i32
    %add3A_1128 = vector.broadcast %add3A_1127 : i32 to vector<16xi32>
    %add3A_1129 = arith.addi %add3A_1128, %and3A_1126 : vector<16xi32>
    %sub3A_1130 = vector.broadcast %mul3A_0 : i32 to vector<16xi32>
    %sub3A_1131 = arith.subi %get3A_1116, %sub3A_1130 : vector<16xi32>
    %select_n3A_1132 = arith.select %and3A_1123, %sub3A_1131, %add3A_1129 : vector<16xi1>, vector<16xi32>
    %swap3A_1133 = arith.constant 3 : i32
    %swap3A_1134 = arith.index_cast %swap3A_1133 : i32 to index
    %swap3A_1135 = arith.constant 16 : index
    %swap3A_1136 = tpu.vector_load %arg11[%swap3A_1134, %swap3A_1135] {strides = array<i32>} : memref<4x128xi32, #tpu.memory_space<vmem>>, vector<1x16xi32>,
    %swap3A_1137 = vector.shape_cast %swap3A_1136 : vector<1x16xi32> to vector<16xi32>
    %swap3A_1138 = vector.shape_cast %select_n3A_1132 : vector<16xi32> to vector<1x16xi32>
    tpu.vector_store %arg11[%swap3A_1134, %swap3A_1135], %swap3A_1138 {strides = array<i32>} : memref<4x128xi32, #tpu.memory_space<vmem>>, vector<1x16xi32>,
    %get3A_1139 = arith.constant 3 : i32
    %get3A_1140 = arith.index_cast %get3A_1139 : i32 to index
    %get3A_1141 = arith.constant 32 : index
    %get3A_1142 = tpu.vector_load %arg9[%get3A_1140, %get3A_1141] {strides = array<i32>} : memref<4x128xi32, #tpu.memory_space<vmem>>, vector<1x16xi32>,
    %get3A_1143 = vector.shape_cast %get3A_1142 : vector<1x16xi32> to vector<16xi32>
    %ge3A_1144 = vector.broadcast %mul3A_0 : i32 to vector<16xi32>
    %ge3A_1145 = arith.cmpi sge, %get3A_1143, %ge3A_1144 : vector<16xi32>
    %add3A_1146 = arith.constant 50000 : i32
    %add3A_1147 = arith.addi %mul3A_0, %add3A_1146 : i32
    %lt3A_1148 = vector.broadcast %add3A_1147 : i32 to vector<16xi32>
    %lt3A_1149 = arith.cmpi slt, %get3A_1143, %lt3A_1148 : vector<16xi32>
    %and3A_1150 = arith.andi %ge3A_1145, %lt3A_1149 : vector<16xi1>
    %and3A_1151 = arith.constant 1023 : i32
    %and3A_1152 = vector.broadcast %and3A_1151 : i32 to vector<16xi32>
    %and3A_1153 = arith.andi %get3A_1143, %and3A_1152 : vector<16xi32>
    %add3A_1154 = arith.constant 50000 : i32
    %add3A_1155 = vector.broadcast %add3A_1154 : i32 to vector<16xi32>
    %add3A_1156 = arith.addi %add3A_1155, %and3A_1153 : vector<16xi32>
    %sub3A_1157 = vector.broadcast %mul3A_0 : i32 to vector<16xi32>
    %sub3A_1158 = arith.subi %get3A_1143, %sub3A_1157 : vector<16xi32>
    %select_n3A_1159 = arith.select %and3A_1150, %sub3A_1158, %add3A_1156 : vector<16xi1>, vector<16xi32>
    %swap3A_1160 = arith.constant 3 : i32
    %swap3A_1161 = arith.index_cast %swap3A_1160 : i32 to index
    %swap3A_1162 = arith.constant 32 : index
    %swap3A_1163 = tpu.vector_load %arg11[%swap3A_1161, %swap3A_1162] {strides = array<i32>} : memref<4x128xi32, #tpu.memory_space<vmem>>, vector<1x16xi32>,
    %swap3A_1164 = vector.shape_cast %swap3A_1163 : vector<1x16xi32> to vector<16xi32>
    %swap3A_1165 = vector.shape_cast %select_n3A_1159 : vector<16xi32> to vector<1x16xi32>
    tpu.vector_store %arg11[%swap3A_1161, %swap3A_1162], %swap3A_1165 {strides = array<i32>} : memref<4x128xi32, #tpu.memory_space<vmem>>, vector<1x16xi32>,
    %get3A_1166 = arith.constant 3 : i32
    %get3A_1167 = arith.index_cast %get3A_1166 : i32 to index
    %get3A_1168 = arith.constant 48 : index
    %get3A_1169 = tpu.vector_load %arg9[%get3A_1167, %get3A_1168] {strides = array<i32>} : memref<4x128xi32, #tpu.memory_space<vmem>>, vector<1x16xi32>,
    %get3A_1170 = vector.shape_cast %get3A_1169 : vector<1x16xi32> to vector<16xi32>
    %ge3A_1171 = vector.broadcast %mul3A_0 : i32 to vector<16xi32>
    %ge3A_1172 = arith.cmpi sge, %get3A_1170, %ge3A_1171 : vector<16xi32>
    %add3A_1173 = arith.constant 50000 : i32
    %add3A_1174 = arith.addi %mul3A_0, %add3A_1173 : i32
    %lt3A_1175 = vector.broadcast %add3A_1174 : i32 to vector<16xi32>
    %lt3A_1176 = arith.cmpi slt, %get3A_1170, %lt3A_1175 : vector<16xi32>
    %and3A_1177 = arith.andi %ge3A_1172, %lt3A_1176 : vector<16xi1>
    %and3A_1178 = arith.constant 1023 : i32
    %and3A_1179 = vector.broadcast %and3A_1178 : i32 to vector<16xi32>
    %and3A_1180 = arith.andi %get3A_1170, %and3A_1179 : vector<16xi32>
    %add3A_1181 = arith.constant 50000 : i32
    %add3A_1182 = vector.broadcast %add3A_1181 : i32 to vector<16xi32>
    %add3A_1183 = arith.addi %add3A_1182, %and3A_1180 : vector<16xi32>
    %sub3A_1184 = vector.broadcast %mul3A_0 : i32 to vector<16xi32>
    %sub3A_1185 = arith.subi %get3A_1170, %sub3A_1184 : vector<16xi32>
    %select_n3A_1186 = arith.select %and3A_1177, %sub3A_1185, %add3A_1183 : vector<16xi1>, vector<16xi32>
    %swap3A_1187 = arith.constant 3 : i32
    %swap3A_1188 = arith.index_cast %swap3A_1187 : i32 to index
    %swap3A_1189 = arith.constant 48 : index
    %swap3A_1190 = tpu.vector_load %arg11[%swap3A_1188, %swap3A_1189] {strides = array<i32>} : memref<4x128xi32, #tpu.memory_space<vmem>>, vector<1x16xi32>,
    %swap3A_1191 = vector.shape_cast %swap3A_1190 : vector<1x16xi32> to vector<16xi32>
    %swap3A_1192 = vector.shape_cast %select_n3A_1186 : vector<16xi32> to vector<1x16xi32>
    tpu.vector_store %arg11[%swap3A_1188, %swap3A_1189], %swap3A_1192 {strides = array<i32>} : memref<4x128xi32, #tpu.memory_space<vmem>>, vector<1x16xi32>,
    %get3A_1193 = arith.constant 3 : i32
    %get3A_1194 = arith.index_cast %get3A_1193 : i32 to index
    %get3A_1195 = arith.constant 64 : index
    %get3A_1196 = tpu.vector_load %arg9[%get3A_1194, %get3A_1195] {strides = array<i32>} : memref<4x128xi32, #tpu.memory_space<vmem>>, vector<1x16xi32>,
    %get3A_1197 = vector.shape_cast %get3A_1196 : vector<1x16xi32> to vector<16xi32>
    %ge3A_1198 = vector.broadcast %mul3A_0 : i32 to vector<16xi32>
    %ge3A_1199 = arith.cmpi sge, %get3A_1197, %ge3A_1198 : vector<16xi32>
    %add3A_1200 = arith.constant 50000 : i32
    %add3A_1201 = arith.addi %mul3A_0, %add3A_1200 : i32
    %lt3A_1202 = vector.broadcast %add3A_1201 : i32 to vector<16xi32>
    %lt3A_1203 = arith.cmpi slt, %get3A_1197, %lt3A_1202 : vector<16xi32>
    %and3A_1204 = arith.andi %ge3A_1199, %lt3A_1203 : vector<16xi1>
    %and3A_1205 = arith.constant 1023 : i32
    %and3A_1206 = vector.broadcast %and3A_1205 : i32 to vector<16xi32>
    %and3A_1207 = arith.andi %get3A_1197, %and3A_1206 : vector<16xi32>
    %add3A_1208 = arith.constant 50000 : i32
    %add3A_1209 = vector.broadcast %add3A_1208 : i32 to vector<16xi32>
    %add3A_1210 = arith.addi %add3A_1209, %and3A_1207 : vector<16xi32>
    %sub3A_1211 = vector.broadcast %mul3A_0 : i32 to vector<16xi32>
    %sub3A_1212 = arith.subi %get3A_1197, %sub3A_1211 : vector<16xi32>
    %select_n3A_1213 = arith.select %and3A_1204, %sub3A_1212, %add3A_1210 : vector<16xi1>, vector<16xi32>
    %swap3A_1214 = arith.constant 3 : i32
    %swap3A_1215 = arith.index_cast %swap3A_1214 : i32 to index
    %swap3A_1216 = arith.constant 64 : index
    %swap3A_1217 = tpu.vector_load %arg11[%swap3A_1215, %swap3A_1216] {strides = array<i32>} : memref<4x128xi32, #tpu.memory_space<vmem>>, vector<1x16xi32>,
    %swap3A_1218 = vector.shape_cast %swap3A_1217 : vector<1x16xi32> to vector<16xi32>
    %swap3A_1219 = vector.shape_cast %select_n3A_1213 : vector<16xi32> to vector<1x16xi32>
    tpu.vector_store %arg11[%swap3A_1215, %swap3A_1216], %swap3A_1219 {strides = array<i32>} : memref<4x128xi32, #tpu.memory_space<vmem>>, vector<1x16xi32>,
    %get3A_1220 = arith.constant 3 : i32
    %get3A_1221 = arith.index_cast %get3A_1220 : i32 to index
    %get3A_1222 = arith.constant 80 : index
    %get3A_1223 = tpu.vector_load %arg9[%get3A_1221, %get3A_1222] {strides = array<i32>} : memref<4x128xi32, #tpu.memory_space<vmem>>, vector<1x16xi32>,
    %get3A_1224 = vector.shape_cast %get3A_1223 : vector<1x16xi32> to vector<16xi32>
    %ge3A_1225 = vector.broadcast %mul3A_0 : i32 to vector<16xi32>
    %ge3A_1226 = arith.cmpi sge, %get3A_1224, %ge3A_1225 : vector<16xi32>
    %add3A_1227 = arith.constant 50000 : i32
    %add3A_1228 = arith.addi %mul3A_0, %add3A_1227 : i32
    %lt3A_1229 = vector.broadcast %add3A_1228 : i32 to vector<16xi32>
    %lt3A_1230 = arith.cmpi slt, %get3A_1224, %lt3A_1229 : vector<16xi32>
    %and3A_1231 = arith.andi %ge3A_1226, %lt3A_1230 : vector<16xi1>
    %and3A_1232 = arith.constant 1023 : i32
    %and3A_1233 = vector.broadcast %and3A_1232 : i32 to vector<16xi32>
    %and3A_1234 = arith.andi %get3A_1224, %and3A_1233 : vector<16xi32>
    %add3A_1235 = arith.constant 50000 : i32
    %add3A_1236 = vector.broadcast %add3A_1235 : i32 to vector<16xi32>
    %add3A_1237 = arith.addi %add3A_1236, %and3A_1234 : vector<16xi32>
    %sub3A_1238 = vector.broadcast %mul3A_0 : i32 to vector<16xi32>
    %sub3A_1239 = arith.subi %get3A_1224, %sub3A_1238 : vector<16xi32>
    %select_n3A_1240 = arith.select %and3A_1231, %sub3A_1239, %add3A_1237 : vector<16xi1>, vector<16xi32>
    %swap3A_1241 = arith.constant 3 : i32
    %swap3A_1242 = arith.index_cast %swap3A_1241 : i32 to index
    %swap3A_1243 = arith.constant 80 : index
    %swap3A_1244 = tpu.vector_load %arg11[%swap3A_1242, %swap3A_1243] {strides = array<i32>} : memref<4x128xi32, #tpu.memory_space<vmem>>, vector<1x16xi32>,
    %swap3A_1245 = vector.shape_cast %swap3A_1244 : vector<1x16xi32> to vector<16xi32>
    %swap3A_1246 = vector.shape_cast %select_n3A_1240 : vector<16xi32> to vector<1x16xi32>
    tpu.vector_store %arg11[%swap3A_1242, %swap3A_1243], %swap3A_1246 {strides = array<i32>} : memref<4x128xi32, #tpu.memory_space<vmem>>, vector<1x16xi32>,
    %get3A_1247 = arith.constant 3 : i32
    %get3A_1248 = arith.index_cast %get3A_1247 : i32 to index
    %get3A_1249 = arith.constant 96 : index
    %get3A_1250 = tpu.vector_load %arg9[%get3A_1248, %get3A_1249] {strides = array<i32>} : memref<4x128xi32, #tpu.memory_space<vmem>>, vector<1x16xi32>,
    %get3A_1251 = vector.shape_cast %get3A_1250 : vector<1x16xi32> to vector<16xi32>
    %ge3A_1252 = vector.broadcast %mul3A_0 : i32 to vector<16xi32>
    %ge3A_1253 = arith.cmpi sge, %get3A_1251, %ge3A_1252 : vector<16xi32>
    %add3A_1254 = arith.constant 50000 : i32
    %add3A_1255 = arith.addi %mul3A_0, %add3A_1254 : i32
    %lt3A_1256 = vector.broadcast %add3A_1255 : i32 to vector<16xi32>
    %lt3A_1257 = arith.cmpi slt, %get3A_1251, %lt3A_1256 : vector<16xi32>
    %and3A_1258 = arith.andi %ge3A_1253, %lt3A_1257 : vector<16xi1>
    %and3A_1259 = arith.constant 1023 : i32
    %and3A_1260 = vector.broadcast %and3A_1259 : i32 to vector<16xi32>
    %and3A_1261 = arith.andi %get3A_1251, %and3A_1260 : vector<16xi32>
    %add3A_1262 = arith.constant 50000 : i32
    %add3A_1263 = vector.broadcast %add3A_1262 : i32 to vector<16xi32>
    %add3A_1264 = arith.addi %add3A_1263, %and3A_1261 : vector<16xi32>
    %sub3A_1265 = vector.broadcast %mul3A_0 : i32 to vector<16xi32>
    %sub3A_1266 = arith.subi %get3A_1251, %sub3A_1265 : vector<16xi32>
    %select_n3A_1267 = arith.select %and3A_1258, %sub3A_1266, %add3A_1264 : vector<16xi1>, vector<16xi32>
    %swap3A_1268 = arith.constant 3 : i32
    %swap3A_1269 = arith.index_cast %swap3A_1268 : i32 to index
    %swap3A_1270 = arith.constant 96 : index
    %swap3A_1271 = tpu.vector_load %arg11[%swap3A_1269, %swap3A_1270] {strides = array<i32>} : memref<4x128xi32, #tpu.memory_space<vmem>>, vector<1x16xi32>,
    %swap3A_1272 = vector.shape_cast %swap3A_1271 : vector<1x16xi32> to vector<16xi32>
    %swap3A_1273 = vector.shape_cast %select_n3A_1267 : vector<16xi32> to vector<1x16xi32>
    tpu.vector_store %arg11[%swap3A_1269, %swap3A_1270], %swap3A_1273 {strides = array<i32>} : memref<4x128xi32, #tpu.memory_space<vmem>>, vector<1x16xi32>,
    %get3A_1274 = arith.constant 3 : i32
    %get3A_1275 = arith.index_cast %get3A_1274 : i32 to index
    %get3A_1276 = arith.constant 112 : index
    %get3A_1277 = tpu.vector_load %arg9[%get3A_1275, %get3A_1276] {strides = array<i32>} : memref<4x128xi32, #tpu.memory_space<vmem>>, vector<1x16xi32>,
    %get3A_1278 = vector.shape_cast %get3A_1277 : vector<1x16xi32> to vector<16xi32>
    %ge3A_1279 = vector.broadcast %mul3A_0 : i32 to vector<16xi32>
    %ge3A_1280 = arith.cmpi sge, %get3A_1278, %ge3A_1279 : vector<16xi32>
    %add3A_1281 = arith.constant 50000 : i32
    %add3A_1282 = arith.addi %mul3A_0, %add3A_1281 : i32
    %lt3A_1283 = vector.broadcast %add3A_1282 : i32 to vector<16xi32>
    %lt3A_1284 = arith.cmpi slt, %get3A_1278, %lt3A_1283 : vector<16xi32>
    %and3A_1285 = arith.andi %ge3A_1280, %lt3A_1284 : vector<16xi1>
    %and3A_1286 = arith.constant 1023 : i32
    %and3A_1287 = vector.broadcast %and3A_1286 : i32 to vector<16xi32>
    %and3A_1288 = arith.andi %get3A_1278, %and3A_1287 : vector<16xi32>
    %add3A_1289 = arith.constant 50000 : i32
    %add3A_1290 = vector.broadcast %add3A_1289 : i32 to vector<16xi32>
    %add3A_1291 = arith.addi %add3A_1290, %and3A_1288 : vector<16xi32>
    %sub3A_1292 = vector.broadcast %mul3A_0 : i32 to vector<16xi32>
    %sub3A_1293 = arith.subi %get3A_1278, %sub3A_1292 : vector<16xi32>
    %select_n3A_1294 = arith.select %and3A_1285, %sub3A_1293, %add3A_1291 : vector<16xi1>, vector<16xi32>
    %swap3A_1295 = arith.constant 3 : i32
    %swap3A_1296 = arith.index_cast %swap3A_1295 : i32 to index
    %swap3A_1297 = arith.constant 112 : index
    %swap3A_1298 = tpu.vector_load %arg11[%swap3A_1296, %swap3A_1297] {strides = array<i32>} : memref<4x128xi32, #tpu.memory_space<vmem>>, vector<1x16xi32>,
    %swap3A_1299 = vector.shape_cast %swap3A_1298 : vector<1x16xi32> to vector<16xi32>
    %swap3A_1300 = vector.shape_cast %select_n3A_1294 : vector<16xi32> to vector<1x16xi32>
    tpu.vector_store %arg11[%swap3A_1296, %swap3A_1297], %swap3A_1300 {strides = array<i32>} : memref<4x128xi32, #tpu.memory_space<vmem>>, vector<1x16xi32>,
    %dma_start3A = arith.constant 0 : i32
    %dma_start3A_1301 = arith.constant 0 : i32
    %dma_start3A_1302 = arith.constant 0 : i32
    %dma_start3A_1303 = arith.constant 0 : i32
    %dma_start3A_1304 = tpu.memref_slice %arg13[%dma_start3A_1301, %dma_start3A_1302, %dma_start3A_1303] : memref<4x128x32xf32, #tpu.memory_space<vmem>> -> memref<1x128x32xf32, #tpu.memory_space<vmem>>
    %dma_start3A_1305 = tpu.memref_squeeze %dma_start3A_1304 : memref<1x128x32xf32, #tpu.memory_space<vmem>> -> memref<128x32xf32, #tpu.memory_space<vmem>>
    %dma_start3A_1306 = arith.constant 0 : i32
    %dma_start3A_1307 = tpu.memref_slice %arg7[%dma_start3A, %dma_start3A_1306] : memref<4x128xi32, #tpu.memory_space<vmem>> -> memref<1x128xi32, #tpu.memory_space<vmem>>
    %dma_start3A_1308 = tpu.memref_squeeze %dma_start3A_1307 : memref<1x128xi32, #tpu.memory_space<vmem>> -> memref<128xi32, #tpu.memory_space<vmem>>
    %dma_start3A_1309 = arith.constant 0 : i32
    %dma_start3A_1310 = arith.constant 0 : i32
    %dma_start3A_1311 = tpu.memref_slice %arg4[%dma_start3A_1309, %dma_start3A_1310] : memref<100000x32xf32, #tpu.memory_space<hbm>> -> memref<100000x32xf32, #tpu.memory_space<hbm>>
    tpu.enqueue_indirect_dma source(%dma_start3A_1311 : memref<100000x32xf32, #tpu.memory_space<hbm>>) target(%dma_start3A_1305 : memref<128x32xf32, #tpu.memory_space<vmem>>) offsets(%dma_start3A_1308 : memref<128xi32, #tpu.memory_space<vmem>>) semaphore(%arg19 : memref<!tpu.dma_semaphore, #tpu.memory_space<semaphore_mem>>)
    %dma_start3A_1312 = arith.constant 1 : i32
    %dma_start3A_1313 = arith.constant 1 : i32
    %dma_start3A_1314 = arith.constant 0 : i32
    %dma_start3A_1315 = arith.constant 0 : i32
    %dma_start3A_1316 = tpu.memref_slice %arg13[%dma_start3A_1313, %dma_start3A_1314, %dma_start3A_1315] : memref<4x128x32xf32, #tpu.memory_space<vmem>> -> memref<1x128x32xf32, #tpu.memory_space<vmem>>
    %dma_start3A_1317 = tpu.memref_squeeze %dma_start3A_1316 : memref<1x128x32xf32, #tpu.memory_space<vmem>> -> memref<128x32xf32, #tpu.memory_space<vmem>>
    %dma_start3A_1318 = arith.constant 0 : i32
    %dma_start3A_1319 = tpu.memref_slice %arg7[%dma_start3A_1312, %dma_start3A_1318] : memref<4x128xi32, #tpu.memory_space<vmem>> -> memref<1x128xi32, #tpu.memory_space<vmem>>
    %dma_start3A_1320 = tpu.memref_squeeze %dma_start3A_1319 : memref<1x128xi32, #tpu.memory_space<vmem>> -> memref<128xi32, #tpu.memory_space<vmem>>
    %dma_start3A_1321 = arith.constant 0 : i32
    %dma_start3A_1322 = arith.constant 0 : i32
    %dma_start3A_1323 = tpu.memref_slice %arg4[%dma_start3A_1321, %dma_start3A_1322] : memref<100000x32xf32, #tpu.memory_space<hbm>> -> memref<100000x32xf32, #tpu.memory_space<hbm>>
    tpu.enqueue_indirect_dma source(%dma_start3A_1323 : memref<100000x32xf32, #tpu.memory_space<hbm>>) target(%dma_start3A_1317 : memref<128x32xf32, #tpu.memory_space<vmem>>) offsets(%dma_start3A_1320 : memref<128xi32, #tpu.memory_space<vmem>>) semaphore(%arg20 : memref<!tpu.dma_semaphore, #tpu.memory_space<semaphore_mem>>)
    %dma_start3A_1324 = arith.constant 2 : i32
    %dma_start3A_1325 = arith.constant 2 : i32
    %dma_start3A_1326 = arith.constant 0 : i32
    %dma_start3A_1327 = arith.constant 0 : i32
    %dma_start3A_1328 = tpu.memref_slice %arg13[%dma_start3A_1325, %dma_start3A_1326, %dma_start3A_1327] : memref<4x128x32xf32, #tpu.memory_space<vmem>> -> memref<1x128x32xf32, #tpu.memory_space<vmem>>
    %dma_start3A_1329 = tpu.memref_squeeze %dma_start3A_1328 : memref<1x128x32xf32, #tpu.memory_space<vmem>> -> memref<128x32xf32, #tpu.memory_space<vmem>>
    %dma_start3A_1330 = arith.constant 0 : i32
    %dma_start3A_1331 = tpu.memref_slice %arg7[%dma_start3A_1324, %dma_start3A_1330] : memref<4x128xi32, #tpu.memory_space<vmem>> -> memref<1x128xi32, #tpu.memory_space<vmem>>
    %dma_start3A_1332 = tpu.memref_squeeze %dma_start3A_1331 : memref<1x128xi32, #tpu.memory_space<vmem>> -> memref<128xi32, #tpu.memory_space<vmem>>
    %dma_start3A_1333 = arith.constant 0 : i32
    %dma_start3A_1334 = arith.constant 0 : i32
    %dma_start3A_1335 = tpu.memref_slice %arg4[%dma_start3A_1333, %dma_start3A_1334] : memref<100000x32xf32, #tpu.memory_space<hbm>> -> memref<100000x32xf32, #tpu.memory_space<hbm>>
    tpu.enqueue_indirect_dma source(%dma_start3A_1335 : memref<100000x32xf32, #tpu.memory_space<hbm>>) target(%dma_start3A_1329 : memref<128x32xf32, #tpu.memory_space<vmem>>) offsets(%dma_start3A_1332 : memref<128xi32, #tpu.memory_space<vmem>>) semaphore(%arg21 : memref<!tpu.dma_semaphore, #tpu.memory_space<semaphore_mem>>)
    %dma_start3A_1336 = arith.constant 3 : i32
    %dma_start3A_1337 = arith.constant 3 : i32
    %dma_start3A_1338 = arith.constant 0 : i32
    %dma_start3A_1339 = arith.constant 0 : i32
    %dma_start3A_1340 = tpu.memref_slice %arg13[%dma_start3A_1337, %dma_start3A_1338, %dma_start3A_1339] : memref<4x128x32xf32, #tpu.memory_space<vmem>> -> memref<1x128x32xf32, #tpu.memory_space<vmem>>
    %dma_start3A_1341 = tpu.memref_squeeze %dma_start3A_1340 : memref<1x128x32xf32, #tpu.memory_space<vmem>> -> memref<128x32xf32, #tpu.memory_space<vmem>>
    %dma_start3A_1342 = arith.constant 0 : i32
    %dma_start3A_1343 = tpu.memref_slice %arg7[%dma_start3A_1336, %dma_start3A_1342] : memref<4x128xi32, #tpu.memory_space<vmem>> -> memref<1x128xi32, #tpu.memory_space<vmem>>
    %dma_start3A_1344 = tpu.memref_squeeze %dma_start3A_1343 : memref<1x128xi32, #tpu.memory_space<vmem>> -> memref<128xi32, #tpu.memory_space<vmem>>
    %dma_start3A_1345 = arith.constant 0 : i32
    %dma_start3A_1346 = arith.constant 0 : i32
    %dma_start3A_1347 = tpu.memref_slice %arg4[%dma_start3A_1345, %dma_start3A_1346] : memref<100000x32xf32, #tpu.memory_space<hbm>> -> memref<100000x32xf32, #tpu.memory_space<hbm>>
    tpu.enqueue_indirect_dma source(%dma_start3A_1347 : memref<100000x32xf32, #tpu.memory_space<hbm>>) target(%dma_start3A_1341 : memref<128x32xf32, #tpu.memory_space<vmem>>) offsets(%dma_start3A_1344 : memref<128xi32, #tpu.memory_space<vmem>>) semaphore(%arg22 : memref<!tpu.dma_semaphore, #tpu.memory_space<semaphore_mem>>)
    %add3A_1348 = arith.constant 4 : i32
    %add3A_1349 = arith.addi %mul3A_443, %add3A_1348 : i32
    %dma_start3A_1350 = arith.constant 0 : i32
    %dma_start3A_1351 = tpu.memref_slice %arg2[%add3A_1349, %dma_start3A_1350] : memref<12544x128xi32, #tpu.memory_space<hbm>> -> memref<4x128xi32, #tpu.memory_space<hbm>>
    %dma_start3A_1352 = arith.constant 0 : i32
    %dma_start3A_1353 = tpu.memref_slice %arg2[%add3A_1349, %dma_start3A_1352] : memref<12544x128xi32, #tpu.memory_space<hbm>> -> memref<4x128xi32, #tpu.memory_space<hbm>>
    tpu.enqueue_dma source(%dma_start3A_1353 : memref<4x128xi32, #tpu.memory_space<hbm>>) target(%arg8 : memref<4x128xi32, #tpu.memory_space<vmem>>) target_semaphore(%arg18 : memref<!tpu.dma_semaphore, #tpu.memory_space<semaphore_mem>>)
    %dma_start3A_1354 = arith.constant 0 : i32
    %dma_start3A_1355 = tpu.memref_slice %arg3[%add3A_1349, %dma_start3A_1354] : memref<12544x128xi32, #tpu.memory_space<hbm>> -> memref<4x128xi32, #tpu.memory_space<hbm>>
    %dma_start3A_1356 = arith.constant 0 : i32
    %dma_start3A_1357 = tpu.memref_slice %arg3[%add3A_1349, %dma_start3A_1356] : memref<12544x128xi32, #tpu.memory_space<hbm>> -> memref<4x128xi32, #tpu.memory_space<hbm>>
    tpu.enqueue_dma source(%dma_start3A_1357 : memref<4x128xi32, #tpu.memory_space<hbm>>) target(%arg10 : memref<4x128xi32, #tpu.memory_space<vmem>>) target_semaphore(%arg18 : memref<!tpu.dma_semaphore, #tpu.memory_space<semaphore_mem>>)
    %scan3A_1358 = arith.constant 0 : i32
    %scan3A_1359 = arith.constant 98 : i32
    %scan3A_1360 = arith.addi %scan3A_1358, %scan3A_1359 : i32
    %scan3A_1361 = arith.constant 1 : i32
    scf.for %scan3A_1371 = %scan3A_1358 to %scan3A_1360 step %scan3A_1361  : i32 {
      %mul3A_1372 = arith.constant 2 : i32
      %mul3A_1373 = arith.muli %mul3A_1372, %scan3A_1371 : i32
      %lt3A_1374 = arith.constant 195 : i32
      %lt3A_1375 = arith.cmpi slt, %mul3A_1373, %lt3A_1374 : i32
      %convert_element_type3A_1376 = arith.extui %lt3A_1375 : i1 to i32
      %cond3A_1377 = arith.constant 0 : i32
      %cond3A_1378 = arith.cmpi ne, %convert_element_type3A_1376, %cond3A_1377 : i32
      scf.if %cond3A_1378 {
        %add3A_1819 = arith.constant 1 : i32
        %add3A_1820 = arith.addi %mul3A_1373, %add3A_1819 : i32
        %mul3A_1821 = arith.constant 4 : i32
        %mul3A_1822 = arith.muli %add3A_1820, %mul3A_1821 : i32
        %add3A_1823 = arith.addi %mul3A_443, %mul3A_1822 : i32
        %dma_wait3A_1824 = arith.constant 0 : i32
        %dma_wait3A_1825 = tpu.memref_slice %arg2[%add3A_1823, %dma_wait3A_1824] : memref<12544x128xi32, #tpu.memory_space<hbm>> -> memref<4x128xi32, #tpu.memory_space<hbm>>
        %dma_wait3A_1826 = arith.constant 0 : i32
        %dma_wait3A_1827 = tpu.memref_slice %arg2[%add3A_1823, %dma_wait3A_1826] : memref<12544x128xi32, #tpu.memory_space<hbm>> -> memref<4x128xi32, #tpu.memory_space<hbm>>
        tpu.wait_dma2 semaphore(%arg18 : memref<!tpu.dma_semaphore, #tpu.memory_space<semaphore_mem>>) src(%dma_wait3A_1827 : memref<4x128xi32, #tpu.memory_space<hbm>>) dst(%arg8 : memref<4x128xi32, #tpu.memory_space<vmem>>)
        %dma_wait3A_1828 = arith.constant 0 : i32
        %dma_wait3A_1829 = tpu.memref_slice %arg3[%add3A_1823, %dma_wait3A_1828] : memref<12544x128xi32, #tpu.memory_space<hbm>> -> memref<4x128xi32, #tpu.memory_space<hbm>>
        %dma_wait3A_1830 = arith.constant 0 : i32
        %dma_wait3A_1831 = tpu.memref_slice %arg3[%add3A_1823, %dma_wait3A_1830] : memref<12544x128xi32, #tpu.memory_space<hbm>> -> memref<4x128xi32, #tpu.memory_space<hbm>>
        tpu.wait_dma2 semaphore(%arg18 : memref<!tpu.dma_semaphore, #tpu.memory_space<semaphore_mem>>) src(%dma_wait3A_1831 : memref<4x128xi32, #tpu.memory_space<hbm>>) dst(%arg10 : memref<4x128xi32, #tpu.memory_space<vmem>>)
        %get3A_1832 = arith.constant 0 : i32
        %get3A_1833 = arith.index_cast %get3A_1832 : i32 to index
        %get3A_1834 = arith.constant 0 : index
        %get3A_1835 = tpu.vector_load %arg10[%get3A_1833, %get3A_1834] {strides = array<i32>} : memref<4x128xi32, #tpu.memory_space<vmem>>, vector<1x16xi32>,
        %get3A_1836 = vector.shape_cast %get3A_1835 : vector<1x16xi32> to vector<16xi32>
        %ge3A_1837 = vector.broadcast %mul3A_0 : i32 to vector<16xi32>
        %ge3A_1838 = arith.cmpi sge, %get3A_1836, %ge3A_1837 : vector<16xi32>
        %add3A_1839 = arith.constant 50000 : i32
        %add3A_1840 = arith.addi %mul3A_0, %add3A_1839 : i32
        %lt3A_1841 = vector.broadcast %add3A_1840 : i32 to vector<16xi32>
        %lt3A_1842 = arith.cmpi slt, %get3A_1836, %lt3A_1841 : vector<16xi32>
        %and3A_1843 = arith.andi %ge3A_1838, %lt3A_1842 : vector<16xi1>
        %and3A_1844 = arith.constant 1023 : i32
        %and3A_1845 = vector.broadcast %and3A_1844 : i32 to vector<16xi32>
        %and3A_1846 = arith.andi %get3A_1836, %and3A_1845 : vector<16xi32>
        %add3A_1847 = arith.constant 50000 : i32
        %add3A_1848 = vector.broadcast %add3A_1847 : i32 to vector<16xi32>
        %add3A_1849 = arith.addi %add3A_1848, %and3A_1846 : vector<16xi32>
        %sub3A_1850 = vector.broadcast %mul3A_0 : i32 to vector<16xi32>
        %sub3A_1851 = arith.subi %get3A_1836, %sub3A_1850 : vector<16xi32>
        %select_n3A_1852 = arith.select %and3A_1843, %sub3A_1851, %add3A_1849 : vector<16xi1>, vector<16xi32>
        %swap3A_1853 = arith.constant 0 : i32
        %swap3A_1854 = arith.index_cast %swap3A_1853 : i32 to index
        %swap3A_1855 = arith.constant 0 : index
        %swap3A_1856 = tpu.vector_load %arg12[%swap3A_1854, %swap3A_1855] {strides = array<i32>} : memref<4x128xi32, #tpu.memory_space<vmem>>, vector<1x16xi32>,
        %swap3A_1857 = vector.shape_cast %swap3A_1856 : vector<1x16xi32> to vector<16xi32>
        %swap3A_1858 = vector.shape_cast %select_n3A_1852 : vector<16xi32> to vector<1x16xi32>
        tpu.vector_store %arg12[%swap3A_1854, %swap3A_1855], %swap3A_1858 {strides = array<i32>} : memref<4x128xi32, #tpu.memory_space<vmem>>, vector<1x16xi32>,
        %get3A_1859 = arith.constant 0 : i32
        %get3A_1860 = arith.index_cast %get3A_1859 : i32 to index
        %get3A_1861 = arith.constant 16 : index
        %get3A_1862 = tpu.vector_load %arg10[%get3A_1860, %get3A_1861] {strides = array<i32>} : memref<4x128xi32, #tpu.memory_space<vmem>>, vector<1x16xi32>,
        %get3A_1863 = vector.shape_cast %get3A_1862 : vector<1x16xi32> to vector<16xi32>
        %ge3A_1864 = vector.broadcast %mul3A_0 : i32 to vector<16xi32>
        %ge3A_1865 = arith.cmpi sge, %get3A_1863, %ge3A_1864 : vector<16xi32>
        %add3A_1866 = arith.constant 50000 : i32
        %add3A_1867 = arith.addi %mul3A_0, %add3A_1866 : i32
        %lt3A_1868 = vector.broadcast %add3A_1867 : i32 to vector<16xi32>
        %lt3A_1869 = arith.cmpi slt, %get3A_1863, %lt3A_1868 : vector<16xi32>
        %and3A_1870 = arith.andi %ge3A_1865, %lt3A_1869 : vector<16xi1>
        %and3A_1871 = arith.constant 1023 : i32
        %and3A_1872 = vector.broadcast %and3A_1871 : i32 to vector<16xi32>
        %and3A_1873 = arith.andi %get3A_1863, %and3A_1872 : vector<16xi32>
        %add3A_1874 = arith.constant 50000 : i32
        %add3A_1875 = vector.broadcast %add3A_1874 : i32 to vector<16xi32>
        %add3A_1876 = arith.addi %add3A_1875, %and3A_1873 : vector<16xi32>
        %sub3A_1877 = vector.broadcast %mul3A_0 : i32 to vector<16xi32>
        %sub3A_1878 = arith.subi %get3A_1863, %sub3A_1877 : vector<16xi32>
        %select_n3A_1879 = arith.select %and3A_1870, %sub3A_1878, %add3A_1876 : vector<16xi1>, vector<16xi32>
        %swap3A_1880 = arith.constant 0 : i32
        %swap3A_1881 = arith.index_cast %swap3A_1880 : i32 to index
        %swap3A_1882 = arith.constant 16 : index
        %swap3A_1883 = tpu.vector_load %arg12[%swap3A_1881, %swap3A_1882] {strides = array<i32>} : memref<4x128xi32, #tpu.memory_space<vmem>>, vector<1x16xi32>,
        %swap3A_1884 = vector.shape_cast %swap3A_1883 : vector<1x16xi32> to vector<16xi32>
        %swap3A_1885 = vector.shape_cast %select_n3A_1879 : vector<16xi32> to vector<1x16xi32>
        tpu.vector_store %arg12[%swap3A_1881, %swap3A_1882], %swap3A_1885 {strides = array<i32>} : memref<4x128xi32, #tpu.memory_space<vmem>>, vector<1x16xi32>,
        %get3A_1886 = arith.constant 0 : i32
        %get3A_1887 = arith.index_cast %get3A_1886 : i32 to index
        %get3A_1888 = arith.constant 32 : index
        %get3A_1889 = tpu.vector_load %arg10[%get3A_1887, %get3A_1888] {strides = array<i32>} : memref<4x128xi32, #tpu.memory_space<vmem>>, vector<1x16xi32>,
        %get3A_1890 = vector.shape_cast %get3A_1889 : vector<1x16xi32> to vector<16xi32>
        %ge3A_1891 = vector.broadcast %mul3A_0 : i32 to vector<16xi32>
        %ge3A_1892 = arith.cmpi sge, %get3A_1890, %ge3A_1891 : vector<16xi32>
        %add3A_1893 = arith.constant 50000 : i32
        %add3A_1894 = arith.addi %mul3A_0, %add3A_1893 : i32
        %lt3A_1895 = vector.broadcast %add3A_1894 : i32 to vector<16xi32>
        %lt3A_1896 = arith.cmpi slt, %get3A_1890, %lt3A_1895 : vector<16xi32>
        %and3A_1897 = arith.andi %ge3A_1892, %lt3A_1896 : vector<16xi1>
        %and3A_1898 = arith.constant 1023 : i32
        %and3A_1899 = vector.broadcast %and3A_1898 : i32 to vector<16xi32>
        %and3A_1900 = arith.andi %get3A_1890, %and3A_1899 : vector<16xi32>
        %add3A_1901 = arith.constant 50000 : i32
        %add3A_1902 = vector.broadcast %add3A_1901 : i32 to vector<16xi32>
        %add3A_1903 = arith.addi %add3A_1902, %and3A_1900 : vector<16xi32>
        %sub3A_1904 = vector.broadcast %mul3A_0 : i32 to vector<16xi32>
        %sub3A_1905 = arith.subi %get3A_1890, %sub3A_1904 : vector<16xi32>
        %select_n3A_1906 = arith.select %and3A_1897, %sub3A_1905, %add3A_1903 : vector<16xi1>, vector<16xi32>
        %swap3A_1907 = arith.constant 0 : i32
        %swap3A_1908 = arith.index_cast %swap3A_1907 : i32 to index
        %swap3A_1909 = arith.constant 32 : index
        %swap3A_1910 = tpu.vector_load %arg12[%swap3A_1908, %swap3A_1909] {strides = array<i32>} : memref<4x128xi32, #tpu.memory_space<vmem>>, vector<1x16xi32>,
        %swap3A_1911 = vector.shape_cast %swap3A_1910 : vector<1x16xi32> to vector<16xi32>
        %swap3A_1912 = vector.shape_cast %select_n3A_1906 : vector<16xi32> to vector<1x16xi32>
        tpu.vector_store %arg12[%swap3A_1908, %swap3A_1909], %swap3A_1912 {strides = array<i32>} : memref<4x128xi32, #tpu.memory_space<vmem>>, vector<1x16xi32>,
        %get3A_1913 = arith.constant 0 : i32
        %get3A_1914 = arith.index_cast %get3A_1913 : i32 to index
        %get3A_1915 = arith.constant 48 : index
        %get3A_1916 = tpu.vector_load %arg10[%get3A_1914, %get3A_1915] {strides = array<i32>} : memref<4x128xi32, #tpu.memory_space<vmem>>, vector<1x16xi32>,
        %get3A_1917 = vector.shape_cast %get3A_1916 : vector<1x16xi32> to vector<16xi32>
        %ge3A_1918 = vector.broadcast %mul3A_0 : i32 to vector<16xi32>
        %ge3A_1919 = arith.cmpi sge, %get3A_1917, %ge3A_1918 : vector<16xi32>
        %add3A_1920 = arith.constant 50000 : i32
        %add3A_1921 = arith.addi %mul3A_0, %add3A_1920 : i32
        %lt3A_1922 = vector.broadcast %add3A_1921 : i32 to vector<16xi32>
        %lt3A_1923 = arith.cmpi slt, %get3A_1917, %lt3A_1922 : vector<16xi32>
        %and3A_1924 = arith.andi %ge3A_1919, %lt3A_1923 : vector<16xi1>
        %and3A_1925 = arith.constant 1023 : i32
        %and3A_1926 = vector.broadcast %and3A_1925 : i32 to vector<16xi32>
        %and3A_1927 = arith.andi %get3A_1917, %and3A_1926 : vector<16xi32>
        %add3A_1928 = arith.constant 50000 : i32
        %add3A_1929 = vector.broadcast %add3A_1928 : i32 to vector<16xi32>
        %add3A_1930 = arith.addi %add3A_1929, %and3A_1927 : vector<16xi32>
        %sub3A_1931 = vector.broadcast %mul3A_0 : i32 to vector<16xi32>
        %sub3A_1932 = arith.subi %get3A_1917, %sub3A_1931 : vector<16xi32>
        %select_n3A_1933 = arith.select %and3A_1924, %sub3A_1932, %add3A_1930 : vector<16xi1>, vector<16xi32>
        %swap3A_1934 = arith.constant 0 : i32
        %swap3A_1935 = arith.index_cast %swap3A_1934 : i32 to index
        %swap3A_1936 = arith.constant 48 : index
        %swap3A_1937 = tpu.vector_load %arg12[%swap3A_1935, %swap3A_1936] {strides = array<i32>} : memref<4x128xi32, #tpu.memory_space<vmem>>, vector<1x16xi32>,
        %swap3A_1938 = vector.shape_cast %swap3A_1937 : vector<1x16xi32> to vector<16xi32>
        %swap3A_1939 = vector.shape_cast %select_n3A_1933 : vector<16xi32> to vector<1x16xi32>
        tpu.vector_store %arg12[%swap3A_1935, %swap3A_1936], %swap3A_1939 {strides = array<i32>} : memref<4x128xi32, #tpu.memory_space<vmem>>, vector<1x16xi32>,
        %get3A_1940 = arith.constant 0 : i32
        %get3A_1941 = arith.index_cast %get3A_1940 : i32 to index
        %get3A_1942 = arith.constant 64 : index
        %get3A_1943 = tpu.vector_load %arg10[%get3A_1941, %get3A_1942] {strides = array<i32>} : memref<4x128xi32, #tpu.memory_space<vmem>>, vector<1x16xi32>,
        %get3A_1944 = vector.shape_cast %get3A_1943 : vector<1x16xi32> to vector<16xi32>
        %ge3A_1945 = vector.broadcast %mul3A_0 : i32 to vector<16xi32>
        %ge3A_1946 = arith.cmpi sge, %get3A_1944, %ge3A_1945 : vector<16xi32>
        %add3A_1947 = arith.constant 50000 : i32
        %add3A_1948 = arith.addi %mul3A_0, %add3A_1947 : i32
        %lt3A_1949 = vector.broadcast %add3A_1948 : i32 to vector<16xi32>
        %lt3A_1950 = arith.cmpi slt, %get3A_1944, %lt3A_1949 : vector<16xi32>
        %and3A_1951 = arith.andi %ge3A_1946, %lt3A_1950 : vector<16xi1>
        %and3A_1952 = arith.constant 1023 : i32
        %and3A_1953 = vector.broadcast %and3A_1952 : i32 to vector<16xi32>
        %and3A_1954 = arith.andi %get3A_1944, %and3A_1953 : vector<16xi32>
        %add3A_1955 = arith.constant 50000 : i32
        %add3A_1956 = vector.broadcast %add3A_1955 : i32 to vector<16xi32>
        %add3A_1957 = arith.addi %add3A_1956, %and3A_1954 : vector<16xi32>
        %sub3A_1958 = vector.broadcast %mul3A_0 : i32 to vector<16xi32>
        %sub3A_1959 = arith.subi %get3A_1944, %sub3A_1958 : vector<16xi32>
        %select_n3A_1960 = arith.select %and3A_1951, %sub3A_1959, %add3A_1957 : vector<16xi1>, vector<16xi32>
        %swap3A_1961 = arith.constant 0 : i32
        %swap3A_1962 = arith.index_cast %swap3A_1961 : i32 to index
        %swap3A_1963 = arith.constant 64 : index
        %swap3A_1964 = tpu.vector_load %arg12[%swap3A_1962, %swap3A_1963] {strides = array<i32>} : memref<4x128xi32, #tpu.memory_space<vmem>>, vector<1x16xi32>,
        %swap3A_1965 = vector.shape_cast %swap3A_1964 : vector<1x16xi32> to vector<16xi32>
        %swap3A_1966 = vector.shape_cast %select_n3A_1960 : vector<16xi32> to vector<1x16xi32>
        tpu.vector_store %arg12[%swap3A_1962, %swap3A_1963], %swap3A_1966 {strides = array<i32>} : memref<4x128xi32, #tpu.memory_space<vmem>>, vector<1x16xi32>,
        %get3A_1967 = arith.constant 0 : i32
        %get3A_1968 = arith.index_cast %get3A_1967 : i32 to index
        %get3A_1969 = arith.constant 80 : index
        %get3A_1970 = tpu.vector_load %arg10[%get3A_1968, %get3A_1969] {strides = array<i32>} : memref<4x128xi32, #tpu.memory_space<vmem>>, vector<1x16xi32>,
        %get3A_1971 = vector.shape_cast %get3A_1970 : vector<1x16xi32> to vector<16xi32>
        %ge3A_1972 = vector.broadcast %mul3A_0 : i32 to vector<16xi32>
        %ge3A_1973 = arith.cmpi sge, %get3A_1971, %ge3A_1972 : vector<16xi32>
        %add3A_1974 = arith.constant 50000 : i32
        %add3A_1975 = arith.addi %mul3A_0, %add3A_1974 : i32
        %lt3A_1976 = vector.broadcast %add3A_1975 : i32 to vector<16xi32>
        %lt3A_1977 = arith.cmpi slt, %get3A_1971, %lt3A_1976 : vector<16xi32>
        %and3A_1978 = arith.andi %ge3A_1973, %lt3A_1977 : vector<16xi1>
        %and3A_1979 = arith.constant 1023 : i32
        %and3A_1980 = vector.broadcast %and3A_1979 : i32 to vector<16xi32>
        %and3A_1981 = arith.andi %get3A_1971, %and3A_1980 : vector<16xi32>
        %add3A_1982 = arith.constant 50000 : i32
        %add3A_1983 = vector.broadcast %add3A_1982 : i32 to vector<16xi32>
        %add3A_1984 = arith.addi %add3A_1983, %and3A_1981 : vector<16xi32>
        %sub3A_1985 = vector.broadcast %mul3A_0 : i32 to vector<16xi32>
        %sub3A_1986 = arith.subi %get3A_1971, %sub3A_1985 : vector<16xi32>
        %select_n3A_1987 = arith.select %and3A_1978, %sub3A_1986, %add3A_1984 : vector<16xi1>, vector<16xi32>
        %swap3A_1988 = arith.constant 0 : i32
        %swap3A_1989 = arith.index_cast %swap3A_1988 : i32 to index
        %swap3A_1990 = arith.constant 80 : index
        %swap3A_1991 = tpu.vector_load %arg12[%swap3A_1989, %swap3A_1990] {strides = array<i32>} : memref<4x128xi32, #tpu.memory_space<vmem>>, vector<1x16xi32>,
        %swap3A_1992 = vector.shape_cast %swap3A_1991 : vector<1x16xi32> to vector<16xi32>
        %swap3A_1993 = vector.shape_cast %select_n3A_1987 : vector<16xi32> to vector<1x16xi32>
        tpu.vector_store %arg12[%swap3A_1989, %swap3A_1990], %swap3A_1993 {strides = array<i32>} : memref<4x128xi32, #tpu.memory_space<vmem>>, vector<1x16xi32>,
        %get3A_1994 = arith.constant 0 : i32
        %get3A_1995 = arith.index_cast %get3A_1994 : i32 to index
        %get3A_1996 = arith.constant 96 : index
        %get3A_1997 = tpu.vector_load %arg10[%get3A_1995, %get3A_1996] {strides = array<i32>} : memref<4x128xi32, #tpu.memory_space<vmem>>, vector<1x16xi32>,
        %get3A_1998 = vector.shape_cast %get3A_1997 : vector<1x16xi32> to vector<16xi32>
        %ge3A_1999 = vector.broadcast %mul3A_0 : i32 to vector<16xi32>
        %ge3A_2000 = arith.cmpi sge, %get3A_1998, %ge3A_1999 : vector<16xi32>
        %add3A_2001 = arith.constant 50000 : i32
        %add3A_2002 = arith.addi %mul3A_0, %add3A_2001 : i32
        %lt3A_2003 = vector.broadcast %add3A_2002 : i32 to vector<16xi32>
        %lt3A_2004 = arith.cmpi slt, %get3A_1998, %lt3A_2003 : vector<16xi32>
        %and3A_2005 = arith.andi %ge3A_2000, %lt3A_2004 : vector<16xi1>
        %and3A_2006 = arith.constant 1023 : i32
        %and3A_2007 = vector.broadcast %and3A_2006 : i32 to vector<16xi32>
        %and3A_2008 = arith.andi %get3A_1998, %and3A_2007 : vector<16xi32>
        %add3A_2009 = arith.constant 50000 : i32
        %add3A_2010 = vector.broadcast %add3A_2009 : i32 to vector<16xi32>
        %add3A_2011 = arith.addi %add3A_2010, %and3A_2008 : vector<16xi32>
        %sub3A_2012 = vector.broadcast %mul3A_0 : i32 to vector<16xi32>
        %sub3A_2013 = arith.subi %get3A_1998, %sub3A_2012 : vector<16xi32>
        %select_n3A_2014 = arith.select %and3A_2005, %sub3A_2013, %add3A_2011 : vector<16xi1>, vector<16xi32>
        %swap3A_2015 = arith.constant 0 : i32
        %swap3A_2016 = arith.index_cast %swap3A_2015 : i32 to index
        %swap3A_2017 = arith.constant 96 : index
        %swap3A_2018 = tpu.vector_load %arg12[%swap3A_2016, %swap3A_2017] {strides = array<i32>} : memref<4x128xi32, #tpu.memory_space<vmem>>, vector<1x16xi32>,
        %swap3A_2019 = vector.shape_cast %swap3A_2018 : vector<1x16xi32> to vector<16xi32>
        %swap3A_2020 = vector.shape_cast %select_n3A_2014 : vector<16xi32> to vector<1x16xi32>
        tpu.vector_store %arg12[%swap3A_2016, %swap3A_2017], %swap3A_2020 {strides = array<i32>} : memref<4x128xi32, #tpu.memory_space<vmem>>, vector<1x16xi32>,
        %get3A_2021 = arith.constant 0 : i32
        %get3A_2022 = arith.index_cast %get3A_2021 : i32 to index
        %get3A_2023 = arith.constant 112 : index
        %get3A_2024 = tpu.vector_load %arg10[%get3A_2022, %get3A_2023] {strides = array<i32>} : memref<4x128xi32, #tpu.memory_space<vmem>>, vector<1x16xi32>,
        %get3A_2025 = vector.shape_cast %get3A_2024 : vector<1x16xi32> to vector<16xi32>
        %ge3A_2026 = vector.broadcast %mul3A_0 : i32 to vector<16xi32>
        %ge3A_2027 = arith.cmpi sge, %get3A_2025, %ge3A_2026 : vector<16xi32>
        %add3A_2028 = arith.constant 50000 : i32
        %add3A_2029 = arith.addi %mul3A_0, %add3A_2028 : i32
        %lt3A_2030 = vector.broadcast %add3A_2029 : i32 to vector<16xi32>
        %lt3A_2031 = arith.cmpi slt, %get3A_2025, %lt3A_2030 : vector<16xi32>
        %and3A_2032 = arith.andi %ge3A_2027, %lt3A_2031 : vector<16xi1>
        %and3A_2033 = arith.constant 1023 : i32
        %and3A_2034 = vector.broadcast %and3A_2033 : i32 to vector<16xi32>
        %and3A_2035 = arith.andi %get3A_2025, %and3A_2034 : vector<16xi32>
        %add3A_2036 = arith.constant 50000 : i32
        %add3A_2037 = vector.broadcast %add3A_2036 : i32 to vector<16xi32>
        %add3A_2038 = arith.addi %add3A_2037, %and3A_2035 : vector<16xi32>
        %sub3A_2039 = vector.broadcast %mul3A_0 : i32 to vector<16xi32>
        %sub3A_2040 = arith.subi %get3A_2025, %sub3A_2039 : vector<16xi32>
        %select_n3A_2041 = arith.select %and3A_2032, %sub3A_2040, %add3A_2038 : vector<16xi1>, vector<16xi32>
        %swap3A_2042 = arith.constant 0 : i32
        %swap3A_2043 = arith.index_cast %swap3A_2042 : i32 to index
        %swap3A_2044 = arith.constant 112 : index
        %swap3A_2045 = tpu.vector_load %arg12[%swap3A_2043, %swap3A_2044] {strides = array<i32>} : memref<4x128xi32, #tpu.memory_space<vmem>>, vector<1x16xi32>,
        %swap3A_2046 = vector.shape_cast %swap3A_2045 : vector<1x16xi32> to vector<16xi32>
        %swap3A_2047 = vector.shape_cast %select_n3A_2041 : vector<16xi32> to vector<1x16xi32>
        tpu.vector_store %arg12[%swap3A_2043, %swap3A_2044], %swap3A_2047 {strides = array<i32>} : memref<4x128xi32, #tpu.memory_space<vmem>>, vector<1x16xi32>,
        %get3A_2048 = arith.constant 1 : i32
        %get3A_2049 = arith.index_cast %get3A_2048 : i32 to index
        %get3A_2050 = arith.constant 0 : index
        %get3A_2051 = tpu.vector_load %arg10[%get3A_2049, %get3A_2050] {strides = array<i32>} : memref<4x128xi32, #tpu.memory_space<vmem>>, vector<1x16xi32>,
        %get3A_2052 = vector.shape_cast %get3A_2051 : vector<1x16xi32> to vector<16xi32>
        %ge3A_2053 = vector.broadcast %mul3A_0 : i32 to vector<16xi32>
        %ge3A_2054 = arith.cmpi sge, %get3A_2052, %ge3A_2053 : vector<16xi32>
        %add3A_2055 = arith.constant 50000 : i32
        %add3A_2056 = arith.addi %mul3A_0, %add3A_2055 : i32
        %lt3A_2057 = vector.broadcast %add3A_2056 : i32 to vector<16xi32>
        %lt3A_2058 = arith.cmpi slt, %get3A_2052, %lt3A_2057 : vector<16xi32>
        %and3A_2059 = arith.andi %ge3A_2054, %lt3A_2058 : vector<16xi1>
        %and3A_2060 = arith.constant 1023 : i32
        %and3A_2061 = vector.broadcast %and3A_2060 : i32 to vector<16xi32>
        %and3A_2062 = arith.andi %get3A_2052, %and3A_2061 : vector<16xi32>
        %add3A_2063 = arith.constant 50000 : i32
        %add3A_2064 = vector.broadcast %add3A_2063 : i32 to vector<16xi32>
        %add3A_2065 = arith.addi %add3A_2064, %and3A_2062 : vector<16xi32>
        %sub3A_2066 = vector.broadcast %mul3A_0 : i32 to vector<16xi32>
        %sub3A_2067 = arith.subi %get3A_2052, %sub3A_2066 : vector<16xi32>
        %select_n3A_2068 = arith.select %and3A_2059, %sub3A_2067, %add3A_2065 : vector<16xi1>, vector<16xi32>
        %swap3A_2069 = arith.constant 1 : i32
        %swap3A_2070 = arith.index_cast %swap3A_2069 : i32 to index
        %swap3A_2071 = arith.constant 0 : index
        %swap3A_2072 = tpu.vector_load %arg12[%swap3A_2070, %swap3A_2071] {strides = array<i32>} : memref<4x128xi32, #tpu.memory_space<vmem>>, vector<1x16xi32>,
        %swap3A_2073 = vector.shape_cast %swap3A_2072 : vector<1x16xi32> to vector<16xi32>
        %swap3A_2074 = vector.shape_cast %select_n3A_2068 : vector<16xi32> to vector<1x16xi32>
        tpu.vector_store %arg12[%swap3A_2070, %swap3A_2071], %swap3A_2074 {strides = array<i32>} : memref<4x128xi32, #tpu.memory_space<vmem>>, vector<1x16xi32>,
        %get3A_2075 = arith.constant 1 : i32
        %get3A_2076 = arith.index_cast %get3A_2075 : i32 to index
        %get3A_2077 = arith.constant 16 : index
        %get3A_2078 = tpu.vector_load %arg10[%get3A_2076, %get3A_2077] {strides = array<i32>} : memref<4x128xi32, #tpu.memory_space<vmem>>, vector<1x16xi32>,
        %get3A_2079 = vector.shape_cast %get3A_2078 : vector<1x16xi32> to vector<16xi32>
        %ge3A_2080 = vector.broadcast %mul3A_0 : i32 to vector<16xi32>
        %ge3A_2081 = arith.cmpi sge, %get3A_2079, %ge3A_2080 : vector<16xi32>
        %add3A_2082 = arith.constant 50000 : i32
        %add3A_2083 = arith.addi %mul3A_0, %add3A_2082 : i32
        %lt3A_2084 = vector.broadcast %add3A_2083 : i32 to vector<16xi32>
        %lt3A_2085 = arith.cmpi slt, %get3A_2079, %lt3A_2084 : vector<16xi32>
        %and3A_2086 = arith.andi %ge3A_2081, %lt3A_2085 : vector<16xi1>
        %and3A_2087 = arith.constant 1023 : i32
        %and3A_2088 = vector.broadcast %and3A_2087 : i32 to vector<16xi32>
        %and3A_2089 = arith.andi %get3A_2079, %and3A_2088 : vector<16xi32>
        %add3A_2090 = arith.constant 50000 : i32
        %add3A_2091 = vector.broadcast %add3A_2090 : i32 to vector<16xi32>
        %add3A_2092 = arith.addi %add3A_2091, %and3A_2089 : vector<16xi32>
        %sub3A_2093 = vector.broadcast %mul3A_0 : i32 to vector<16xi32>
        %sub3A_2094 = arith.subi %get3A_2079, %sub3A_2093 : vector<16xi32>
        %select_n3A_2095 = arith.select %and3A_2086, %sub3A_2094, %add3A_2092 : vector<16xi1>, vector<16xi32>
        %swap3A_2096 = arith.constant 1 : i32
        %swap3A_2097 = arith.index_cast %swap3A_2096 : i32 to index
        %swap3A_2098 = arith.constant 16 : index
        %swap3A_2099 = tpu.vector_load %arg12[%swap3A_2097, %swap3A_2098] {strides = array<i32>} : memref<4x128xi32, #tpu.memory_space<vmem>>, vector<1x16xi32>,
        %swap3A_2100 = vector.shape_cast %swap3A_2099 : vector<1x16xi32> to vector<16xi32>
        %swap3A_2101 = vector.shape_cast %select_n3A_2095 : vector<16xi32> to vector<1x16xi32>
        tpu.vector_store %arg12[%swap3A_2097, %swap3A_2098], %swap3A_2101 {strides = array<i32>} : memref<4x128xi32, #tpu.memory_space<vmem>>, vector<1x16xi32>,
        %get3A_2102 = arith.constant 1 : i32
        %get3A_2103 = arith.index_cast %get3A_2102 : i32 to index
        %get3A_2104 = arith.constant 32 : index
        %get3A_2105 = tpu.vector_load %arg10[%get3A_2103, %get3A_2104] {strides = array<i32>} : memref<4x128xi32, #tpu.memory_space<vmem>>, vector<1x16xi32>,
        %get3A_2106 = vector.shape_cast %get3A_2105 : vector<1x16xi32> to vector<16xi32>
        %ge3A_2107 = vector.broadcast %mul3A_0 : i32 to vector<16xi32>
        %ge3A_2108 = arith.cmpi sge, %get3A_2106, %ge3A_2107 : vector<16xi32>
        %add3A_2109 = arith.constant 50000 : i32
        %add3A_2110 = arith.addi %mul3A_0, %add3A_2109 : i32
        %lt3A_2111 = vector.broadcast %add3A_2110 : i32 to vector<16xi32>
        %lt3A_2112 = arith.cmpi slt, %get3A_2106, %lt3A_2111 : vector<16xi32>
        %and3A_2113 = arith.andi %ge3A_2108, %lt3A_2112 : vector<16xi1>
        %and3A_2114 = arith.constant 1023 : i32
        %and3A_2115 = vector.broadcast %and3A_2114 : i32 to vector<16xi32>
        %and3A_2116 = arith.andi %get3A_2106, %and3A_2115 : vector<16xi32>
        %add3A_2117 = arith.constant 50000 : i32
        %add3A_2118 = vector.broadcast %add3A_2117 : i32 to vector<16xi32>
        %add3A_2119 = arith.addi %add3A_2118, %and3A_2116 : vector<16xi32>
        %sub3A_2120 = vector.broadcast %mul3A_0 : i32 to vector<16xi32>
        %sub3A_2121 = arith.subi %get3A_2106, %sub3A_2120 : vector<16xi32>
        %select_n3A_2122 = arith.select %and3A_2113, %sub3A_2121, %add3A_2119 : vector<16xi1>, vector<16xi32>
        %swap3A_2123 = arith.constant 1 : i32
        %swap3A_2124 = arith.index_cast %swap3A_2123 : i32 to index
        %swap3A_2125 = arith.constant 32 : index
        %swap3A_2126 = tpu.vector_load %arg12[%swap3A_2124, %swap3A_2125] {strides = array<i32>} : memref<4x128xi32, #tpu.memory_space<vmem>>, vector<1x16xi32>,
        %swap3A_2127 = vector.shape_cast %swap3A_2126 : vector<1x16xi32> to vector<16xi32>
        %swap3A_2128 = vector.shape_cast %select_n3A_2122 : vector<16xi32> to vector<1x16xi32>
        tpu.vector_store %arg12[%swap3A_2124, %swap3A_2125], %swap3A_2128 {strides = array<i32>} : memref<4x128xi32, #tpu.memory_space<vmem>>, vector<1x16xi32>,
        %get3A_2129 = arith.constant 1 : i32
        %get3A_2130 = arith.index_cast %get3A_2129 : i32 to index
        %get3A_2131 = arith.constant 48 : index
        %get3A_2132 = tpu.vector_load %arg10[%get3A_2130, %get3A_2131] {strides = array<i32>} : memref<4x128xi32, #tpu.memory_space<vmem>>, vector<1x16xi32>,
        %get3A_2133 = vector.shape_cast %get3A_2132 : vector<1x16xi32> to vector<16xi32>
        %ge3A_2134 = vector.broadcast %mul3A_0 : i32 to vector<16xi32>
        %ge3A_2135 = arith.cmpi sge, %get3A_2133, %ge3A_2134 : vector<16xi32>
        %add3A_2136 = arith.constant 50000 : i32
        %add3A_2137 = arith.addi %mul3A_0, %add3A_2136 : i32
        %lt3A_2138 = vector.broadcast %add3A_2137 : i32 to vector<16xi32>
        %lt3A_2139 = arith.cmpi slt, %get3A_2133, %lt3A_2138 : vector<16xi32>
        %and3A_2140 = arith.andi %ge3A_2135, %lt3A_2139 : vector<16xi1>
        %and3A_2141 = arith.constant 1023 : i32
        %and3A_2142 = vector.broadcast %and3A_2141 : i32 to vector<16xi32>
        %and3A_2143 = arith.andi %get3A_2133, %and3A_2142 : vector<16xi32>
        %add3A_2144 = arith.constant 50000 : i32
        %add3A_2145 = vector.broadcast %add3A_2144 : i32 to vector<16xi32>
        %add3A_2146 = arith.addi %add3A_2145, %and3A_2143 : vector<16xi32>
        %sub3A_2147 = vector.broadcast %mul3A_0 : i32 to vector<16xi32>
        %sub3A_2148 = arith.subi %get3A_2133, %sub3A_2147 : vector<16xi32>
        %select_n3A_2149 = arith.select %and3A_2140, %sub3A_2148, %add3A_2146 : vector<16xi1>, vector<16xi32>
        %swap3A_2150 = arith.constant 1 : i32
        %swap3A_2151 = arith.index_cast %swap3A_2150 : i32 to index
        %swap3A_2152 = arith.constant 48 : index
        %swap3A_2153 = tpu.vector_load %arg12[%swap3A_2151, %swap3A_2152] {strides = array<i32>} : memref<4x128xi32, #tpu.memory_space<vmem>>, vector<1x16xi32>,
        %swap3A_2154 = vector.shape_cast %swap3A_2153 : vector<1x16xi32> to vector<16xi32>
        %swap3A_2155 = vector.shape_cast %select_n3A_2149 : vector<16xi32> to vector<1x16xi32>
        tpu.vector_store %arg12[%swap3A_2151, %swap3A_2152], %swap3A_2155 {strides = array<i32>} : memref<4x128xi32, #tpu.memory_space<vmem>>, vector<1x16xi32>,
        %get3A_2156 = arith.constant 1 : i32
        %get3A_2157 = arith.index_cast %get3A_2156 : i32 to index
        %get3A_2158 = arith.constant 64 : index
        %get3A_2159 = tpu.vector_load %arg10[%get3A_2157, %get3A_2158] {strides = array<i32>} : memref<4x128xi32, #tpu.memory_space<vmem>>, vector<1x16xi32>,
        %get3A_2160 = vector.shape_cast %get3A_2159 : vector<1x16xi32> to vector<16xi32>
        %ge3A_2161 = vector.broadcast %mul3A_0 : i32 to vector<16xi32>
        %ge3A_2162 = arith.cmpi sge, %get3A_2160, %ge3A_2161 : vector<16xi32>
        %add3A_2163 = arith.constant 50000 : i32
        %add3A_2164 = arith.addi %mul3A_0, %add3A_2163 : i32
        %lt3A_2165 = vector.broadcast %add3A_2164 : i32 to vector<16xi32>
        %lt3A_2166 = arith.cmpi slt, %get3A_2160, %lt3A_2165 : vector<16xi32>
        %and3A_2167 = arith.andi %ge3A_2162, %lt3A_2166 : vector<16xi1>
        %and3A_2168 = arith.constant 1023 : i32
        %and3A_2169 = vector.broadcast %and3A_2168 : i32 to vector<16xi32>
        %and3A_2170 = arith.andi %get3A_2160, %and3A_2169 : vector<16xi32>
        %add3A_2171 = arith.constant 50000 : i32
        %add3A_2172 = vector.broadcast %add3A_2171 : i32 to vector<16xi32>
        %add3A_2173 = arith.addi %add3A_2172, %and3A_2170 : vector<16xi32>
        %sub3A_2174 = vector.broadcast %mul3A_0 : i32 to vector<16xi32>
        %sub3A_2175 = arith.subi %get3A_2160, %sub3A_2174 : vector<16xi32>
        %select_n3A_2176 = arith.select %and3A_2167, %sub3A_2175, %add3A_2173 : vector<16xi1>, vector<16xi32>
        %swap3A_2177 = arith.constant 1 : i32
        %swap3A_2178 = arith.index_cast %swap3A_2177 : i32 to index
        %swap3A_2179 = arith.constant 64 : index
        %swap3A_2180 = tpu.vector_load %arg12[%swap3A_2178, %swap3A_2179] {strides = array<i32>} : memref<4x128xi32, #tpu.memory_space<vmem>>, vector<1x16xi32>,
        %swap3A_2181 = vector.shape_cast %swap3A_2180 : vector<1x16xi32> to vector<16xi32>
        %swap3A_2182 = vector.shape_cast %select_n3A_2176 : vector<16xi32> to vector<1x16xi32>
        tpu.vector_store %arg12[%swap3A_2178, %swap3A_2179], %swap3A_2182 {strides = array<i32>} : memref<4x128xi32, #tpu.memory_space<vmem>>, vector<1x16xi32>,
        %get3A_2183 = arith.constant 1 : i32
        %get3A_2184 = arith.index_cast %get3A_2183 : i32 to index
        %get3A_2185 = arith.constant 80 : index
        %get3A_2186 = tpu.vector_load %arg10[%get3A_2184, %get3A_2185] {strides = array<i32>} : memref<4x128xi32, #tpu.memory_space<vmem>>, vector<1x16xi32>,
        %get3A_2187 = vector.shape_cast %get3A_2186 : vector<1x16xi32> to vector<16xi32>
        %ge3A_2188 = vector.broadcast %mul3A_0 : i32 to vector<16xi32>
        %ge3A_2189 = arith.cmpi sge, %get3A_2187, %ge3A_2188 : vector<16xi32>
        %add3A_2190 = arith.constant 50000 : i32
        %add3A_2191 = arith.addi %mul3A_0, %add3A_2190 : i32
        %lt3A_2192 = vector.broadcast %add3A_2191 : i32 to vector<16xi32>
        %lt3A_2193 = arith.cmpi slt, %get3A_2187, %lt3A_2192 : vector<16xi32>
        %and3A_2194 = arith.andi %ge3A_2189, %lt3A_2193 : vector<16xi1>
        %and3A_2195 = arith.constant 1023 : i32
        %and3A_2196 = vector.broadcast %and3A_2195 : i32 to vector<16xi32>
        %and3A_2197 = arith.andi %get3A_2187, %and3A_2196 : vector<16xi32>
        %add3A_2198 = arith.constant 50000 : i32
        %add3A_2199 = vector.broadcast %add3A_2198 : i32 to vector<16xi32>
        %add3A_2200 = arith.addi %add3A_2199, %and3A_2197 : vector<16xi32>
        %sub3A_2201 = vector.broadcast %mul3A_0 : i32 to vector<16xi32>
        %sub3A_2202 = arith.subi %get3A_2187, %sub3A_2201 : vector<16xi32>
        %select_n3A_2203 = arith.select %and3A_2194, %sub3A_2202, %add3A_2200 : vector<16xi1>, vector<16xi32>
        %swap3A_2204 = arith.constant 1 : i32
        %swap3A_2205 = arith.index_cast %swap3A_2204 : i32 to index
        %swap3A_2206 = arith.constant 80 : index
        %swap3A_2207 = tpu.vector_load %arg12[%swap3A_2205, %swap3A_2206] {strides = array<i32>} : memref<4x128xi32, #tpu.memory_space<vmem>>, vector<1x16xi32>,
        %swap3A_2208 = vector.shape_cast %swap3A_2207 : vector<1x16xi32> to vector<16xi32>
        %swap3A_2209 = vector.shape_cast %select_n3A_2203 : vector<16xi32> to vector<1x16xi32>
        tpu.vector_store %arg12[%swap3A_2205, %swap3A_2206], %swap3A_2209 {strides = array<i32>} : memref<4x128xi32, #tpu.memory_space<vmem>>, vector<1x16xi32>,
        %get3A_2210 = arith.constant 1 : i32
        %get3A_2211 = arith.index_cast %get3A_2210 : i32 to index
        %get3A_2212 = arith.constant 96 : index
        %get3A_2213 = tpu.vector_load %arg10[%get3A_2211, %get3A_2212] {strides = array<i32>} : memref<4x128xi32, #tpu.memory_space<vmem>>, vector<1x16xi32>,
        %get3A_2214 = vector.shape_cast %get3A_2213 : vector<1x16xi32> to vector<16xi32>
        %ge3A_2215 = vector.broadcast %mul3A_0 : i32 to vector<16xi32>
        %ge3A_2216 = arith.cmpi sge, %get3A_2214, %ge3A_2215 : vector<16xi32>
        %add3A_2217 = arith.constant 50000 : i32
        %add3A_2218 = arith.addi %mul3A_0, %add3A_2217 : i32
        %lt3A_2219 = vector.broadcast %add3A_2218 : i32 to vector<16xi32>
        %lt3A_2220 = arith.cmpi slt, %get3A_2214, %lt3A_2219 : vector<16xi32>
        %and3A_2221 = arith.andi %ge3A_2216, %lt3A_2220 : vector<16xi1>
        %and3A_2222 = arith.constant 1023 : i32
        %and3A_2223 = vector.broadcast %and3A_2222 : i32 to vector<16xi32>
        %and3A_2224 = arith.andi %get3A_2214, %and3A_2223 : vector<16xi32>
        %add3A_2225 = arith.constant 50000 : i32
        %add3A_2226 = vector.broadcast %add3A_2225 : i32 to vector<16xi32>
        %add3A_2227 = arith.addi %add3A_2226, %and3A_2224 : vector<16xi32>
        %sub3A_2228 = vector.broadcast %mul3A_0 : i32 to vector<16xi32>
        %sub3A_2229 = arith.subi %get3A_2214, %sub3A_2228 : vector<16xi32>
        %select_n3A_2230 = arith.select %and3A_2221, %sub3A_2229, %add3A_2227 : vector<16xi1>, vector<16xi32>
        %swap3A_2231 = arith.constant 1 : i32
        %swap3A_2232 = arith.index_cast %swap3A_2231 : i32 to index
        %swap3A_2233 = arith.constant 96 : index
        %swap3A_2234 = tpu.vector_load %arg12[%swap3A_2232, %swap3A_2233] {strides = array<i32>} : memref<4x128xi32, #tpu.memory_space<vmem>>, vector<1x16xi32>,
        %swap3A_2235 = vector.shape_cast %swap3A_2234 : vector<1x16xi32> to vector<16xi32>
        %swap3A_2236 = vector.shape_cast %select_n3A_2230 : vector<16xi32> to vector<1x16xi32>
        tpu.vector_store %arg12[%swap3A_2232, %swap3A_2233], %swap3A_2236 {strides = array<i32>} : memref<4x128xi32, #tpu.memory_space<vmem>>, vector<1x16xi32>,
        %get3A_2237 = arith.constant 1 : i32
        %get3A_2238 = arith.index_cast %get3A_2237 : i32 to index
        %get3A_2239 = arith.constant 112 : index
        %get3A_2240 = tpu.vector_load %arg10[%get3A_2238, %get3A_2239] {strides = array<i32>} : memref<4x128xi32, #tpu.memory_space<vmem>>, vector<1x16xi32>,
        %get3A_2241 = vector.shape_cast %get3A_2240 : vector<1x16xi32> to vector<16xi32>
        %ge3A_2242 = vector.broadcast %mul3A_0 : i32 to vector<16xi32>
        %ge3A_2243 = arith.cmpi sge, %get3A_2241, %ge3A_2242 : vector<16xi32>
        %add3A_2244 = arith.constant 50000 : i32
        %add3A_2245 = arith.addi %mul3A_0, %add3A_2244 : i32
        %lt3A_2246 = vector.broadcast %add3A_2245 : i32 to vector<16xi32>
        %lt3A_2247 = arith.cmpi slt, %get3A_2241, %lt3A_2246 : vector<16xi32>
        %and3A_2248 = arith.andi %ge3A_2243, %lt3A_2247 : vector<16xi1>
        %and3A_2249 = arith.constant 1023 : i32
        %and3A_2250 = vector.broadcast %and3A_2249 : i32 to vector<16xi32>
        %and3A_2251 = arith.andi %get3A_2241, %and3A_2250 : vector<16xi32>
        %add3A_2252 = arith.constant 50000 : i32
        %add3A_2253 = vector.broadcast %add3A_2252 : i32 to vector<16xi32>
        %add3A_2254 = arith.addi %add3A_2253, %and3A_2251 : vector<16xi32>
        %sub3A_2255 = vector.broadcast %mul3A_0 : i32 to vector<16xi32>
        %sub3A_2256 = arith.subi %get3A_2241, %sub3A_2255 : vector<16xi32>
        %select_n3A_2257 = arith.select %and3A_2248, %sub3A_2256, %add3A_2254 : vector<16xi1>, vector<16xi32>
        %swap3A_2258 = arith.constant 1 : i32
        %swap3A_2259 = arith.index_cast %swap3A_2258 : i32 to index
        %swap3A_2260 = arith.constant 112 : index
        %swap3A_2261 = tpu.vector_load %arg12[%swap3A_2259, %swap3A_2260] {strides = array<i32>} : memref<4x128xi32, #tpu.memory_space<vmem>>, vector<1x16xi32>,
        %swap3A_2262 = vector.shape_cast %swap3A_2261 : vector<1x16xi32> to vector<16xi32>
        %swap3A_2263 = vector.shape_cast %select_n3A_2257 : vector<16xi32> to vector<1x16xi32>
        tpu.vector_store %arg12[%swap3A_2259, %swap3A_2260], %swap3A_2263 {strides = array<i32>} : memref<4x128xi32, #tpu.memory_space<vmem>>, vector<1x16xi32>,
        %get3A_2264 = arith.constant 2 : i32
        %get3A_2265 = arith.index_cast %get3A_2264 : i32 to index
        %get3A_2266 = arith.constant 0 : index
        %get3A_2267 = tpu.vector_load %arg10[%get3A_2265, %get3A_2266] {strides = array<i32>} : memref<4x128xi32, #tpu.memory_space<vmem>>, vector<1x16xi32>,
        %get3A_2268 = vector.shape_cast %get3A_2267 : vector<1x16xi32> to vector<16xi32>
        %ge3A_2269 = vector.broadcast %mul3A_0 : i32 to vector<16xi32>
        %ge3A_2270 = arith.cmpi sge, %get3A_2268, %ge3A_2269 : vector<16xi32>
        %add3A_2271 = arith.constant 50000 : i32
        %add3A_2272 = arith.addi %mul3A_0, %add3A_2271 : i32
        %lt3A_2273 = vector.broadcast %add3A_2272 : i32 to vector<16xi32>
        %lt3A_2274 = arith.cmpi slt, %get3A_2268, %lt3A_2273 : vector<16xi32>
        %and3A_2275 = arith.andi %ge3A_2270, %lt3A_2274 : vector<16xi1>
        %and3A_2276 = arith.constant 1023 : i32
        %and3A_2277 = vector.broadcast %and3A_2276 : i32 to vector<16xi32>
        %and3A_2278 = arith.andi %get3A_2268, %and3A_2277 : vector<16xi32>
        %add3A_2279 = arith.constant 50000 : i32
        %add3A_2280 = vector.broadcast %add3A_2279 : i32 to vector<16xi32>
        %add3A_2281 = arith.addi %add3A_2280, %and3A_2278 : vector<16xi32>
        %sub3A_2282 = vector.broadcast %mul3A_0 : i32 to vector<16xi32>
        %sub3A_2283 = arith.subi %get3A_2268, %sub3A_2282 : vector<16xi32>
        %select_n3A_2284 = arith.select %and3A_2275, %sub3A_2283, %add3A_2281 : vector<16xi1>, vector<16xi32>
        %swap3A_2285 = arith.constant 2 : i32
        %swap3A_2286 = arith.index_cast %swap3A_2285 : i32 to index
        %swap3A_2287 = arith.constant 0 : index
        %swap3A_2288 = tpu.vector_load %arg12[%swap3A_2286, %swap3A_2287] {strides = array<i32>} : memref<4x128xi32, #tpu.memory_space<vmem>>, vector<1x16xi32>,
        %swap3A_2289 = vector.shape_cast %swap3A_2288 : vector<1x16xi32> to vector<16xi32>
        %swap3A_2290 = vector.shape_cast %select_n3A_2284 : vector<16xi32> to vector<1x16xi32>
        tpu.vector_store %arg12[%swap3A_2286, %swap3A_2287], %swap3A_2290 {strides = array<i32>} : memref<4x128xi32, #tpu.memory_space<vmem>>, vector<1x16xi32>,
        %get3A_2291 = arith.constant 2 : i32
        %get3A_2292 = arith.index_cast %get3A_2291 : i32 to index
        %get3A_2293 = arith.constant 16 : index
        %get3A_2294 = tpu.vector_load %arg10[%get3A_2292, %get3A_2293] {strides = array<i32>} : memref<4x128xi32, #tpu.memory_space<vmem>>, vector<1x16xi32>,
        %get3A_2295 = vector.shape_cast %get3A_2294 : vector<1x16xi32> to vector<16xi32>
        %ge3A_2296 = vector.broadcast %mul3A_0 : i32 to vector<16xi32>
        %ge3A_2297 = arith.cmpi sge, %get3A_2295, %ge3A_2296 : vector<16xi32>
        %add3A_2298 = arith.constant 50000 : i32
        %add3A_2299 = arith.addi %mul3A_0, %add3A_2298 : i32
        %lt3A_2300 = vector.broadcast %add3A_2299 : i32 to vector<16xi32>
        %lt3A_2301 = arith.cmpi slt, %get3A_2295, %lt3A_2300 : vector<16xi32>
        %and3A_2302 = arith.andi %ge3A_2297, %lt3A_2301 : vector<16xi1>
        %and3A_2303 = arith.constant 1023 : i32
        %and3A_2304 = vector.broadcast %and3A_2303 : i32 to vector<16xi32>
        %and3A_2305 = arith.andi %get3A_2295, %and3A_2304 : vector<16xi32>
        %add3A_2306 = arith.constant 50000 : i32
        %add3A_2307 = vector.broadcast %add3A_2306 : i32 to vector<16xi32>
        %add3A_2308 = arith.addi %add3A_2307, %and3A_2305 : vector<16xi32>
        %sub3A_2309 = vector.broadcast %mul3A_0 : i32 to vector<16xi32>
        %sub3A_2310 = arith.subi %get3A_2295, %sub3A_2309 : vector<16xi32>
        %select_n3A_2311 = arith.select %and3A_2302, %sub3A_2310, %add3A_2308 : vector<16xi1>, vector<16xi32>
        %swap3A_2312 = arith.constant 2 : i32
        %swap3A_2313 = arith.index_cast %swap3A_2312 : i32 to index
        %swap3A_2314 = arith.constant 16 : index
        %swap3A_2315 = tpu.vector_load %arg12[%swap3A_2313, %swap3A_2314] {strides = array<i32>} : memref<4x128xi32, #tpu.memory_space<vmem>>, vector<1x16xi32>,
        %swap3A_2316 = vector.shape_cast %swap3A_2315 : vector<1x16xi32> to vector<16xi32>
        %swap3A_2317 = vector.shape_cast %select_n3A_2311 : vector<16xi32> to vector<1x16xi32>
        tpu.vector_store %arg12[%swap3A_2313, %swap3A_2314], %swap3A_2317 {strides = array<i32>} : memref<4x128xi32, #tpu.memory_space<vmem>>, vector<1x16xi32>,
        %get3A_2318 = arith.constant 2 : i32
        %get3A_2319 = arith.index_cast %get3A_2318 : i32 to index
        %get3A_2320 = arith.constant 32 : index
        %get3A_2321 = tpu.vector_load %arg10[%get3A_2319, %get3A_2320] {strides = array<i32>} : memref<4x128xi32, #tpu.memory_space<vmem>>, vector<1x16xi32>,
        %get3A_2322 = vector.shape_cast %get3A_2321 : vector<1x16xi32> to vector<16xi32>
        %ge3A_2323 = vector.broadcast %mul3A_0 : i32 to vector<16xi32>
        %ge3A_2324 = arith.cmpi sge, %get3A_2322, %ge3A_2323 : vector<16xi32>
        %add3A_2325 = arith.constant 50000 : i32
        %add3A_2326 = arith.addi %mul3A_0, %add3A_2325 : i32
        %lt3A_2327 = vector.broadcast %add3A_2326 : i32 to vector<16xi32>
        %lt3A_2328 = arith.cmpi slt, %get3A_2322, %lt3A_2327 : vector<16xi32>
        %and3A_2329 = arith.andi %ge3A_2324, %lt3A_2328 : vector<16xi1>
        %and3A_2330 = arith.constant 1023 : i32
        %and3A_2331 = vector.broadcast %and3A_2330 : i32 to vector<16xi32>
        %and3A_2332 = arith.andi %get3A_2322, %and3A_2331 : vector<16xi32>
        %add3A_2333 = arith.constant 50000 : i32
        %add3A_2334 = vector.broadcast %add3A_2333 : i32 to vector<16xi32>
        %add3A_2335 = arith.addi %add3A_2334, %and3A_2332 : vector<16xi32>
        %sub3A_2336 = vector.broadcast %mul3A_0 : i32 to vector<16xi32>
        %sub3A_2337 = arith.subi %get3A_2322, %sub3A_2336 : vector<16xi32>
        %select_n3A_2338 = arith.select %and3A_2329, %sub3A_2337, %add3A_2335 : vector<16xi1>, vector<16xi32>
        %swap3A_2339 = arith.constant 2 : i32
        %swap3A_2340 = arith.index_cast %swap3A_2339 : i32 to index
        %swap3A_2341 = arith.constant 32 : index
        %swap3A_2342 = tpu.vector_load %arg12[%swap3A_2340, %swap3A_2341] {strides = array<i32>} : memref<4x128xi32, #tpu.memory_space<vmem>>, vector<1x16xi32>,
        %swap3A_2343 = vector.shape_cast %swap3A_2342 : vector<1x16xi32> to vector<16xi32>
        %swap3A_2344 = vector.shape_cast %select_n3A_2338 : vector<16xi32> to vector<1x16xi32>
        tpu.vector_store %arg12[%swap3A_2340, %swap3A_2341], %swap3A_2344 {strides = array<i32>} : memref<4x128xi32, #tpu.memory_space<vmem>>, vector<1x16xi32>,
        %get3A_2345 = arith.constant 2 : i32
        %get3A_2346 = arith.index_cast %get3A_2345 : i32 to index
        %get3A_2347 = arith.constant 48 : index
        %get3A_2348 = tpu.vector_load %arg10[%get3A_2346, %get3A_2347] {strides = array<i32>} : memref<4x128xi32, #tpu.memory_space<vmem>>, vector<1x16xi32>,
        %get3A_2349 = vector.shape_cast %get3A_2348 : vector<1x16xi32> to vector<16xi32>
        %ge3A_2350 = vector.broadcast %mul3A_0 : i32 to vector<16xi32>
        %ge3A_2351 = arith.cmpi sge, %get3A_2349, %ge3A_2350 : vector<16xi32>
        %add3A_2352 = arith.constant 50000 : i32
        %add3A_2353 = arith.addi %mul3A_0, %add3A_2352 : i32
        %lt3A_2354 = vector.broadcast %add3A_2353 : i32 to vector<16xi32>
        %lt3A_2355 = arith.cmpi slt, %get3A_2349, %lt3A_2354 : vector<16xi32>
        %and3A_2356 = arith.andi %ge3A_2351, %lt3A_2355 : vector<16xi1>
        %and3A_2357 = arith.constant 1023 : i32
        %and3A_2358 = vector.broadcast %and3A_2357 : i32 to vector<16xi32>
        %and3A_2359 = arith.andi %get3A_2349, %and3A_2358 : vector<16xi32>
        %add3A_2360 = arith.constant 50000 : i32
        %add3A_2361 = vector.broadcast %add3A_2360 : i32 to vector<16xi32>
        %add3A_2362 = arith.addi %add3A_2361, %and3A_2359 : vector<16xi32>
        %sub3A_2363 = vector.broadcast %mul3A_0 : i32 to vector<16xi32>
        %sub3A_2364 = arith.subi %get3A_2349, %sub3A_2363 : vector<16xi32>
        %select_n3A_2365 = arith.select %and3A_2356, %sub3A_2364, %add3A_2362 : vector<16xi1>, vector<16xi32>
        %swap3A_2366 = arith.constant 2 : i32
        %swap3A_2367 = arith.index_cast %swap3A_2366 : i32 to index
        %swap3A_2368 = arith.constant 48 : index
        %swap3A_2369 = tpu.vector_load %arg12[%swap3A_2367, %swap3A_2368] {strides = array<i32>} : memref<4x128xi32, #tpu.memory_space<vmem>>, vector<1x16xi32>,
        %swap3A_2370 = vector.shape_cast %swap3A_2369 : vector<1x16xi32> to vector<16xi32>
        %swap3A_2371 = vector.shape_cast %select_n3A_2365 : vector<16xi32> to vector<1x16xi32>
        tpu.vector_store %arg12[%swap3A_2367, %swap3A_2368], %swap3A_2371 {strides = array<i32>} : memref<4x128xi32, #tpu.memory_space<vmem>>, vector<1x16xi32>,
        %get3A_2372 = arith.constant 2 : i32
        %get3A_2373 = arith.index_cast %get3A_2372 : i32 to index
        %get3A_2374 = arith.constant 64 : index
        %get3A_2375 = tpu.vector_load %arg10[%get3A_2373, %get3A_2374] {strides = array<i32>} : memref<4x128xi32, #tpu.memory_space<vmem>>, vector<1x16xi32>,
        %get3A_2376 = vector.shape_cast %get3A_2375 : vector<1x16xi32> to vector<16xi32>
        %ge3A_2377 = vector.broadcast %mul3A_0 : i32 to vector<16xi32>
        %ge3A_2378 = arith.cmpi sge, %get3A_2376, %ge3A_2377 : vector<16xi32>
        %add3A_2379 = arith.constant 50000 : i32
        %add3A_2380 = arith.addi %mul3A_0, %add3A_2379 : i32
        %lt3A_2381 = vector.broadcast %add3A_2380 : i32 to vector<16xi32>
        %lt3A_2382 = arith.cmpi slt, %get3A_2376, %lt3A_2381 : vector<16xi32>
        %and3A_2383 = arith.andi %ge3A_2378, %lt3A_2382 : vector<16xi1>
        %and3A_2384 = arith.constant 1023 : i32
        %and3A_2385 = vector.broadcast %and3A_2384 : i32 to vector<16xi32>
        %and3A_2386 = arith.andi %get3A_2376, %and3A_2385 : vector<16xi32>
        %add3A_2387 = arith.constant 50000 : i32
        %add3A_2388 = vector.broadcast %add3A_2387 : i32 to vector<16xi32>
        %add3A_2389 = arith.addi %add3A_2388, %and3A_2386 : vector<16xi32>
        %sub3A_2390 = vector.broadcast %mul3A_0 : i32 to vector<16xi32>
        %sub3A_2391 = arith.subi %get3A_2376, %sub3A_2390 : vector<16xi32>
        %select_n3A_2392 = arith.select %and3A_2383, %sub3A_2391, %add3A_2389 : vector<16xi1>, vector<16xi32>
        %swap3A_2393 = arith.constant 2 : i32
        %swap3A_2394 = arith.index_cast %swap3A_2393 : i32 to index
        %swap3A_2395 = arith.constant 64 : index
        %swap3A_2396 = tpu.vector_load %arg12[%swap3A_2394, %swap3A_2395] {strides = array<i32>} : memref<4x128xi32, #tpu.memory_space<vmem>>, vector<1x16xi32>,
        %swap3A_2397 = vector.shape_cast %swap3A_2396 : vector<1x16xi32> to vector<16xi32>
        %swap3A_2398 = vector.shape_cast %select_n3A_2392 : vector<16xi32> to vector<1x16xi32>
        tpu.vector_store %arg12[%swap3A_2394, %swap3A_2395], %swap3A_2398 {strides = array<i32>} : memref<4x128xi32, #tpu.memory_space<vmem>>, vector<1x16xi32>,
        %get3A_2399 = arith.constant 2 : i32
        %get3A_2400 = arith.index_cast %get3A_2399 : i32 to index
        %get3A_2401 = arith.constant 80 : index
        %get3A_2402 = tpu.vector_load %arg10[%get3A_2400, %get3A_2401] {strides = array<i32>} : memref<4x128xi32, #tpu.memory_space<vmem>>, vector<1x16xi32>,
        %get3A_2403 = vector.shape_cast %get3A_2402 : vector<1x16xi32> to vector<16xi32>
        %ge3A_2404 = vector.broadcast %mul3A_0 : i32 to vector<16xi32>
        %ge3A_2405 = arith.cmpi sge, %get3A_2403, %ge3A_2404 : vector<16xi32>
        %add3A_2406 = arith.constant 50000 : i32
        %add3A_2407 = arith.addi %mul3A_0, %add3A_2406 : i32
        %lt3A_2408 = vector.broadcast %add3A_2407 : i32 to vector<16xi32>
        %lt3A_2409 = arith.cmpi slt, %get3A_2403, %lt3A_2408 : vector<16xi32>
        %and3A_2410 = arith.andi %ge3A_2405, %lt3A_2409 : vector<16xi1>
        %and3A_2411 = arith.constant 1023 : i32
        %and3A_2412 = vector.broadcast %and3A_2411 : i32 to vector<16xi32>
        %and3A_2413 = arith.andi %get3A_2403, %and3A_2412 : vector<16xi32>
        %add3A_2414 = arith.constant 50000 : i32
        %add3A_2415 = vector.broadcast %add3A_2414 : i32 to vector<16xi32>
        %add3A_2416 = arith.addi %add3A_2415, %and3A_2413 : vector<16xi32>
        %sub3A_2417 = vector.broadcast %mul3A_0 : i32 to vector<16xi32>
        %sub3A_2418 = arith.subi %get3A_2403, %sub3A_2417 : vector<16xi32>
        %select_n3A_2419 = arith.select %and3A_2410, %sub3A_2418, %add3A_2416 : vector<16xi1>, vector<16xi32>
        %swap3A_2420 = arith.constant 2 : i32
        %swap3A_2421 = arith.index_cast %swap3A_2420 : i32 to index
        %swap3A_2422 = arith.constant 80 : index
        %swap3A_2423 = tpu.vector_load %arg12[%swap3A_2421, %swap3A_2422] {strides = array<i32>} : memref<4x128xi32, #tpu.memory_space<vmem>>, vector<1x16xi32>,
        %swap3A_2424 = vector.shape_cast %swap3A_2423 : vector<1x16xi32> to vector<16xi32>
        %swap3A_2425 = vector.shape_cast %select_n3A_2419 : vector<16xi32> to vector<1x16xi32>
        tpu.vector_store %arg12[%swap3A_2421, %swap3A_2422], %swap3A_2425 {strides = array<i32>} : memref<4x128xi32, #tpu.memory_space<vmem>>, vector<1x16xi32>,
        %get3A_2426 = arith.constant 2 : i32
        %get3A_2427 = arith.index_cast %get3A_2426 : i32 to index
        %get3A_2428 = arith.constant 96 : index
        %get3A_2429 = tpu.vector_load %arg10[%get3A_2427, %get3A_2428] {strides = array<i32>} : memref<4x128xi32, #tpu.memory_space<vmem>>, vector<1x16xi32>,
        %get3A_2430 = vector.shape_cast %get3A_2429 : vector<1x16xi32> to vector<16xi32>
        %ge3A_2431 = vector.broadcast %mul3A_0 : i32 to vector<16xi32>
        %ge3A_2432 = arith.cmpi sge, %get3A_2430, %ge3A_2431 : vector<16xi32>
        %add3A_2433 = arith.constant 50000 : i32
        %add3A_2434 = arith.addi %mul3A_0, %add3A_2433 : i32
        %lt3A_2435 = vector.broadcast %add3A_2434 : i32 to vector<16xi32>
        %lt3A_2436 = arith.cmpi slt, %get3A_2430, %lt3A_2435 : vector<16xi32>
        %and3A_2437 = arith.andi %ge3A_2432, %lt3A_2436 : vector<16xi1>
        %and3A_2438 = arith.constant 1023 : i32
        %and3A_2439 = vector.broadcast %and3A_2438 : i32 to vector<16xi32>
        %and3A_2440 = arith.andi %get3A_2430, %and3A_2439 : vector<16xi32>
        %add3A_2441 = arith.constant 50000 : i32
        %add3A_2442 = vector.broadcast %add3A_2441 : i32 to vector<16xi32>
        %add3A_2443 = arith.addi %add3A_2442, %and3A_2440 : vector<16xi32>
        %sub3A_2444 = vector.broadcast %mul3A_0 : i32 to vector<16xi32>
        %sub3A_2445 = arith.subi %get3A_2430, %sub3A_2444 : vector<16xi32>
        %select_n3A_2446 = arith.select %and3A_2437, %sub3A_2445, %add3A_2443 : vector<16xi1>, vector<16xi32>
        %swap3A_2447 = arith.constant 2 : i32
        %swap3A_2448 = arith.index_cast %swap3A_2447 : i32 to index
        %swap3A_2449 = arith.constant 96 : index
        %swap3A_2450 = tpu.vector_load %arg12[%swap3A_2448, %swap3A_2449] {strides = array<i32>} : memref<4x128xi32, #tpu.memory_space<vmem>>, vector<1x16xi32>,
        %swap3A_2451 = vector.shape_cast %swap3A_2450 : vector<1x16xi32> to vector<16xi32>
        %swap3A_2452 = vector.shape_cast %select_n3A_2446 : vector<16xi32> to vector<1x16xi32>
        tpu.vector_store %arg12[%swap3A_2448, %swap3A_2449], %swap3A_2452 {strides = array<i32>} : memref<4x128xi32, #tpu.memory_space<vmem>>, vector<1x16xi32>,
        %get3A_2453 = arith.constant 2 : i32
        %get3A_2454 = arith.index_cast %get3A_2453 : i32 to index
        %get3A_2455 = arith.constant 112 : index
        %get3A_2456 = tpu.vector_load %arg10[%get3A_2454, %get3A_2455] {strides = array<i32>} : memref<4x128xi32, #tpu.memory_space<vmem>>, vector<1x16xi32>,
        %get3A_2457 = vector.shape_cast %get3A_2456 : vector<1x16xi32> to vector<16xi32>
        %ge3A_2458 = vector.broadcast %mul3A_0 : i32 to vector<16xi32>
        %ge3A_2459 = arith.cmpi sge, %get3A_2457, %ge3A_2458 : vector<16xi32>
        %add3A_2460 = arith.constant 50000 : i32
        %add3A_2461 = arith.addi %mul3A_0, %add3A_2460 : i32
        %lt3A_2462 = vector.broadcast %add3A_2461 : i32 to vector<16xi32>
        %lt3A_2463 = arith.cmpi slt, %get3A_2457, %lt3A_2462 : vector<16xi32>
        %and3A_2464 = arith.andi %ge3A_2459, %lt3A_2463 : vector<16xi1>
        %and3A_2465 = arith.constant 1023 : i32
        %and3A_2466 = vector.broadcast %and3A_2465 : i32 to vector<16xi32>
        %and3A_2467 = arith.andi %get3A_2457, %and3A_2466 : vector<16xi32>
        %add3A_2468 = arith.constant 50000 : i32
        %add3A_2469 = vector.broadcast %add3A_2468 : i32 to vector<16xi32>
        %add3A_2470 = arith.addi %add3A_2469, %and3A_2467 : vector<16xi32>
        %sub3A_2471 = vector.broadcast %mul3A_0 : i32 to vector<16xi32>
        %sub3A_2472 = arith.subi %get3A_2457, %sub3A_2471 : vector<16xi32>
        %select_n3A_2473 = arith.select %and3A_2464, %sub3A_2472, %add3A_2470 : vector<16xi1>, vector<16xi32>
        %swap3A_2474 = arith.constant 2 : i32
        %swap3A_2475 = arith.index_cast %swap3A_2474 : i32 to index
        %swap3A_2476 = arith.constant 112 : index
        %swap3A_2477 = tpu.vector_load %arg12[%swap3A_2475, %swap3A_2476] {strides = array<i32>} : memref<4x128xi32, #tpu.memory_space<vmem>>, vector<1x16xi32>,
        %swap3A_2478 = vector.shape_cast %swap3A_2477 : vector<1x16xi32> to vector<16xi32>
        %swap3A_2479 = vector.shape_cast %select_n3A_2473 : vector<16xi32> to vector<1x16xi32>
        tpu.vector_store %arg12[%swap3A_2475, %swap3A_2476], %swap3A_2479 {strides = array<i32>} : memref<4x128xi32, #tpu.memory_space<vmem>>, vector<1x16xi32>,
        %get3A_2480 = arith.constant 3 : i32
        %get3A_2481 = arith.index_cast %get3A_2480 : i32 to index
        %get3A_2482 = arith.constant 0 : index
        %get3A_2483 = tpu.vector_load %arg10[%get3A_2481, %get3A_2482] {strides = array<i32>} : memref<4x128xi32, #tpu.memory_space<vmem>>, vector<1x16xi32>,
        %get3A_2484 = vector.shape_cast %get3A_2483 : vector<1x16xi32> to vector<16xi32>
        %ge3A_2485 = vector.broadcast %mul3A_0 : i32 to vector<16xi32>
        %ge3A_2486 = arith.cmpi sge, %get3A_2484, %ge3A_2485 : vector<16xi32>
        %add3A_2487 = arith.constant 50000 : i32
        %add3A_2488 = arith.addi %mul3A_0, %add3A_2487 : i32
        %lt3A_2489 = vector.broadcast %add3A_2488 : i32 to vector<16xi32>
        %lt3A_2490 = arith.cmpi slt, %get3A_2484, %lt3A_2489 : vector<16xi32>
        %and3A_2491 = arith.andi %ge3A_2486, %lt3A_2490 : vector<16xi1>
        %and3A_2492 = arith.constant 1023 : i32
        %and3A_2493 = vector.broadcast %and3A_2492 : i32 to vector<16xi32>
        %and3A_2494 = arith.andi %get3A_2484, %and3A_2493 : vector<16xi32>
        %add3A_2495 = arith.constant 50000 : i32
        %add3A_2496 = vector.broadcast %add3A_2495 : i32 to vector<16xi32>
        %add3A_2497 = arith.addi %add3A_2496, %and3A_2494 : vector<16xi32>
        %sub3A_2498 = vector.broadcast %mul3A_0 : i32 to vector<16xi32>
        %sub3A_2499 = arith.subi %get3A_2484, %sub3A_2498 : vector<16xi32>
        %select_n3A_2500 = arith.select %and3A_2491, %sub3A_2499, %add3A_2497 : vector<16xi1>, vector<16xi32>
        %swap3A_2501 = arith.constant 3 : i32
        %swap3A_2502 = arith.index_cast %swap3A_2501 : i32 to index
        %swap3A_2503 = arith.constant 0 : index
        %swap3A_2504 = tpu.vector_load %arg12[%swap3A_2502, %swap3A_2503] {strides = array<i32>} : memref<4x128xi32, #tpu.memory_space<vmem>>, vector<1x16xi32>,
        %swap3A_2505 = vector.shape_cast %swap3A_2504 : vector<1x16xi32> to vector<16xi32>
        %swap3A_2506 = vector.shape_cast %select_n3A_2500 : vector<16xi32> to vector<1x16xi32>
        tpu.vector_store %arg12[%swap3A_2502, %swap3A_2503], %swap3A_2506 {strides = array<i32>} : memref<4x128xi32, #tpu.memory_space<vmem>>, vector<1x16xi32>,
        %get3A_2507 = arith.constant 3 : i32
        %get3A_2508 = arith.index_cast %get3A_2507 : i32 to index
        %get3A_2509 = arith.constant 16 : index
        %get3A_2510 = tpu.vector_load %arg10[%get3A_2508, %get3A_2509] {strides = array<i32>} : memref<4x128xi32, #tpu.memory_space<vmem>>, vector<1x16xi32>,
        %get3A_2511 = vector.shape_cast %get3A_2510 : vector<1x16xi32> to vector<16xi32>
        %ge3A_2512 = vector.broadcast %mul3A_0 : i32 to vector<16xi32>
        %ge3A_2513 = arith.cmpi sge, %get3A_2511, %ge3A_2512 : vector<16xi32>
        %add3A_2514 = arith.constant 50000 : i32
        %add3A_2515 = arith.addi %mul3A_0, %add3A_2514 : i32
        %lt3A_2516 = vector.broadcast %add3A_2515 : i32 to vector<16xi32>
        %lt3A_2517 = arith.cmpi slt, %get3A_2511, %lt3A_2516 : vector<16xi32>
        %and3A_2518 = arith.andi %ge3A_2513, %lt3A_2517 : vector<16xi1>
        %and3A_2519 = arith.constant 1023 : i32
        %and3A_2520 = vector.broadcast %and3A_2519 : i32 to vector<16xi32>
        %and3A_2521 = arith.andi %get3A_2511, %and3A_2520 : vector<16xi32>
        %add3A_2522 = arith.constant 50000 : i32
        %add3A_2523 = vector.broadcast %add3A_2522 : i32 to vector<16xi32>
        %add3A_2524 = arith.addi %add3A_2523, %and3A_2521 : vector<16xi32>
        %sub3A_2525 = vector.broadcast %mul3A_0 : i32 to vector<16xi32>
        %sub3A_2526 = arith.subi %get3A_2511, %sub3A_2525 : vector<16xi32>
        %select_n3A_2527 = arith.select %and3A_2518, %sub3A_2526, %add3A_2524 : vector<16xi1>, vector<16xi32>
        %swap3A_2528 = arith.constant 3 : i32
        %swap3A_2529 = arith.index_cast %swap3A_2528 : i32 to index
        %swap3A_2530 = arith.constant 16 : index
        %swap3A_2531 = tpu.vector_load %arg12[%swap3A_2529, %swap3A_2530] {strides = array<i32>} : memref<4x128xi32, #tpu.memory_space<vmem>>, vector<1x16xi32>,
        %swap3A_2532 = vector.shape_cast %swap3A_2531 : vector<1x16xi32> to vector<16xi32>
        %swap3A_2533 = vector.shape_cast %select_n3A_2527 : vector<16xi32> to vector<1x16xi32>
        tpu.vector_store %arg12[%swap3A_2529, %swap3A_2530], %swap3A_2533 {strides = array<i32>} : memref<4x128xi32, #tpu.memory_space<vmem>>, vector<1x16xi32>,
        %get3A_2534 = arith.constant 3 : i32
        %get3A_2535 = arith.index_cast %get3A_2534 : i32 to index
        %get3A_2536 = arith.constant 32 : index
        %get3A_2537 = tpu.vector_load %arg10[%get3A_2535, %get3A_2536] {strides = array<i32>} : memref<4x128xi32, #tpu.memory_space<vmem>>, vector<1x16xi32>,
        %get3A_2538 = vector.shape_cast %get3A_2537 : vector<1x16xi32> to vector<16xi32>
        %ge3A_2539 = vector.broadcast %mul3A_0 : i32 to vector<16xi32>
        %ge3A_2540 = arith.cmpi sge, %get3A_2538, %ge3A_2539 : vector<16xi32>
        %add3A_2541 = arith.constant 50000 : i32
        %add3A_2542 = arith.addi %mul3A_0, %add3A_2541 : i32
        %lt3A_2543 = vector.broadcast %add3A_2542 : i32 to vector<16xi32>
        %lt3A_2544 = arith.cmpi slt, %get3A_2538, %lt3A_2543 : vector<16xi32>
        %and3A_2545 = arith.andi %ge3A_2540, %lt3A_2544 : vector<16xi1>
        %and3A_2546 = arith.constant 1023 : i32
        %and3A_2547 = vector.broadcast %and3A_2546 : i32 to vector<16xi32>
        %and3A_2548 = arith.andi %get3A_2538, %and3A_2547 : vector<16xi32>
        %add3A_2549 = arith.constant 50000 : i32
        %add3A_2550 = vector.broadcast %add3A_2549 : i32 to vector<16xi32>
        %add3A_2551 = arith.addi %add3A_2550, %and3A_2548 : vector<16xi32>
        %sub3A_2552 = vector.broadcast %mul3A_0 : i32 to vector<16xi32>
        %sub3A_2553 = arith.subi %get3A_2538, %sub3A_2552 : vector<16xi32>
        %select_n3A_2554 = arith.select %and3A_2545, %sub3A_2553, %add3A_2551 : vector<16xi1>, vector<16xi32>
        %swap3A_2555 = arith.constant 3 : i32
        %swap3A_2556 = arith.index_cast %swap3A_2555 : i32 to index
        %swap3A_2557 = arith.constant 32 : index
        %swap3A_2558 = tpu.vector_load %arg12[%swap3A_2556, %swap3A_2557] {strides = array<i32>} : memref<4x128xi32, #tpu.memory_space<vmem>>, vector<1x16xi32>,
        %swap3A_2559 = vector.shape_cast %swap3A_2558 : vector<1x16xi32> to vector<16xi32>
        %swap3A_2560 = vector.shape_cast %select_n3A_2554 : vector<16xi32> to vector<1x16xi32>
        tpu.vector_store %arg12[%swap3A_2556, %swap3A_2557], %swap3A_2560 {strides = array<i32>} : memref<4x128xi32, #tpu.memory_space<vmem>>, vector<1x16xi32>,
        %get3A_2561 = arith.constant 3 : i32
        %get3A_2562 = arith.index_cast %get3A_2561 : i32 to index
        %get3A_2563 = arith.constant 48 : index
        %get3A_2564 = tpu.vector_load %arg10[%get3A_2562, %get3A_2563] {strides = array<i32>} : memref<4x128xi32, #tpu.memory_space<vmem>>, vector<1x16xi32>,
        %get3A_2565 = vector.shape_cast %get3A_2564 : vector<1x16xi32> to vector<16xi32>
        %ge3A_2566 = vector.broadcast %mul3A_0 : i32 to vector<16xi32>
        %ge3A_2567 = arith.cmpi sge, %get3A_2565, %ge3A_2566 : vector<16xi32>
        %add3A_2568 = arith.constant 50000 : i32
        %add3A_2569 = arith.addi %mul3A_0, %add3A_2568 : i32
        %lt3A_2570 = vector.broadcast %add3A_2569 : i32 to vector<16xi32>
        %lt3A_2571 = arith.cmpi slt, %get3A_2565, %lt3A_2570 : vector<16xi32>
        %and3A_2572 = arith.andi %ge3A_2567, %lt3A_2571 : vector<16xi1>
        %and3A_2573 = arith.constant 1023 : i32
        %and3A_2574 = vector.broadcast %and3A_2573 : i32 to vector<16xi32>
        %and3A_2575 = arith.andi %get3A_2565, %and3A_2574 : vector<16xi32>
        %add3A_2576 = arith.constant 50000 : i32
        %add3A_2577 = vector.broadcast %add3A_2576 : i32 to vector<16xi32>
        %add3A_2578 = arith.addi %add3A_2577, %and3A_2575 : vector<16xi32>
        %sub3A_2579 = vector.broadcast %mul3A_0 : i32 to vector<16xi32>
        %sub3A_2580 = arith.subi %get3A_2565, %sub3A_2579 : vector<16xi32>
        %select_n3A_2581 = arith.select %and3A_2572, %sub3A_2580, %add3A_2578 : vector<16xi1>, vector<16xi32>
        %swap3A_2582 = arith.constant 3 : i32
        %swap3A_2583 = arith.index_cast %swap3A_2582 : i32 to index
        %swap3A_2584 = arith.constant 48 : index
        %swap3A_2585 = tpu.vector_load %arg12[%swap3A_2583, %swap3A_2584] {strides = array<i32>} : memref<4x128xi32, #tpu.memory_space<vmem>>, vector<1x16xi32>,
        %swap3A_2586 = vector.shape_cast %swap3A_2585 : vector<1x16xi32> to vector<16xi32>
        %swap3A_2587 = vector.shape_cast %select_n3A_2581 : vector<16xi32> to vector<1x16xi32>
        tpu.vector_store %arg12[%swap3A_2583, %swap3A_2584], %swap3A_2587 {strides = array<i32>} : memref<4x128xi32, #tpu.memory_space<vmem>>, vector<1x16xi32>,
        %get3A_2588 = arith.constant 3 : i32
        %get3A_2589 = arith.index_cast %get3A_2588 : i32 to index
        %get3A_2590 = arith.constant 64 : index
        %get3A_2591 = tpu.vector_load %arg10[%get3A_2589, %get3A_2590] {strides = array<i32>} : memref<4x128xi32, #tpu.memory_space<vmem>>, vector<1x16xi32>,
        %get3A_2592 = vector.shape_cast %get3A_2591 : vector<1x16xi32> to vector<16xi32>
        %ge3A_2593 = vector.broadcast %mul3A_0 : i32 to vector<16xi32>
        %ge3A_2594 = arith.cmpi sge, %get3A_2592, %ge3A_2593 : vector<16xi32>
        %add3A_2595 = arith.constant 50000 : i32
        %add3A_2596 = arith.addi %mul3A_0, %add3A_2595 : i32
        %lt3A_2597 = vector.broadcast %add3A_2596 : i32 to vector<16xi32>
        %lt3A_2598 = arith.cmpi slt, %get3A_2592, %lt3A_2597 : vector<16xi32>
        %and3A_2599 = arith.andi %ge3A_2594, %lt3A_2598 : vector<16xi1>
        %and3A_2600 = arith.constant 1023 : i32
        %and3A_2601 = vector.broadcast %and3A_2600 : i32 to vector<16xi32>
        %and3A_2602 = arith.andi %get3A_2592, %and3A_2601 : vector<16xi32>
        %add3A_2603 = arith.constant 50000 : i32
        %add3A_2604 = vector.broadcast %add3A_2603 : i32 to vector<16xi32>
        %add3A_2605 = arith.addi %add3A_2604, %and3A_2602 : vector<16xi32>
        %sub3A_2606 = vector.broadcast %mul3A_0 : i32 to vector<16xi32>
        %sub3A_2607 = arith.subi %get3A_2592, %sub3A_2606 : vector<16xi32>
        %select_n3A_2608 = arith.select %and3A_2599, %sub3A_2607, %add3A_2605 : vector<16xi1>, vector<16xi32>
        %swap3A_2609 = arith.constant 3 : i32
        %swap3A_2610 = arith.index_cast %swap3A_2609 : i32 to index
        %swap3A_2611 = arith.constant 64 : index
        %swap3A_2612 = tpu.vector_load %arg12[%swap3A_2610, %swap3A_2611] {strides = array<i32>} : memref<4x128xi32, #tpu.memory_space<vmem>>, vector<1x16xi32>,
        %swap3A_2613 = vector.shape_cast %swap3A_2612 : vector<1x16xi32> to vector<16xi32>
        %swap3A_2614 = vector.shape_cast %select_n3A_2608 : vector<16xi32> to vector<1x16xi32>
        tpu.vector_store %arg12[%swap3A_2610, %swap3A_2611], %swap3A_2614 {strides = array<i32>} : memref<4x128xi32, #tpu.memory_space<vmem>>, vector<1x16xi32>,
        %get3A_2615 = arith.constant 3 : i32
        %get3A_2616 = arith.index_cast %get3A_2615 : i32 to index
        %get3A_2617 = arith.constant 80 : index
        %get3A_2618 = tpu.vector_load %arg10[%get3A_2616, %get3A_2617] {strides = array<i32>} : memref<4x128xi32, #tpu.memory_space<vmem>>, vector<1x16xi32>,
        %get3A_2619 = vector.shape_cast %get3A_2618 : vector<1x16xi32> to vector<16xi32>
        %ge3A_2620 = vector.broadcast %mul3A_0 : i32 to vector<16xi32>
        %ge3A_2621 = arith.cmpi sge, %get3A_2619, %ge3A_2620 : vector<16xi32>
        %add3A_2622 = arith.constant 50000 : i32
        %add3A_2623 = arith.addi %mul3A_0, %add3A_2622 : i32
        %lt3A_2624 = vector.broadcast %add3A_2623 : i32 to vector<16xi32>
        %lt3A_2625 = arith.cmpi slt, %get3A_2619, %lt3A_2624 : vector<16xi32>
        %and3A_2626 = arith.andi %ge3A_2621, %lt3A_2625 : vector<16xi1>
        %and3A_2627 = arith.constant 1023 : i32
        %and3A_2628 = vector.broadcast %and3A_2627 : i32 to vector<16xi32>
        %and3A_2629 = arith.andi %get3A_2619, %and3A_2628 : vector<16xi32>
        %add3A_2630 = arith.constant 50000 : i32
        %add3A_2631 = vector.broadcast %add3A_2630 : i32 to vector<16xi32>
        %add3A_2632 = arith.addi %add3A_2631, %and3A_2629 : vector<16xi32>
        %sub3A_2633 = vector.broadcast %mul3A_0 : i32 to vector<16xi32>
        %sub3A_2634 = arith.subi %get3A_2619, %sub3A_2633 : vector<16xi32>
        %select_n3A_2635 = arith.select %and3A_2626, %sub3A_2634, %add3A_2632 : vector<16xi1>, vector<16xi32>
        %swap3A_2636 = arith.constant 3 : i32
        %swap3A_2637 = arith.index_cast %swap3A_2636 : i32 to index
        %swap3A_2638 = arith.constant 80 : index
        %swap3A_2639 = tpu.vector_load %arg12[%swap3A_2637, %swap3A_2638] {strides = array<i32>} : memref<4x128xi32, #tpu.memory_space<vmem>>, vector<1x16xi32>,
        %swap3A_2640 = vector.shape_cast %swap3A_2639 : vector<1x16xi32> to vector<16xi32>
        %swap3A_2641 = vector.shape_cast %select_n3A_2635 : vector<16xi32> to vector<1x16xi32>
        tpu.vector_store %arg12[%swap3A_2637, %swap3A_2638], %swap3A_2641 {strides = array<i32>} : memref<4x128xi32, #tpu.memory_space<vmem>>, vector<1x16xi32>,
        %get3A_2642 = arith.constant 3 : i32
        %get3A_2643 = arith.index_cast %get3A_2642 : i32 to index
        %get3A_2644 = arith.constant 96 : index
        %get3A_2645 = tpu.vector_load %arg10[%get3A_2643, %get3A_2644] {strides = array<i32>} : memref<4x128xi32, #tpu.memory_space<vmem>>, vector<1x16xi32>,
        %get3A_2646 = vector.shape_cast %get3A_2645 : vector<1x16xi32> to vector<16xi32>
        %ge3A_2647 = vector.broadcast %mul3A_0 : i32 to vector<16xi32>
        %ge3A_2648 = arith.cmpi sge, %get3A_2646, %ge3A_2647 : vector<16xi32>
        %add3A_2649 = arith.constant 50000 : i32
        %add3A_2650 = arith.addi %mul3A_0, %add3A_2649 : i32
        %lt3A_2651 = vector.broadcast %add3A_2650 : i32 to vector<16xi32>
        %lt3A_2652 = arith.cmpi slt, %get3A_2646, %lt3A_2651 : vector<16xi32>
        %and3A_2653 = arith.andi %ge3A_2648, %lt3A_2652 : vector<16xi1>
        %and3A_2654 = arith.constant 1023 : i32
        %and3A_2655 = vector.broadcast %and3A_2654 : i32 to vector<16xi32>
        %and3A_2656 = arith.andi %get3A_2646, %and3A_2655 : vector<16xi32>
        %add3A_2657 = arith.constant 50000 : i32
        %add3A_2658 = vector.broadcast %add3A_2657 : i32 to vector<16xi32>
        %add3A_2659 = arith.addi %add3A_2658, %and3A_2656 : vector<16xi32>
        %sub3A_2660 = vector.broadcast %mul3A_0 : i32 to vector<16xi32>
        %sub3A_2661 = arith.subi %get3A_2646, %sub3A_2660 : vector<16xi32>
        %select_n3A_2662 = arith.select %and3A_2653, %sub3A_2661, %add3A_2659 : vector<16xi1>, vector<16xi32>
        %swap3A_2663 = arith.constant 3 : i32
        %swap3A_2664 = arith.index_cast %swap3A_2663 : i32 to index
        %swap3A_2665 = arith.constant 96 : index
        %swap3A_2666 = tpu.vector_load %arg12[%swap3A_2664, %swap3A_2665] {strides = array<i32>} : memref<4x128xi32, #tpu.memory_space<vmem>>, vector<1x16xi32>,
        %swap3A_2667 = vector.shape_cast %swap3A_2666 : vector<1x16xi32> to vector<16xi32>
        %swap3A_2668 = vector.shape_cast %select_n3A_2662 : vector<16xi32> to vector<1x16xi32>
        tpu.vector_store %arg12[%swap3A_2664, %swap3A_2665], %swap3A_2668 {strides = array<i32>} : memref<4x128xi32, #tpu.memory_space<vmem>>, vector<1x16xi32>,
        %get3A_2669 = arith.constant 3 : i32
        %get3A_2670 = arith.index_cast %get3A_2669 : i32 to index
        %get3A_2671 = arith.constant 112 : index
        %get3A_2672 = tpu.vector_load %arg10[%get3A_2670, %get3A_2671] {strides = array<i32>} : memref<4x128xi32, #tpu.memory_space<vmem>>, vector<1x16xi32>,
        %get3A_2673 = vector.shape_cast %get3A_2672 : vector<1x16xi32> to vector<16xi32>
        %ge3A_2674 = vector.broadcast %mul3A_0 : i32 to vector<16xi32>
        %ge3A_2675 = arith.cmpi sge, %get3A_2673, %ge3A_2674 : vector<16xi32>
        %add3A_2676 = arith.constant 50000 : i32
        %add3A_2677 = arith.addi %mul3A_0, %add3A_2676 : i32
        %lt3A_2678 = vector.broadcast %add3A_2677 : i32 to vector<16xi32>
        %lt3A_2679 = arith.cmpi slt, %get3A_2673, %lt3A_2678 : vector<16xi32>
        %and3A_2680 = arith.andi %ge3A_2675, %lt3A_2679 : vector<16xi1>
        %and3A_2681 = arith.constant 1023 : i32
        %and3A_2682 = vector.broadcast %and3A_2681 : i32 to vector<16xi32>
        %and3A_2683 = arith.andi %get3A_2673, %and3A_2682 : vector<16xi32>
        %add3A_2684 = arith.constant 50000 : i32
        %add3A_2685 = vector.broadcast %add3A_2684 : i32 to vector<16xi32>
        %add3A_2686 = arith.addi %add3A_2685, %and3A_2683 : vector<16xi32>
        %sub3A_2687 = vector.broadcast %mul3A_0 : i32 to vector<16xi32>
        %sub3A_2688 = arith.subi %get3A_2673, %sub3A_2687 : vector<16xi32>
        %select_n3A_2689 = arith.select %and3A_2680, %sub3A_2688, %add3A_2686 : vector<16xi1>, vector<16xi32>
        %swap3A_2690 = arith.constant 3 : i32
        %swap3A_2691 = arith.index_cast %swap3A_2690 : i32 to index
        %swap3A_2692 = arith.constant 112 : index
        %swap3A_2693 = tpu.vector_load %arg12[%swap3A_2691, %swap3A_2692] {strides = array<i32>} : memref<4x128xi32, #tpu.memory_space<vmem>>, vector<1x16xi32>,
        %swap3A_2694 = vector.shape_cast %swap3A_2693 : vector<1x16xi32> to vector<16xi32>
        %swap3A_2695 = vector.shape_cast %select_n3A_2689 : vector<16xi32> to vector<1x16xi32>
        tpu.vector_store %arg12[%swap3A_2691, %swap3A_2692], %swap3A_2695 {strides = array<i32>} : memref<4x128xi32, #tpu.memory_space<vmem>>, vector<1x16xi32>,
      } else {
      }
      %dma_wait3A = arith.constant 0 : i32
      %dma_wait3A_1379 = arith.constant 0 : i32
      %dma_wait3A_1380 = arith.constant 0 : i32
      %dma_wait3A_1381 = arith.constant 0 : i32
      %dma_wait3A_1382 = tpu.memref_slice %arg13[%dma_wait3A_1379, %dma_wait3A_1380, %dma_wait3A_1381] : memref<4x128x32xf32, #tpu.memory_space<vmem>> -> memref<1x128x32xf32, #tpu.memory_space<vmem>>
      %dma_wait3A_1383 = tpu.memref_squeeze %dma_wait3A_1382 : memref<1x128x32xf32, #tpu.memory_space<vmem>> -> memref<128x32xf32, #tpu.memory_space<vmem>>
      %dma_wait3A_1384 = arith.constant 0 : i32
      %dma_wait3A_1385 = tpu.memref_slice %arg7[%dma_wait3A, %dma_wait3A_1384] : memref<4x128xi32, #tpu.memory_space<vmem>> -> memref<1x128xi32, #tpu.memory_space<vmem>>
      %dma_wait3A_1386 = tpu.memref_squeeze %dma_wait3A_1385 : memref<1x128xi32, #tpu.memory_space<vmem>> -> memref<128xi32, #tpu.memory_space<vmem>>
      %dma_wait3A_1387 = arith.constant 0 : i32
      %dma_wait3A_1388 = arith.constant 0 : i32
      %dma_wait3A_1389 = tpu.memref_slice %arg4[%dma_wait3A_1387, %dma_wait3A_1388] : memref<100000x32xf32, #tpu.memory_space<hbm>> -> memref<100000x32xf32, #tpu.memory_space<hbm>>
      tpu.wait_indirect_dma semaphore(%arg19 : memref<!tpu.dma_semaphore, #tpu.memory_space<semaphore_mem>>) src(%dma_wait3A_1389 : memref<100000x32xf32, #tpu.memory_space<hbm>>) dst(%dma_wait3A_1383 : memref<128x32xf32, #tpu.memory_space<vmem>>)
      %dma_start3A_1390 = arith.constant 0 : i32
      %dma_start3A_1391 = arith.constant 0 : i32
      %dma_start3A_1392 = arith.constant 0 : i32
      %dma_start3A_1393 = arith.constant 0 : i32
      %dma_start3A_1394 = tpu.memref_slice %arg13[%dma_start3A_1390, %dma_start3A_1392, %dma_start3A_1393] : memref<4x128x32xf32, #tpu.memory_space<vmem>> -> memref<1x128x32xf32, #tpu.memory_space<vmem>>
      %dma_start3A_1395 = tpu.memref_squeeze %dma_start3A_1394 : memref<1x128x32xf32, #tpu.memory_space<vmem>> -> memref<128x32xf32, #tpu.memory_space<vmem>>
      %dma_start3A_1396 = arith.constant 0 : i32
      %dma_start3A_1397 = tpu.memref_slice %arg11[%dma_start3A_1391, %dma_start3A_1396] : memref<4x128xi32, #tpu.memory_space<vmem>> -> memref<1x128xi32, #tpu.memory_space<vmem>>
      %dma_start3A_1398 = tpu.memref_squeeze %dma_start3A_1397 : memref<1x128xi32, #tpu.memory_space<vmem>> -> memref<128xi32, #tpu.memory_space<vmem>>
      %dma_start3A_1399 = arith.constant 0 : i32
      %dma_start3A_1400 = arith.constant 0 : i32
      %dma_start3A_1401 = tpu.memref_slice %arg16[%dma_start3A_1399, %dma_start3A_1400] : memref<51200x32xf32, #tpu.memory_space<vmem_shared>> -> memref<51200x32xf32, #tpu.memory_space<vmem_shared>>
      tpu.enqueue_indirect_dma source(%dma_start3A_1395 : memref<128x32xf32, #tpu.memory_space<vmem>>) target(%dma_start3A_1401 : memref<51200x32xf32, #tpu.memory_space<vmem_shared>>) offsets(%dma_start3A_1398 : memref<128xi32, #tpu.memory_space<vmem>>) semaphore(%arg23 : memref<!tpu.dma_semaphore, #tpu.memory_space<semaphore_mem>>) {add = true}
      %dma_start3A_1402 = arith.constant 0 : i32
      %dma_start3A_1403 = arith.constant 0 : i32
      %dma_start3A_1404 = tpu.memref_slice %arg11[%dma_start3A_1402, %dma_start3A_1403] : memref<4x128xi32, #tpu.memory_space<vmem>> -> memref<1x128xi32, #tpu.memory_space<vmem>>
      %dma_start3A_1405 = tpu.memref_squeeze %dma_start3A_1404 : memref<1x128xi32, #tpu.memory_space<vmem>> -> memref<128xi32, #tpu.memory_space<vmem>>
      %dma_start3A_1406 = arith.constant 0 : i32
      %dma_start3A_1407 = tpu.memref_slice %arg17[%dma_start3A_1406] : memref<51200xf32, #tpu.memory_space<vmem_shared>> -> memref<51200xf32, #tpu.memory_space<vmem_shared>>
      tpu.enqueue_indirect_dma source(%arg14 : memref<128xf32, #tpu.memory_space<vmem>>) target(%dma_start3A_1407 : memref<51200xf32, #tpu.memory_space<vmem_shared>>) offsets(%dma_start3A_1405 : memref<128xi32, #tpu.memory_space<vmem>>) semaphore(%arg23 : memref<!tpu.dma_semaphore, #tpu.memory_space<semaphore_mem>>) {add = true}
      %dma_wait3A_1408 = arith.constant 1 : i32
      %dma_wait3A_1409 = arith.constant 1 : i32
      %dma_wait3A_1410 = arith.constant 0 : i32
      %dma_wait3A_1411 = arith.constant 0 : i32
      %dma_wait3A_1412 = tpu.memref_slice %arg13[%dma_wait3A_1409, %dma_wait3A_1410, %dma_wait3A_1411] : memref<4x128x32xf32, #tpu.memory_space<vmem>> -> memref<1x128x32xf32, #tpu.memory_space<vmem>>
      %dma_wait3A_1413 = tpu.memref_squeeze %dma_wait3A_1412 : memref<1x128x32xf32, #tpu.memory_space<vmem>> -> memref<128x32xf32, #tpu.memory_space<vmem>>
      %dma_wait3A_1414 = arith.constant 0 : i32
      %dma_wait3A_1415 = tpu.memref_slice %arg7[%dma_wait3A_1408, %dma_wait3A_1414] : memref<4x128xi32, #tpu.memory_space<vmem>> -> memref<1x128xi32, #tpu.memory_space<vmem>>
      %dma_wait3A_1416 = tpu.memref_squeeze %dma_wait3A_1415 : memref<1x128xi32, #tpu.memory_space<vmem>> -> memref<128xi32, #tpu.memory_space<vmem>>
      %dma_wait3A_1417 = arith.constant 0 : i32
      %dma_wait3A_1418 = arith.constant 0 : i32
      %dma_wait3A_1419 = tpu.memref_slice %arg4[%dma_wait3A_1417, %dma_wait3A_1418] : memref<100000x32xf32, #tpu.memory_space<hbm>> -> memref<100000x32xf32, #tpu.memory_space<hbm>>
      tpu.wait_indirect_dma semaphore(%arg20 : memref<!tpu.dma_semaphore, #tpu.memory_space<semaphore_mem>>) src(%dma_wait3A_1419 : memref<100000x32xf32, #tpu.memory_space<hbm>>) dst(%dma_wait3A_1413 : memref<128x32xf32, #tpu.memory_space<vmem>>)
      %dma_start3A_1420 = arith.constant 1 : i32
      %dma_start3A_1421 = arith.constant 1 : i32
      %dma_start3A_1422 = arith.constant 0 : i32
      %dma_start3A_1423 = arith.constant 0 : i32
      %dma_start3A_1424 = tpu.memref_slice %arg13[%dma_start3A_1420, %dma_start3A_1422, %dma_start3A_1423] : memref<4x128x32xf32, #tpu.memory_space<vmem>> -> memref<1x128x32xf32, #tpu.memory_space<vmem>>
      %dma_start3A_1425 = tpu.memref_squeeze %dma_start3A_1424 : memref<1x128x32xf32, #tpu.memory_space<vmem>> -> memref<128x32xf32, #tpu.memory_space<vmem>>
      %dma_start3A_1426 = arith.constant 0 : i32
      %dma_start3A_1427 = tpu.memref_slice %arg11[%dma_start3A_1421, %dma_start3A_1426] : memref<4x128xi32, #tpu.memory_space<vmem>> -> memref<1x128xi32, #tpu.memory_space<vmem>>
      %dma_start3A_1428 = tpu.memref_squeeze %dma_start3A_1427 : memref<1x128xi32, #tpu.memory_space<vmem>> -> memref<128xi32, #tpu.memory_space<vmem>>
      %dma_start3A_1429 = arith.constant 0 : i32
      %dma_start3A_1430 = arith.constant 0 : i32
      %dma_start3A_1431 = tpu.memref_slice %arg16[%dma_start3A_1429, %dma_start3A_1430] : memref<51200x32xf32, #tpu.memory_space<vmem_shared>> -> memref<51200x32xf32, #tpu.memory_space<vmem_shared>>
      tpu.enqueue_indirect_dma source(%dma_start3A_1425 : memref<128x32xf32, #tpu.memory_space<vmem>>) target(%dma_start3A_1431 : memref<51200x32xf32, #tpu.memory_space<vmem_shared>>) offsets(%dma_start3A_1428 : memref<128xi32, #tpu.memory_space<vmem>>) semaphore(%arg24 : memref<!tpu.dma_semaphore, #tpu.memory_space<semaphore_mem>>) {add = true}
      %dma_start3A_1432 = arith.constant 1 : i32
      %dma_start3A_1433 = arith.constant 0 : i32
      %dma_start3A_1434 = tpu.memref_slice %arg11[%dma_start3A_1432, %dma_start3A_1433] : memref<4x128xi32, #tpu.memory_space<vmem>> -> memref<1x128xi32, #tpu.memory_space<vmem>>
      %dma_start3A_1435 = tpu.memref_squeeze %dma_start3A_1434 : memref<1x128xi32, #tpu.memory_space<vmem>> -> memref<128xi32, #tpu.memory_space<vmem>>
      %dma_start3A_1436 = arith.constant 0 : i32
      %dma_start3A_1437 = tpu.memref_slice %arg17[%dma_start3A_1436] : memref<51200xf32, #tpu.memory_space<vmem_shared>> -> memref<51200xf32, #tpu.memory_space<vmem_shared>>
      tpu.enqueue_indirect_dma source(%arg14 : memref<128xf32, #tpu.memory_space<vmem>>) target(%dma_start3A_1437 : memref<51200xf32, #tpu.memory_space<vmem_shared>>) offsets(%dma_start3A_1435 : memref<128xi32, #tpu.memory_space<vmem>>) semaphore(%arg24 : memref<!tpu.dma_semaphore, #tpu.memory_space<semaphore_mem>>) {add = true}
      %dma_wait3A_1438 = arith.constant 2 : i32
      %dma_wait3A_1439 = arith.constant 2 : i32
      %dma_wait3A_1440 = arith.constant 0 : i32
      %dma_wait3A_1441 = arith.constant 0 : i32
      %dma_wait3A_1442 = tpu.memref_slice %arg13[%dma_wait3A_1439, %dma_wait3A_1440, %dma_wait3A_1441] : memref<4x128x32xf32, #tpu.memory_space<vmem>> -> memref<1x128x32xf32, #tpu.memory_space<vmem>>
      %dma_wait3A_1443 = tpu.memref_squeeze %dma_wait3A_1442 : memref<1x128x32xf32, #tpu.memory_space<vmem>> -> memref<128x32xf32, #tpu.memory_space<vmem>>
      %dma_wait3A_1444 = arith.constant 0 : i32
      %dma_wait3A_1445 = tpu.memref_slice %arg7[%dma_wait3A_1438, %dma_wait3A_1444] : memref<4x128xi32, #tpu.memory_space<vmem>> -> memref<1x128xi32, #tpu.memory_space<vmem>>
      %dma_wait3A_1446 = tpu.memref_squeeze %dma_wait3A_1445 : memref<1x128xi32, #tpu.memory_space<vmem>> -> memref<128xi32, #tpu.memory_space<vmem>>
      %dma_wait3A_1447 = arith.constant 0 : i32
      %dma_wait3A_1448 = arith.constant 0 : i32
      %dma_wait3A_1449 = tpu.memref_slice %arg4[%dma_wait3A_1447, %dma_wait3A_1448] : memref<100000x32xf32, #tpu.memory_space<hbm>> -> memref<100000x32xf32, #tpu.memory_space<hbm>>
      tpu.wait_indirect_dma semaphore(%arg21 : memref<!tpu.dma_semaphore, #tpu.memory_space<semaphore_mem>>) src(%dma_wait3A_1449 : memref<100000x32xf32, #tpu.memory_space<hbm>>) dst(%dma_wait3A_1443 : memref<128x32xf32, #tpu.memory_space<vmem>>)
      %dma_start3A_1450 = arith.constant 2 : i32
      %dma_start3A_1451 = arith.constant 2 : i32
      %dma_start3A_1452 = arith.constant 0 : i32
      %dma_start3A_1453 = arith.constant 0 : i32
      %dma_start3A_1454 = tpu.memref_slice %arg13[%dma_start3A_1450, %dma_start3A_1452, %dma_start3A_1453] : memref<4x128x32xf32, #tpu.memory_space<vmem>> -> memref<1x128x32xf32, #tpu.memory_space<vmem>>
      %dma_start3A_1455 = tpu.memref_squeeze %dma_start3A_1454 : memref<1x128x32xf32, #tpu.memory_space<vmem>> -> memref<128x32xf32, #tpu.memory_space<vmem>>
      %dma_start3A_1456 = arith.constant 0 : i32
      %dma_start3A_1457 = tpu.memref_slice %arg11[%dma_start3A_1451, %dma_start3A_1456] : memref<4x128xi32, #tpu.memory_space<vmem>> -> memref<1x128xi32, #tpu.memory_space<vmem>>
      %dma_start3A_1458 = tpu.memref_squeeze %dma_start3A_1457 : memref<1x128xi32, #tpu.memory_space<vmem>> -> memref<128xi32, #tpu.memory_space<vmem>>
      %dma_start3A_1459 = arith.constant 0 : i32
      %dma_start3A_1460 = arith.constant 0 : i32
      %dma_start3A_1461 = tpu.memref_slice %arg16[%dma_start3A_1459, %dma_start3A_1460] : memref<51200x32xf32, #tpu.memory_space<vmem_shared>> -> memref<51200x32xf32, #tpu.memory_space<vmem_shared>>
      tpu.enqueue_indirect_dma source(%dma_start3A_1455 : memref<128x32xf32, #tpu.memory_space<vmem>>) target(%dma_start3A_1461 : memref<51200x32xf32, #tpu.memory_space<vmem_shared>>) offsets(%dma_start3A_1458 : memref<128xi32, #tpu.memory_space<vmem>>) semaphore(%arg25 : memref<!tpu.dma_semaphore, #tpu.memory_space<semaphore_mem>>) {add = true}
      %dma_start3A_1462 = arith.constant 2 : i32
      %dma_start3A_1463 = arith.constant 0 : i32
      %dma_start3A_1464 = tpu.memref_slice %arg11[%dma_start3A_1462, %dma_start3A_1463] : memref<4x128xi32, #tpu.memory_space<vmem>> -> memref<1x128xi32, #tpu.memory_space<vmem>>
      %dma_start3A_1465 = tpu.memref_squeeze %dma_start3A_1464 : memref<1x128xi32, #tpu.memory_space<vmem>> -> memref<128xi32, #tpu.memory_space<vmem>>
      %dma_start3A_1466 = arith.constant 0 : i32
      %dma_start3A_1467 = tpu.memref_slice %arg17[%dma_start3A_1466] : memref<51200xf32, #tpu.memory_space<vmem_shared>> -> memref<51200xf32, #tpu.memory_space<vmem_shared>>
      tpu.enqueue_indirect_dma source(%arg14 : memref<128xf32, #tpu.memory_space<vmem>>) target(%dma_start3A_1467 : memref<51200xf32, #tpu.memory_space<vmem_shared>>) offsets(%dma_start3A_1465 : memref<128xi32, #tpu.memory_space<vmem>>) semaphore(%arg25 : memref<!tpu.dma_semaphore, #tpu.memory_space<semaphore_mem>>) {add = true}
      %dma_wait3A_1468 = arith.constant 3 : i32
      %dma_wait3A_1469 = arith.constant 3 : i32
      %dma_wait3A_1470 = arith.constant 0 : i32
      %dma_wait3A_1471 = arith.constant 0 : i32
      %dma_wait3A_1472 = tpu.memref_slice %arg13[%dma_wait3A_1469, %dma_wait3A_1470, %dma_wait3A_1471] : memref<4x128x32xf32, #tpu.memory_space<vmem>> -> memref<1x128x32xf32, #tpu.memory_space<vmem>>
      %dma_wait3A_1473 = tpu.memref_squeeze %dma_wait3A_1472 : memref<1x128x32xf32, #tpu.memory_space<vmem>> -> memref<128x32xf32, #tpu.memory_space<vmem>>
      %dma_wait3A_1474 = arith.constant 0 : i32
      %dma_wait3A_1475 = tpu.memref_slice %arg7[%dma_wait3A_1468, %dma_wait3A_1474] : memref<4x128xi32, #tpu.memory_space<vmem>> -> memref<1x128xi32, #tpu.memory_space<vmem>>
      %dma_wait3A_1476 = tpu.memref_squeeze %dma_wait3A_1475 : memref<1x128xi32, #tpu.memory_space<vmem>> -> memref<128xi32, #tpu.memory_space<vmem>>
      %dma_wait3A_1477 = arith.constant 0 : i32
      %dma_wait3A_1478 = arith.constant 0 : i32
      %dma_wait3A_1479 = tpu.memref_slice %arg4[%dma_wait3A_1477, %dma_wait3A_1478] : memref<100000x32xf32, #tpu.memory_space<hbm>> -> memref<100000x32xf32, #tpu.memory_space<hbm>>
      tpu.wait_indirect_dma semaphore(%arg22 : memref<!tpu.dma_semaphore, #tpu.memory_space<semaphore_mem>>) src(%dma_wait3A_1479 : memref<100000x32xf32, #tpu.memory_space<hbm>>) dst(%dma_wait3A_1473 : memref<128x32xf32, #tpu.memory_space<vmem>>)
      %dma_start3A_1480 = arith.constant 3 : i32
      %dma_start3A_1481 = arith.constant 3 : i32
      %dma_start3A_1482 = arith.constant 0 : i32
      %dma_start3A_1483 = arith.constant 0 : i32
      %dma_start3A_1484 = tpu.memref_slice %arg13[%dma_start3A_1480, %dma_start3A_1482, %dma_start3A_1483] : memref<4x128x32xf32, #tpu.memory_space<vmem>> -> memref<1x128x32xf32, #tpu.memory_space<vmem>>
      %dma_start3A_1485 = tpu.memref_squeeze %dma_start3A_1484 : memref<1x128x32xf32, #tpu.memory_space<vmem>> -> memref<128x32xf32, #tpu.memory_space<vmem>>
      %dma_start3A_1486 = arith.constant 0 : i32
      %dma_start3A_1487 = tpu.memref_slice %arg11[%dma_start3A_1481, %dma_start3A_1486] : memref<4x128xi32, #tpu.memory_space<vmem>> -> memref<1x128xi32, #tpu.memory_space<vmem>>
      %dma_start3A_1488 = tpu.memref_squeeze %dma_start3A_1487 : memref<1x128xi32, #tpu.memory_space<vmem>> -> memref<128xi32, #tpu.memory_space<vmem>>
      %dma_start3A_1489 = arith.constant 0 : i32
      %dma_start3A_1490 = arith.constant 0 : i32
      %dma_start3A_1491 = tpu.memref_slice %arg16[%dma_start3A_1489, %dma_start3A_1490] : memref<51200x32xf32, #tpu.memory_space<vmem_shared>> -> memref<51200x32xf32, #tpu.memory_space<vmem_shared>>
      tpu.enqueue_indirect_dma source(%dma_start3A_1485 : memref<128x32xf32, #tpu.memory_space<vmem>>) target(%dma_start3A_1491 : memref<51200x32xf32, #tpu.memory_space<vmem_shared>>) offsets(%dma_start3A_1488 : memref<128xi32, #tpu.memory_space<vmem>>) semaphore(%arg26 : memref<!tpu.dma_semaphore, #tpu.memory_space<semaphore_mem>>) {add = true}
      %dma_start3A_1492 = arith.constant 3 : i32
      %dma_start3A_1493 = arith.constant 0 : i32
      %dma_start3A_1494 = tpu.memref_slice %arg11[%dma_start3A_1492, %dma_start3A_1493] : memref<4x128xi32, #tpu.memory_space<vmem>> -> memref<1x128xi32, #tpu.memory_space<vmem>>
      %dma_start3A_1495 = tpu.memref_squeeze %dma_start3A_1494 : memref<1x128xi32, #tpu.memory_space<vmem>> -> memref<128xi32, #tpu.memory_space<vmem>>
      %dma_start3A_1496 = arith.constant 0 : i32
      %dma_start3A_1497 = tpu.memref_slice %arg17[%dma_start3A_1496] : memref<51200xf32, #tpu.memory_space<vmem_shared>> -> memref<51200xf32, #tpu.memory_space<vmem_shared>>
      tpu.enqueue_indirect_dma source(%arg14 : memref<128xf32, #tpu.memory_space<vmem>>) target(%dma_start3A_1497 : memref<51200xf32, #tpu.memory_space<vmem_shared>>) offsets(%dma_start3A_1495 : memref<128xi32, #tpu.memory_space<vmem>>) semaphore(%arg26 : memref<!tpu.dma_semaphore, #tpu.memory_space<semaphore_mem>>) {add = true}
      %lt3A_1498 = arith.constant 194 : i32
      %lt3A_1499 = arith.cmpi slt, %mul3A_1373, %lt3A_1498 : i32
      %convert_element_type3A_1500 = arith.extui %lt3A_1499 : i1 to i32
      %cond3A_1501 = arith.constant 0 : i32
      %cond3A_1502 = arith.cmpi ne, %convert_element_type3A_1500, %cond3A_1501 : i32
      scf.if %cond3A_1502 {
        %add3A_1819 = arith.constant 2 : i32
        %add3A_1820 = arith.addi %mul3A_1373, %add3A_1819 : i32
        %mul3A_1821 = arith.constant 4 : i32
        %mul3A_1822 = arith.muli %add3A_1820, %mul3A_1821 : i32
        %add3A_1823 = arith.addi %mul3A_443, %mul3A_1822 : i32
        %dma_start3A_1824 = arith.constant 0 : i32
        %dma_start3A_1825 = tpu.memref_slice %arg2[%add3A_1823, %dma_start3A_1824] : memref<12544x128xi32, #tpu.memory_space<hbm>> -> memref<4x128xi32, #tpu.memory_space<hbm>>
        %dma_start3A_1826 = arith.constant 0 : i32
        %dma_start3A_1827 = tpu.memref_slice %arg2[%add3A_1823, %dma_start3A_1826] : memref<12544x128xi32, #tpu.memory_space<hbm>> -> memref<4x128xi32, #tpu.memory_space<hbm>>
        tpu.enqueue_dma source(%dma_start3A_1827 : memref<4x128xi32, #tpu.memory_space<hbm>>) target(%arg7 : memref<4x128xi32, #tpu.memory_space<vmem>>) target_semaphore(%arg18 : memref<!tpu.dma_semaphore, #tpu.memory_space<semaphore_mem>>)
        %dma_start3A_1828 = arith.constant 0 : i32
        %dma_start3A_1829 = tpu.memref_slice %arg3[%add3A_1823, %dma_start3A_1828] : memref<12544x128xi32, #tpu.memory_space<hbm>> -> memref<4x128xi32, #tpu.memory_space<hbm>>
        %dma_start3A_1830 = arith.constant 0 : i32
        %dma_start3A_1831 = tpu.memref_slice %arg3[%add3A_1823, %dma_start3A_1830] : memref<12544x128xi32, #tpu.memory_space<hbm>> -> memref<4x128xi32, #tpu.memory_space<hbm>>
        tpu.enqueue_dma source(%dma_start3A_1831 : memref<4x128xi32, #tpu.memory_space<hbm>>) target(%arg9 : memref<4x128xi32, #tpu.memory_space<vmem>>) target_semaphore(%arg18 : memref<!tpu.dma_semaphore, #tpu.memory_space<semaphore_mem>>)
      } else {
      }
      %dma_wait3A_1503 = arith.constant 0 : i32
      %dma_wait3A_1504 = arith.constant 0 : i32
      %dma_wait3A_1505 = arith.constant 0 : i32
      %dma_wait3A_1506 = arith.constant 0 : i32
      %dma_wait3A_1507 = tpu.memref_slice %arg13[%dma_wait3A_1503, %dma_wait3A_1505, %dma_wait3A_1506] : memref<4x128x32xf32, #tpu.memory_space<vmem>> -> memref<1x128x32xf32, #tpu.memory_space<vmem>>
      %dma_wait3A_1508 = tpu.memref_squeeze %dma_wait3A_1507 : memref<1x128x32xf32, #tpu.memory_space<vmem>> -> memref<128x32xf32, #tpu.memory_space<vmem>>
      %dma_wait3A_1509 = arith.constant 0 : i32
      %dma_wait3A_1510 = tpu.memref_slice %arg11[%dma_wait3A_1504, %dma_wait3A_1509] : memref<4x128xi32, #tpu.memory_space<vmem>> -> memref<1x128xi32, #tpu.memory_space<vmem>>
      %dma_wait3A_1511 = tpu.memref_squeeze %dma_wait3A_1510 : memref<1x128xi32, #tpu.memory_space<vmem>> -> memref<128xi32, #tpu.memory_space<vmem>>
      %dma_wait3A_1512 = arith.constant 0 : i32
      %dma_wait3A_1513 = arith.constant 0 : i32
      %dma_wait3A_1514 = tpu.memref_slice %arg16[%dma_wait3A_1512, %dma_wait3A_1513] : memref<51200x32xf32, #tpu.memory_space<vmem_shared>> -> memref<51200x32xf32, #tpu.memory_space<vmem_shared>>
      tpu.wait_indirect_dma semaphore(%arg23 : memref<!tpu.dma_semaphore, #tpu.memory_space<semaphore_mem>>) src(%dma_wait3A_1508 : memref<128x32xf32, #tpu.memory_space<vmem>>) dst(%dma_wait3A_1514 : memref<51200x32xf32, #tpu.memory_space<vmem_shared>>)
      %dma_wait3A_1515 = arith.constant 0 : i32
      %dma_wait3A_1516 = arith.constant 0 : i32
      %dma_wait3A_1517 = tpu.memref_slice %arg11[%dma_wait3A_1515, %dma_wait3A_1516] : memref<4x128xi32, #tpu.memory_space<vmem>> -> memref<1x128xi32, #tpu.memory_space<vmem>>
      %dma_wait3A_1518 = tpu.memref_squeeze %dma_wait3A_1517 : memref<1x128xi32, #tpu.memory_space<vmem>> -> memref<128xi32, #tpu.memory_space<vmem>>
      %dma_wait3A_1519 = arith.constant 0 : i32
      %dma_wait3A_1520 = tpu.memref_slice %arg17[%dma_wait3A_1519] : memref<51200xf32, #tpu.memory_space<vmem_shared>> -> memref<51200xf32, #tpu.memory_space<vmem_shared>>
      tpu.wait_indirect_dma semaphore(%arg23 : memref<!tpu.dma_semaphore, #tpu.memory_space<semaphore_mem>>) src(%arg14 : memref<128xf32, #tpu.memory_space<vmem>>) dst(%dma_wait3A_1520 : memref<51200xf32, #tpu.memory_space<vmem_shared>>)
      %lt3A_1521 = arith.constant 195 : i32
      %lt3A_1522 = arith.cmpi slt, %mul3A_1373, %lt3A_1521 : i32
      %convert_element_type3A_1523 = arith.extui %lt3A_1522 : i1 to i32
      %cond3A_1524 = arith.constant 0 : i32
      %cond3A_1525 = arith.cmpi ne, %convert_element_type3A_1523, %cond3A_1524 : i32
      scf.if %cond3A_1525 {
        %dma_start3A_1819 = arith.constant 0 : i32
        %dma_start3A_1820 = arith.constant 0 : i32
        %dma_start3A_1821 = arith.constant 0 : i32
        %dma_start3A_1822 = arith.constant 0 : i32
        %dma_start3A_1823 = tpu.memref_slice %arg13[%dma_start3A_1820, %dma_start3A_1821, %dma_start3A_1822] : memref<4x128x32xf32, #tpu.memory_space<vmem>> -> memref<1x128x32xf32, #tpu.memory_space<vmem>>
        %dma_start3A_1824 = tpu.memref_squeeze %dma_start3A_1823 : memref<1x128x32xf32, #tpu.memory_space<vmem>> -> memref<128x32xf32, #tpu.memory_space<vmem>>
        %dma_start3A_1825 = arith.constant 0 : i32
        %dma_start3A_1826 = tpu.memref_slice %arg8[%dma_start3A_1819, %dma_start3A_1825] : memref<4x128xi32, #tpu.memory_space<vmem>> -> memref<1x128xi32, #tpu.memory_space<vmem>>
        %dma_start3A_1827 = tpu.memref_squeeze %dma_start3A_1826 : memref<1x128xi32, #tpu.memory_space<vmem>> -> memref<128xi32, #tpu.memory_space<vmem>>
        %dma_start3A_1828 = arith.constant 0 : i32
        %dma_start3A_1829 = arith.constant 0 : i32
        %dma_start3A_1830 = tpu.memref_slice %arg4[%dma_start3A_1828, %dma_start3A_1829] : memref<100000x32xf32, #tpu.memory_space<hbm>> -> memref<100000x32xf32, #tpu.memory_space<hbm>>
        tpu.enqueue_indirect_dma source(%dma_start3A_1830 : memref<100000x32xf32, #tpu.memory_space<hbm>>) target(%dma_start3A_1824 : memref<128x32xf32, #tpu.memory_space<vmem>>) offsets(%dma_start3A_1827 : memref<128xi32, #tpu.memory_space<vmem>>) semaphore(%arg19 : memref<!tpu.dma_semaphore, #tpu.memory_space<semaphore_mem>>)
      } else {
      }
      %dma_wait3A_1526 = arith.constant 1 : i32
      %dma_wait3A_1527 = arith.constant 1 : i32
      %dma_wait3A_1528 = arith.constant 0 : i32
      %dma_wait3A_1529 = arith.constant 0 : i32
      %dma_wait3A_1530 = tpu.memref_slice %arg13[%dma_wait3A_1526, %dma_wait3A_1528, %dma_wait3A_1529] : memref<4x128x32xf32, #tpu.memory_space<vmem>> -> memref<1x128x32xf32, #tpu.memory_space<vmem>>
      %dma_wait3A_1531 = tpu.memref_squeeze %dma_wait3A_1530 : memref<1x128x32xf32, #tpu.memory_space<vmem>> -> memref<128x32xf32, #tpu.memory_space<vmem>>
      %dma_wait3A_1532 = arith.constant 0 : i32
      %dma_wait3A_1533 = tpu.memref_slice %arg11[%dma_wait3A_1527, %dma_wait3A_1532] : memref<4x128xi32, #tpu.memory_space<vmem>> -> memref<1x128xi32, #tpu.memory_space<vmem>>
      %dma_wait3A_1534 = tpu.memref_squeeze %dma_wait3A_1533 : memref<1x128xi32, #tpu.memory_space<vmem>> -> memref<128xi32, #tpu.memory_space<vmem>>
      %dma_wait3A_1535 = arith.constant 0 : i32
      %dma_wait3A_1536 = arith.constant 0 : i32
      %dma_wait3A_1537 = tpu.memref_slice %arg16[%dma_wait3A_1535, %dma_wait3A_1536] : memref<51200x32xf32, #tpu.memory_space<vmem_shared>> -> memref<51200x32xf32, #tpu.memory_space<vmem_shared>>
      tpu.wait_indirect_dma semaphore(%arg24 : memref<!tpu.dma_semaphore, #tpu.memory_space<semaphore_mem>>) src(%dma_wait3A_1531 : memref<128x32xf32, #tpu.memory_space<vmem>>) dst(%dma_wait3A_1537 : memref<51200x32xf32, #tpu.memory_space<vmem_shared>>)
      %dma_wait3A_1538 = arith.constant 1 : i32
      %dma_wait3A_1539 = arith.constant 0 : i32
      %dma_wait3A_1540 = tpu.memref_slice %arg11[%dma_wait3A_1538, %dma_wait3A_1539] : memref<4x128xi32, #tpu.memory_space<vmem>> -> memref<1x128xi32, #tpu.memory_space<vmem>>
      %dma_wait3A_1541 = tpu.memref_squeeze %dma_wait3A_1540 : memref<1x128xi32, #tpu.memory_space<vmem>> -> memref<128xi32, #tpu.memory_space<vmem>>
      %dma_wait3A_1542 = arith.constant 0 : i32
      %dma_wait3A_1543 = tpu.memref_slice %arg17[%dma_wait3A_1542] : memref<51200xf32, #tpu.memory_space<vmem_shared>> -> memref<51200xf32, #tpu.memory_space<vmem_shared>>
      tpu.wait_indirect_dma semaphore(%arg24 : memref<!tpu.dma_semaphore, #tpu.memory_space<semaphore_mem>>) src(%arg14 : memref<128xf32, #tpu.memory_space<vmem>>) dst(%dma_wait3A_1543 : memref<51200xf32, #tpu.memory_space<vmem_shared>>)
      %lt3A_1544 = arith.constant 195 : i32
      %lt3A_1545 = arith.cmpi slt, %mul3A_1373, %lt3A_1544 : i32
      %convert_element_type3A_1546 = arith.extui %lt3A_1545 : i1 to i32
      %cond3A_1547 = arith.constant 0 : i32
      %cond3A_1548 = arith.cmpi ne, %convert_element_type3A_1546, %cond3A_1547 : i32
      scf.if %cond3A_1548 {
        %dma_start3A_1819 = arith.constant 1 : i32
        %dma_start3A_1820 = arith.constant 1 : i32
        %dma_start3A_1821 = arith.constant 0 : i32
        %dma_start3A_1822 = arith.constant 0 : i32
        %dma_start3A_1823 = tpu.memref_slice %arg13[%dma_start3A_1820, %dma_start3A_1821, %dma_start3A_1822] : memref<4x128x32xf32, #tpu.memory_space<vmem>> -> memref<1x128x32xf32, #tpu.memory_space<vmem>>
        %dma_start3A_1824 = tpu.memref_squeeze %dma_start3A_1823 : memref<1x128x32xf32, #tpu.memory_space<vmem>> -> memref<128x32xf32, #tpu.memory_space<vmem>>
        %dma_start3A_1825 = arith.constant 0 : i32
        %dma_start3A_1826 = tpu.memref_slice %arg8[%dma_start3A_1819, %dma_start3A_1825] : memref<4x128xi32, #tpu.memory_space<vmem>> -> memref<1x128xi32, #tpu.memory_space<vmem>>
        %dma_start3A_1827 = tpu.memref_squeeze %dma_start3A_1826 : memref<1x128xi32, #tpu.memory_space<vmem>> -> memref<128xi32, #tpu.memory_space<vmem>>
        %dma_start3A_1828 = arith.constant 0 : i32
        %dma_start3A_1829 = arith.constant 0 : i32
        %dma_start3A_1830 = tpu.memref_slice %arg4[%dma_start3A_1828, %dma_start3A_1829] : memref<100000x32xf32, #tpu.memory_space<hbm>> -> memref<100000x32xf32, #tpu.memory_space<hbm>>
        tpu.enqueue_indirect_dma source(%dma_start3A_1830 : memref<100000x32xf32, #tpu.memory_space<hbm>>) target(%dma_start3A_1824 : memref<128x32xf32, #tpu.memory_space<vmem>>) offsets(%dma_start3A_1827 : memref<128xi32, #tpu.memory_space<vmem>>) semaphore(%arg20 : memref<!tpu.dma_semaphore, #tpu.memory_space<semaphore_mem>>)
      } else {
      }
      %dma_wait3A_1549 = arith.constant 2 : i32
      %dma_wait3A_1550 = arith.constant 2 : i32
      %dma_wait3A_1551 = arith.constant 0 : i32
      %dma_wait3A_1552 = arith.constant 0 : i32
      %dma_wait3A_1553 = tpu.memref_slice %arg13[%dma_wait3A_1549, %dma_wait3A_1551, %dma_wait3A_1552] : memref<4x128x32xf32, #tpu.memory_space<vmem>> -> memref<1x128x32xf32, #tpu.memory_space<vmem>>
      %dma_wait3A_1554 = tpu.memref_squeeze %dma_wait3A_1553 : memref<1x128x32xf32, #tpu.memory_space<vmem>> -> memref<128x32xf32, #tpu.memory_space<vmem>>
      %dma_wait3A_1555 = arith.constant 0 : i32
      %dma_wait3A_1556 = tpu.memref_slice %arg11[%dma_wait3A_1550, %dma_wait3A_1555] : memref<4x128xi32, #tpu.memory_space<vmem>> -> memref<1x128xi32, #tpu.memory_space<vmem>>
      %dma_wait3A_1557 = tpu.memref_squeeze %dma_wait3A_1556 : memref<1x128xi32, #tpu.memory_space<vmem>> -> memref<128xi32, #tpu.memory_space<vmem>>
      %dma_wait3A_1558 = arith.constant 0 : i32
      %dma_wait3A_1559 = arith.constant 0 : i32
      %dma_wait3A_1560 = tpu.memref_slice %arg16[%dma_wait3A_1558, %dma_wait3A_1559] : memref<51200x32xf32, #tpu.memory_space<vmem_shared>> -> memref<51200x32xf32, #tpu.memory_space<vmem_shared>>
      tpu.wait_indirect_dma semaphore(%arg25 : memref<!tpu.dma_semaphore, #tpu.memory_space<semaphore_mem>>) src(%dma_wait3A_1554 : memref<128x32xf32, #tpu.memory_space<vmem>>) dst(%dma_wait3A_1560 : memref<51200x32xf32, #tpu.memory_space<vmem_shared>>)
      %dma_wait3A_1561 = arith.constant 2 : i32
      %dma_wait3A_1562 = arith.constant 0 : i32
      %dma_wait3A_1563 = tpu.memref_slice %arg11[%dma_wait3A_1561, %dma_wait3A_1562] : memref<4x128xi32, #tpu.memory_space<vmem>> -> memref<1x128xi32, #tpu.memory_space<vmem>>
      %dma_wait3A_1564 = tpu.memref_squeeze %dma_wait3A_1563 : memref<1x128xi32, #tpu.memory_space<vmem>> -> memref<128xi32, #tpu.memory_space<vmem>>
      %dma_wait3A_1565 = arith.constant 0 : i32
      %dma_wait3A_1566 = tpu.memref_slice %arg17[%dma_wait3A_1565] : memref<51200xf32, #tpu.memory_space<vmem_shared>> -> memref<51200xf32, #tpu.memory_space<vmem_shared>>
      tpu.wait_indirect_dma semaphore(%arg25 : memref<!tpu.dma_semaphore, #tpu.memory_space<semaphore_mem>>) src(%arg14 : memref<128xf32, #tpu.memory_space<vmem>>) dst(%dma_wait3A_1566 : memref<51200xf32, #tpu.memory_space<vmem_shared>>)
      %lt3A_1567 = arith.constant 195 : i32
      %lt3A_1568 = arith.cmpi slt, %mul3A_1373, %lt3A_1567 : i32
      %convert_element_type3A_1569 = arith.extui %lt3A_1568 : i1 to i32
      %cond3A_1570 = arith.constant 0 : i32
      %cond3A_1571 = arith.cmpi ne, %convert_element_type3A_1569, %cond3A_1570 : i32
      scf.if %cond3A_1571 {
        %dma_start3A_1819 = arith.constant 2 : i32
        %dma_start3A_1820 = arith.constant 2 : i32
        %dma_start3A_1821 = arith.constant 0 : i32
        %dma_start3A_1822 = arith.constant 0 : i32
        %dma_start3A_1823 = tpu.memref_slice %arg13[%dma_start3A_1820, %dma_start3A_1821, %dma_start3A_1822] : memref<4x128x32xf32, #tpu.memory_space<vmem>> -> memref<1x128x32xf32, #tpu.memory_space<vmem>>
        %dma_start3A_1824 = tpu.memref_squeeze %dma_start3A_1823 : memref<1x128x32xf32, #tpu.memory_space<vmem>> -> memref<128x32xf32, #tpu.memory_space<vmem>>
        %dma_start3A_1825 = arith.constant 0 : i32
        %dma_start3A_1826 = tpu.memref_slice %arg8[%dma_start3A_1819, %dma_start3A_1825] : memref<4x128xi32, #tpu.memory_space<vmem>> -> memref<1x128xi32, #tpu.memory_space<vmem>>
        %dma_start3A_1827 = tpu.memref_squeeze %dma_start3A_1826 : memref<1x128xi32, #tpu.memory_space<vmem>> -> memref<128xi32, #tpu.memory_space<vmem>>
        %dma_start3A_1828 = arith.constant 0 : i32
        %dma_start3A_1829 = arith.constant 0 : i32
        %dma_start3A_1830 = tpu.memref_slice %arg4[%dma_start3A_1828, %dma_start3A_1829] : memref<100000x32xf32, #tpu.memory_space<hbm>> -> memref<100000x32xf32, #tpu.memory_space<hbm>>
        tpu.enqueue_indirect_dma source(%dma_start3A_1830 : memref<100000x32xf32, #tpu.memory_space<hbm>>) target(%dma_start3A_1824 : memref<128x32xf32, #tpu.memory_space<vmem>>) offsets(%dma_start3A_1827 : memref<128xi32, #tpu.memory_space<vmem>>) semaphore(%arg21 : memref<!tpu.dma_semaphore, #tpu.memory_space<semaphore_mem>>)
      } else {
      }
      %dma_wait3A_1572 = arith.constant 3 : i32
      %dma_wait3A_1573 = arith.constant 3 : i32
      %dma_wait3A_1574 = arith.constant 0 : i32
      %dma_wait3A_1575 = arith.constant 0 : i32
      %dma_wait3A_1576 = tpu.memref_slice %arg13[%dma_wait3A_1572, %dma_wait3A_1574, %dma_wait3A_1575] : memref<4x128x32xf32, #tpu.memory_space<vmem>> -> memref<1x128x32xf32, #tpu.memory_space<vmem>>
      %dma_wait3A_1577 = tpu.memref_squeeze %dma_wait3A_1576 : memref<1x128x32xf32, #tpu.memory_space<vmem>> -> memref<128x32xf32, #tpu.memory_space<vmem>>
      %dma_wait3A_1578 = arith.constant 0 : i32
      %dma_wait3A_1579 = tpu.memref_slice %arg11[%dma_wait3A_1573, %dma_wait3A_1578] : memref<4x128xi32, #tpu.memory_space<vmem>> -> memref<1x128xi32, #tpu.memory_space<vmem>>
      %dma_wait3A_1580 = tpu.memref_squeeze %dma_wait3A_1579 : memref<1x128xi32, #tpu.memory_space<vmem>> -> memref<128xi32, #tpu.memory_space<vmem>>
      %dma_wait3A_1581 = arith.constant 0 : i32
      %dma_wait3A_1582 = arith.constant 0 : i32
      %dma_wait3A_1583 = tpu.memref_slice %arg16[%dma_wait3A_1581, %dma_wait3A_1582] : memref<51200x32xf32, #tpu.memory_space<vmem_shared>> -> memref<51200x32xf32, #tpu.memory_space<vmem_shared>>
      tpu.wait_indirect_dma semaphore(%arg26 : memref<!tpu.dma_semaphore, #tpu.memory_space<semaphore_mem>>) src(%dma_wait3A_1577 : memref<128x32xf32, #tpu.memory_space<vmem>>) dst(%dma_wait3A_1583 : memref<51200x32xf32, #tpu.memory_space<vmem_shared>>)
      %dma_wait3A_1584 = arith.constant 3 : i32
      %dma_wait3A_1585 = arith.constant 0 : i32
      %dma_wait3A_1586 = tpu.memref_slice %arg11[%dma_wait3A_1584, %dma_wait3A_1585] : memref<4x128xi32, #tpu.memory_space<vmem>> -> memref<1x128xi32, #tpu.memory_space<vmem>>
      %dma_wait3A_1587 = tpu.memref_squeeze %dma_wait3A_1586 : memref<1x128xi32, #tpu.memory_space<vmem>> -> memref<128xi32, #tpu.memory_space<vmem>>
      %dma_wait3A_1588 = arith.constant 0 : i32
      %dma_wait3A_1589 = tpu.memref_slice %arg17[%dma_wait3A_1588] : memref<51200xf32, #tpu.memory_space<vmem_shared>> -> memref<51200xf32, #tpu.memory_space<vmem_shared>>
      tpu.wait_indirect_dma semaphore(%arg26 : memref<!tpu.dma_semaphore, #tpu.memory_space<semaphore_mem>>) src(%arg14 : memref<128xf32, #tpu.memory_space<vmem>>) dst(%dma_wait3A_1589 : memref<51200xf32, #tpu.memory_space<vmem_shared>>)
      %lt3A_1590 = arith.constant 195 : i32
      %lt3A_1591 = arith.cmpi slt, %mul3A_1373, %lt3A_1590 : i32
      %convert_element_type3A_1592 = arith.extui %lt3A_1591 : i1 to i32
      %cond3A_1593 = arith.constant 0 : i32
      %cond3A_1594 = arith.cmpi ne, %convert_element_type3A_1592, %cond3A_1593 : i32
      scf.if %cond3A_1594 {
        %dma_start3A_1819 = arith.constant 3 : i32
        %dma_start3A_1820 = arith.constant 3 : i32
        %dma_start3A_1821 = arith.constant 0 : i32
        %dma_start3A_1822 = arith.constant 0 : i32
        %dma_start3A_1823 = tpu.memref_slice %arg13[%dma_start3A_1820, %dma_start3A_1821, %dma_start3A_1822] : memref<4x128x32xf32, #tpu.memory_space<vmem>> -> memref<1x128x32xf32, #tpu.memory_space<vmem>>
        %dma_start3A_1824 = tpu.memref_squeeze %dma_start3A_1823 : memref<1x128x32xf32, #tpu.memory_space<vmem>> -> memref<128x32xf32, #tpu.memory_space<vmem>>
        %dma_start3A_1825 = arith.constant 0 : i32
        %dma_start3A_1826 = tpu.memref_slice %arg8[%dma_start3A_1819, %dma_start3A_1825] : memref<4x128xi32, #tpu.memory_space<vmem>> -> memref<1x128xi32, #tpu.memory_space<vmem>>
        %dma_start3A_1827 = tpu.memref_squeeze %dma_start3A_1826 : memref<1x128xi32, #tpu.memory_space<vmem>> -> memref<128xi32, #tpu.memory_space<vmem>>
        %dma_start3A_1828 = arith.constant 0 : i32
        %dma_start3A_1829 = arith.constant 0 : i32
        %dma_start3A_1830 = tpu.memref_slice %arg4[%dma_start3A_1828, %dma_start3A_1829] : memref<100000x32xf32, #tpu.memory_space<hbm>> -> memref<100000x32xf32, #tpu.memory_space<hbm>>
        tpu.enqueue_indirect_dma source(%dma_start3A_1830 : memref<100000x32xf32, #tpu.memory_space<hbm>>) target(%dma_start3A_1824 : memref<128x32xf32, #tpu.memory_space<vmem>>) offsets(%dma_start3A_1827 : memref<128xi32, #tpu.memory_space<vmem>>) semaphore(%arg22 : memref<!tpu.dma_semaphore, #tpu.memory_space<semaphore_mem>>)
      } else {
      }
      %add3A_1595 = arith.constant 1 : i32
      %add3A_1596 = arith.addi %mul3A_1373, %add3A_1595 : i32
      %lt3A_1597 = arith.constant 195 : i32
      %lt3A_1598 = arith.cmpi slt, %add3A_1596, %lt3A_1597 : i32
      %convert_element_type3A_1599 = arith.extui %lt3A_1598 : i1 to i32
      %cond3A_1600 = arith.constant 0 : i32
      %cond3A_1601 = arith.cmpi ne, %convert_element_type3A_1599, %cond3A_1600 : i32
      scf.if %cond3A_1601 {
        %add3A_1819 = arith.constant 1 : i32
        %add3A_1820 = arith.addi %add3A_1596, %add3A_1819 : i32
        %mul3A_1821 = arith.constant 4 : i32
        %mul3A_1822 = arith.muli %add3A_1820, %mul3A_1821 : i32
        %add3A_1823 = arith.addi %mul3A_443, %mul3A_1822 : i32
        %dma_wait3A_1824 = arith.constant 0 : i32
        %dma_wait3A_1825 = tpu.memref_slice %arg2[%add3A_1823, %dma_wait3A_1824] : memref<12544x128xi32, #tpu.memory_space<hbm>> -> memref<4x128xi32, #tpu.memory_space<hbm>>
        %dma_wait3A_1826 = arith.constant 0 : i32
        %dma_wait3A_1827 = tpu.memref_slice %arg2[%add3A_1823, %dma_wait3A_1826] : memref<12544x128xi32, #tpu.memory_space<hbm>> -> memref<4x128xi32, #tpu.memory_space<hbm>>
        tpu.wait_dma2 semaphore(%arg18 : memref<!tpu.dma_semaphore, #tpu.memory_space<semaphore_mem>>) src(%dma_wait3A_1827 : memref<4x128xi32, #tpu.memory_space<hbm>>) dst(%arg7 : memref<4x128xi32, #tpu.memory_space<vmem>>)
        %dma_wait3A_1828 = arith.constant 0 : i32
        %dma_wait3A_1829 = tpu.memref_slice %arg3[%add3A_1823, %dma_wait3A_1828] : memref<12544x128xi32, #tpu.memory_space<hbm>> -> memref<4x128xi32, #tpu.memory_space<hbm>>
        %dma_wait3A_1830 = arith.constant 0 : i32
        %dma_wait3A_1831 = tpu.memref_slice %arg3[%add3A_1823, %dma_wait3A_1830] : memref<12544x128xi32, #tpu.memory_space<hbm>> -> memref<4x128xi32, #tpu.memory_space<hbm>>
        tpu.wait_dma2 semaphore(%arg18 : memref<!tpu.dma_semaphore, #tpu.memory_space<semaphore_mem>>) src(%dma_wait3A_1831 : memref<4x128xi32, #tpu.memory_space<hbm>>) dst(%arg9 : memref<4x128xi32, #tpu.memory_space<vmem>>)
        %get3A_1832 = arith.constant 0 : i32
        %get3A_1833 = arith.index_cast %get3A_1832 : i32 to index
        %get3A_1834 = arith.constant 0 : index
        %get3A_1835 = tpu.vector_load %arg9[%get3A_1833, %get3A_1834] {strides = array<i32>} : memref<4x128xi32, #tpu.memory_space<vmem>>, vector<1x16xi32>,
        %get3A_1836 = vector.shape_cast %get3A_1835 : vector<1x16xi32> to vector<16xi32>
        %ge3A_1837 = vector.broadcast %mul3A_0 : i32 to vector<16xi32>
        %ge3A_1838 = arith.cmpi sge, %get3A_1836, %ge3A_1837 : vector<16xi32>
        %add3A_1839 = arith.constant 50000 : i32
        %add3A_1840 = arith.addi %mul3A_0, %add3A_1839 : i32
        %lt3A_1841 = vector.broadcast %add3A_1840 : i32 to vector<16xi32>
        %lt3A_1842 = arith.cmpi slt, %get3A_1836, %lt3A_1841 : vector<16xi32>
        %and3A_1843 = arith.andi %ge3A_1838, %lt3A_1842 : vector<16xi1>
        %and3A_1844 = arith.constant 1023 : i32
        %and3A_1845 = vector.broadcast %and3A_1844 : i32 to vector<16xi32>
        %and3A_1846 = arith.andi %get3A_1836, %and3A_1845 : vector<16xi32>
        %add3A_1847 = arith.constant 50000 : i32
        %add3A_1848 = vector.broadcast %add3A_1847 : i32 to vector<16xi32>
        %add3A_1849 = arith.addi %add3A_1848, %and3A_1846 : vector<16xi32>
        %sub3A_1850 = vector.broadcast %mul3A_0 : i32 to vector<16xi32>
        %sub3A_1851 = arith.subi %get3A_1836, %sub3A_1850 : vector<16xi32>
        %select_n3A_1852 = arith.select %and3A_1843, %sub3A_1851, %add3A_1849 : vector<16xi1>, vector<16xi32>
        %swap3A_1853 = arith.constant 0 : i32
        %swap3A_1854 = arith.index_cast %swap3A_1853 : i32 to index
        %swap3A_1855 = arith.constant 0 : index
        %swap3A_1856 = tpu.vector_load %arg11[%swap3A_1854, %swap3A_1855] {strides = array<i32>} : memref<4x128xi32, #tpu.memory_space<vmem>>, vector<1x16xi32>,
        %swap3A_1857 = vector.shape_cast %swap3A_1856 : vector<1x16xi32> to vector<16xi32>
        %swap3A_1858 = vector.shape_cast %select_n3A_1852 : vector<16xi32> to vector<1x16xi32>
        tpu.vector_store %arg11[%swap3A_1854, %swap3A_1855], %swap3A_1858 {strides = array<i32>} : memref<4x128xi32, #tpu.memory_space<vmem>>, vector<1x16xi32>,
        %get3A_1859 = arith.constant 0 : i32
        %get3A_1860 = arith.index_cast %get3A_1859 : i32 to index
        %get3A_1861 = arith.constant 16 : index
        %get3A_1862 = tpu.vector_load %arg9[%get3A_1860, %get3A_1861] {strides = array<i32>} : memref<4x128xi32, #tpu.memory_space<vmem>>, vector<1x16xi32>,
        %get3A_1863 = vector.shape_cast %get3A_1862 : vector<1x16xi32> to vector<16xi32>
        %ge3A_1864 = vector.broadcast %mul3A_0 : i32 to vector<16xi32>
        %ge3A_1865 = arith.cmpi sge, %get3A_1863, %ge3A_1864 : vector<16xi32>
        %add3A_1866 = arith.constant 50000 : i32
        %add3A_1867 = arith.addi %mul3A_0, %add3A_1866 : i32
        %lt3A_1868 = vector.broadcast %add3A_1867 : i32 to vector<16xi32>
        %lt3A_1869 = arith.cmpi slt, %get3A_1863, %lt3A_1868 : vector<16xi32>
        %and3A_1870 = arith.andi %ge3A_1865, %lt3A_1869 : vector<16xi1>
        %and3A_1871 = arith.constant 1023 : i32
        %and3A_1872 = vector.broadcast %and3A_1871 : i32 to vector<16xi32>
        %and3A_1873 = arith.andi %get3A_1863, %and3A_1872 : vector<16xi32>
        %add3A_1874 = arith.constant 50000 : i32
        %add3A_1875 = vector.broadcast %add3A_1874 : i32 to vector<16xi32>
        %add3A_1876 = arith.addi %add3A_1875, %and3A_1873 : vector<16xi32>
        %sub3A_1877 = vector.broadcast %mul3A_0 : i32 to vector<16xi32>
        %sub3A_1878 = arith.subi %get3A_1863, %sub3A_1877 : vector<16xi32>
        %select_n3A_1879 = arith.select %and3A_1870, %sub3A_1878, %add3A_1876 : vector<16xi1>, vector<16xi32>
        %swap3A_1880 = arith.constant 0 : i32
        %swap3A_1881 = arith.index_cast %swap3A_1880 : i32 to index
        %swap3A_1882 = arith.constant 16 : index
        %swap3A_1883 = tpu.vector_load %arg11[%swap3A_1881, %swap3A_1882] {strides = array<i32>} : memref<4x128xi32, #tpu.memory_space<vmem>>, vector<1x16xi32>,
        %swap3A_1884 = vector.shape_cast %swap3A_1883 : vector<1x16xi32> to vector<16xi32>
        %swap3A_1885 = vector.shape_cast %select_n3A_1879 : vector<16xi32> to vector<1x16xi32>
        tpu.vector_store %arg11[%swap3A_1881, %swap3A_1882], %swap3A_1885 {strides = array<i32>} : memref<4x128xi32, #tpu.memory_space<vmem>>, vector<1x16xi32>,
        %get3A_1886 = arith.constant 0 : i32
        %get3A_1887 = arith.index_cast %get3A_1886 : i32 to index
        %get3A_1888 = arith.constant 32 : index
        %get3A_1889 = tpu.vector_load %arg9[%get3A_1887, %get3A_1888] {strides = array<i32>} : memref<4x128xi32, #tpu.memory_space<vmem>>, vector<1x16xi32>,
        %get3A_1890 = vector.shape_cast %get3A_1889 : vector<1x16xi32> to vector<16xi32>
        %ge3A_1891 = vector.broadcast %mul3A_0 : i32 to vector<16xi32>
        %ge3A_1892 = arith.cmpi sge, %get3A_1890, %ge3A_1891 : vector<16xi32>
        %add3A_1893 = arith.constant 50000 : i32
        %add3A_1894 = arith.addi %mul3A_0, %add3A_1893 : i32
        %lt3A_1895 = vector.broadcast %add3A_1894 : i32 to vector<16xi32>
        %lt3A_1896 = arith.cmpi slt, %get3A_1890, %lt3A_1895 : vector<16xi32>
        %and3A_1897 = arith.andi %ge3A_1892, %lt3A_1896 : vector<16xi1>
        %and3A_1898 = arith.constant 1023 : i32
        %and3A_1899 = vector.broadcast %and3A_1898 : i32 to vector<16xi32>
        %and3A_1900 = arith.andi %get3A_1890, %and3A_1899 : vector<16xi32>
        %add3A_1901 = arith.constant 50000 : i32
        %add3A_1902 = vector.broadcast %add3A_1901 : i32 to vector<16xi32>
        %add3A_1903 = arith.addi %add3A_1902, %and3A_1900 : vector<16xi32>
        %sub3A_1904 = vector.broadcast %mul3A_0 : i32 to vector<16xi32>
        %sub3A_1905 = arith.subi %get3A_1890, %sub3A_1904 : vector<16xi32>
        %select_n3A_1906 = arith.select %and3A_1897, %sub3A_1905, %add3A_1903 : vector<16xi1>, vector<16xi32>
        %swap3A_1907 = arith.constant 0 : i32
        %swap3A_1908 = arith.index_cast %swap3A_1907 : i32 to index
        %swap3A_1909 = arith.constant 32 : index
        %swap3A_1910 = tpu.vector_load %arg11[%swap3A_1908, %swap3A_1909] {strides = array<i32>} : memref<4x128xi32, #tpu.memory_space<vmem>>, vector<1x16xi32>,
        %swap3A_1911 = vector.shape_cast %swap3A_1910 : vector<1x16xi32> to vector<16xi32>
        %swap3A_1912 = vector.shape_cast %select_n3A_1906 : vector<16xi32> to vector<1x16xi32>
        tpu.vector_store %arg11[%swap3A_1908, %swap3A_1909], %swap3A_1912 {strides = array<i32>} : memref<4x128xi32, #tpu.memory_space<vmem>>, vector<1x16xi32>,
        %get3A_1913 = arith.constant 0 : i32
        %get3A_1914 = arith.index_cast %get3A_1913 : i32 to index
        %get3A_1915 = arith.constant 48 : index
        %get3A_1916 = tpu.vector_load %arg9[%get3A_1914, %get3A_1915] {strides = array<i32>} : memref<4x128xi32, #tpu.memory_space<vmem>>, vector<1x16xi32>,
        %get3A_1917 = vector.shape_cast %get3A_1916 : vector<1x16xi32> to vector<16xi32>
        %ge3A_1918 = vector.broadcast %mul3A_0 : i32 to vector<16xi32>
        %ge3A_1919 = arith.cmpi sge, %get3A_1917, %ge3A_1918 : vector<16xi32>
        %add3A_1920 = arith.constant 50000 : i32
        %add3A_1921 = arith.addi %mul3A_0, %add3A_1920 : i32
        %lt3A_1922 = vector.broadcast %add3A_1921 : i32 to vector<16xi32>
        %lt3A_1923 = arith.cmpi slt, %get3A_1917, %lt3A_1922 : vector<16xi32>
        %and3A_1924 = arith.andi %ge3A_1919, %lt3A_1923 : vector<16xi1>
        %and3A_1925 = arith.constant 1023 : i32
        %and3A_1926 = vector.broadcast %and3A_1925 : i32 to vector<16xi32>
        %and3A_1927 = arith.andi %get3A_1917, %and3A_1926 : vector<16xi32>
        %add3A_1928 = arith.constant 50000 : i32
        %add3A_1929 = vector.broadcast %add3A_1928 : i32 to vector<16xi32>
        %add3A_1930 = arith.addi %add3A_1929, %and3A_1927 : vector<16xi32>
        %sub3A_1931 = vector.broadcast %mul3A_0 : i32 to vector<16xi32>
        %sub3A_1932 = arith.subi %get3A_1917, %sub3A_1931 : vector<16xi32>
        %select_n3A_1933 = arith.select %and3A_1924, %sub3A_1932, %add3A_1930 : vector<16xi1>, vector<16xi32>
        %swap3A_1934 = arith.constant 0 : i32
        %swap3A_1935 = arith.index_cast %swap3A_1934 : i32 to index
        %swap3A_1936 = arith.constant 48 : index
        %swap3A_1937 = tpu.vector_load %arg11[%swap3A_1935, %swap3A_1936] {strides = array<i32>} : memref<4x128xi32, #tpu.memory_space<vmem>>, vector<1x16xi32>,
        %swap3A_1938 = vector.shape_cast %swap3A_1937 : vector<1x16xi32> to vector<16xi32>
        %swap3A_1939 = vector.shape_cast %select_n3A_1933 : vector<16xi32> to vector<1x16xi32>
        tpu.vector_store %arg11[%swap3A_1935, %swap3A_1936], %swap3A_1939 {strides = array<i32>} : memref<4x128xi32, #tpu.memory_space<vmem>>, vector<1x16xi32>,
        %get3A_1940 = arith.constant 0 : i32
        %get3A_1941 = arith.index_cast %get3A_1940 : i32 to index
        %get3A_1942 = arith.constant 64 : index
        %get3A_1943 = tpu.vector_load %arg9[%get3A_1941, %get3A_1942] {strides = array<i32>} : memref<4x128xi32, #tpu.memory_space<vmem>>, vector<1x16xi32>,
        %get3A_1944 = vector.shape_cast %get3A_1943 : vector<1x16xi32> to vector<16xi32>
        %ge3A_1945 = vector.broadcast %mul3A_0 : i32 to vector<16xi32>
        %ge3A_1946 = arith.cmpi sge, %get3A_1944, %ge3A_1945 : vector<16xi32>
        %add3A_1947 = arith.constant 50000 : i32
        %add3A_1948 = arith.addi %mul3A_0, %add3A_1947 : i32
        %lt3A_1949 = vector.broadcast %add3A_1948 : i32 to vector<16xi32>
        %lt3A_1950 = arith.cmpi slt, %get3A_1944, %lt3A_1949 : vector<16xi32>
        %and3A_1951 = arith.andi %ge3A_1946, %lt3A_1950 : vector<16xi1>
        %and3A_1952 = arith.constant 1023 : i32
        %and3A_1953 = vector.broadcast %and3A_1952 : i32 to vector<16xi32>
        %and3A_1954 = arith.andi %get3A_1944, %and3A_1953 : vector<16xi32>
        %add3A_1955 = arith.constant 50000 : i32
        %add3A_1956 = vector.broadcast %add3A_1955 : i32 to vector<16xi32>
        %add3A_1957 = arith.addi %add3A_1956, %and3A_1954 : vector<16xi32>
        %sub3A_1958 = vector.broadcast %mul3A_0 : i32 to vector<16xi32>
        %sub3A_1959 = arith.subi %get3A_1944, %sub3A_1958 : vector<16xi32>
        %select_n3A_1960 = arith.select %and3A_1951, %sub3A_1959, %add3A_1957 : vector<16xi1>, vector<16xi32>
        %swap3A_1961 = arith.constant 0 : i32
        %swap3A_1962 = arith.index_cast %swap3A_1961 : i32 to index
        %swap3A_1963 = arith.constant 64 : index
        %swap3A_1964 = tpu.vector_load %arg11[%swap3A_1962, %swap3A_1963] {strides = array<i32>} : memref<4x128xi32, #tpu.memory_space<vmem>>, vector<1x16xi32>,
        %swap3A_1965 = vector.shape_cast %swap3A_1964 : vector<1x16xi32> to vector<16xi32>
        %swap3A_1966 = vector.shape_cast %select_n3A_1960 : vector<16xi32> to vector<1x16xi32>
        tpu.vector_store %arg11[%swap3A_1962, %swap3A_1963], %swap3A_1966 {strides = array<i32>} : memref<4x128xi32, #tpu.memory_space<vmem>>, vector<1x16xi32>,
        %get3A_1967 = arith.constant 0 : i32
        %get3A_1968 = arith.index_cast %get3A_1967 : i32 to index
        %get3A_1969 = arith.constant 80 : index
        %get3A_1970 = tpu.vector_load %arg9[%get3A_1968, %get3A_1969] {strides = array<i32>} : memref<4x128xi32, #tpu.memory_space<vmem>>, vector<1x16xi32>,
        %get3A_1971 = vector.shape_cast %get3A_1970 : vector<1x16xi32> to vector<16xi32>
        %ge3A_1972 = vector.broadcast %mul3A_0 : i32 to vector<16xi32>
        %ge3A_1973 = arith.cmpi sge, %get3A_1971, %ge3A_1972 : vector<16xi32>
        %add3A_1974 = arith.constant 50000 : i32
        %add3A_1975 = arith.addi %mul3A_0, %add3A_1974 : i32
        %lt3A_1976 = vector.broadcast %add3A_1975 : i32 to vector<16xi32>
        %lt3A_1977 = arith.cmpi slt, %get3A_1971, %lt3A_1976 : vector<16xi32>
        %and3A_1978 = arith.andi %ge3A_1973, %lt3A_1977 : vector<16xi1>
        %and3A_1979 = arith.constant 1023 : i32
        %and3A_1980 = vector.broadcast %and3A_1979 : i32 to vector<16xi32>
        %and3A_1981 = arith.andi %get3A_1971, %and3A_1980 : vector<16xi32>
        %add3A_1982 = arith.constant 50000 : i32
        %add3A_1983 = vector.broadcast %add3A_1982 : i32 to vector<16xi32>
        %add3A_1984 = arith.addi %add3A_1983, %and3A_1981 : vector<16xi32>
        %sub3A_1985 = vector.broadcast %mul3A_0 : i32 to vector<16xi32>
        %sub3A_1986 = arith.subi %get3A_1971, %sub3A_1985 : vector<16xi32>
        %select_n3A_1987 = arith.select %and3A_1978, %sub3A_1986, %add3A_1984 : vector<16xi1>, vector<16xi32>
        %swap3A_1988 = arith.constant 0 : i32
        %swap3A_1989 = arith.index_cast %swap3A_1988 : i32 to index
        %swap3A_1990 = arith.constant 80 : index
        %swap3A_1991 = tpu.vector_load %arg11[%swap3A_1989, %swap3A_1990] {strides = array<i32>} : memref<4x128xi32, #tpu.memory_space<vmem>>, vector<1x16xi32>,
        %swap3A_1992 = vector.shape_cast %swap3A_1991 : vector<1x16xi32> to vector<16xi32>
        %swap3A_1993 = vector.shape_cast %select_n3A_1987 : vector<16xi32> to vector<1x16xi32>
        tpu.vector_store %arg11[%swap3A_1989, %swap3A_1990], %swap3A_1993 {strides = array<i32>} : memref<4x128xi32, #tpu.memory_space<vmem>>, vector<1x16xi32>,
        %get3A_1994 = arith.constant 0 : i32
        %get3A_1995 = arith.index_cast %get3A_1994 : i32 to index
        %get3A_1996 = arith.constant 96 : index
        %get3A_1997 = tpu.vector_load %arg9[%get3A_1995, %get3A_1996] {strides = array<i32>} : memref<4x128xi32, #tpu.memory_space<vmem>>, vector<1x16xi32>,
        %get3A_1998 = vector.shape_cast %get3A_1997 : vector<1x16xi32> to vector<16xi32>
        %ge3A_1999 = vector.broadcast %mul3A_0 : i32 to vector<16xi32>
        %ge3A_2000 = arith.cmpi sge, %get3A_1998, %ge3A_1999 : vector<16xi32>
        %add3A_2001 = arith.constant 50000 : i32
        %add3A_2002 = arith.addi %mul3A_0, %add3A_2001 : i32
        %lt3A_2003 = vector.broadcast %add3A_2002 : i32 to vector<16xi32>
        %lt3A_2004 = arith.cmpi slt, %get3A_1998, %lt3A_2003 : vector<16xi32>
        %and3A_2005 = arith.andi %ge3A_2000, %lt3A_2004 : vector<16xi1>
        %and3A_2006 = arith.constant 1023 : i32
        %and3A_2007 = vector.broadcast %and3A_2006 : i32 to vector<16xi32>
        %and3A_2008 = arith.andi %get3A_1998, %and3A_2007 : vector<16xi32>
        %add3A_2009 = arith.constant 50000 : i32
        %add3A_2010 = vector.broadcast %add3A_2009 : i32 to vector<16xi32>
        %add3A_2011 = arith.addi %add3A_2010, %and3A_2008 : vector<16xi32>
        %sub3A_2012 = vector.broadcast %mul3A_0 : i32 to vector<16xi32>
        %sub3A_2013 = arith.subi %get3A_1998, %sub3A_2012 : vector<16xi32>
        %select_n3A_2014 = arith.select %and3A_2005, %sub3A_2013, %add3A_2011 : vector<16xi1>, vector<16xi32>
        %swap3A_2015 = arith.constant 0 : i32
        %swap3A_2016 = arith.index_cast %swap3A_2015 : i32 to index
        %swap3A_2017 = arith.constant 96 : index
        %swap3A_2018 = tpu.vector_load %arg11[%swap3A_2016, %swap3A_2017] {strides = array<i32>} : memref<4x128xi32, #tpu.memory_space<vmem>>, vector<1x16xi32>,
        %swap3A_2019 = vector.shape_cast %swap3A_2018 : vector<1x16xi32> to vector<16xi32>
        %swap3A_2020 = vector.shape_cast %select_n3A_2014 : vector<16xi32> to vector<1x16xi32>
        tpu.vector_store %arg11[%swap3A_2016, %swap3A_2017], %swap3A_2020 {strides = array<i32>} : memref<4x128xi32, #tpu.memory_space<vmem>>, vector<1x16xi32>,
        %get3A_2021 = arith.constant 0 : i32
        %get3A_2022 = arith.index_cast %get3A_2021 : i32 to index
        %get3A_2023 = arith.constant 112 : index
        %get3A_2024 = tpu.vector_load %arg9[%get3A_2022, %get3A_2023] {strides = array<i32>} : memref<4x128xi32, #tpu.memory_space<vmem>>, vector<1x16xi32>,
        %get3A_2025 = vector.shape_cast %get3A_2024 : vector<1x16xi32> to vector<16xi32>
        %ge3A_2026 = vector.broadcast %mul3A_0 : i32 to vector<16xi32>
        %ge3A_2027 = arith.cmpi sge, %get3A_2025, %ge3A_2026 : vector<16xi32>
        %add3A_2028 = arith.constant 50000 : i32
        %add3A_2029 = arith.addi %mul3A_0, %add3A_2028 : i32
        %lt3A_2030 = vector.broadcast %add3A_2029 : i32 to vector<16xi32>
        %lt3A_2031 = arith.cmpi slt, %get3A_2025, %lt3A_2030 : vector<16xi32>
        %and3A_2032 = arith.andi %ge3A_2027, %lt3A_2031 : vector<16xi1>
        %and3A_2033 = arith.constant 1023 : i32
        %and3A_2034 = vector.broadcast %and3A_2033 : i32 to vector<16xi32>
        %and3A_2035 = arith.andi %get3A_2025, %and3A_2034 : vector<16xi32>
        %add3A_2036 = arith.constant 50000 : i32
        %add3A_2037 = vector.broadcast %add3A_2036 : i32 to vector<16xi32>
        %add3A_2038 = arith.addi %add3A_2037, %and3A_2035 : vector<16xi32>
        %sub3A_2039 = vector.broadcast %mul3A_0 : i32 to vector<16xi32>
        %sub3A_2040 = arith.subi %get3A_2025, %sub3A_2039 : vector<16xi32>
        %select_n3A_2041 = arith.select %and3A_2032, %sub3A_2040, %add3A_2038 : vector<16xi1>, vector<16xi32>
        %swap3A_2042 = arith.constant 0 : i32
        %swap3A_2043 = arith.index_cast %swap3A_2042 : i32 to index
        %swap3A_2044 = arith.constant 112 : index
        %swap3A_2045 = tpu.vector_load %arg11[%swap3A_2043, %swap3A_2044] {strides = array<i32>} : memref<4x128xi32, #tpu.memory_space<vmem>>, vector<1x16xi32>,
        %swap3A_2046 = vector.shape_cast %swap3A_2045 : vector<1x16xi32> to vector<16xi32>
        %swap3A_2047 = vector.shape_cast %select_n3A_2041 : vector<16xi32> to vector<1x16xi32>
        tpu.vector_store %arg11[%swap3A_2043, %swap3A_2044], %swap3A_2047 {strides = array<i32>} : memref<4x128xi32, #tpu.memory_space<vmem>>, vector<1x16xi32>,
        %get3A_2048 = arith.constant 1 : i32
        %get3A_2049 = arith.index_cast %get3A_2048 : i32 to index
        %get3A_2050 = arith.constant 0 : index
        %get3A_2051 = tpu.vector_load %arg9[%get3A_2049, %get3A_2050] {strides = array<i32>} : memref<4x128xi32, #tpu.memory_space<vmem>>, vector<1x16xi32>,
        %get3A_2052 = vector.shape_cast %get3A_2051 : vector<1x16xi32> to vector<16xi32>
        %ge3A_2053 = vector.broadcast %mul3A_0 : i32 to vector<16xi32>
        %ge3A_2054 = arith.cmpi sge, %get3A_2052, %ge3A_2053 : vector<16xi32>
        %add3A_2055 = arith.constant 50000 : i32
        %add3A_2056 = arith.addi %mul3A_0, %add3A_2055 : i32
        %lt3A_2057 = vector.broadcast %add3A_2056 : i32 to vector<16xi32>
        %lt3A_2058 = arith.cmpi slt, %get3A_2052, %lt3A_2057 : vector<16xi32>
        %and3A_2059 = arith.andi %ge3A_2054, %lt3A_2058 : vector<16xi1>
        %and3A_2060 = arith.constant 1023 : i32
        %and3A_2061 = vector.broadcast %and3A_2060 : i32 to vector<16xi32>
        %and3A_2062 = arith.andi %get3A_2052, %and3A_2061 : vector<16xi32>
        %add3A_2063 = arith.constant 50000 : i32
        %add3A_2064 = vector.broadcast %add3A_2063 : i32 to vector<16xi32>
        %add3A_2065 = arith.addi %add3A_2064, %and3A_2062 : vector<16xi32>
        %sub3A_2066 = vector.broadcast %mul3A_0 : i32 to vector<16xi32>
        %sub3A_2067 = arith.subi %get3A_2052, %sub3A_2066 : vector<16xi32>
        %select_n3A_2068 = arith.select %and3A_2059, %sub3A_2067, %add3A_2065 : vector<16xi1>, vector<16xi32>
        %swap3A_2069 = arith.constant 1 : i32
        %swap3A_2070 = arith.index_cast %swap3A_2069 : i32 to index
        %swap3A_2071 = arith.constant 0 : index
        %swap3A_2072 = tpu.vector_load %arg11[%swap3A_2070, %swap3A_2071] {strides = array<i32>} : memref<4x128xi32, #tpu.memory_space<vmem>>, vector<1x16xi32>,
        %swap3A_2073 = vector.shape_cast %swap3A_2072 : vector<1x16xi32> to vector<16xi32>
        %swap3A_2074 = vector.shape_cast %select_n3A_2068 : vector<16xi32> to vector<1x16xi32>
        tpu.vector_store %arg11[%swap3A_2070, %swap3A_2071], %swap3A_2074 {strides = array<i32>} : memref<4x128xi32, #tpu.memory_space<vmem>>, vector<1x16xi32>,
        %get3A_2075 = arith.constant 1 : i32
        %get3A_2076 = arith.index_cast %get3A_2075 : i32 to index
        %get3A_2077 = arith.constant 16 : index
        %get3A_2078 = tpu.vector_load %arg9[%get3A_2076, %get3A_2077] {strides = array<i32>} : memref<4x128xi32, #tpu.memory_space<vmem>>, vector<1x16xi32>,
        %get3A_2079 = vector.shape_cast %get3A_2078 : vector<1x16xi32> to vector<16xi32>
        %ge3A_2080 = vector.broadcast %mul3A_0 : i32 to vector<16xi32>
        %ge3A_2081 = arith.cmpi sge, %get3A_2079, %ge3A_2080 : vector<16xi32>
        %add3A_2082 = arith.constant 50000 : i32
        %add3A_2083 = arith.addi %mul3A_0, %add3A_2082 : i32
        %lt3A_2084 = vector.broadcast %add3A_2083 : i32 to vector<16xi32>
        %lt3A_2085 = arith.cmpi slt, %get3A_2079, %lt3A_2084 : vector<16xi32>
        %and3A_2086 = arith.andi %ge3A_2081, %lt3A_2085 : vector<16xi1>
        %and3A_2087 = arith.constant 1023 : i32
        %and3A_2088 = vector.broadcast %and3A_2087 : i32 to vector<16xi32>
        %and3A_2089 = arith.andi %get3A_2079, %and3A_2088 : vector<16xi32>
        %add3A_2090 = arith.constant 50000 : i32
        %add3A_2091 = vector.broadcast %add3A_2090 : i32 to vector<16xi32>
        %add3A_2092 = arith.addi %add3A_2091, %and3A_2089 : vector<16xi32>
        %sub3A_2093 = vector.broadcast %mul3A_0 : i32 to vector<16xi32>
        %sub3A_2094 = arith.subi %get3A_2079, %sub3A_2093 : vector<16xi32>
        %select_n3A_2095 = arith.select %and3A_2086, %sub3A_2094, %add3A_2092 : vector<16xi1>, vector<16xi32>
        %swap3A_2096 = arith.constant 1 : i32
        %swap3A_2097 = arith.index_cast %swap3A_2096 : i32 to index
        %swap3A_2098 = arith.constant 16 : index
        %swap3A_2099 = tpu.vector_load %arg11[%swap3A_2097, %swap3A_2098] {strides = array<i32>} : memref<4x128xi32, #tpu.memory_space<vmem>>, vector<1x16xi32>,
        %swap3A_2100 = vector.shape_cast %swap3A_2099 : vector<1x16xi32> to vector<16xi32>
        %swap3A_2101 = vector.shape_cast %select_n3A_2095 : vector<16xi32> to vector<1x16xi32>
        tpu.vector_store %arg11[%swap3A_2097, %swap3A_2098], %swap3A_2101 {strides = array<i32>} : memref<4x128xi32, #tpu.memory_space<vmem>>, vector<1x16xi32>,
        %get3A_2102 = arith.constant 1 : i32
        %get3A_2103 = arith.index_cast %get3A_2102 : i32 to index
        %get3A_2104 = arith.constant 32 : index
        %get3A_2105 = tpu.vector_load %arg9[%get3A_2103, %get3A_2104] {strides = array<i32>} : memref<4x128xi32, #tpu.memory_space<vmem>>, vector<1x16xi32>,
        %get3A_2106 = vector.shape_cast %get3A_2105 : vector<1x16xi32> to vector<16xi32>
        %ge3A_2107 = vector.broadcast %mul3A_0 : i32 to vector<16xi32>
        %ge3A_2108 = arith.cmpi sge, %get3A_2106, %ge3A_2107 : vector<16xi32>
        %add3A_2109 = arith.constant 50000 : i32
        %add3A_2110 = arith.addi %mul3A_0, %add3A_2109 : i32
        %lt3A_2111 = vector.broadcast %add3A_2110 : i32 to vector<16xi32>
        %lt3A_2112 = arith.cmpi slt, %get3A_2106, %lt3A_2111 : vector<16xi32>
        %and3A_2113 = arith.andi %ge3A_2108, %lt3A_2112 : vector<16xi1>
        %and3A_2114 = arith.constant 1023 : i32
        %and3A_2115 = vector.broadcast %and3A_2114 : i32 to vector<16xi32>
        %and3A_2116 = arith.andi %get3A_2106, %and3A_2115 : vector<16xi32>
        %add3A_2117 = arith.constant 50000 : i32
        %add3A_2118 = vector.broadcast %add3A_2117 : i32 to vector<16xi32>
        %add3A_2119 = arith.addi %add3A_2118, %and3A_2116 : vector<16xi32>
        %sub3A_2120 = vector.broadcast %mul3A_0 : i32 to vector<16xi32>
        %sub3A_2121 = arith.subi %get3A_2106, %sub3A_2120 : vector<16xi32>
        %select_n3A_2122 = arith.select %and3A_2113, %sub3A_2121, %add3A_2119 : vector<16xi1>, vector<16xi32>
        %swap3A_2123 = arith.constant 1 : i32
        %swap3A_2124 = arith.index_cast %swap3A_2123 : i32 to index
        %swap3A_2125 = arith.constant 32 : index
        %swap3A_2126 = tpu.vector_load %arg11[%swap3A_2124, %swap3A_2125] {strides = array<i32>} : memref<4x128xi32, #tpu.memory_space<vmem>>, vector<1x16xi32>,
        %swap3A_2127 = vector.shape_cast %swap3A_2126 : vector<1x16xi32> to vector<16xi32>
        %swap3A_2128 = vector.shape_cast %select_n3A_2122 : vector<16xi32> to vector<1x16xi32>
        tpu.vector_store %arg11[%swap3A_2124, %swap3A_2125], %swap3A_2128 {strides = array<i32>} : memref<4x128xi32, #tpu.memory_space<vmem>>, vector<1x16xi32>,
        %get3A_2129 = arith.constant 1 : i32
        %get3A_2130 = arith.index_cast %get3A_2129 : i32 to index
        %get3A_2131 = arith.constant 48 : index
        %get3A_2132 = tpu.vector_load %arg9[%get3A_2130, %get3A_2131] {strides = array<i32>} : memref<4x128xi32, #tpu.memory_space<vmem>>, vector<1x16xi32>,
        %get3A_2133 = vector.shape_cast %get3A_2132 : vector<1x16xi32> to vector<16xi32>
        %ge3A_2134 = vector.broadcast %mul3A_0 : i32 to vector<16xi32>
        %ge3A_2135 = arith.cmpi sge, %get3A_2133, %ge3A_2134 : vector<16xi32>
        %add3A_2136 = arith.constant 50000 : i32
        %add3A_2137 = arith.addi %mul3A_0, %add3A_2136 : i32
        %lt3A_2138 = vector.broadcast %add3A_2137 : i32 to vector<16xi32>
        %lt3A_2139 = arith.cmpi slt, %get3A_2133, %lt3A_2138 : vector<16xi32>
        %and3A_2140 = arith.andi %ge3A_2135, %lt3A_2139 : vector<16xi1>
        %and3A_2141 = arith.constant 1023 : i32
        %and3A_2142 = vector.broadcast %and3A_2141 : i32 to vector<16xi32>
        %and3A_2143 = arith.andi %get3A_2133, %and3A_2142 : vector<16xi32>
        %add3A_2144 = arith.constant 50000 : i32
        %add3A_2145 = vector.broadcast %add3A_2144 : i32 to vector<16xi32>
        %add3A_2146 = arith.addi %add3A_2145, %and3A_2143 : vector<16xi32>
        %sub3A_2147 = vector.broadcast %mul3A_0 : i32 to vector<16xi32>
        %sub3A_2148 = arith.subi %get3A_2133, %sub3A_2147 : vector<16xi32>
        %select_n3A_2149 = arith.select %and3A_2140, %sub3A_2148, %add3A_2146 : vector<16xi1>, vector<16xi32>
        %swap3A_2150 = arith.constant 1 : i32
        %swap3A_2151 = arith.index_cast %swap3A_2150 : i32 to index
        %swap3A_2152 = arith.constant 48 : index
        %swap3A_2153 = tpu.vector_load %arg11[%swap3A_2151, %swap3A_2152] {strides = array<i32>} : memref<4x128xi32, #tpu.memory_space<vmem>>, vector<1x16xi32>,
        %swap3A_2154 = vector.shape_cast %swap3A_2153 : vector<1x16xi32> to vector<16xi32>
        %swap3A_2155 = vector.shape_cast %select_n3A_2149 : vector<16xi32> to vector<1x16xi32>
        tpu.vector_store %arg11[%swap3A_2151, %swap3A_2152], %swap3A_2155 {strides = array<i32>} : memref<4x128xi32, #tpu.memory_space<vmem>>, vector<1x16xi32>,
        %get3A_2156 = arith.constant 1 : i32
        %get3A_2157 = arith.index_cast %get3A_2156 : i32 to index
        %get3A_2158 = arith.constant 64 : index
        %get3A_2159 = tpu.vector_load %arg9[%get3A_2157, %get3A_2158] {strides = array<i32>} : memref<4x128xi32, #tpu.memory_space<vmem>>, vector<1x16xi32>,
        %get3A_2160 = vector.shape_cast %get3A_2159 : vector<1x16xi32> to vector<16xi32>
        %ge3A_2161 = vector.broadcast %mul3A_0 : i32 to vector<16xi32>
        %ge3A_2162 = arith.cmpi sge, %get3A_2160, %ge3A_2161 : vector<16xi32>
        %add3A_2163 = arith.constant 50000 : i32
        %add3A_2164 = arith.addi %mul3A_0, %add3A_2163 : i32
        %lt3A_2165 = vector.broadcast %add3A_2164 : i32 to vector<16xi32>
        %lt3A_2166 = arith.cmpi slt, %get3A_2160, %lt3A_2165 : vector<16xi32>
        %and3A_2167 = arith.andi %ge3A_2162, %lt3A_2166 : vector<16xi1>
        %and3A_2168 = arith.constant 1023 : i32
        %and3A_2169 = vector.broadcast %and3A_2168 : i32 to vector<16xi32>
        %and3A_2170 = arith.andi %get3A_2160, %and3A_2169 : vector<16xi32>
        %add3A_2171 = arith.constant 50000 : i32
        %add3A_2172 = vector.broadcast %add3A_2171 : i32 to vector<16xi32>
        %add3A_2173 = arith.addi %add3A_2172, %and3A_2170 : vector<16xi32>
        %sub3A_2174 = vector.broadcast %mul3A_0 : i32 to vector<16xi32>
        %sub3A_2175 = arith.subi %get3A_2160, %sub3A_2174 : vector<16xi32>
        %select_n3A_2176 = arith.select %and3A_2167, %sub3A_2175, %add3A_2173 : vector<16xi1>, vector<16xi32>
        %swap3A_2177 = arith.constant 1 : i32
        %swap3A_2178 = arith.index_cast %swap3A_2177 : i32 to index
        %swap3A_2179 = arith.constant 64 : index
        %swap3A_2180 = tpu.vector_load %arg11[%swap3A_2178, %swap3A_2179] {strides = array<i32>} : memref<4x128xi32, #tpu.memory_space<vmem>>, vector<1x16xi32>,
        %swap3A_2181 = vector.shape_cast %swap3A_2180 : vector<1x16xi32> to vector<16xi32>
        %swap3A_2182 = vector.shape_cast %select_n3A_2176 : vector<16xi32> to vector<1x16xi32>
        tpu.vector_store %arg11[%swap3A_2178, %swap3A_2179], %swap3A_2182 {strides = array<i32>} : memref<4x128xi32, #tpu.memory_space<vmem>>, vector<1x16xi32>,
        %get3A_2183 = arith.constant 1 : i32
        %get3A_2184 = arith.index_cast %get3A_2183 : i32 to index
        %get3A_2185 = arith.constant 80 : index
        %get3A_2186 = tpu.vector_load %arg9[%get3A_2184, %get3A_2185] {strides = array<i32>} : memref<4x128xi32, #tpu.memory_space<vmem>>, vector<1x16xi32>,
        %get3A_2187 = vector.shape_cast %get3A_2186 : vector<1x16xi32> to vector<16xi32>
        %ge3A_2188 = vector.broadcast %mul3A_0 : i32 to vector<16xi32>
        %ge3A_2189 = arith.cmpi sge, %get3A_2187, %ge3A_2188 : vector<16xi32>
        %add3A_2190 = arith.constant 50000 : i32
        %add3A_2191 = arith.addi %mul3A_0, %add3A_2190 : i32
        %lt3A_2192 = vector.broadcast %add3A_2191 : i32 to vector<16xi32>
        %lt3A_2193 = arith.cmpi slt, %get3A_2187, %lt3A_2192 : vector<16xi32>
        %and3A_2194 = arith.andi %ge3A_2189, %lt3A_2193 : vector<16xi1>
        %and3A_2195 = arith.constant 1023 : i32
        %and3A_2196 = vector.broadcast %and3A_2195 : i32 to vector<16xi32>
        %and3A_2197 = arith.andi %get3A_2187, %and3A_2196 : vector<16xi32>
        %add3A_2198 = arith.constant 50000 : i32
        %add3A_2199 = vector.broadcast %add3A_2198 : i32 to vector<16xi32>
        %add3A_2200 = arith.addi %add3A_2199, %and3A_2197 : vector<16xi32>
        %sub3A_2201 = vector.broadcast %mul3A_0 : i32 to vector<16xi32>
        %sub3A_2202 = arith.subi %get3A_2187, %sub3A_2201 : vector<16xi32>
        %select_n3A_2203 = arith.select %and3A_2194, %sub3A_2202, %add3A_2200 : vector<16xi1>, vector<16xi32>
        %swap3A_2204 = arith.constant 1 : i32
        %swap3A_2205 = arith.index_cast %swap3A_2204 : i32 to index
        %swap3A_2206 = arith.constant 80 : index
        %swap3A_2207 = tpu.vector_load %arg11[%swap3A_2205, %swap3A_2206] {strides = array<i32>} : memref<4x128xi32, #tpu.memory_space<vmem>>, vector<1x16xi32>,
        %swap3A_2208 = vector.shape_cast %swap3A_2207 : vector<1x16xi32> to vector<16xi32>
        %swap3A_2209 = vector.shape_cast %select_n3A_2203 : vector<16xi32> to vector<1x16xi32>
        tpu.vector_store %arg11[%swap3A_2205, %swap3A_2206], %swap3A_2209 {strides = array<i32>} : memref<4x128xi32, #tpu.memory_space<vmem>>, vector<1x16xi32>,
        %get3A_2210 = arith.constant 1 : i32
        %get3A_2211 = arith.index_cast %get3A_2210 : i32 to index
        %get3A_2212 = arith.constant 96 : index
        %get3A_2213 = tpu.vector_load %arg9[%get3A_2211, %get3A_2212] {strides = array<i32>} : memref<4x128xi32, #tpu.memory_space<vmem>>, vector<1x16xi32>,
        %get3A_2214 = vector.shape_cast %get3A_2213 : vector<1x16xi32> to vector<16xi32>
        %ge3A_2215 = vector.broadcast %mul3A_0 : i32 to vector<16xi32>
        %ge3A_2216 = arith.cmpi sge, %get3A_2214, %ge3A_2215 : vector<16xi32>
        %add3A_2217 = arith.constant 50000 : i32
        %add3A_2218 = arith.addi %mul3A_0, %add3A_2217 : i32
        %lt3A_2219 = vector.broadcast %add3A_2218 : i32 to vector<16xi32>
        %lt3A_2220 = arith.cmpi slt, %get3A_2214, %lt3A_2219 : vector<16xi32>
        %and3A_2221 = arith.andi %ge3A_2216, %lt3A_2220 : vector<16xi1>
        %and3A_2222 = arith.constant 1023 : i32
        %and3A_2223 = vector.broadcast %and3A_2222 : i32 to vector<16xi32>
        %and3A_2224 = arith.andi %get3A_2214, %and3A_2223 : vector<16xi32>
        %add3A_2225 = arith.constant 50000 : i32
        %add3A_2226 = vector.broadcast %add3A_2225 : i32 to vector<16xi32>
        %add3A_2227 = arith.addi %add3A_2226, %and3A_2224 : vector<16xi32>
        %sub3A_2228 = vector.broadcast %mul3A_0 : i32 to vector<16xi32>
        %sub3A_2229 = arith.subi %get3A_2214, %sub3A_2228 : vector<16xi32>
        %select_n3A_2230 = arith.select %and3A_2221, %sub3A_2229, %add3A_2227 : vector<16xi1>, vector<16xi32>
        %swap3A_2231 = arith.constant 1 : i32
        %swap3A_2232 = arith.index_cast %swap3A_2231 : i32 to index
        %swap3A_2233 = arith.constant 96 : index
        %swap3A_2234 = tpu.vector_load %arg11[%swap3A_2232, %swap3A_2233] {strides = array<i32>} : memref<4x128xi32, #tpu.memory_space<vmem>>, vector<1x16xi32>,
        %swap3A_2235 = vector.shape_cast %swap3A_2234 : vector<1x16xi32> to vector<16xi32>
        %swap3A_2236 = vector.shape_cast %select_n3A_2230 : vector<16xi32> to vector<1x16xi32>
        tpu.vector_store %arg11[%swap3A_2232, %swap3A_2233], %swap3A_2236 {strides = array<i32>} : memref<4x128xi32, #tpu.memory_space<vmem>>, vector<1x16xi32>,
        %get3A_2237 = arith.constant 1 : i32
        %get3A_2238 = arith.index_cast %get3A_2237 : i32 to index
        %get3A_2239 = arith.constant 112 : index
        %get3A_2240 = tpu.vector_load %arg9[%get3A_2238, %get3A_2239] {strides = array<i32>} : memref<4x128xi32, #tpu.memory_space<vmem>>, vector<1x16xi32>,
        %get3A_2241 = vector.shape_cast %get3A_2240 : vector<1x16xi32> to vector<16xi32>
        %ge3A_2242 = vector.broadcast %mul3A_0 : i32 to vector<16xi32>
        %ge3A_2243 = arith.cmpi sge, %get3A_2241, %ge3A_2242 : vector<16xi32>
        %add3A_2244 = arith.constant 50000 : i32
        %add3A_2245 = arith.addi %mul3A_0, %add3A_2244 : i32
        %lt3A_2246 = vector.broadcast %add3A_2245 : i32 to vector<16xi32>
        %lt3A_2247 = arith.cmpi slt, %get3A_2241, %lt3A_2246 : vector<16xi32>
        %and3A_2248 = arith.andi %ge3A_2243, %lt3A_2247 : vector<16xi1>
        %and3A_2249 = arith.constant 1023 : i32
        %and3A_2250 = vector.broadcast %and3A_2249 : i32 to vector<16xi32>
        %and3A_2251 = arith.andi %get3A_2241, %and3A_2250 : vector<16xi32>
        %add3A_2252 = arith.constant 50000 : i32
        %add3A_2253 = vector.broadcast %add3A_2252 : i32 to vector<16xi32>
        %add3A_2254 = arith.addi %add3A_2253, %and3A_2251 : vector<16xi32>
        %sub3A_2255 = vector.broadcast %mul3A_0 : i32 to vector<16xi32>
        %sub3A_2256 = arith.subi %get3A_2241, %sub3A_2255 : vector<16xi32>
        %select_n3A_2257 = arith.select %and3A_2248, %sub3A_2256, %add3A_2254 : vector<16xi1>, vector<16xi32>
        %swap3A_2258 = arith.constant 1 : i32
        %swap3A_2259 = arith.index_cast %swap3A_2258 : i32 to index
        %swap3A_2260 = arith.constant 112 : index
        %swap3A_2261 = tpu.vector_load %arg11[%swap3A_2259, %swap3A_2260] {strides = array<i32>} : memref<4x128xi32, #tpu.memory_space<vmem>>, vector<1x16xi32>,
        %swap3A_2262 = vector.shape_cast %swap3A_2261 : vector<1x16xi32> to vector<16xi32>
        %swap3A_2263 = vector.shape_cast %select_n3A_2257 : vector<16xi32> to vector<1x16xi32>
        tpu.vector_store %arg11[%swap3A_2259, %swap3A_2260], %swap3A_2263 {strides = array<i32>} : memref<4x128xi32, #tpu.memory_space<vmem>>, vector<1x16xi32>,
        %get3A_2264 = arith.constant 2 : i32
        %get3A_2265 = arith.index_cast %get3A_2264 : i32 to index
        %get3A_2266 = arith.constant 0 : index
        %get3A_2267 = tpu.vector_load %arg9[%get3A_2265, %get3A_2266] {strides = array<i32>} : memref<4x128xi32, #tpu.memory_space<vmem>>, vector<1x16xi32>,
        %get3A_2268 = vector.shape_cast %get3A_2267 : vector<1x16xi32> to vector<16xi32>
        %ge3A_2269 = vector.broadcast %mul3A_0 : i32 to vector<16xi32>
        %ge3A_2270 = arith.cmpi sge, %get3A_2268, %ge3A_2269 : vector<16xi32>
        %add3A_2271 = arith.constant 50000 : i32
        %add3A_2272 = arith.addi %mul3A_0, %add3A_2271 : i32
        %lt3A_2273 = vector.broadcast %add3A_2272 : i32 to vector<16xi32>
        %lt3A_2274 = arith.cmpi slt, %get3A_2268, %lt3A_2273 : vector<16xi32>
        %and3A_2275 = arith.andi %ge3A_2270, %lt3A_2274 : vector<16xi1>
        %and3A_2276 = arith.constant 1023 : i32
        %and3A_2277 = vector.broadcast %and3A_2276 : i32 to vector<16xi32>
        %and3A_2278 = arith.andi %get3A_2268, %and3A_2277 : vector<16xi32>
        %add3A_2279 = arith.constant 50000 : i32
        %add3A_2280 = vector.broadcast %add3A_2279 : i32 to vector<16xi32>
        %add3A_2281 = arith.addi %add3A_2280, %and3A_2278 : vector<16xi32>
        %sub3A_2282 = vector.broadcast %mul3A_0 : i32 to vector<16xi32>
        %sub3A_2283 = arith.subi %get3A_2268, %sub3A_2282 : vector<16xi32>
        %select_n3A_2284 = arith.select %and3A_2275, %sub3A_2283, %add3A_2281 : vector<16xi1>, vector<16xi32>
        %swap3A_2285 = arith.constant 2 : i32
        %swap3A_2286 = arith.index_cast %swap3A_2285 : i32 to index
        %swap3A_2287 = arith.constant 0 : index
        %swap3A_2288 = tpu.vector_load %arg11[%swap3A_2286, %swap3A_2287] {strides = array<i32>} : memref<4x128xi32, #tpu.memory_space<vmem>>, vector<1x16xi32>,
        %swap3A_2289 = vector.shape_cast %swap3A_2288 : vector<1x16xi32> to vector<16xi32>
        %swap3A_2290 = vector.shape_cast %select_n3A_2284 : vector<16xi32> to vector<1x16xi32>
        tpu.vector_store %arg11[%swap3A_2286, %swap3A_2287], %swap3A_2290 {strides = array<i32>} : memref<4x128xi32, #tpu.memory_space<vmem>>, vector<1x16xi32>,
        %get3A_2291 = arith.constant 2 : i32
        %get3A_2292 = arith.index_cast %get3A_2291 : i32 to index
        %get3A_2293 = arith.constant 16 : index
        %get3A_2294 = tpu.vector_load %arg9[%get3A_2292, %get3A_2293] {strides = array<i32>} : memref<4x128xi32, #tpu.memory_space<vmem>>, vector<1x16xi32>,
        %get3A_2295 = vector.shape_cast %get3A_2294 : vector<1x16xi32> to vector<16xi32>
        %ge3A_2296 = vector.broadcast %mul3A_0 : i32 to vector<16xi32>
        %ge3A_2297 = arith.cmpi sge, %get3A_2295, %ge3A_2296 : vector<16xi32>
        %add3A_2298 = arith.constant 50000 : i32
        %add3A_2299 = arith.addi %mul3A_0, %add3A_2298 : i32
        %lt3A_2300 = vector.broadcast %add3A_2299 : i32 to vector<16xi32>
        %lt3A_2301 = arith.cmpi slt, %get3A_2295, %lt3A_2300 : vector<16xi32>
        %and3A_2302 = arith.andi %ge3A_2297, %lt3A_2301 : vector<16xi1>
        %and3A_2303 = arith.constant 1023 : i32
        %and3A_2304 = vector.broadcast %and3A_2303 : i32 to vector<16xi32>
        %and3A_2305 = arith.andi %get3A_2295, %and3A_2304 : vector<16xi32>
        %add3A_2306 = arith.constant 50000 : i32
        %add3A_2307 = vector.broadcast %add3A_2306 : i32 to vector<16xi32>
        %add3A_2308 = arith.addi %add3A_2307, %and3A_2305 : vector<16xi32>
        %sub3A_2309 = vector.broadcast %mul3A_0 : i32 to vector<16xi32>
        %sub3A_2310 = arith.subi %get3A_2295, %sub3A_2309 : vector<16xi32>
        %select_n3A_2311 = arith.select %and3A_2302, %sub3A_2310, %add3A_2308 : vector<16xi1>, vector<16xi32>
        %swap3A_2312 = arith.constant 2 : i32
        %swap3A_2313 = arith.index_cast %swap3A_2312 : i32 to index
        %swap3A_2314 = arith.constant 16 : index
        %swap3A_2315 = tpu.vector_load %arg11[%swap3A_2313, %swap3A_2314] {strides = array<i32>} : memref<4x128xi32, #tpu.memory_space<vmem>>, vector<1x16xi32>,
        %swap3A_2316 = vector.shape_cast %swap3A_2315 : vector<1x16xi32> to vector<16xi32>
        %swap3A_2317 = vector.shape_cast %select_n3A_2311 : vector<16xi32> to vector<1x16xi32>
        tpu.vector_store %arg11[%swap3A_2313, %swap3A_2314], %swap3A_2317 {strides = array<i32>} : memref<4x128xi32, #tpu.memory_space<vmem>>, vector<1x16xi32>,
        %get3A_2318 = arith.constant 2 : i32
        %get3A_2319 = arith.index_cast %get3A_2318 : i32 to index
        %get3A_2320 = arith.constant 32 : index
        %get3A_2321 = tpu.vector_load %arg9[%get3A_2319, %get3A_2320] {strides = array<i32>} : memref<4x128xi32, #tpu.memory_space<vmem>>, vector<1x16xi32>,
        %get3A_2322 = vector.shape_cast %get3A_2321 : vector<1x16xi32> to vector<16xi32>
        %ge3A_2323 = vector.broadcast %mul3A_0 : i32 to vector<16xi32>
        %ge3A_2324 = arith.cmpi sge, %get3A_2322, %ge3A_2323 : vector<16xi32>
        %add3A_2325 = arith.constant 50000 : i32
        %add3A_2326 = arith.addi %mul3A_0, %add3A_2325 : i32
        %lt3A_2327 = vector.broadcast %add3A_2326 : i32 to vector<16xi32>
        %lt3A_2328 = arith.cmpi slt, %get3A_2322, %lt3A_2327 : vector<16xi32>
        %and3A_2329 = arith.andi %ge3A_2324, %lt3A_2328 : vector<16xi1>
        %and3A_2330 = arith.constant 1023 : i32
        %and3A_2331 = vector.broadcast %and3A_2330 : i32 to vector<16xi32>
        %and3A_2332 = arith.andi %get3A_2322, %and3A_2331 : vector<16xi32>
        %add3A_2333 = arith.constant 50000 : i32
        %add3A_2334 = vector.broadcast %add3A_2333 : i32 to vector<16xi32>
        %add3A_2335 = arith.addi %add3A_2334, %and3A_2332 : vector<16xi32>
        %sub3A_2336 = vector.broadcast %mul3A_0 : i32 to vector<16xi32>
        %sub3A_2337 = arith.subi %get3A_2322, %sub3A_2336 : vector<16xi32>
        %select_n3A_2338 = arith.select %and3A_2329, %sub3A_2337, %add3A_2335 : vector<16xi1>, vector<16xi32>
        %swap3A_2339 = arith.constant 2 : i32
        %swap3A_2340 = arith.index_cast %swap3A_2339 : i32 to index
        %swap3A_2341 = arith.constant 32 : index
        %swap3A_2342 = tpu.vector_load %arg11[%swap3A_2340, %swap3A_2341] {strides = array<i32>} : memref<4x128xi32, #tpu.memory_space<vmem>>, vector<1x16xi32>,
        %swap3A_2343 = vector.shape_cast %swap3A_2342 : vector<1x16xi32> to vector<16xi32>
        %swap3A_2344 = vector.shape_cast %select_n3A_2338 : vector<16xi32> to vector<1x16xi32>
        tpu.vector_store %arg11[%swap3A_2340, %swap3A_2341], %swap3A_2344 {strides = array<i32>} : memref<4x128xi32, #tpu.memory_space<vmem>>, vector<1x16xi32>,
        %get3A_2345 = arith.constant 2 : i32
        %get3A_2346 = arith.index_cast %get3A_2345 : i32 to index
        %get3A_2347 = arith.constant 48 : index
        %get3A_2348 = tpu.vector_load %arg9[%get3A_2346, %get3A_2347] {strides = array<i32>} : memref<4x128xi32, #tpu.memory_space<vmem>>, vector<1x16xi32>,
        %get3A_2349 = vector.shape_cast %get3A_2348 : vector<1x16xi32> to vector<16xi32>
        %ge3A_2350 = vector.broadcast %mul3A_0 : i32 to vector<16xi32>
        %ge3A_2351 = arith.cmpi sge, %get3A_2349, %ge3A_2350 : vector<16xi32>
        %add3A_2352 = arith.constant 50000 : i32
        %add3A_2353 = arith.addi %mul3A_0, %add3A_2352 : i32
        %lt3A_2354 = vector.broadcast %add3A_2353 : i32 to vector<16xi32>
        %lt3A_2355 = arith.cmpi slt, %get3A_2349, %lt3A_2354 : vector<16xi32>
        %and3A_2356 = arith.andi %ge3A_2351, %lt3A_2355 : vector<16xi1>
        %and3A_2357 = arith.constant 1023 : i32
        %and3A_2358 = vector.broadcast %and3A_2357 : i32 to vector<16xi32>
        %and3A_2359 = arith.andi %get3A_2349, %and3A_2358 : vector<16xi32>
        %add3A_2360 = arith.constant 50000 : i32
        %add3A_2361 = vector.broadcast %add3A_2360 : i32 to vector<16xi32>
        %add3A_2362 = arith.addi %add3A_2361, %and3A_2359 : vector<16xi32>
        %sub3A_2363 = vector.broadcast %mul3A_0 : i32 to vector<16xi32>
        %sub3A_2364 = arith.subi %get3A_2349, %sub3A_2363 : vector<16xi32>
        %select_n3A_2365 = arith.select %and3A_2356, %sub3A_2364, %add3A_2362 : vector<16xi1>, vector<16xi32>
        %swap3A_2366 = arith.constant 2 : i32
        %swap3A_2367 = arith.index_cast %swap3A_2366 : i32 to index
        %swap3A_2368 = arith.constant 48 : index
        %swap3A_2369 = tpu.vector_load %arg11[%swap3A_2367, %swap3A_2368] {strides = array<i32>} : memref<4x128xi32, #tpu.memory_space<vmem>>, vector<1x16xi32>,
        %swap3A_2370 = vector.shape_cast %swap3A_2369 : vector<1x16xi32> to vector<16xi32>
        %swap3A_2371 = vector.shape_cast %select_n3A_2365 : vector<16xi32> to vector<1x16xi32>
        tpu.vector_store %arg11[%swap3A_2367, %swap3A_2368], %swap3A_2371 {strides = array<i32>} : memref<4x128xi32, #tpu.memory_space<vmem>>, vector<1x16xi32>,
        %get3A_2372 = arith.constant 2 : i32
        %get3A_2373 = arith.index_cast %get3A_2372 : i32 to index
        %get3A_2374 = arith.constant 64 : index
        %get3A_2375 = tpu.vector_load %arg9[%get3A_2373, %get3A_2374] {strides = array<i32>} : memref<4x128xi32, #tpu.memory_space<vmem>>, vector<1x16xi32>,
        %get3A_2376 = vector.shape_cast %get3A_2375 : vector<1x16xi32> to vector<16xi32>
        %ge3A_2377 = vector.broadcast %mul3A_0 : i32 to vector<16xi32>
        %ge3A_2378 = arith.cmpi sge, %get3A_2376, %ge3A_2377 : vector<16xi32>
        %add3A_2379 = arith.constant 50000 : i32
        %add3A_2380 = arith.addi %mul3A_0, %add3A_2379 : i32
        %lt3A_2381 = vector.broadcast %add3A_2380 : i32 to vector<16xi32>
        %lt3A_2382 = arith.cmpi slt, %get3A_2376, %lt3A_2381 : vector<16xi32>
        %and3A_2383 = arith.andi %ge3A_2378, %lt3A_2382 : vector<16xi1>
        %and3A_2384 = arith.constant 1023 : i32
        %and3A_2385 = vector.broadcast %and3A_2384 : i32 to vector<16xi32>
        %and3A_2386 = arith.andi %get3A_2376, %and3A_2385 : vector<16xi32>
        %add3A_2387 = arith.constant 50000 : i32
        %add3A_2388 = vector.broadcast %add3A_2387 : i32 to vector<16xi32>
        %add3A_2389 = arith.addi %add3A_2388, %and3A_2386 : vector<16xi32>
        %sub3A_2390 = vector.broadcast %mul3A_0 : i32 to vector<16xi32>
        %sub3A_2391 = arith.subi %get3A_2376, %sub3A_2390 : vector<16xi32>
        %select_n3A_2392 = arith.select %and3A_2383, %sub3A_2391, %add3A_2389 : vector<16xi1>, vector<16xi32>
        %swap3A_2393 = arith.constant 2 : i32
        %swap3A_2394 = arith.index_cast %swap3A_2393 : i32 to index
        %swap3A_2395 = arith.constant 64 : index
        %swap3A_2396 = tpu.vector_load %arg11[%swap3A_2394, %swap3A_2395] {strides = array<i32>} : memref<4x128xi32, #tpu.memory_space<vmem>>, vector<1x16xi32>,
        %swap3A_2397 = vector.shape_cast %swap3A_2396 : vector<1x16xi32> to vector<16xi32>
        %swap3A_2398 = vector.shape_cast %select_n3A_2392 : vector<16xi32> to vector<1x16xi32>
        tpu.vector_store %arg11[%swap3A_2394, %swap3A_2395], %swap3A_2398 {strides = array<i32>} : memref<4x128xi32, #tpu.memory_space<vmem>>, vector<1x16xi32>,
        %get3A_2399 = arith.constant 2 : i32
        %get3A_2400 = arith.index_cast %get3A_2399 : i32 to index
        %get3A_2401 = arith.constant 80 : index
        %get3A_2402 = tpu.vector_load %arg9[%get3A_2400, %get3A_2401] {strides = array<i32>} : memref<4x128xi32, #tpu.memory_space<vmem>>, vector<1x16xi32>,
        %get3A_2403 = vector.shape_cast %get3A_2402 : vector<1x16xi32> to vector<16xi32>
        %ge3A_2404 = vector.broadcast %mul3A_0 : i32 to vector<16xi32>
        %ge3A_2405 = arith.cmpi sge, %get3A_2403, %ge3A_2404 : vector<16xi32>
        %add3A_2406 = arith.constant 50000 : i32
        %add3A_2407 = arith.addi %mul3A_0, %add3A_2406 : i32
        %lt3A_2408 = vector.broadcast %add3A_2407 : i32 to vector<16xi32>
        %lt3A_2409 = arith.cmpi slt, %get3A_2403, %lt3A_2408 : vector<16xi32>
        %and3A_2410 = arith.andi %ge3A_2405, %lt3A_2409 : vector<16xi1>
        %and3A_2411 = arith.constant 1023 : i32
        %and3A_2412 = vector.broadcast %and3A_2411 : i32 to vector<16xi32>
        %and3A_2413 = arith.andi %get3A_2403, %and3A_2412 : vector<16xi32>
        %add3A_2414 = arith.constant 50000 : i32
        %add3A_2415 = vector.broadcast %add3A_2414 : i32 to vector<16xi32>
        %add3A_2416 = arith.addi %add3A_2415, %and3A_2413 : vector<16xi32>
        %sub3A_2417 = vector.broadcast %mul3A_0 : i32 to vector<16xi32>
        %sub3A_2418 = arith.subi %get3A_2403, %sub3A_2417 : vector<16xi32>
        %select_n3A_2419 = arith.select %and3A_2410, %sub3A_2418, %add3A_2416 : vector<16xi1>, vector<16xi32>
        %swap3A_2420 = arith.constant 2 : i32
        %swap3A_2421 = arith.index_cast %swap3A_2420 : i32 to index
        %swap3A_2422 = arith.constant 80 : index
        %swap3A_2423 = tpu.vector_load %arg11[%swap3A_2421, %swap3A_2422] {strides = array<i32>} : memref<4x128xi32, #tpu.memory_space<vmem>>, vector<1x16xi32>,
        %swap3A_2424 = vector.shape_cast %swap3A_2423 : vector<1x16xi32> to vector<16xi32>
        %swap3A_2425 = vector.shape_cast %select_n3A_2419 : vector<16xi32> to vector<1x16xi32>
        tpu.vector_store %arg11[%swap3A_2421, %swap3A_2422], %swap3A_2425 {strides = array<i32>} : memref<4x128xi32, #tpu.memory_space<vmem>>, vector<1x16xi32>,
        %get3A_2426 = arith.constant 2 : i32
        %get3A_2427 = arith.index_cast %get3A_2426 : i32 to index
        %get3A_2428 = arith.constant 96 : index
        %get3A_2429 = tpu.vector_load %arg9[%get3A_2427, %get3A_2428] {strides = array<i32>} : memref<4x128xi32, #tpu.memory_space<vmem>>, vector<1x16xi32>,
        %get3A_2430 = vector.shape_cast %get3A_2429 : vector<1x16xi32> to vector<16xi32>
        %ge3A_2431 = vector.broadcast %mul3A_0 : i32 to vector<16xi32>
        %ge3A_2432 = arith.cmpi sge, %get3A_2430, %ge3A_2431 : vector<16xi32>
        %add3A_2433 = arith.constant 50000 : i32
        %add3A_2434 = arith.addi %mul3A_0, %add3A_2433 : i32
        %lt3A_2435 = vector.broadcast %add3A_2434 : i32 to vector<16xi32>
        %lt3A_2436 = arith.cmpi slt, %get3A_2430, %lt3A_2435 : vector<16xi32>
        %and3A_2437 = arith.andi %ge3A_2432, %lt3A_2436 : vector<16xi1>
        %and3A_2438 = arith.constant 1023 : i32
        %and3A_2439 = vector.broadcast %and3A_2438 : i32 to vector<16xi32>
        %and3A_2440 = arith.andi %get3A_2430, %and3A_2439 : vector<16xi32>
        %add3A_2441 = arith.constant 50000 : i32
        %add3A_2442 = vector.broadcast %add3A_2441 : i32 to vector<16xi32>
        %add3A_2443 = arith.addi %add3A_2442, %and3A_2440 : vector<16xi32>
        %sub3A_2444 = vector.broadcast %mul3A_0 : i32 to vector<16xi32>
        %sub3A_2445 = arith.subi %get3A_2430, %sub3A_2444 : vector<16xi32>
        %select_n3A_2446 = arith.select %and3A_2437, %sub3A_2445, %add3A_2443 : vector<16xi1>, vector<16xi32>
        %swap3A_2447 = arith.constant 2 : i32
        %swap3A_2448 = arith.index_cast %swap3A_2447 : i32 to index
        %swap3A_2449 = arith.constant 96 : index
        %swap3A_2450 = tpu.vector_load %arg11[%swap3A_2448, %swap3A_2449] {strides = array<i32>} : memref<4x128xi32, #tpu.memory_space<vmem>>, vector<1x16xi32>,
        %swap3A_2451 = vector.shape_cast %swap3A_2450 : vector<1x16xi32> to vector<16xi32>
        %swap3A_2452 = vector.shape_cast %select_n3A_2446 : vector<16xi32> to vector<1x16xi32>
        tpu.vector_store %arg11[%swap3A_2448, %swap3A_2449], %swap3A_2452 {strides = array<i32>} : memref<4x128xi32, #tpu.memory_space<vmem>>, vector<1x16xi32>,
        %get3A_2453 = arith.constant 2 : i32
        %get3A_2454 = arith.index_cast %get3A_2453 : i32 to index
        %get3A_2455 = arith.constant 112 : index
        %get3A_2456 = tpu.vector_load %arg9[%get3A_2454, %get3A_2455] {strides = array<i32>} : memref<4x128xi32, #tpu.memory_space<vmem>>, vector<1x16xi32>,
        %get3A_2457 = vector.shape_cast %get3A_2456 : vector<1x16xi32> to vector<16xi32>
        %ge3A_2458 = vector.broadcast %mul3A_0 : i32 to vector<16xi32>
        %ge3A_2459 = arith.cmpi sge, %get3A_2457, %ge3A_2458 : vector<16xi32>
        %add3A_2460 = arith.constant 50000 : i32
        %add3A_2461 = arith.addi %mul3A_0, %add3A_2460 : i32
        %lt3A_2462 = vector.broadcast %add3A_2461 : i32 to vector<16xi32>
        %lt3A_2463 = arith.cmpi slt, %get3A_2457, %lt3A_2462 : vector<16xi32>
        %and3A_2464 = arith.andi %ge3A_2459, %lt3A_2463 : vector<16xi1>
        %and3A_2465 = arith.constant 1023 : i32
        %and3A_2466 = vector.broadcast %and3A_2465 : i32 to vector<16xi32>
        %and3A_2467 = arith.andi %get3A_2457, %and3A_2466 : vector<16xi32>
        %add3A_2468 = arith.constant 50000 : i32
        %add3A_2469 = vector.broadcast %add3A_2468 : i32 to vector<16xi32>
        %add3A_2470 = arith.addi %add3A_2469, %and3A_2467 : vector<16xi32>
        %sub3A_2471 = vector.broadcast %mul3A_0 : i32 to vector<16xi32>
        %sub3A_2472 = arith.subi %get3A_2457, %sub3A_2471 : vector<16xi32>
        %select_n3A_2473 = arith.select %and3A_2464, %sub3A_2472, %add3A_2470 : vector<16xi1>, vector<16xi32>
        %swap3A_2474 = arith.constant 2 : i32
        %swap3A_2475 = arith.index_cast %swap3A_2474 : i32 to index
        %swap3A_2476 = arith.constant 112 : index
        %swap3A_2477 = tpu.vector_load %arg11[%swap3A_2475, %swap3A_2476] {strides = array<i32>} : memref<4x128xi32, #tpu.memory_space<vmem>>, vector<1x16xi32>,
        %swap3A_2478 = vector.shape_cast %swap3A_2477 : vector<1x16xi32> to vector<16xi32>
        %swap3A_2479 = vector.shape_cast %select_n3A_2473 : vector<16xi32> to vector<1x16xi32>
        tpu.vector_store %arg11[%swap3A_2475, %swap3A_2476], %swap3A_2479 {strides = array<i32>} : memref<4x128xi32, #tpu.memory_space<vmem>>, vector<1x16xi32>,
        %get3A_2480 = arith.constant 3 : i32
        %get3A_2481 = arith.index_cast %get3A_2480 : i32 to index
        %get3A_2482 = arith.constant 0 : index
        %get3A_2483 = tpu.vector_load %arg9[%get3A_2481, %get3A_2482] {strides = array<i32>} : memref<4x128xi32, #tpu.memory_space<vmem>>, vector<1x16xi32>,
        %get3A_2484 = vector.shape_cast %get3A_2483 : vector<1x16xi32> to vector<16xi32>
        %ge3A_2485 = vector.broadcast %mul3A_0 : i32 to vector<16xi32>
        %ge3A_2486 = arith.cmpi sge, %get3A_2484, %ge3A_2485 : vector<16xi32>
        %add3A_2487 = arith.constant 50000 : i32
        %add3A_2488 = arith.addi %mul3A_0, %add3A_2487 : i32
        %lt3A_2489 = vector.broadcast %add3A_2488 : i32 to vector<16xi32>
        %lt3A_2490 = arith.cmpi slt, %get3A_2484, %lt3A_2489 : vector<16xi32>
        %and3A_2491 = arith.andi %ge3A_2486, %lt3A_2490 : vector<16xi1>
        %and3A_2492 = arith.constant 1023 : i32
        %and3A_2493 = vector.broadcast %and3A_2492 : i32 to vector<16xi32>
        %and3A_2494 = arith.andi %get3A_2484, %and3A_2493 : vector<16xi32>
        %add3A_2495 = arith.constant 50000 : i32
        %add3A_2496 = vector.broadcast %add3A_2495 : i32 to vector<16xi32>
        %add3A_2497 = arith.addi %add3A_2496, %and3A_2494 : vector<16xi32>
        %sub3A_2498 = vector.broadcast %mul3A_0 : i32 to vector<16xi32>
        %sub3A_2499 = arith.subi %get3A_2484, %sub3A_2498 : vector<16xi32>
        %select_n3A_2500 = arith.select %and3A_2491, %sub3A_2499, %add3A_2497 : vector<16xi1>, vector<16xi32>
        %swap3A_2501 = arith.constant 3 : i32
        %swap3A_2502 = arith.index_cast %swap3A_2501 : i32 to index
        %swap3A_2503 = arith.constant 0 : index
        %swap3A_2504 = tpu.vector_load %arg11[%swap3A_2502, %swap3A_2503] {strides = array<i32>} : memref<4x128xi32, #tpu.memory_space<vmem>>, vector<1x16xi32>,
        %swap3A_2505 = vector.shape_cast %swap3A_2504 : vector<1x16xi32> to vector<16xi32>
        %swap3A_2506 = vector.shape_cast %select_n3A_2500 : vector<16xi32> to vector<1x16xi32>
        tpu.vector_store %arg11[%swap3A_2502, %swap3A_2503], %swap3A_2506 {strides = array<i32>} : memref<4x128xi32, #tpu.memory_space<vmem>>, vector<1x16xi32>,
        %get3A_2507 = arith.constant 3 : i32
        %get3A_2508 = arith.index_cast %get3A_2507 : i32 to index
        %get3A_2509 = arith.constant 16 : index
        %get3A_2510 = tpu.vector_load %arg9[%get3A_2508, %get3A_2509] {strides = array<i32>} : memref<4x128xi32, #tpu.memory_space<vmem>>, vector<1x16xi32>,
        %get3A_2511 = vector.shape_cast %get3A_2510 : vector<1x16xi32> to vector<16xi32>
        %ge3A_2512 = vector.broadcast %mul3A_0 : i32 to vector<16xi32>
        %ge3A_2513 = arith.cmpi sge, %get3A_2511, %ge3A_2512 : vector<16xi32>
        %add3A_2514 = arith.constant 50000 : i32
        %add3A_2515 = arith.addi %mul3A_0, %add3A_2514 : i32
        %lt3A_2516 = vector.broadcast %add3A_2515 : i32 to vector<16xi32>
        %lt3A_2517 = arith.cmpi slt, %get3A_2511, %lt3A_2516 : vector<16xi32>
        %and3A_2518 = arith.andi %ge3A_2513, %lt3A_2517 : vector<16xi1>
        %and3A_2519 = arith.constant 1023 : i32
        %and3A_2520 = vector.broadcast %and3A_2519 : i32 to vector<16xi32>
        %and3A_2521 = arith.andi %get3A_2511, %and3A_2520 : vector<16xi32>
        %add3A_2522 = arith.constant 50000 : i32
        %add3A_2523 = vector.broadcast %add3A_2522 : i32 to vector<16xi32>
        %add3A_2524 = arith.addi %add3A_2523, %and3A_2521 : vector<16xi32>
        %sub3A_2525 = vector.broadcast %mul3A_0 : i32 to vector<16xi32>
        %sub3A_2526 = arith.subi %get3A_2511, %sub3A_2525 : vector<16xi32>
        %select_n3A_2527 = arith.select %and3A_2518, %sub3A_2526, %add3A_2524 : vector<16xi1>, vector<16xi32>
        %swap3A_2528 = arith.constant 3 : i32
        %swap3A_2529 = arith.index_cast %swap3A_2528 : i32 to index
        %swap3A_2530 = arith.constant 16 : index
        %swap3A_2531 = tpu.vector_load %arg11[%swap3A_2529, %swap3A_2530] {strides = array<i32>} : memref<4x128xi32, #tpu.memory_space<vmem>>, vector<1x16xi32>,
        %swap3A_2532 = vector.shape_cast %swap3A_2531 : vector<1x16xi32> to vector<16xi32>
        %swap3A_2533 = vector.shape_cast %select_n3A_2527 : vector<16xi32> to vector<1x16xi32>
        tpu.vector_store %arg11[%swap3A_2529, %swap3A_2530], %swap3A_2533 {strides = array<i32>} : memref<4x128xi32, #tpu.memory_space<vmem>>, vector<1x16xi32>,
        %get3A_2534 = arith.constant 3 : i32
        %get3A_2535 = arith.index_cast %get3A_2534 : i32 to index
        %get3A_2536 = arith.constant 32 : index
        %get3A_2537 = tpu.vector_load %arg9[%get3A_2535, %get3A_2536] {strides = array<i32>} : memref<4x128xi32, #tpu.memory_space<vmem>>, vector<1x16xi32>,
        %get3A_2538 = vector.shape_cast %get3A_2537 : vector<1x16xi32> to vector<16xi32>
        %ge3A_2539 = vector.broadcast %mul3A_0 : i32 to vector<16xi32>
        %ge3A_2540 = arith.cmpi sge, %get3A_2538, %ge3A_2539 : vector<16xi32>
        %add3A_2541 = arith.constant 50000 : i32
        %add3A_2542 = arith.addi %mul3A_0, %add3A_2541 : i32
        %lt3A_2543 = vector.broadcast %add3A_2542 : i32 to vector<16xi32>
        %lt3A_2544 = arith.cmpi slt, %get3A_2538, %lt3A_2543 : vector<16xi32>
        %and3A_2545 = arith.andi %ge3A_2540, %lt3A_2544 : vector<16xi1>
        %and3A_2546 = arith.constant 1023 : i32
        %and3A_2547 = vector.broadcast %and3A_2546 : i32 to vector<16xi32>
        %and3A_2548 = arith.andi %get3A_2538, %and3A_2547 : vector<16xi32>
        %add3A_2549 = arith.constant 50000 : i32
        %add3A_2550 = vector.broadcast %add3A_2549 : i32 to vector<16xi32>
        %add3A_2551 = arith.addi %add3A_2550, %and3A_2548 : vector<16xi32>
        %sub3A_2552 = vector.broadcast %mul3A_0 : i32 to vector<16xi32>
        %sub3A_2553 = arith.subi %get3A_2538, %sub3A_2552 : vector<16xi32>
        %select_n3A_2554 = arith.select %and3A_2545, %sub3A_2553, %add3A_2551 : vector<16xi1>, vector<16xi32>
        %swap3A_2555 = arith.constant 3 : i32
        %swap3A_2556 = arith.index_cast %swap3A_2555 : i32 to index
        %swap3A_2557 = arith.constant 32 : index
        %swap3A_2558 = tpu.vector_load %arg11[%swap3A_2556, %swap3A_2557] {strides = array<i32>} : memref<4x128xi32, #tpu.memory_space<vmem>>, vector<1x16xi32>,
        %swap3A_2559 = vector.shape_cast %swap3A_2558 : vector<1x16xi32> to vector<16xi32>
        %swap3A_2560 = vector.shape_cast %select_n3A_2554 : vector<16xi32> to vector<1x16xi32>
        tpu.vector_store %arg11[%swap3A_2556, %swap3A_2557], %swap3A_2560 {strides = array<i32>} : memref<4x128xi32, #tpu.memory_space<vmem>>, vector<1x16xi32>,
        %get3A_2561 = arith.constant 3 : i32
        %get3A_2562 = arith.index_cast %get3A_2561 : i32 to index
        %get3A_2563 = arith.constant 48 : index
        %get3A_2564 = tpu.vector_load %arg9[%get3A_2562, %get3A_2563] {strides = array<i32>} : memref<4x128xi32, #tpu.memory_space<vmem>>, vector<1x16xi32>,
        %get3A_2565 = vector.shape_cast %get3A_2564 : vector<1x16xi32> to vector<16xi32>
        %ge3A_2566 = vector.broadcast %mul3A_0 : i32 to vector<16xi32>
        %ge3A_2567 = arith.cmpi sge, %get3A_2565, %ge3A_2566 : vector<16xi32>
        %add3A_2568 = arith.constant 50000 : i32
        %add3A_2569 = arith.addi %mul3A_0, %add3A_2568 : i32
        %lt3A_2570 = vector.broadcast %add3A_2569 : i32 to vector<16xi32>
        %lt3A_2571 = arith.cmpi slt, %get3A_2565, %lt3A_2570 : vector<16xi32>
        %and3A_2572 = arith.andi %ge3A_2567, %lt3A_2571 : vector<16xi1>
        %and3A_2573 = arith.constant 1023 : i32
        %and3A_2574 = vector.broadcast %and3A_2573 : i32 to vector<16xi32>
        %and3A_2575 = arith.andi %get3A_2565, %and3A_2574 : vector<16xi32>
        %add3A_2576 = arith.constant 50000 : i32
        %add3A_2577 = vector.broadcast %add3A_2576 : i32 to vector<16xi32>
        %add3A_2578 = arith.addi %add3A_2577, %and3A_2575 : vector<16xi32>
        %sub3A_2579 = vector.broadcast %mul3A_0 : i32 to vector<16xi32>
        %sub3A_2580 = arith.subi %get3A_2565, %sub3A_2579 : vector<16xi32>
        %select_n3A_2581 = arith.select %and3A_2572, %sub3A_2580, %add3A_2578 : vector<16xi1>, vector<16xi32>
        %swap3A_2582 = arith.constant 3 : i32
        %swap3A_2583 = arith.index_cast %swap3A_2582 : i32 to index
        %swap3A_2584 = arith.constant 48 : index
        %swap3A_2585 = tpu.vector_load %arg11[%swap3A_2583, %swap3A_2584] {strides = array<i32>} : memref<4x128xi32, #tpu.memory_space<vmem>>, vector<1x16xi32>,
        %swap3A_2586 = vector.shape_cast %swap3A_2585 : vector<1x16xi32> to vector<16xi32>
        %swap3A_2587 = vector.shape_cast %select_n3A_2581 : vector<16xi32> to vector<1x16xi32>
        tpu.vector_store %arg11[%swap3A_2583, %swap3A_2584], %swap3A_2587 {strides = array<i32>} : memref<4x128xi32, #tpu.memory_space<vmem>>, vector<1x16xi32>,
        %get3A_2588 = arith.constant 3 : i32
        %get3A_2589 = arith.index_cast %get3A_2588 : i32 to index
        %get3A_2590 = arith.constant 64 : index
        %get3A_2591 = tpu.vector_load %arg9[%get3A_2589, %get3A_2590] {strides = array<i32>} : memref<4x128xi32, #tpu.memory_space<vmem>>, vector<1x16xi32>,
        %get3A_2592 = vector.shape_cast %get3A_2591 : vector<1x16xi32> to vector<16xi32>
        %ge3A_2593 = vector.broadcast %mul3A_0 : i32 to vector<16xi32>
        %ge3A_2594 = arith.cmpi sge, %get3A_2592, %ge3A_2593 : vector<16xi32>
        %add3A_2595 = arith.constant 50000 : i32
        %add3A_2596 = arith.addi %mul3A_0, %add3A_2595 : i32
        %lt3A_2597 = vector.broadcast %add3A_2596 : i32 to vector<16xi32>
        %lt3A_2598 = arith.cmpi slt, %get3A_2592, %lt3A_2597 : vector<16xi32>
        %and3A_2599 = arith.andi %ge3A_2594, %lt3A_2598 : vector<16xi1>
        %and3A_2600 = arith.constant 1023 : i32
        %and3A_2601 = vector.broadcast %and3A_2600 : i32 to vector<16xi32>
        %and3A_2602 = arith.andi %get3A_2592, %and3A_2601 : vector<16xi32>
        %add3A_2603 = arith.constant 50000 : i32
        %add3A_2604 = vector.broadcast %add3A_2603 : i32 to vector<16xi32>
        %add3A_2605 = arith.addi %add3A_2604, %and3A_2602 : vector<16xi32>
        %sub3A_2606 = vector.broadcast %mul3A_0 : i32 to vector<16xi32>
        %sub3A_2607 = arith.subi %get3A_2592, %sub3A_2606 : vector<16xi32>
        %select_n3A_2608 = arith.select %and3A_2599, %sub3A_2607, %add3A_2605 : vector<16xi1>, vector<16xi32>
        %swap3A_2609 = arith.constant 3 : i32
        %swap3A_2610 = arith.index_cast %swap3A_2609 : i32 to index
        %swap3A_2611 = arith.constant 64 : index
        %swap3A_2612 = tpu.vector_load %arg11[%swap3A_2610, %swap3A_2611] {strides = array<i32>} : memref<4x128xi32, #tpu.memory_space<vmem>>, vector<1x16xi32>,
        %swap3A_2613 = vector.shape_cast %swap3A_2612 : vector<1x16xi32> to vector<16xi32>
        %swap3A_2614 = vector.shape_cast %select_n3A_2608 : vector<16xi32> to vector<1x16xi32>
        tpu.vector_store %arg11[%swap3A_2610, %swap3A_2611], %swap3A_2614 {strides = array<i32>} : memref<4x128xi32, #tpu.memory_space<vmem>>, vector<1x16xi32>,
        %get3A_2615 = arith.constant 3 : i32
        %get3A_2616 = arith.index_cast %get3A_2615 : i32 to index
        %get3A_2617 = arith.constant 80 : index
        %get3A_2618 = tpu.vector_load %arg9[%get3A_2616, %get3A_2617] {strides = array<i32>} : memref<4x128xi32, #tpu.memory_space<vmem>>, vector<1x16xi32>,
        %get3A_2619 = vector.shape_cast %get3A_2618 : vector<1x16xi32> to vector<16xi32>
        %ge3A_2620 = vector.broadcast %mul3A_0 : i32 to vector<16xi32>
        %ge3A_2621 = arith.cmpi sge, %get3A_2619, %ge3A_2620 : vector<16xi32>
        %add3A_2622 = arith.constant 50000 : i32
        %add3A_2623 = arith.addi %mul3A_0, %add3A_2622 : i32
        %lt3A_2624 = vector.broadcast %add3A_2623 : i32 to vector<16xi32>
        %lt3A_2625 = arith.cmpi slt, %get3A_2619, %lt3A_2624 : vector<16xi32>
        %and3A_2626 = arith.andi %ge3A_2621, %lt3A_2625 : vector<16xi1>
        %and3A_2627 = arith.constant 1023 : i32
        %and3A_2628 = vector.broadcast %and3A_2627 : i32 to vector<16xi32>
        %and3A_2629 = arith.andi %get3A_2619, %and3A_2628 : vector<16xi32>
        %add3A_2630 = arith.constant 50000 : i32
        %add3A_2631 = vector.broadcast %add3A_2630 : i32 to vector<16xi32>
        %add3A_2632 = arith.addi %add3A_2631, %and3A_2629 : vector<16xi32>
        %sub3A_2633 = vector.broadcast %mul3A_0 : i32 to vector<16xi32>
        %sub3A_2634 = arith.subi %get3A_2619, %sub3A_2633 : vector<16xi32>
        %select_n3A_2635 = arith.select %and3A_2626, %sub3A_2634, %add3A_2632 : vector<16xi1>, vector<16xi32>
        %swap3A_2636 = arith.constant 3 : i32
        %swap3A_2637 = arith.index_cast %swap3A_2636 : i32 to index
        %swap3A_2638 = arith.constant 80 : index
        %swap3A_2639 = tpu.vector_load %arg11[%swap3A_2637, %swap3A_2638] {strides = array<i32>} : memref<4x128xi32, #tpu.memory_space<vmem>>, vector<1x16xi32>,
        %swap3A_2640 = vector.shape_cast %swap3A_2639 : vector<1x16xi32> to vector<16xi32>
        %swap3A_2641 = vector.shape_cast %select_n3A_2635 : vector<16xi32> to vector<1x16xi32>
        tpu.vector_store %arg11[%swap3A_2637, %swap3A_2638], %swap3A_2641 {strides = array<i32>} : memref<4x128xi32, #tpu.memory_space<vmem>>, vector<1x16xi32>,
        %get3A_2642 = arith.constant 3 : i32
        %get3A_2643 = arith.index_cast %get3A_2642 : i32 to index
        %get3A_2644 = arith.constant 96 : index
        %get3A_2645 = tpu.vector_load %arg9[%get3A_2643, %get3A_2644] {strides = array<i32>} : memref<4x128xi32, #tpu.memory_space<vmem>>, vector<1x16xi32>,
        %get3A_2646 = vector.shape_cast %get3A_2645 : vector<1x16xi32> to vector<16xi32>
        %ge3A_2647 = vector.broadcast %mul3A_0 : i32 to vector<16xi32>
        %ge3A_2648 = arith.cmpi sge, %get3A_2646, %ge3A_2647 : vector<16xi32>
        %add3A_2649 = arith.constant 50000 : i32
        %add3A_2650 = arith.addi %mul3A_0, %add3A_2649 : i32
        %lt3A_2651 = vector.broadcast %add3A_2650 : i32 to vector<16xi32>
        %lt3A_2652 = arith.cmpi slt, %get3A_2646, %lt3A_2651 : vector<16xi32>
        %and3A_2653 = arith.andi %ge3A_2648, %lt3A_2652 : vector<16xi1>
        %and3A_2654 = arith.constant 1023 : i32
        %and3A_2655 = vector.broadcast %and3A_2654 : i32 to vector<16xi32>
        %and3A_2656 = arith.andi %get3A_2646, %and3A_2655 : vector<16xi32>
        %add3A_2657 = arith.constant 50000 : i32
        %add3A_2658 = vector.broadcast %add3A_2657 : i32 to vector<16xi32>
        %add3A_2659 = arith.addi %add3A_2658, %and3A_2656 : vector<16xi32>
        %sub3A_2660 = vector.broadcast %mul3A_0 : i32 to vector<16xi32>
        %sub3A_2661 = arith.subi %get3A_2646, %sub3A_2660 : vector<16xi32>
        %select_n3A_2662 = arith.select %and3A_2653, %sub3A_2661, %add3A_2659 : vector<16xi1>, vector<16xi32>
        %swap3A_2663 = arith.constant 3 : i32
        %swap3A_2664 = arith.index_cast %swap3A_2663 : i32 to index
        %swap3A_2665 = arith.constant 96 : index
        %swap3A_2666 = tpu.vector_load %arg11[%swap3A_2664, %swap3A_2665] {strides = array<i32>} : memref<4x128xi32, #tpu.memory_space<vmem>>, vector<1x16xi32>,
        %swap3A_2667 = vector.shape_cast %swap3A_2666 : vector<1x16xi32> to vector<16xi32>
        %swap3A_2668 = vector.shape_cast %select_n3A_2662 : vector<16xi32> to vector<1x16xi32>
        tpu.vector_store %arg11[%swap3A_2664, %swap3A_2665], %swap3A_2668 {strides = array<i32>} : memref<4x128xi32, #tpu.memory_space<vmem>>, vector<1x16xi32>,
        %get3A_2669 = arith.constant 3 : i32
        %get3A_2670 = arith.index_cast %get3A_2669 : i32 to index
        %get3A_2671 = arith.constant 112 : index
        %get3A_2672 = tpu.vector_load %arg9[%get3A_2670, %get3A_2671] {strides = array<i32>} : memref<4x128xi32, #tpu.memory_space<vmem>>, vector<1x16xi32>,
        %get3A_2673 = vector.shape_cast %get3A_2672 : vector<1x16xi32> to vector<16xi32>
        %ge3A_2674 = vector.broadcast %mul3A_0 : i32 to vector<16xi32>
        %ge3A_2675 = arith.cmpi sge, %get3A_2673, %ge3A_2674 : vector<16xi32>
        %add3A_2676 = arith.constant 50000 : i32
        %add3A_2677 = arith.addi %mul3A_0, %add3A_2676 : i32
        %lt3A_2678 = vector.broadcast %add3A_2677 : i32 to vector<16xi32>
        %lt3A_2679 = arith.cmpi slt, %get3A_2673, %lt3A_2678 : vector<16xi32>
        %and3A_2680 = arith.andi %ge3A_2675, %lt3A_2679 : vector<16xi1>
        %and3A_2681 = arith.constant 1023 : i32
        %and3A_2682 = vector.broadcast %and3A_2681 : i32 to vector<16xi32>
        %and3A_2683 = arith.andi %get3A_2673, %and3A_2682 : vector<16xi32>
        %add3A_2684 = arith.constant 50000 : i32
        %add3A_2685 = vector.broadcast %add3A_2684 : i32 to vector<16xi32>
        %add3A_2686 = arith.addi %add3A_2685, %and3A_2683 : vector<16xi32>
        %sub3A_2687 = vector.broadcast %mul3A_0 : i32 to vector<16xi32>
        %sub3A_2688 = arith.subi %get3A_2673, %sub3A_2687 : vector<16xi32>
        %select_n3A_2689 = arith.select %and3A_2680, %sub3A_2688, %add3A_2686 : vector<16xi1>, vector<16xi32>
        %swap3A_2690 = arith.constant 3 : i32
        %swap3A_2691 = arith.index_cast %swap3A_2690 : i32 to index
        %swap3A_2692 = arith.constant 112 : index
        %swap3A_2693 = tpu.vector_load %arg11[%swap3A_2691, %swap3A_2692] {strides = array<i32>} : memref<4x128xi32, #tpu.memory_space<vmem>>, vector<1x16xi32>,
        %swap3A_2694 = vector.shape_cast %swap3A_2693 : vector<1x16xi32> to vector<16xi32>
        %swap3A_2695 = vector.shape_cast %select_n3A_2689 : vector<16xi32> to vector<1x16xi32>
        tpu.vector_store %arg11[%swap3A_2691, %swap3A_2692], %swap3A_2695 {strides = array<i32>} : memref<4x128xi32, #tpu.memory_space<vmem>>, vector<1x16xi32>,
      } else {
      }
      %dma_wait3A_1602 = arith.constant 0 : i32
      %dma_wait3A_1603 = arith.constant 0 : i32
      %dma_wait3A_1604 = arith.constant 0 : i32
      %dma_wait3A_1605 = arith.constant 0 : i32
      %dma_wait3A_1606 = tpu.memref_slice %arg13[%dma_wait3A_1603, %dma_wait3A_1604, %dma_wait3A_1605] : memref<4x128x32xf32, #tpu.memory_space<vmem>> -> memref<1x128x32xf32, #tpu.memory_space<vmem>>
      %dma_wait3A_1607 = tpu.memref_squeeze %dma_wait3A_1606 : memref<1x128x32xf32, #tpu.memory_space<vmem>> -> memref<128x32xf32, #tpu.memory_space<vmem>>
      %dma_wait3A_1608 = arith.constant 0 : i32
      %dma_wait3A_1609 = tpu.memref_slice %arg8[%dma_wait3A_1602, %dma_wait3A_1608] : memref<4x128xi32, #tpu.memory_space<vmem>> -> memref<1x128xi32, #tpu.memory_space<vmem>>
      %dma_wait3A_1610 = tpu.memref_squeeze %dma_wait3A_1609 : memref<1x128xi32, #tpu.memory_space<vmem>> -> memref<128xi32, #tpu.memory_space<vmem>>
      %dma_wait3A_1611 = arith.constant 0 : i32
      %dma_wait3A_1612 = arith.constant 0 : i32
      %dma_wait3A_1613 = tpu.memref_slice %arg4[%dma_wait3A_1611, %dma_wait3A_1612] : memref<100000x32xf32, #tpu.memory_space<hbm>> -> memref<100000x32xf32, #tpu.memory_space<hbm>>
      tpu.wait_indirect_dma semaphore(%arg19 : memref<!tpu.dma_semaphore, #tpu.memory_space<semaphore_mem>>) src(%dma_wait3A_1613 : memref<100000x32xf32, #tpu.memory_space<hbm>>) dst(%dma_wait3A_1607 : memref<128x32xf32, #tpu.memory_space<vmem>>)
      %dma_start3A_1614 = arith.constant 0 : i32
      %dma_start3A_1615 = arith.constant 0 : i32
      %dma_start3A_1616 = arith.constant 0 : i32
      %dma_start3A_1617 = arith.constant 0 : i32
      %dma_start3A_1618 = tpu.memref_slice %arg13[%dma_start3A_1614, %dma_start3A_1616, %dma_start3A_1617] : memref<4x128x32xf32, #tpu.memory_space<vmem>> -> memref<1x128x32xf32, #tpu.memory_space<vmem>>
      %dma_start3A_1619 = tpu.memref_squeeze %dma_start3A_1618 : memref<1x128x32xf32, #tpu.memory_space<vmem>> -> memref<128x32xf32, #tpu.memory_space<vmem>>
      %dma_start3A_1620 = arith.constant 0 : i32
      %dma_start3A_1621 = tpu.memref_slice %arg12[%dma_start3A_1615, %dma_start3A_1620] : memref<4x128xi32, #tpu.memory_space<vmem>> -> memref<1x128xi32, #tpu.memory_space<vmem>>
      %dma_start3A_1622 = tpu.memref_squeeze %dma_start3A_1621 : memref<1x128xi32, #tpu.memory_space<vmem>> -> memref<128xi32, #tpu.memory_space<vmem>>
      %dma_start3A_1623 = arith.constant 0 : i32
      %dma_start3A_1624 = arith.constant 0 : i32
      %dma_start3A_1625 = tpu.memref_slice %arg16[%dma_start3A_1623, %dma_start3A_1624] : memref<51200x32xf32, #tpu.memory_space<vmem_shared>> -> memref<51200x32xf32, #tpu.memory_space<vmem_shared>>
      tpu.enqueue_indirect_dma source(%dma_start3A_1619 : memref<128x32xf32, #tpu.memory_space<vmem>>) target(%dma_start3A_1625 : memref<51200x32xf32, #tpu.memory_space<vmem_shared>>) offsets(%dma_start3A_1622 : memref<128xi32, #tpu.memory_space<vmem>>) semaphore(%arg23 : memref<!tpu.dma_semaphore, #tpu.memory_space<semaphore_mem>>) {add = true}
      %dma_start3A_1626 = arith.constant 0 : i32
      %dma_start3A_1627 = arith.constant 0 : i32
      %dma_start3A_1628 = tpu.memref_slice %arg12[%dma_start3A_1626, %dma_start3A_1627] : memref<4x128xi32, #tpu.memory_space<vmem>> -> memref<1x128xi32, #tpu.memory_space<vmem>>
      %dma_start3A_1629 = tpu.memref_squeeze %dma_start3A_1628 : memref<1x128xi32, #tpu.memory_space<vmem>> -> memref<128xi32, #tpu.memory_space<vmem>>
      %dma_start3A_1630 = arith.constant 0 : i32
      %dma_start3A_1631 = tpu.memref_slice %arg17[%dma_start3A_1630] : memref<51200xf32, #tpu.memory_space<vmem_shared>> -> memref<51200xf32, #tpu.memory_space<vmem_shared>>
      tpu.enqueue_indirect_dma source(%arg14 : memref<128xf32, #tpu.memory_space<vmem>>) target(%dma_start3A_1631 : memref<51200xf32, #tpu.memory_space<vmem_shared>>) offsets(%dma_start3A_1629 : memref<128xi32, #tpu.memory_space<vmem>>) semaphore(%arg23 : memref<!tpu.dma_semaphore, #tpu.memory_space<semaphore_mem>>) {add = true}
      %dma_wait3A_1632 = arith.constant 1 : i32
      %dma_wait3A_1633 = arith.constant 1 : i32
      %dma_wait3A_1634 = arith.constant 0 : i32
      %dma_wait3A_1635 = arith.constant 0 : i32
      %dma_wait3A_1636 = tpu.memref_slice %arg13[%dma_wait3A_1633, %dma_wait3A_1634, %dma_wait3A_1635] : memref<4x128x32xf32, #tpu.memory_space<vmem>> -> memref<1x128x32xf32, #tpu.memory_space<vmem>>
      %dma_wait3A_1637 = tpu.memref_squeeze %dma_wait3A_1636 : memref<1x128x32xf32, #tpu.memory_space<vmem>> -> memref<128x32xf32, #tpu.memory_space<vmem>>
      %dma_wait3A_1638 = arith.constant 0 : i32
      %dma_wait3A_1639 = tpu.memref_slice %arg8[%dma_wait3A_1632, %dma_wait3A_1638] : memref<4x128xi32, #tpu.memory_space<vmem>> -> memref<1x128xi32, #tpu.memory_space<vmem>>
      %dma_wait3A_1640 = tpu.memref_squeeze %dma_wait3A_1639 : memref<1x128xi32, #tpu.memory_space<vmem>> -> memref<128xi32, #tpu.memory_space<vmem>>
      %dma_wait3A_1641 = arith.constant 0 : i32
      %dma_wait3A_1642 = arith.constant 0 : i32
      %dma_wait3A_1643 = tpu.memref_slice %arg4[%dma_wait3A_1641, %dma_wait3A_1642] : memref<100000x32xf32, #tpu.memory_space<hbm>> -> memref<100000x32xf32, #tpu.memory_space<hbm>>
      tpu.wait_indirect_dma semaphore(%arg20 : memref<!tpu.dma_semaphore, #tpu.memory_space<semaphore_mem>>) src(%dma_wait3A_1643 : memref<100000x32xf32, #tpu.memory_space<hbm>>) dst(%dma_wait3A_1637 : memref<128x32xf32, #tpu.memory_space<vmem>>)
      %dma_start3A_1644 = arith.constant 1 : i32
      %dma_start3A_1645 = arith.constant 1 : i32
      %dma_start3A_1646 = arith.constant 0 : i32
      %dma_start3A_1647 = arith.constant 0 : i32
      %dma_start3A_1648 = tpu.memref_slice %arg13[%dma_start3A_1644, %dma_start3A_1646, %dma_start3A_1647] : memref<4x128x32xf32, #tpu.memory_space<vmem>> -> memref<1x128x32xf32, #tpu.memory_space<vmem>>
      %dma_start3A_1649 = tpu.memref_squeeze %dma_start3A_1648 : memref<1x128x32xf32, #tpu.memory_space<vmem>> -> memref<128x32xf32, #tpu.memory_space<vmem>>
      %dma_start3A_1650 = arith.constant 0 : i32
      %dma_start3A_1651 = tpu.memref_slice %arg12[%dma_start3A_1645, %dma_start3A_1650] : memref<4x128xi32, #tpu.memory_space<vmem>> -> memref<1x128xi32, #tpu.memory_space<vmem>>
      %dma_start3A_1652 = tpu.memref_squeeze %dma_start3A_1651 : memref<1x128xi32, #tpu.memory_space<vmem>> -> memref<128xi32, #tpu.memory_space<vmem>>
      %dma_start3A_1653 = arith.constant 0 : i32
      %dma_start3A_1654 = arith.constant 0 : i32
      %dma_start3A_1655 = tpu.memref_slice %arg16[%dma_start3A_1653, %dma_start3A_1654] : memref<51200x32xf32, #tpu.memory_space<vmem_shared>> -> memref<51200x32xf32, #tpu.memory_space<vmem_shared>>
      tpu.enqueue_indirect_dma source(%dma_start3A_1649 : memref<128x32xf32, #tpu.memory_space<vmem>>) target(%dma_start3A_1655 : memref<51200x32xf32, #tpu.memory_space<vmem_shared>>) offsets(%dma_start3A_1652 : memref<128xi32, #tpu.memory_space<vmem>>) semaphore(%arg24 : memref<!tpu.dma_semaphore, #tpu.memory_space<semaphore_mem>>) {add = true}
      %dma_start3A_1656 = arith.constant 1 : i32
      %dma_start3A_1657 = arith.constant 0 : i32
      %dma_start3A_1658 = tpu.memref_slice %arg12[%dma_start3A_1656, %dma_start3A_1657] : memref<4x128xi32, #tpu.memory_space<vmem>> -> memref<1x128xi32, #tpu.memory_space<vmem>>
      %dma_start3A_1659 = tpu.memref_squeeze %dma_start3A_1658 : memref<1x128xi32, #tpu.memory_space<vmem>> -> memref<128xi32, #tpu.memory_space<vmem>>
      %dma_start3A_1660 = arith.constant 0 : i32
      %dma_start3A_1661 = tpu.memref_slice %arg17[%dma_start3A_1660] : memref<51200xf32, #tpu.memory_space<vmem_shared>> -> memref<51200xf32, #tpu.memory_space<vmem_shared>>
      tpu.enqueue_indirect_dma source(%arg14 : memref<128xf32, #tpu.memory_space<vmem>>) target(%dma_start3A_1661 : memref<51200xf32, #tpu.memory_space<vmem_shared>>) offsets(%dma_start3A_1659 : memref<128xi32, #tpu.memory_space<vmem>>) semaphore(%arg24 : memref<!tpu.dma_semaphore, #tpu.memory_space<semaphore_mem>>) {add = true}
      %dma_wait3A_1662 = arith.constant 2 : i32
      %dma_wait3A_1663 = arith.constant 2 : i32
      %dma_wait3A_1664 = arith.constant 0 : i32
      %dma_wait3A_1665 = arith.constant 0 : i32
      %dma_wait3A_1666 = tpu.memref_slice %arg13[%dma_wait3A_1663, %dma_wait3A_1664, %dma_wait3A_1665] : memref<4x128x32xf32, #tpu.memory_space<vmem>> -> memref<1x128x32xf32, #tpu.memory_space<vmem>>
      %dma_wait3A_1667 = tpu.memref_squeeze %dma_wait3A_1666 : memref<1x128x32xf32, #tpu.memory_space<vmem>> -> memref<128x32xf32, #tpu.memory_space<vmem>>
      %dma_wait3A_1668 = arith.constant 0 : i32
      %dma_wait3A_1669 = tpu.memref_slice %arg8[%dma_wait3A_1662, %dma_wait3A_1668] : memref<4x128xi32, #tpu.memory_space<vmem>> -> memref<1x128xi32, #tpu.memory_space<vmem>>
      %dma_wait3A_1670 = tpu.memref_squeeze %dma_wait3A_1669 : memref<1x128xi32, #tpu.memory_space<vmem>> -> memref<128xi32, #tpu.memory_space<vmem>>
      %dma_wait3A_1671 = arith.constant 0 : i32
      %dma_wait3A_1672 = arith.constant 0 : i32
      %dma_wait3A_1673 = tpu.memref_slice %arg4[%dma_wait3A_1671, %dma_wait3A_1672] : memref<100000x32xf32, #tpu.memory_space<hbm>> -> memref<100000x32xf32, #tpu.memory_space<hbm>>
      tpu.wait_indirect_dma semaphore(%arg21 : memref<!tpu.dma_semaphore, #tpu.memory_space<semaphore_mem>>) src(%dma_wait3A_1673 : memref<100000x32xf32, #tpu.memory_space<hbm>>) dst(%dma_wait3A_1667 : memref<128x32xf32, #tpu.memory_space<vmem>>)
      %dma_start3A_1674 = arith.constant 2 : i32
      %dma_start3A_1675 = arith.constant 2 : i32
      %dma_start3A_1676 = arith.constant 0 : i32
      %dma_start3A_1677 = arith.constant 0 : i32
      %dma_start3A_1678 = tpu.memref_slice %arg13[%dma_start3A_1674, %dma_start3A_1676, %dma_start3A_1677] : memref<4x128x32xf32, #tpu.memory_space<vmem>> -> memref<1x128x32xf32, #tpu.memory_space<vmem>>
      %dma_start3A_1679 = tpu.memref_squeeze %dma_start3A_1678 : memref<1x128x32xf32, #tpu.memory_space<vmem>> -> memref<128x32xf32, #tpu.memory_space<vmem>>
      %dma_start3A_1680 = arith.constant 0 : i32
      %dma_start3A_1681 = tpu.memref_slice %arg12[%dma_start3A_1675, %dma_start3A_1680] : memref<4x128xi32, #tpu.memory_space<vmem>> -> memref<1x128xi32, #tpu.memory_space<vmem>>
      %dma_start3A_1682 = tpu.memref_squeeze %dma_start3A_1681 : memref<1x128xi32, #tpu.memory_space<vmem>> -> memref<128xi32, #tpu.memory_space<vmem>>
      %dma_start3A_1683 = arith.constant 0 : i32
      %dma_start3A_1684 = arith.constant 0 : i32
      %dma_start3A_1685 = tpu.memref_slice %arg16[%dma_start3A_1683, %dma_start3A_1684] : memref<51200x32xf32, #tpu.memory_space<vmem_shared>> -> memref<51200x32xf32, #tpu.memory_space<vmem_shared>>
      tpu.enqueue_indirect_dma source(%dma_start3A_1679 : memref<128x32xf32, #tpu.memory_space<vmem>>) target(%dma_start3A_1685 : memref<51200x32xf32, #tpu.memory_space<vmem_shared>>) offsets(%dma_start3A_1682 : memref<128xi32, #tpu.memory_space<vmem>>) semaphore(%arg25 : memref<!tpu.dma_semaphore, #tpu.memory_space<semaphore_mem>>) {add = true}
      %dma_start3A_1686 = arith.constant 2 : i32
      %dma_start3A_1687 = arith.constant 0 : i32
      %dma_start3A_1688 = tpu.memref_slice %arg12[%dma_start3A_1686, %dma_start3A_1687] : memref<4x128xi32, #tpu.memory_space<vmem>> -> memref<1x128xi32, #tpu.memory_space<vmem>>
      %dma_start3A_1689 = tpu.memref_squeeze %dma_start3A_1688 : memref<1x128xi32, #tpu.memory_space<vmem>> -> memref<128xi32, #tpu.memory_space<vmem>>
      %dma_start3A_1690 = arith.constant 0 : i32
      %dma_start3A_1691 = tpu.memref_slice %arg17[%dma_start3A_1690] : memref<51200xf32, #tpu.memory_space<vmem_shared>> -> memref<51200xf32, #tpu.memory_space<vmem_shared>>
      tpu.enqueue_indirect_dma source(%arg14 : memref<128xf32, #tpu.memory_space<vmem>>) target(%dma_start3A_1691 : memref<51200xf32, #tpu.memory_space<vmem_shared>>) offsets(%dma_start3A_1689 : memref<128xi32, #tpu.memory_space<vmem>>) semaphore(%arg25 : memref<!tpu.dma_semaphore, #tpu.memory_space<semaphore_mem>>) {add = true}
      %dma_wait3A_1692 = arith.constant 3 : i32
      %dma_wait3A_1693 = arith.constant 3 : i32
      %dma_wait3A_1694 = arith.constant 0 : i32
      %dma_wait3A_1695 = arith.constant 0 : i32
      %dma_wait3A_1696 = tpu.memref_slice %arg13[%dma_wait3A_1693, %dma_wait3A_1694, %dma_wait3A_1695] : memref<4x128x32xf32, #tpu.memory_space<vmem>> -> memref<1x128x32xf32, #tpu.memory_space<vmem>>
      %dma_wait3A_1697 = tpu.memref_squeeze %dma_wait3A_1696 : memref<1x128x32xf32, #tpu.memory_space<vmem>> -> memref<128x32xf32, #tpu.memory_space<vmem>>
      %dma_wait3A_1698 = arith.constant 0 : i32
      %dma_wait3A_1699 = tpu.memref_slice %arg8[%dma_wait3A_1692, %dma_wait3A_1698] : memref<4x128xi32, #tpu.memory_space<vmem>> -> memref<1x128xi32, #tpu.memory_space<vmem>>
      %dma_wait3A_1700 = tpu.memref_squeeze %dma_wait3A_1699 : memref<1x128xi32, #tpu.memory_space<vmem>> -> memref<128xi32, #tpu.memory_space<vmem>>
      %dma_wait3A_1701 = arith.constant 0 : i32
      %dma_wait3A_1702 = arith.constant 0 : i32
      %dma_wait3A_1703 = tpu.memref_slice %arg4[%dma_wait3A_1701, %dma_wait3A_1702] : memref<100000x32xf32, #tpu.memory_space<hbm>> -> memref<100000x32xf32, #tpu.memory_space<hbm>>
      tpu.wait_indirect_dma semaphore(%arg22 : memref<!tpu.dma_semaphore, #tpu.memory_space<semaphore_mem>>) src(%dma_wait3A_1703 : memref<100000x32xf32, #tpu.memory_space<hbm>>) dst(%dma_wait3A_1697 : memref<128x32xf32, #tpu.memory_space<vmem>>)
      %dma_start3A_1704 = arith.constant 3 : i32
      %dma_start3A_1705 = arith.constant 3 : i32
      %dma_start3A_1706 = arith.constant 0 : i32
      %dma_start3A_1707 = arith.constant 0 : i32
      %dma_start3A_1708 = tpu.memref_slice %arg13[%dma_start3A_1704, %dma_start3A_1706, %dma_start3A_1707] : memref<4x128x32xf32, #tpu.memory_space<vmem>> -> memref<1x128x32xf32, #tpu.memory_space<vmem>>
      %dma_start3A_1709 = tpu.memref_squeeze %dma_start3A_1708 : memref<1x128x32xf32, #tpu.memory_space<vmem>> -> memref<128x32xf32, #tpu.memory_space<vmem>>
      %dma_start3A_1710 = arith.constant 0 : i32
      %dma_start3A_1711 = tpu.memref_slice %arg12[%dma_start3A_1705, %dma_start3A_1710] : memref<4x128xi32, #tpu.memory_space<vmem>> -> memref<1x128xi32, #tpu.memory_space<vmem>>
      %dma_start3A_1712 = tpu.memref_squeeze %dma_start3A_1711 : memref<1x128xi32, #tpu.memory_space<vmem>> -> memref<128xi32, #tpu.memory_space<vmem>>
      %dma_start3A_1713 = arith.constant 0 : i32
      %dma_start3A_1714 = arith.constant 0 : i32
      %dma_start3A_1715 = tpu.memref_slice %arg16[%dma_start3A_1713, %dma_start3A_1714] : memref<51200x32xf32, #tpu.memory_space<vmem_shared>> -> memref<51200x32xf32, #tpu.memory_space<vmem_shared>>
      tpu.enqueue_indirect_dma source(%dma_start3A_1709 : memref<128x32xf32, #tpu.memory_space<vmem>>) target(%dma_start3A_1715 : memref<51200x32xf32, #tpu.memory_space<vmem_shared>>) offsets(%dma_start3A_1712 : memref<128xi32, #tpu.memory_space<vmem>>) semaphore(%arg26 : memref<!tpu.dma_semaphore, #tpu.memory_space<semaphore_mem>>) {add = true}
      %dma_start3A_1716 = arith.constant 3 : i32
      %dma_start3A_1717 = arith.constant 0 : i32
      %dma_start3A_1718 = tpu.memref_slice %arg12[%dma_start3A_1716, %dma_start3A_1717] : memref<4x128xi32, #tpu.memory_space<vmem>> -> memref<1x128xi32, #tpu.memory_space<vmem>>
      %dma_start3A_1719 = tpu.memref_squeeze %dma_start3A_1718 : memref<1x128xi32, #tpu.memory_space<vmem>> -> memref<128xi32, #tpu.memory_space<vmem>>
      %dma_start3A_1720 = arith.constant 0 : i32
      %dma_start3A_1721 = tpu.memref_slice %arg17[%dma_start3A_1720] : memref<51200xf32, #tpu.memory_space<vmem_shared>> -> memref<51200xf32, #tpu.memory_space<vmem_shared>>
      tpu.enqueue_indirect_dma source(%arg14 : memref<128xf32, #tpu.memory_space<vmem>>) target(%dma_start3A_1721 : memref<51200xf32, #tpu.memory_space<vmem_shared>>) offsets(%dma_start3A_1719 : memref<128xi32, #tpu.memory_space<vmem>>) semaphore(%arg26 : memref<!tpu.dma_semaphore, #tpu.memory_space<semaphore_mem>>) {add = true}
      %lt3A_1722 = arith.constant 194 : i32
      %lt3A_1723 = arith.cmpi slt, %add3A_1596, %lt3A_1722 : i32
      %convert_element_type3A_1724 = arith.extui %lt3A_1723 : i1 to i32
      %cond3A_1725 = arith.constant 0 : i32
      %cond3A_1726 = arith.cmpi ne, %convert_element_type3A_1724, %cond3A_1725 : i32
      scf.if %cond3A_1726 {
        %add3A_1819 = arith.constant 2 : i32
        %add3A_1820 = arith.addi %add3A_1596, %add3A_1819 : i32
        %mul3A_1821 = arith.constant 4 : i32
        %mul3A_1822 = arith.muli %add3A_1820, %mul3A_1821 : i32
        %add3A_1823 = arith.addi %mul3A_443, %mul3A_1822 : i32
        %dma_start3A_1824 = arith.constant 0 : i32
        %dma_start3A_1825 = tpu.memref_slice %arg2[%add3A_1823, %dma_start3A_1824] : memref<12544x128xi32, #tpu.memory_space<hbm>> -> memref<4x128xi32, #tpu.memory_space<hbm>>
        %dma_start3A_1826 = arith.constant 0 : i32
        %dma_start3A_1827 = tpu.memref_slice %arg2[%add3A_1823, %dma_start3A_1826] : memref<12544x128xi32, #tpu.memory_space<hbm>> -> memref<4x128xi32, #tpu.memory_space<hbm>>
        tpu.enqueue_dma source(%dma_start3A_1827 : memref<4x128xi32, #tpu.memory_space<hbm>>) target(%arg8 : memref<4x128xi32, #tpu.memory_space<vmem>>) target_semaphore(%arg18 : memref<!tpu.dma_semaphore, #tpu.memory_space<semaphore_mem>>)
        %dma_start3A_1828 = arith.constant 0 : i32
        %dma_start3A_1829 = tpu.memref_slice %arg3[%add3A_1823, %dma_start3A_1828] : memref<12544x128xi32, #tpu.memory_space<hbm>> -> memref<4x128xi32, #tpu.memory_space<hbm>>
        %dma_start3A_1830 = arith.constant 0 : i32
        %dma_start3A_1831 = tpu.memref_slice %arg3[%add3A_1823, %dma_start3A_1830] : memref<12544x128xi32, #tpu.memory_space<hbm>> -> memref<4x128xi32, #tpu.memory_space<hbm>>
        tpu.enqueue_dma source(%dma_start3A_1831 : memref<4x128xi32, #tpu.memory_space<hbm>>) target(%arg10 : memref<4x128xi32, #tpu.memory_space<vmem>>) target_semaphore(%arg18 : memref<!tpu.dma_semaphore, #tpu.memory_space<semaphore_mem>>)
      } else {
      }
      %dma_wait3A_1727 = arith.constant 0 : i32
      %dma_wait3A_1728 = arith.constant 0 : i32
      %dma_wait3A_1729 = arith.constant 0 : i32
      %dma_wait3A_1730 = arith.constant 0 : i32
      %dma_wait3A_1731 = tpu.memref_slice %arg13[%dma_wait3A_1727, %dma_wait3A_1729, %dma_wait3A_1730] : memref<4x128x32xf32, #tpu.memory_space<vmem>> -> memref<1x128x32xf32, #tpu.memory_space<vmem>>
      %dma_wait3A_1732 = tpu.memref_squeeze %dma_wait3A_1731 : memref<1x128x32xf32, #tpu.memory_space<vmem>> -> memref<128x32xf32, #tpu.memory_space<vmem>>
      %dma_wait3A_1733 = arith.constant 0 : i32
      %dma_wait3A_1734 = tpu.memref_slice %arg12[%dma_wait3A_1728, %dma_wait3A_1733] : memref<4x128xi32, #tpu.memory_space<vmem>> -> memref<1x128xi32, #tpu.memory_space<vmem>>
      %dma_wait3A_1735 = tpu.memref_squeeze %dma_wait3A_1734 : memref<1x128xi32, #tpu.memory_space<vmem>> -> memref<128xi32, #tpu.memory_space<vmem>>
      %dma_wait3A_1736 = arith.constant 0 : i32
      %dma_wait3A_1737 = arith.constant 0 : i32
      %dma_wait3A_1738 = tpu.memref_slice %arg16[%dma_wait3A_1736, %dma_wait3A_1737] : memref<51200x32xf32, #tpu.memory_space<vmem_shared>> -> memref<51200x32xf32, #tpu.memory_space<vmem_shared>>
      tpu.wait_indirect_dma semaphore(%arg23 : memref<!tpu.dma_semaphore, #tpu.memory_space<semaphore_mem>>) src(%dma_wait3A_1732 : memref<128x32xf32, #tpu.memory_space<vmem>>) dst(%dma_wait3A_1738 : memref<51200x32xf32, #tpu.memory_space<vmem_shared>>)
      %dma_wait3A_1739 = arith.constant 0 : i32
      %dma_wait3A_1740 = arith.constant 0 : i32
      %dma_wait3A_1741 = tpu.memref_slice %arg12[%dma_wait3A_1739, %dma_wait3A_1740] : memref<4x128xi32, #tpu.memory_space<vmem>> -> memref<1x128xi32, #tpu.memory_space<vmem>>
      %dma_wait3A_1742 = tpu.memref_squeeze %dma_wait3A_1741 : memref<1x128xi32, #tpu.memory_space<vmem>> -> memref<128xi32, #tpu.memory_space<vmem>>
      %dma_wait3A_1743 = arith.constant 0 : i32
      %dma_wait3A_1744 = tpu.memref_slice %arg17[%dma_wait3A_1743] : memref<51200xf32, #tpu.memory_space<vmem_shared>> -> memref<51200xf32, #tpu.memory_space<vmem_shared>>
      tpu.wait_indirect_dma semaphore(%arg23 : memref<!tpu.dma_semaphore, #tpu.memory_space<semaphore_mem>>) src(%arg14 : memref<128xf32, #tpu.memory_space<vmem>>) dst(%dma_wait3A_1744 : memref<51200xf32, #tpu.memory_space<vmem_shared>>)
      %lt3A_1745 = arith.constant 195 : i32
      %lt3A_1746 = arith.cmpi slt, %add3A_1596, %lt3A_1745 : i32
      %convert_element_type3A_1747 = arith.extui %lt3A_1746 : i1 to i32
      %cond3A_1748 = arith.constant 0 : i32
      %cond3A_1749 = arith.cmpi ne, %convert_element_type3A_1747, %cond3A_1748 : i32
      scf.if %cond3A_1749 {
        %dma_start3A_1819 = arith.constant 0 : i32
        %dma_start3A_1820 = arith.constant 0 : i32
        %dma_start3A_1821 = arith.constant 0 : i32
        %dma_start3A_1822 = arith.constant 0 : i32
        %dma_start3A_1823 = tpu.memref_slice %arg13[%dma_start3A_1820, %dma_start3A_1821, %dma_start3A_1822] : memref<4x128x32xf32, #tpu.memory_space<vmem>> -> memref<1x128x32xf32, #tpu.memory_space<vmem>>
        %dma_start3A_1824 = tpu.memref_squeeze %dma_start3A_1823 : memref<1x128x32xf32, #tpu.memory_space<vmem>> -> memref<128x32xf32, #tpu.memory_space<vmem>>
        %dma_start3A_1825 = arith.constant 0 : i32
        %dma_start3A_1826 = tpu.memref_slice %arg7[%dma_start3A_1819, %dma_start3A_1825] : memref<4x128xi32, #tpu.memory_space<vmem>> -> memref<1x128xi32, #tpu.memory_space<vmem>>
        %dma_start3A_1827 = tpu.memref_squeeze %dma_start3A_1826 : memref<1x128xi32, #tpu.memory_space<vmem>> -> memref<128xi32, #tpu.memory_space<vmem>>
        %dma_start3A_1828 = arith.constant 0 : i32
        %dma_start3A_1829 = arith.constant 0 : i32
        %dma_start3A_1830 = tpu.memref_slice %arg4[%dma_start3A_1828, %dma_start3A_1829] : memref<100000x32xf32, #tpu.memory_space<hbm>> -> memref<100000x32xf32, #tpu.memory_space<hbm>>
        tpu.enqueue_indirect_dma source(%dma_start3A_1830 : memref<100000x32xf32, #tpu.memory_space<hbm>>) target(%dma_start3A_1824 : memref<128x32xf32, #tpu.memory_space<vmem>>) offsets(%dma_start3A_1827 : memref<128xi32, #tpu.memory_space<vmem>>) semaphore(%arg19 : memref<!tpu.dma_semaphore, #tpu.memory_space<semaphore_mem>>)
      } else {
      }
      %dma_wait3A_1750 = arith.constant 1 : i32
      %dma_wait3A_1751 = arith.constant 1 : i32
      %dma_wait3A_1752 = arith.constant 0 : i32
      %dma_wait3A_1753 = arith.constant 0 : i32
      %dma_wait3A_1754 = tpu.memref_slice %arg13[%dma_wait3A_1750, %dma_wait3A_1752, %dma_wait3A_1753] : memref<4x128x32xf32, #tpu.memory_space<vmem>> -> memref<1x128x32xf32, #tpu.memory_space<vmem>>
      %dma_wait3A_1755 = tpu.memref_squeeze %dma_wait3A_1754 : memref<1x128x32xf32, #tpu.memory_space<vmem>> -> memref<128x32xf32, #tpu.memory_space<vmem>>
      %dma_wait3A_1756 = arith.constant 0 : i32
      %dma_wait3A_1757 = tpu.memref_slice %arg12[%dma_wait3A_1751, %dma_wait3A_1756] : memref<4x128xi32, #tpu.memory_space<vmem>> -> memref<1x128xi32, #tpu.memory_space<vmem>>
      %dma_wait3A_1758 = tpu.memref_squeeze %dma_wait3A_1757 : memref<1x128xi32, #tpu.memory_space<vmem>> -> memref<128xi32, #tpu.memory_space<vmem>>
      %dma_wait3A_1759 = arith.constant 0 : i32
      %dma_wait3A_1760 = arith.constant 0 : i32
      %dma_wait3A_1761 = tpu.memref_slice %arg16[%dma_wait3A_1759, %dma_wait3A_1760] : memref<51200x32xf32, #tpu.memory_space<vmem_shared>> -> memref<51200x32xf32, #tpu.memory_space<vmem_shared>>
      tpu.wait_indirect_dma semaphore(%arg24 : memref<!tpu.dma_semaphore, #tpu.memory_space<semaphore_mem>>) src(%dma_wait3A_1755 : memref<128x32xf32, #tpu.memory_space<vmem>>) dst(%dma_wait3A_1761 : memref<51200x32xf32, #tpu.memory_space<vmem_shared>>)
      %dma_wait3A_1762 = arith.constant 1 : i32
      %dma_wait3A_1763 = arith.constant 0 : i32
      %dma_wait3A_1764 = tpu.memref_slice %arg12[%dma_wait3A_1762, %dma_wait3A_1763] : memref<4x128xi32, #tpu.memory_space<vmem>> -> memref<1x128xi32, #tpu.memory_space<vmem>>
      %dma_wait3A_1765 = tpu.memref_squeeze %dma_wait3A_1764 : memref<1x128xi32, #tpu.memory_space<vmem>> -> memref<128xi32, #tpu.memory_space<vmem>>
      %dma_wait3A_1766 = arith.constant 0 : i32
      %dma_wait3A_1767 = tpu.memref_slice %arg17[%dma_wait3A_1766] : memref<51200xf32, #tpu.memory_space<vmem_shared>> -> memref<51200xf32, #tpu.memory_space<vmem_shared>>
      tpu.wait_indirect_dma semaphore(%arg24 : memref<!tpu.dma_semaphore, #tpu.memory_space<semaphore_mem>>) src(%arg14 : memref<128xf32, #tpu.memory_space<vmem>>) dst(%dma_wait3A_1767 : memref<51200xf32, #tpu.memory_space<vmem_shared>>)
      %lt3A_1768 = arith.constant 195 : i32
      %lt3A_1769 = arith.cmpi slt, %add3A_1596, %lt3A_1768 : i32
      %convert_element_type3A_1770 = arith.extui %lt3A_1769 : i1 to i32
      %cond3A_1771 = arith.constant 0 : i32
      %cond3A_1772 = arith.cmpi ne, %convert_element_type3A_1770, %cond3A_1771 : i32
      scf.if %cond3A_1772 {
        %dma_start3A_1819 = arith.constant 1 : i32
        %dma_start3A_1820 = arith.constant 1 : i32
        %dma_start3A_1821 = arith.constant 0 : i32
        %dma_start3A_1822 = arith.constant 0 : i32
        %dma_start3A_1823 = tpu.memref_slice %arg13[%dma_start3A_1820, %dma_start3A_1821, %dma_start3A_1822] : memref<4x128x32xf32, #tpu.memory_space<vmem>> -> memref<1x128x32xf32, #tpu.memory_space<vmem>>
        %dma_start3A_1824 = tpu.memref_squeeze %dma_start3A_1823 : memref<1x128x32xf32, #tpu.memory_space<vmem>> -> memref<128x32xf32, #tpu.memory_space<vmem>>
        %dma_start3A_1825 = arith.constant 0 : i32
        %dma_start3A_1826 = tpu.memref_slice %arg7[%dma_start3A_1819, %dma_start3A_1825] : memref<4x128xi32, #tpu.memory_space<vmem>> -> memref<1x128xi32, #tpu.memory_space<vmem>>
        %dma_start3A_1827 = tpu.memref_squeeze %dma_start3A_1826 : memref<1x128xi32, #tpu.memory_space<vmem>> -> memref<128xi32, #tpu.memory_space<vmem>>
        %dma_start3A_1828 = arith.constant 0 : i32
        %dma_start3A_1829 = arith.constant 0 : i32
        %dma_start3A_1830 = tpu.memref_slice %arg4[%dma_start3A_1828, %dma_start3A_1829] : memref<100000x32xf32, #tpu.memory_space<hbm>> -> memref<100000x32xf32, #tpu.memory_space<hbm>>
        tpu.enqueue_indirect_dma source(%dma_start3A_1830 : memref<100000x32xf32, #tpu.memory_space<hbm>>) target(%dma_start3A_1824 : memref<128x32xf32, #tpu.memory_space<vmem>>) offsets(%dma_start3A_1827 : memref<128xi32, #tpu.memory_space<vmem>>) semaphore(%arg20 : memref<!tpu.dma_semaphore, #tpu.memory_space<semaphore_mem>>)
      } else {
      }
      %dma_wait3A_1773 = arith.constant 2 : i32
      %dma_wait3A_1774 = arith.constant 2 : i32
      %dma_wait3A_1775 = arith.constant 0 : i32
      %dma_wait3A_1776 = arith.constant 0 : i32
      %dma_wait3A_1777 = tpu.memref_slice %arg13[%dma_wait3A_1773, %dma_wait3A_1775, %dma_wait3A_1776] : memref<4x128x32xf32, #tpu.memory_space<vmem>> -> memref<1x128x32xf32, #tpu.memory_space<vmem>>
      %dma_wait3A_1778 = tpu.memref_squeeze %dma_wait3A_1777 : memref<1x128x32xf32, #tpu.memory_space<vmem>> -> memref<128x32xf32, #tpu.memory_space<vmem>>
      %dma_wait3A_1779 = arith.constant 0 : i32
      %dma_wait3A_1780 = tpu.memref_slice %arg12[%dma_wait3A_1774, %dma_wait3A_1779] : memref<4x128xi32, #tpu.memory_space<vmem>> -> memref<1x128xi32, #tpu.memory_space<vmem>>
      %dma_wait3A_1781 = tpu.memref_squeeze %dma_wait3A_1780 : memref<1x128xi32, #tpu.memory_space<vmem>> -> memref<128xi32, #tpu.memory_space<vmem>>
      %dma_wait3A_1782 = arith.constant 0 : i32
      %dma_wait3A_1783 = arith.constant 0 : i32
      %dma_wait3A_1784 = tpu.memref_slice %arg16[%dma_wait3A_1782, %dma_wait3A_1783] : memref<51200x32xf32, #tpu.memory_space<vmem_shared>> -> memref<51200x32xf32, #tpu.memory_space<vmem_shared>>
      tpu.wait_indirect_dma semaphore(%arg25 : memref<!tpu.dma_semaphore, #tpu.memory_space<semaphore_mem>>) src(%dma_wait3A_1778 : memref<128x32xf32, #tpu.memory_space<vmem>>) dst(%dma_wait3A_1784 : memref<51200x32xf32, #tpu.memory_space<vmem_shared>>)
      %dma_wait3A_1785 = arith.constant 2 : i32
      %dma_wait3A_1786 = arith.constant 0 : i32
      %dma_wait3A_1787 = tpu.memref_slice %arg12[%dma_wait3A_1785, %dma_wait3A_1786] : memref<4x128xi32, #tpu.memory_space<vmem>> -> memref<1x128xi32, #tpu.memory_space<vmem>>
      %dma_wait3A_1788 = tpu.memref_squeeze %dma_wait3A_1787 : memref<1x128xi32, #tpu.memory_space<vmem>> -> memref<128xi32, #tpu.memory_space<vmem>>
      %dma_wait3A_1789 = arith.constant 0 : i32
      %dma_wait3A_1790 = tpu.memref_slice %arg17[%dma_wait3A_1789] : memref<51200xf32, #tpu.memory_space<vmem_shared>> -> memref<51200xf32, #tpu.memory_space<vmem_shared>>
      tpu.wait_indirect_dma semaphore(%arg25 : memref<!tpu.dma_semaphore, #tpu.memory_space<semaphore_mem>>) src(%arg14 : memref<128xf32, #tpu.memory_space<vmem>>) dst(%dma_wait3A_1790 : memref<51200xf32, #tpu.memory_space<vmem_shared>>)
      %lt3A_1791 = arith.constant 195 : i32
      %lt3A_1792 = arith.cmpi slt, %add3A_1596, %lt3A_1791 : i32
      %convert_element_type3A_1793 = arith.extui %lt3A_1792 : i1 to i32
      %cond3A_1794 = arith.constant 0 : i32
      %cond3A_1795 = arith.cmpi ne, %convert_element_type3A_1793, %cond3A_1794 : i32
      scf.if %cond3A_1795 {
        %dma_start3A_1819 = arith.constant 2 : i32
        %dma_start3A_1820 = arith.constant 2 : i32
        %dma_start3A_1821 = arith.constant 0 : i32
        %dma_start3A_1822 = arith.constant 0 : i32
        %dma_start3A_1823 = tpu.memref_slice %arg13[%dma_start3A_1820, %dma_start3A_1821, %dma_start3A_1822] : memref<4x128x32xf32, #tpu.memory_space<vmem>> -> memref<1x128x32xf32, #tpu.memory_space<vmem>>
        %dma_start3A_1824 = tpu.memref_squeeze %dma_start3A_1823 : memref<1x128x32xf32, #tpu.memory_space<vmem>> -> memref<128x32xf32, #tpu.memory_space<vmem>>
        %dma_start3A_1825 = arith.constant 0 : i32
        %dma_start3A_1826 = tpu.memref_slice %arg7[%dma_start3A_1819, %dma_start3A_1825] : memref<4x128xi32, #tpu.memory_space<vmem>> -> memref<1x128xi32, #tpu.memory_space<vmem>>
        %dma_start3A_1827 = tpu.memref_squeeze %dma_start3A_1826 : memref<1x128xi32, #tpu.memory_space<vmem>> -> memref<128xi32, #tpu.memory_space<vmem>>
        %dma_start3A_1828 = arith.constant 0 : i32
        %dma_start3A_1829 = arith.constant 0 : i32
        %dma_start3A_1830 = tpu.memref_slice %arg4[%dma_start3A_1828, %dma_start3A_1829] : memref<100000x32xf32, #tpu.memory_space<hbm>> -> memref<100000x32xf32, #tpu.memory_space<hbm>>
        tpu.enqueue_indirect_dma source(%dma_start3A_1830 : memref<100000x32xf32, #tpu.memory_space<hbm>>) target(%dma_start3A_1824 : memref<128x32xf32, #tpu.memory_space<vmem>>) offsets(%dma_start3A_1827 : memref<128xi32, #tpu.memory_space<vmem>>) semaphore(%arg21 : memref<!tpu.dma_semaphore, #tpu.memory_space<semaphore_mem>>)
      } else {
      }
      %dma_wait3A_1796 = arith.constant 3 : i32
      %dma_wait3A_1797 = arith.constant 3 : i32
      %dma_wait3A_1798 = arith.constant 0 : i32
      %dma_wait3A_1799 = arith.constant 0 : i32
      %dma_wait3A_1800 = tpu.memref_slice %arg13[%dma_wait3A_1796, %dma_wait3A_1798, %dma_wait3A_1799] : memref<4x128x32xf32, #tpu.memory_space<vmem>> -> memref<1x128x32xf32, #tpu.memory_space<vmem>>
      %dma_wait3A_1801 = tpu.memref_squeeze %dma_wait3A_1800 : memref<1x128x32xf32, #tpu.memory_space<vmem>> -> memref<128x32xf32, #tpu.memory_space<vmem>>
      %dma_wait3A_1802 = arith.constant 0 : i32
      %dma_wait3A_1803 = tpu.memref_slice %arg12[%dma_wait3A_1797, %dma_wait3A_1802] : memref<4x128xi32, #tpu.memory_space<vmem>> -> memref<1x128xi32, #tpu.memory_space<vmem>>
      %dma_wait3A_1804 = tpu.memref_squeeze %dma_wait3A_1803 : memref<1x128xi32, #tpu.memory_space<vmem>> -> memref<128xi32, #tpu.memory_space<vmem>>
      %dma_wait3A_1805 = arith.constant 0 : i32
      %dma_wait3A_1806 = arith.constant 0 : i32
      %dma_wait3A_1807 = tpu.memref_slice %arg16[%dma_wait3A_1805, %dma_wait3A_1806] : memref<51200x32xf32, #tpu.memory_space<vmem_shared>> -> memref<51200x32xf32, #tpu.memory_space<vmem_shared>>
      tpu.wait_indirect_dma semaphore(%arg26 : memref<!tpu.dma_semaphore, #tpu.memory_space<semaphore_mem>>) src(%dma_wait3A_1801 : memref<128x32xf32, #tpu.memory_space<vmem>>) dst(%dma_wait3A_1807 : memref<51200x32xf32, #tpu.memory_space<vmem_shared>>)
      %dma_wait3A_1808 = arith.constant 3 : i32
      %dma_wait3A_1809 = arith.constant 0 : i32
      %dma_wait3A_1810 = tpu.memref_slice %arg12[%dma_wait3A_1808, %dma_wait3A_1809] : memref<4x128xi32, #tpu.memory_space<vmem>> -> memref<1x128xi32, #tpu.memory_space<vmem>>
      %dma_wait3A_1811 = tpu.memref_squeeze %dma_wait3A_1810 : memref<1x128xi32, #tpu.memory_space<vmem>> -> memref<128xi32, #tpu.memory_space<vmem>>
      %dma_wait3A_1812 = arith.constant 0 : i32
      %dma_wait3A_1813 = tpu.memref_slice %arg17[%dma_wait3A_1812] : memref<51200xf32, #tpu.memory_space<vmem_shared>> -> memref<51200xf32, #tpu.memory_space<vmem_shared>>
      tpu.wait_indirect_dma semaphore(%arg26 : memref<!tpu.dma_semaphore, #tpu.memory_space<semaphore_mem>>) src(%arg14 : memref<128xf32, #tpu.memory_space<vmem>>) dst(%dma_wait3A_1813 : memref<51200xf32, #tpu.memory_space<vmem_shared>>)
      %lt3A_1814 = arith.constant 195 : i32
      %lt3A_1815 = arith.cmpi slt, %add3A_1596, %lt3A_1814 : i32
      %convert_element_type3A_1816 = arith.extui %lt3A_1815 : i1 to i32
      %cond3A_1817 = arith.constant 0 : i32
      %cond3A_1818 = arith.cmpi ne, %convert_element_type3A_1816, %cond3A_1817 : i32
      scf.if %cond3A_1818 {
        %dma_start3A_1819 = arith.constant 3 : i32
        %dma_start3A_1820 = arith.constant 3 : i32
        %dma_start3A_1821 = arith.constant 0 : i32
        %dma_start3A_1822 = arith.constant 0 : i32
        %dma_start3A_1823 = tpu.memref_slice %arg13[%dma_start3A_1820, %dma_start3A_1821, %dma_start3A_1822] : memref<4x128x32xf32, #tpu.memory_space<vmem>> -> memref<1x128x32xf32, #tpu.memory_space<vmem>>
        %dma_start3A_1824 = tpu.memref_squeeze %dma_start3A_1823 : memref<1x128x32xf32, #tpu.memory_space<vmem>> -> memref<128x32xf32, #tpu.memory_space<vmem>>
        %dma_start3A_1825 = arith.constant 0 : i32
        %dma_start3A_1826 = tpu.memref_slice %arg7[%dma_start3A_1819, %dma_start3A_1825] : memref<4x128xi32, #tpu.memory_space<vmem>> -> memref<1x128xi32, #tpu.memory_space<vmem>>
        %dma_start3A_1827 = tpu.memref_squeeze %dma_start3A_1826 : memref<1x128xi32, #tpu.memory_space<vmem>> -> memref<128xi32, #tpu.memory_space<vmem>>
        %dma_start3A_1828 = arith.constant 0 : i32
        %dma_start3A_1829 = arith.constant 0 : i32
        %dma_start3A_1830 = tpu.memref_slice %arg4[%dma_start3A_1828, %dma_start3A_1829] : memref<100000x32xf32, #tpu.memory_space<hbm>> -> memref<100000x32xf32, #tpu.memory_space<hbm>>
        tpu.enqueue_indirect_dma source(%dma_start3A_1830 : memref<100000x32xf32, #tpu.memory_space<hbm>>) target(%dma_start3A_1824 : memref<128x32xf32, #tpu.memory_space<vmem>>) offsets(%dma_start3A_1827 : memref<128xi32, #tpu.memory_space<vmem>>) semaphore(%arg22 : memref<!tpu.dma_semaphore, #tpu.memory_space<semaphore_mem>>)
      } else {
      }
    }
    %scan3A_1362 = arith.constant 98 : i32
    %barrier3A_1363 = arith.constant 0 : index
    tpu.barrier barrier_id(%barrier3A_1363)
    %lt3A_1364 = arith.constant 15 : i32
    %lt3A_1365 = arith.cmpi slt, %arg1, %lt3A_1364 : i32
    %convert_element_type3A = arith.extui %lt3A_1365 : i1 to i32
    %cond3A = arith.constant 0 : i32
    %cond3A_1366 = arith.cmpi ne, %convert_element_type3A, %cond3A : i32
    scf.if %cond3A_1366 {
      %mul3A_1371 = arith.constant 3200 : i32
      %mul3A_1372 = arith.muli %arg1, %mul3A_1371 : i32
      %mul3A_1373 = arith.constant 3200 : i32
      %mul3A_1374 = arith.muli %arg1, %mul3A_1373 : i32
      %add3A_1375 = arith.addi %mul3A_0, %mul3A_1374 : i32
      "tpu.region"() ({
        %run_scoped3A = tpu.sem_alloc : memref<!tpu.dma_semaphore, #tpu.memory_space<semaphore_mem>>
        %dma_start3A_1381 = arith.constant 0 : i32
        %dma_start3A_1382 = tpu.memref_slice %arg5[%add3A_1375, %dma_start3A_1381] : memref<100000x32xf32, #tpu.memory_space<hbm>> -> memref<3200x32xf32, #tpu.memory_space<hbm>>
        %dma_start3A_1383 = arith.constant 0 : i32
        %dma_start3A_1384 = tpu.memref_slice %arg16[%mul3A_1372, %dma_start3A_1383] : memref<51200x32xf32, #tpu.memory_space<vmem_shared>> -> memref<3200x32xf32, #tpu.memory_space<vmem_shared>>
        tpu.enqueue_dma source(%dma_start3A_1384 : memref<3200x32xf32, #tpu.memory_space<vmem_shared>>) target(%dma_start3A_1382 : memref<3200x32xf32, #tpu.memory_space<hbm>>) target_semaphore(%run_scoped3A : memref<!tpu.dma_semaphore, #tpu.memory_space<semaphore_mem>>)
        %dma_wait3A = arith.constant 0 : i32
        %dma_wait3A_1385 = tpu.memref_slice %arg5[%add3A_1375, %dma_wait3A] : memref<100000x32xf32, #tpu.memory_space<hbm>> -> memref<3200x32xf32, #tpu.memory_space<hbm>>
        %dma_wait3A_1386 = arith.constant 0 : i32
        %dma_wait3A_1387 = tpu.memref_slice %arg16[%mul3A_1372, %dma_wait3A_1386] : memref<51200x32xf32, #tpu.memory_space<vmem_shared>> -> memref<3200x32xf32, #tpu.memory_space<vmem_shared>>
        tpu.wait_dma2 semaphore(%run_scoped3A : memref<!tpu.dma_semaphore, #tpu.memory_space<semaphore_mem>>) src(%dma_wait3A_1387 : memref<3200x32xf32, #tpu.memory_space<vmem_shared>>) dst(%dma_wait3A_1385 : memref<3200x32xf32, #tpu.memory_space<hbm>>)
        tpu.yield
      }) : () -> ()
      %mul3A_1376 = arith.constant 3200 : i32
      %mul3A_1377 = arith.muli %arg1, %mul3A_1376 : i32
      %mul3A_1378 = arith.constant 3200 : i32
      %mul3A_1379 = arith.muli %arg1, %mul3A_1378 : i32
      %add3A_1380 = arith.addi %mul3A_0, %mul3A_1379 : i32
      "tpu.region"() ({
        %run_scoped3A = tpu.sem_alloc : memref<!tpu.dma_semaphore, #tpu.memory_space<semaphore_mem>>
        %dma_start3A_1381 = tpu.memref_slice %arg6[%add3A_1380] : memref<100000xf32, #tpu.memory_space<hbm>> -> memref<3200xf32, #tpu.memory_space<hbm>>
        %dma_start3A_1382 = tpu.memref_slice %arg17[%mul3A_1377] : memref<51200xf32, #tpu.memory_space<vmem_shared>> -> memref<3200xf32, #tpu.memory_space<vmem_shared>>
        tpu.enqueue_dma source(%dma_start3A_1382 : memref<3200xf32, #tpu.memory_space<vmem_shared>>) target(%dma_start3A_1381 : memref<3200xf32, #tpu.memory_space<hbm>>) target_semaphore(%run_scoped3A : memref<!tpu.dma_semaphore, #tpu.memory_space<semaphore_mem>>)
        %dma_wait3A = tpu.memref_slice %arg6[%add3A_1380] : memref<100000xf32, #tpu.memory_space<hbm>> -> memref<3200xf32, #tpu.memory_space<hbm>>
        %dma_wait3A_1383 = tpu.memref_slice %arg17[%mul3A_1377] : memref<51200xf32, #tpu.memory_space<vmem_shared>> -> memref<3200xf32, #tpu.memory_space<vmem_shared>>
        tpu.wait_dma2 semaphore(%run_scoped3A : memref<!tpu.dma_semaphore, #tpu.memory_space<semaphore_mem>>) src(%dma_wait3A_1383 : memref<3200xf32, #tpu.memory_space<vmem_shared>>) dst(%dma_wait3A : memref<3200xf32, #tpu.memory_space<hbm>>)
        tpu.yield
      }) : () -> ()
    } else {
    }
    %eq3A = arith.constant 15 : i32
    %eq3A_1367 = arith.cmpi eq, %arg1, %eq3A : i32
    %convert_element_type3A_1368 = arith.extui %eq3A_1367 : i1 to i32
    %cond3A_1369 = arith.constant 0 : i32
    %cond3A_1370 = arith.cmpi ne, %convert_element_type3A_1368, %cond3A_1369 : i32
    scf.if %cond3A_1370 {
      %mul3A_1371 = arith.constant 3200 : i32
      %mul3A_1372 = arith.muli %arg1, %mul3A_1371 : i32
      %mul3A_1373 = arith.constant 3200 : i32
      %mul3A_1374 = arith.muli %arg1, %mul3A_1373 : i32
      %add3A_1375 = arith.addi %mul3A_0, %mul3A_1374 : i32
      "tpu.region"() ({
        %run_scoped3A = tpu.sem_alloc : memref<!tpu.dma_semaphore, #tpu.memory_space<semaphore_mem>>
        %dma_start3A_1381 = arith.constant 0 : i32
        %dma_start3A_1382 = tpu.memref_slice %arg5[%add3A_1375, %dma_start3A_1381] : memref<100000x32xf32, #tpu.memory_space<hbm>> -> memref<2000x32xf32, #tpu.memory_space<hbm>>
        %dma_start3A_1383 = arith.constant 0 : i32
        %dma_start3A_1384 = tpu.memref_slice %arg16[%mul3A_1372, %dma_start3A_1383] : memref<51200x32xf32, #tpu.memory_space<vmem_shared>> -> memref<2000x32xf32, #tpu.memory_space<vmem_shared>>
        tpu.enqueue_dma source(%dma_start3A_1384 : memref<2000x32xf32, #tpu.memory_space<vmem_shared>>) target(%dma_start3A_1382 : memref<2000x32xf32, #tpu.memory_space<hbm>>) target_semaphore(%run_scoped3A : memref<!tpu.dma_semaphore, #tpu.memory_space<semaphore_mem>>)
        %dma_wait3A = arith.constant 0 : i32
        %dma_wait3A_1385 = tpu.memref_slice %arg5[%add3A_1375, %dma_wait3A] : memref<100000x32xf32, #tpu.memory_space<hbm>> -> memref<2000x32xf32, #tpu.memory_space<hbm>>
        %dma_wait3A_1386 = arith.constant 0 : i32
        %dma_wait3A_1387 = tpu.memref_slice %arg16[%mul3A_1372, %dma_wait3A_1386] : memref<51200x32xf32, #tpu.memory_space<vmem_shared>> -> memref<2000x32xf32, #tpu.memory_space<vmem_shared>>
        tpu.wait_dma2 semaphore(%run_scoped3A : memref<!tpu.dma_semaphore, #tpu.memory_space<semaphore_mem>>) src(%dma_wait3A_1387 : memref<2000x32xf32, #tpu.memory_space<vmem_shared>>) dst(%dma_wait3A_1385 : memref<2000x32xf32, #tpu.memory_space<hbm>>)
        tpu.yield
      }) : () -> ()
      %mul3A_1376 = arith.constant 3200 : i32
      %mul3A_1377 = arith.muli %arg1, %mul3A_1376 : i32
      %mul3A_1378 = arith.constant 3200 : i32
      %mul3A_1379 = arith.muli %arg1, %mul3A_1378 : i32
      %add3A_1380 = arith.addi %mul3A_0, %mul3A_1379 : i32
      "tpu.region"() ({
        %run_scoped3A = tpu.sem_alloc : memref<!tpu.dma_semaphore, #tpu.memory_space<semaphore_mem>>
        %dma_start3A_1381 = tpu.memref_slice %arg6[%add3A_1380] : memref<100000xf32, #tpu.memory_space<hbm>> -> memref<2000xf32, #tpu.memory_space<hbm>>
        %dma_start3A_1382 = tpu.memref_slice %arg17[%mul3A_1377] : memref<51200xf32, #tpu.memory_space<vmem_shared>> -> memref<2000xf32, #tpu.memory_space<vmem_shared>>
        tpu.enqueue_dma source(%dma_start3A_1382 : memref<2000xf32, #tpu.memory_space<vmem_shared>>) target(%dma_start3A_1381 : memref<2000xf32, #tpu.memory_space<hbm>>) target_semaphore(%run_scoped3A : memref<!tpu.dma_semaphore, #tpu.memory_space<semaphore_mem>>)
        %dma_wait3A = tpu.memref_slice %arg6[%add3A_1380] : memref<100000xf32, #tpu.memory_space<hbm>> -> memref<2000xf32, #tpu.memory_space<hbm>>
        %dma_wait3A_1383 = tpu.memref_slice %arg17[%mul3A_1377] : memref<51200xf32, #tpu.memory_space<vmem_shared>> -> memref<2000xf32, #tpu.memory_space<vmem_shared>>
        tpu.wait_dma2 semaphore(%run_scoped3A : memref<!tpu.dma_semaphore, #tpu.memory_space<semaphore_mem>>) src(%dma_wait3A_1383 : memref<2000xf32, #tpu.memory_space<vmem_shared>>) dst(%dma_wait3A : memref<2000xf32, #tpu.memory_space<hbm>>)
        tpu.yield
      }) : () -> ()
    } else {
    }
    return
  }
}

module attributes {stable_mosaic.version = 14 : i64} {
  func.func @_ln_body(%arg0: i32, %arg1: memref<4000x32xf32, #tpu.memory_space<vmem>>, %arg2: memref<1x32xf32, #tpu.memory_space<vmem>>, %arg3: memref<1x32xf32, #tpu.memory_space<vmem>>, %arg4: memref<4000x32xf32, #tpu.memory_space<vmem>>) attributes {dimension_semantics = [#tpu.dimension_semantics<arbitrary>], iteration_bounds = array<i64: 25>, scalar_prefetch = 0 : i64, scratch_operands = 0 : i64, tpu.core_type = #tpu.core_type<tc>, window_params = [{transform_indices = @transform_0, window_bounds = array<i64: 4000, 32>}, {pipeline_mode = #tpu.pipeline_mode<synchronous>, transform_indices = @transform_1, window_bounds = array<i64: 1, 32>}, {pipeline_mode = #tpu.pipeline_mode<synchronous>, transform_indices = @transform_2, window_bounds = array<i64: 1, 32>}, {transform_indices = @transform_3, window_bounds = array<i64: 4000, 32>}]} {
    %get3A = arith.constant 0 : index
    %get3A_0 = arith.constant 0 : index
    %get3A_1 = vector.load %arg1[%get3A, %get3A_0] : memref<4000x32xf32, #tpu.memory_space<vmem>>, vector<4000x32xf32>
    %reduce_sum3A = arith.constant dense<0.000000e+00> : vector<4000xf32>
    %reduce_sum3A_2 = vector.multi_reduction <add>, %get3A_1, %reduce_sum3A [1] : vector<4000x32xf32> to vector<4000xf32>
    %broadcast_in_dim3A = vector.shape_cast %reduce_sum3A_2 : vector<4000xf32> to vector<4000x1xf32>
    %div3A = arith.constant 3.200000e+01 : f32
    %div3A_3 = vector.broadcast %div3A : f32 to vector<4000x1xf32>
    %div3A_4 = arith.divf %broadcast_in_dim3A, %div3A_3 : vector<4000x1xf32>
    %sub3A = vector.broadcast %div3A_4 : vector<4000x1xf32> to vector<4000x32xf32>
    %sub3A_5 = arith.subf %get3A_1, %sub3A : vector<4000x32xf32>
    %mul3A = arith.mulf %sub3A_5, %sub3A_5 : vector<4000x32xf32>
    %reduce_sum3A_6 = arith.constant dense<0.000000e+00> : vector<4000xf32>
    %reduce_sum3A_7 = vector.multi_reduction <add>, %mul3A, %reduce_sum3A_6 [1] : vector<4000x32xf32> to vector<4000xf32>
    %broadcast_in_dim3A_8 = vector.shape_cast %reduce_sum3A_7 : vector<4000xf32> to vector<4000x1xf32>
    %div3A_9 = arith.constant 3.200000e+01 : f32
    %div3A_10 = vector.broadcast %div3A_9 : f32 to vector<4000x1xf32>
    %div3A_11 = arith.divf %broadcast_in_dim3A_8, %div3A_10 : vector<4000x1xf32>
    %add3A = arith.constant 9.99999974E-6 : f32
    %add3A_12 = vector.broadcast %add3A : f32 to vector<4000x1xf32>
    %add3A_13 = arith.addf %div3A_11, %add3A_12 : vector<4000x1xf32>
    %rsqrt3A = math.rsqrt %add3A_13 : vector<4000x1xf32>
    %mul3A_14 = vector.broadcast %rsqrt3A : vector<4000x1xf32> to vector<4000x32xf32>
    %mul3A_15 = arith.mulf %sub3A_5, %mul3A_14 : vector<4000x32xf32>
    %get3A_16 = arith.constant 0 : index
    %get3A_17 = arith.constant 0 : index
    %get3A_18 = vector.load %arg2[%get3A_16, %get3A_17] : memref<1x32xf32, #tpu.memory_space<vmem>>, vector<1x32xf32>
    %mul3A_19 = vector.broadcast %get3A_18 : vector<1x32xf32> to vector<4000x32xf32>
    %mul3A_20 = arith.mulf %mul3A_15, %mul3A_19 : vector<4000x32xf32>
    %get3A_21 = arith.constant 0 : index
    %get3A_22 = arith.constant 0 : index
    %get3A_23 = vector.load %arg3[%get3A_21, %get3A_22] : memref<1x32xf32, #tpu.memory_space<vmem>>, vector<1x32xf32>
    %add3A_24 = vector.broadcast %get3A_23 : vector<1x32xf32> to vector<4000x32xf32>
    %add3A_25 = arith.addf %mul3A_20, %add3A_24 : vector<4000x32xf32>
    %max3A = arith.constant 0.000000e+00 : f32
    %max3A_26 = vector.broadcast %max3A : f32 to vector<4000x32xf32>
    %max3A_27 = arith.maximumf %add3A_25, %max3A_26 : vector<4000x32xf32>
    %swap3A = arith.constant 0 : index
    %swap3A_28 = arith.constant 0 : index
    %swap3A_29 = vector.load %arg4[%swap3A, %swap3A_28] : memref<4000x32xf32, #tpu.memory_space<vmem>>, vector<4000x32xf32>
    tpu.vector_store %arg4[%swap3A, %swap3A_28], %max3A_27 {strides = array<i32>} : memref<4000x32xf32, #tpu.memory_space<vmem>>, vector<4000x32xf32>,
    return
  }
  func.func @transform_0(%arg0: i32) -> (i32, i32) {
    %c0_i32 = arith.constant 0 : i32
    %c0_i32_0 = arith.constant 0 : i32
    return %arg0, %c0_i32 : i32, i32
  }
  func.func @transform_1(%arg0: i32) -> (i32, i32) {
    %c0_i32 = arith.constant 0 : i32
    %c0_i32_0 = arith.constant 0 : i32
    %c0_i32_1 = arith.constant 0 : i32
    return %c0_i32, %c0_i32_0 : i32, i32
  }
  func.func @transform_2(%arg0: i32) -> (i32, i32) {
    %c0_i32 = arith.constant 0 : i32
    %c0_i32_0 = arith.constant 0 : i32
    %c0_i32_1 = arith.constant 0 : i32
    return %c0_i32, %c0_i32_0 : i32, i32
  }
  func.func @transform_3(%arg0: i32) -> (i32, i32) {
    %c0_i32 = arith.constant 0 : i32
    %c0_i32_0 = arith.constant 0 : i32
    return %arg0, %c0_i32 : i32, i32
  }
}

module attributes {stable_mosaic.version = 14 : i64} {
  func.func @_comb_body(%arg0: i32, %arg1: memref<4000x32xf32, #tpu.memory_space<vmem>>, %arg2: memref<4000x1xf32, #tpu.memory_space<vmem>>, %arg3: memref<4000x32xf32, #tpu.memory_space<vmem>>, %arg4: memref<32x32xf32, #tpu.memory_space<vmem>>, %arg5: memref<1x32xf32, #tpu.memory_space<vmem>>, %arg6: memref<32x32xf32, #tpu.memory_space<vmem>>, %arg7: memref<4000x32xf32, #tpu.memory_space<vmem>>) attributes {dimension_semantics = [#tpu.dimension_semantics<arbitrary>], iteration_bounds = array<i64: 25>, scalar_prefetch = 0 : i64, scratch_operands = 0 : i64, tpu.core_type = #tpu.core_type<tc>, window_params = [{transform_indices = @transform_0, window_bounds = array<i64: 4000, 32>}, {transform_indices = @transform_1, window_bounds = array<i64: 4000, 1>}, {transform_indices = @transform_2, window_bounds = array<i64: 4000, 32>}, {pipeline_mode = #tpu.pipeline_mode<synchronous>, transform_indices = @transform_3, window_bounds = array<i64: 32, 32>}, {pipeline_mode = #tpu.pipeline_mode<synchronous>, transform_indices = @transform_4, window_bounds = array<i64: 1, 32>}, {pipeline_mode = #tpu.pipeline_mode<synchronous>, transform_indices = @transform_5, window_bounds = array<i64: 32, 32>}, {transform_indices = @transform_6, window_bounds = array<i64: 4000, 32>}]} {
    %get3A = arith.constant 0 : index
    %get3A_0 = arith.constant 0 : index
    %get3A_1 = vector.load %arg2[%get3A, %get3A_0] : memref<4000x1xf32, #tpu.memory_space<vmem>>, vector<4000x1xf32>
    %max3A = arith.constant 1.000000e+00 : f32
    %max3A_2 = vector.broadcast %max3A : f32 to vector<4000x1xf32>
    %max3A_3 = arith.maximumf %get3A_1, %max3A_2 : vector<4000x1xf32>
    %div3A = arith.constant 1.000000e+00 : f32
    %div3A_4 = vector.broadcast %div3A : f32 to vector<4000x1xf32>
    %div3A_5 = arith.divf %div3A_4, %max3A_3 : vector<4000x1xf32>
    %get3A_6 = arith.constant 0 : index
    %get3A_7 = arith.constant 0 : index
    %get3A_8 = vector.load %arg1[%get3A_6, %get3A_7] : memref<4000x32xf32, #tpu.memory_space<vmem>>, vector<4000x32xf32>
    %mul3A = vector.broadcast %div3A_5 : vector<4000x1xf32> to vector<4000x32xf32>
    %mul3A_9 = arith.mulf %get3A_8, %mul3A : vector<4000x32xf32>
    %get3A_10 = arith.constant 0 : index
    %get3A_11 = arith.constant 0 : index
    %get3A_12 = vector.load %arg4[%get3A_10, %get3A_11] : memref<32x32xf32, #tpu.memory_space<vmem>>, vector<32x32xf32>
    %dot_general3A = arith.constant dense<0.000000e+00> : vector<4000x32xf32>
    %dot_general3A_13 = tpu.matmul %mul3A_9, %get3A_12, %dot_general3A {dimension_numbers = #tpu.dot_dimension_numbers<[1], [0], [0], [1], [0, 0, 1, 1], [], []>, transpose_lhs_hint = false} : vector<4000x32xf32>, vector<32x32xf32>, vector<4000x32xf32> -> vector<4000x32xf32>
    %get3A_14 = arith.constant 0 : index
    %get3A_15 = arith.constant 0 : index
    %get3A_16 = vector.load %arg5[%get3A_14, %get3A_15] : memref<1x32xf32, #tpu.memory_space<vmem>>, vector<1x32xf32>
    %add3A = vector.broadcast %get3A_16 : vector<1x32xf32> to vector<4000x32xf32>
    %add3A_17 = arith.addf %dot_general3A_13, %add3A : vector<4000x32xf32>
    %get3A_18 = arith.constant 0 : index
    %get3A_19 = arith.constant 0 : index
    %get3A_20 = vector.load %arg3[%get3A_18, %get3A_19] : memref<4000x32xf32, #tpu.memory_space<vmem>>, vector<4000x32xf32>
    %get3A_21 = arith.constant 0 : index
    %get3A_22 = arith.constant 0 : index
    %get3A_23 = vector.load %arg6[%get3A_21, %get3A_22] : memref<32x32xf32, #tpu.memory_space<vmem>>, vector<32x32xf32>
    %dot_general3A_24 = arith.constant dense<0.000000e+00> : vector<4000x32xf32>
    %dot_general3A_25 = tpu.matmul %get3A_20, %get3A_23, %dot_general3A_24 {dimension_numbers = #tpu.dot_dimension_numbers<[1], [0], [0], [1], [0, 0, 1, 1], [], []>, transpose_lhs_hint = false} : vector<4000x32xf32>, vector<32x32xf32>, vector<4000x32xf32> -> vector<4000x32xf32>
    %add3A_26 = arith.addf %add3A_17, %dot_general3A_25 : vector<4000x32xf32>
    %swap3A = arith.constant 0 : index
    %swap3A_27 = arith.constant 0 : index
    %swap3A_28 = vector.load %arg7[%swap3A, %swap3A_27] : memref<4000x32xf32, #tpu.memory_space<vmem>>, vector<4000x32xf32>
    tpu.vector_store %arg7[%swap3A, %swap3A_27], %add3A_26 {strides = array<i32>} : memref<4000x32xf32, #tpu.memory_space<vmem>>, vector<4000x32xf32>,
    return
  }
  func.func @transform_0(%arg0: i32) -> (i32, i32) {
    %c0_i32 = arith.constant 0 : i32
    %c0_i32_0 = arith.constant 0 : i32
    return %arg0, %c0_i32 : i32, i32
  }
  func.func @transform_1(%arg0: i32) -> (i32, i32) {
    %c0_i32 = arith.constant 0 : i32
    %c0_i32_0 = arith.constant 0 : i32
    return %arg0, %c0_i32 : i32, i32
  }
  func.func @transform_2(%arg0: i32) -> (i32, i32) {
    %c0_i32 = arith.constant 0 : i32
    %c0_i32_0 = arith.constant 0 : i32
    return %arg0, %c0_i32 : i32, i32
  }
  func.func @transform_3(%arg0: i32) -> (i32, i32) {
    %c0_i32 = arith.constant 0 : i32
    %c0_i32_0 = arith.constant 0 : i32
    %c0_i32_1 = arith.constant 0 : i32
    return %c0_i32, %c0_i32_0 : i32, i32
  }
  func.func @transform_4(%arg0: i32) -> (i32, i32) {
    %c0_i32 = arith.constant 0 : i32
    %c0_i32_0 = arith.constant 0 : i32
    %c0_i32_1 = arith.constant 0 : i32
    return %c0_i32, %c0_i32_0 : i32, i32
  }
  func.func @transform_5(%arg0: i32) -> (i32, i32) {
    %c0_i32 = arith.constant 0 : i32
    %c0_i32_0 = arith.constant 0 : i32
    %c0_i32_1 = arith.constant 0 : i32
    return %c0_i32, %c0_i32_0 : i32, i32
  }
  func.func @transform_6(%arg0: i32) -> (i32, i32) {
    %c0_i32 = arith.constant 0 : i32
    %c0_i32_0 = arith.constant 0 : i32
    return %arg0, %c0_i32 : i32, i32
  }
}

</mosaic_0001>

<sc_bundles>
// kernel: kernel.5.cloned.1.call-start
scs
__scs_entry_jumppad:
0x0: {  	(pc) =	sbr.rel $0x88, $3  }
0x1: {  	(tag) =	ssettag $0x0;
	lr =	simm.s32 $0x1  }
0x2: {  	[smem:$0x3F9A] =	sst lr;
	_ =	strace $0xD0000000  }
0x3: {  	_ = 	snop  }
0x4: {  	_ = 	snop  }
0x5: {  	_ = 	snop  }
0x6: {  	_ = 	snop  }
0x7: {  	_ = 	snop  }
__scs_overlays_trampoline_lowered:
0x8: {  	[smem:$0x3FA9] =	sst s0  }
0x9: {  	[smem:$0x3FAA] =	sst s1  }
0xa: {  	[smem:$0x3FAB] =	sst s2  }
0xb: {  	[smem:$0x3FAC] =	sst s3  }
0xc: {  	[smem:$0x3FAD] =	sst s4  }
0xd: {  	[smem:$0x3FAE] =	sst s5  }
0xe: {  	[smem:$0x3FAF] =	sst s6  }
0xf: {  	[smem:$0x3FB0] =	sst s7  }
0x10: {  	[smem:$0x3FB1] =	sst s8  }
0x11: {  	[smem:$0x3FB2] =	sst s9;
	s0 =	simm.s32 @!p0 $0x0  }
0x12: {  	s1 =	sld [smem:$0x3F98];
	s0 =	simm.s32 @p0 $0x1  }
0x13: {  	[smem:$0x3FB3] =	sst s0;
	s0 =	simm.s32 @!p1 $0x0  }
0x14: {  	s2 =	sld [smem:$0x3F97];
	s0 =	simm.s32 @p1 $0x1  }
0x15: {  	[smem:$0x3FB4] =	sst s0;
	s0 =	simm.s32 @!p2 $0x0  }
0x16: {  	s3 =	sld [smem:$0x3FDB];
	s0 =	simm.s32 @p2 $0x1  }
0x17: {  	s4 =	simm.s32 $0x1BF5;
	[smem:$0x3FB6] =	sst s0  }
0x18: {  	s0 =	sld [smem:$0x3F99];
	_ =	swait.ge [sflag:s4], $0x0  }
0x19: {  	s7 =	sld [smem:$0x3F9A]  }
0x1a: {  	s8 =	sadd.s32 $0xFFFFE003, lr  }
0x1b: {  	s9 =	sadd.s32 $0xFFFFFEF7, lr;
	s5 =	simm.s32 $0xFFFFFFFF;
	p2 =	slt.u32 s8, $0xFFFFF086  }
0x1c: {  	p1 =	slt.u32 s9, $0xF7A;
	s5 =	simm.s32 @!p2 $0x0  }
0x1d: {  	s5 =	simm.s32 @p1 $0x1;
	p0 =	seq.s32 s7, s2  }
0x1e: {  	s7 =	smul.u32 @!p0 $0xF7A, s2;
	p2 =	seq.s32 @!p0 s5, $0x0  }
0x1f: {  	s9 =	smul.u32 $0xF7A, s1;
	s8 =	simm.s32 @!p0 $0x1BF5;
	p2 =	por !p2, p0  }
0x20: {  	[sflag:s8] =	ssyncset.s32 @!p0 $0xFFFFF086;
	s6 =	sadd.s32 @!p0 s3, s7;
	s7 =	simm.s32 @!p0 $0x108  }
0x21: {  	s3 =	sadd.s32 s3, s9;
	s6 =	sadd.s32 @!p0 $0x88, s6;
	s7 =	simm.s32 @p2 $0x1082  }
0x22: {  	[simem:s7], [sflag:s8] =	dma.local @!p0 [hbm:s6], $0xF7A  }
0x23: {  	s9 =	sor.u32 $0xD0000000, s2;
	s6 =	simm.s32 $0x108;
	_ =	swait.ge @!p0 [sflag:s8], $0x0  }
0x24: {  	s3 =	sadd.s32 $0x88, s3;
	s6 =	simm.s32 @!p1 $0x1082;
	[sflag:s4] =	ssyncset.s32 $0xFFFFF086  }
0x25: {  	[simem:s6], [sflag:s4] =	dma.local [hbm:s3], $0xF7A  }
0x26: {  	[smem:$0x3F9A] =	sst s1;
	(tag) =	ssettag s2;
	_ =	strace s9  }
0x27: {  	s1 =	sld [smem:$0x3FAA]  }
0x28: {  	s2 =	sld [smem:$0x3FAB]  }
0x29: {  	s4 =	sld [smem:$0x3FAD]  }
0x2a: {  	p0 =	seq.s32 s5, $0x0;
	s5 =	sld [smem:$0x3FAE]  }
0x2b: {  	s6 =	sld [smem:$0x3FAF]  }
0x2c: {  	s7 =	sld [smem:$0x3FB0]  }
0x2d: {  	s3 =	simm.s32 $0x108;
	s8 =	sld [smem:$0x3FB1]  }
0x2e: {  	s3 =	simm.s32 @!p0 $0x1082;
	s9 =	sld [smem:$0x3FB2]  }
0x2f: {  	lr =	sadd.s32 s0, s3;
	s0 =	sld [smem:$0x3FA9]  }
0x30: {  	s3 =	sld [smem:$0x3FAC]  }
0x31: {  	[smem:$0x3FB5] =	sst s10  }
0x32: {  	s10 =	sld [smem:$0x3FB3];
	_ =	sdelay $0x3  }
0x33: {  	p0 =	seq.s32 s10, $0x1;
	s10 =	sld [smem:$0x3FB5];
	_ =	sdelay $0x3  }
0x34: {  	[smem:$0x3FB5] =	sst s10  }
0x35: {  	s10 =	sld [smem:$0x3FB4];
	_ =	sdelay $0x3  }
0x36: {  	p1 =	seq.s32 s10, $0x1;
	s10 =	sld [smem:$0x3FB5];
	_ =	sdelay $0x3  }
0x37: {  	[smem:$0x3FB5] =	sst s10  }
0x38: {  	s10 =	sld [smem:$0x3FB6]  }
0x39: {  	_ = 	snop;
	(pc) =	sbr.ind lr, $3  }
0x3a: {  	_ = 	snop  }
0x3b: {  	_ = 	snop  }
0x3c: {  	p2 =	seq.s32 s10, $0x1;
	s10 =	sld [smem:$0x3FB5]  }
0x3d: {  	_ =	shalt  }
0x3e: {  	_ =	shalt  }
0x3f: {  	_ =	shalt  }
0x40: {  	_ =	shalt  }
0x41: {  	_ =	shalt  }
0x42: {  	_ =	shalt  }
0x43: {  	_ =	shalt  }
0x44: {  	_ =	shalt  }
0x45: {  	_ =	shalt  }
0x46: {  	_ =	shalt  }
0x47: {  	_ =	shalt  }
0x48: {  	_ =	shalt  }
0x49: {  	_ =	shalt  }
0x4a: {  	_ =	shalt  }
0x4b: {  	_ =	shalt  }
0x4c: {  	_ =	shalt  }
0x4d: {  	_ =	shalt  }
0x4e: {  	_ =	shalt  }
0x4f: {  	_ =	shalt  }
0x50: {  	_ =	shalt  }
0x51: {  	_ =	shalt  }
0x52: {  	_ =	shalt  }
0x53: {  	_ =	shalt  }
0x54: {  	_ =	shalt  }
0x55: {  	_ =	shalt  }
0x56: {  	_ =	shalt  }
0x57: {  	_ =	shalt  }
0x58: {  	_ =	shalt  }
0x59: {  	_ =	shalt  }
0x5a: {  	_ =	shalt  }
0x5b: {  	_ =	shalt  }
0x5c: {  	_ =	shalt  }
0x5d: {  	_ =	shalt  }
0x5e: {  	_ =	shalt  }
0x5f: {  	_ =	shalt  }
0x60: {  	_ =	shalt  }
0x61: {  	_ =	shalt  }
0x62: {  	_ =	shalt  }
0x63: {  	_ =	shalt  }
0x64: {  	_ =	shalt  }
0x65: {  	_ =	shalt  }
0x66: {  	_ =	shalt  }
0x67: {  	_ =	shalt  }
0x68: {  	_ =	shalt  }
0x69: {  	_ =	shalt  }
0x6a: {  	_ =	shalt  }
0x6b: {  	_ =	shalt  }
0x6c: {  	_ =	shalt  }
0x6d: {  	_ =	shalt  }
0x6e: {  	_ =	shalt  }
0x6f: {  	_ =	shalt  }
0x70: {  	_ =	shalt  }
0x71: {  	_ =	shalt  }
0x72: {  	_ =	shalt  }
0x73: {  	_ =	shalt  }
0x74: {  	_ =	shalt  }
0x75: {  	_ =	shalt  }
0x76: {  	_ =	shalt  }
0x77: {  	_ =	shalt  }
0x78: {  	_ =	shalt  }
0x79: {  	_ =	shalt  }
0x7a: {  	_ =	shalt  }
0x7b: {  	_ =	shalt  }
0x7c: {  	_ =	shalt  }
0x7d: {  	_ =	shalt  }
0x7e: {  	_ =	shalt  }
0x7f: {  	_ =	shalt  }
0x80: {  	_ =	shalt  }
0x81: {  	_ =	shalt  }
0x82: {  	_ =	shalt  }
0x83: {  	_ =	shalt  }
0x84: {  	_ =	shalt  }
0x85: {  	_ =	shalt  }
0x86: {  	_ =	shalt  }
0x87: {  	_ =	shalt  }
.Lfunc_end0:
.L_simem_size_0:
called_computation_lowered:
.L_overlay_start_0:
0x88: {  	s2 =	sld [smem:$0x3FD9]  }
0x89: {  	s3 =	sld [smem:$0x3FFE];
	_ =	sdelay $0x1  }
0x8a: {  	s1 =	srdreg.scid  }
0x8b: {  	s0 =	sand.u32 $0x1, s1  }
0x8c: {  	s17 =	sshll.u32 s0, $0xA;
	s2 =	sadd.s32 s3, s2  }
0x8d: {  	s2 =	sadd.s32 s2, s17  }
0x8e: {  	[smem:$0x3FC1] =	sst s2  }
0x8f: {  	_ = 	snop  }
0x90: {  	s2 =	sld [smem:$0x3FD0];
	(tm) =	ssettm $0x1  }
0x91: {  	s18 =	sld [smem:$0x3FFB];
	_ =	sdelay $0x3  }
0x92: {  	_ =	strace s18  }
0x93: {  	s3 =	sld [smem:$0x3FFC];
	_ =	sdelay $0x3  }
0x94: {  	_ =	strace s3  }
0x95: {  	s3 =	sld [smem:$0x3FFD];
	_ =	sdelay $0x3  }
0x96: {  	_ =	strace s3  }
0x97: {  	_ =	strace $0x8FFFFFFF  }
0x98: {  	s19 =	sld [smem:$0x3FDB];
	_ =	sdelay $0x1  }
0x99: {  	s4 =	simm.s32 $_scs_section_size  }
0x9a: {  	s5 =	simm.s32 $_size__tile_overlayer_lowered;
	s6 =	simm.s32 $_tile_overlayer_lowered  }
0x9b: {  	s22 =	simm.s32 $0x1BFF;
	s21 =	sshll.u32 s6, $0x1;
	s3 =	sadd.s32 s4, s19  }
0x9c: {  	s7 =	simm.s32 $0x0;
	s20 =	sshll.u32 s5, $0x1;
	s5 =	sadd.s32 s21, s3  }
0x9d: {  	[timem:s7], [sflag:s22] =	dma.local [hbm:s5], s20  }
0x9e: {  	_ =	swait.ge [sflag:s22], s20  }
0x9f: {  	s4 =	ssub.s32 $0x0, s20;
	[sflag:s22] =	ssyncset.done $0x0  }
0xa0: {  	[sflag:s22] =	ssyncadd.s32 s4;
	_ =	sdelay $0x1  }
0xa1: {  	s23 =	simm.s32 $0x1B8B  }
0xa2: {  	_ =	swait.ge [sflag:s23], $0x1  }
0xa3: {  	[sflag:s23] =	ssyncset.done $0x0  }
0xa4: {  	s25 =	simm.s32 $0x1B8E;
	s24 =	sld [smem:$0x3FFE];
	[sflag:s23] =	ssyncadd.s32 $0xFFFFFFFF  }
0xa5: {  	s26 =	simm.s32 $execute0_lowered;
	[smem:$0x3FD2] =	sst s25  }
0xa6: {  	s5 =	sshll.u32 s26, $0x1;
	_ =	strace $0x80000046;
	[dreg:$0x1] =	wrdreg $0xFFFFFFFF  }
0xa7: {  	s28 =	simm.s32 $_size_execute0_lowered;
	s3 =	sadd.s32 s3, s5;
	[dreg:$0x0] =	wrdreg $0x0  }
0xa8: {  	s5 =	sshll.u32 s28, $0x1;
	[dreg:$0x2] =	wrdreg s3  }
0xa9: {  	[dreg:$0x3] =	wrdreg s5  }
0xaa: {  	[dreg:$0x4] =	wrdreg $0xC0  }
0xab: {  	_ =	task [dreg:s7], $0x5FFFF  }
0xac: {  	[dreg:$0x1] =	wrdreg $0xFFFFFFFF  }
0xad: {  	[dreg:$0x0] =	wrdreg $0x60  }
0xae: {  	[dreg:$0x2] =	wrdreg s24  }
0xaf: {  	[dreg:$0x3] =	wrdreg s2  }
0xb0: {  	[dreg:$0x4] =	wrdreg $0x50800  }
0xb1: {  	[dreg:$0x5] =	wrdreg $0x1E0800  }
0xb2: {  	[dreg:$0x6] =	wrdreg $0x9  }
0xb3: {  	_ =	task.clear_ibuf [dreg:s7], $0x7FFFF;
	_ =	strace $0x90000046  }
0xb4: {  	s29 =	simm.s32 $0x9;
	_ =	strace $0x80000048  }
0xb5: {  	_ =	swait.ge [sflag:s29], $0x1  }
0xb6: {  	[sflag:s29] =	ssyncadd.s32 $0xFFFFFFFF  }
0xb7: {  	_ =	strace $0x90000048  }
0xb8: {  	_ =	sfence  }
0xb9: {  	s30 =	sld [smem:$0x0];
	_ =	sdelay $0x2  }
0xba: {  	s31 =	sshll.u32 s1, $0xD;
	s1 =	sshrl.u32 s1, $0x2  }
0xbb: {  	s3 =	sand.u32 $0x4000, s31;
	s1 =	sadd.s32 s1, s30  }
0xbc: {  	s0 =	sor.u32 s3, s0;
	s1 =	sshll.u32 s1, $0x11  }
0xbd: {  	s0 =	sor.u32 s1, s0  }
0xbe: {  	s0 =	sadd.s32 $0x8F2B, s0  }
0xbf: {  	[sflag:s0] =	ssyncadd.remote.s32 $0x1  }
0xc0: {  	_ =	sfence.sel $0xFFFF  }
0xc1: {  	[dreg:$0x0] =	wrdreg $0xFFFFFFFF;
	(pc) =	sbr.abs _section_cstart, $3  }
0xc2: {  	[dreg:$0x1] =	wrdreg $0xFFFFFFFF  }
0xc3: {  	_ =	task.clear_ibuf [dreg:s7], $0x2FFFF;
	_ =	strace $0x9FFFFFFF  }
0xc4: {  	(tm) =	ssettm $0x7FFFFFFF  }
0xc5: {  	_ =	shalt  }
tec
execute0_lowered:
.L_overlay_start_1:
0x0: {  	(tag) =	ssettag $0x1  }
0x1: {  	s0 =	rddreg [dreg:$0x0]  }
0x2: {  	s1 =	rddreg [dreg:$0x1]  }
0x3: {  	s2 =	rddreg [dreg:$0x2]  }
0x4: {  	s3 =	rddreg [dreg:$0x3]  }
0x5: {  	s21 =	simm.s32 $0x0;
	s4 =	srdreg.scid;
	s13 =	stileid.u32  }
0x6: {  	s28 =	simm.s32 $0x2C00;
	s30 =	simm.s32 $0x3C00;
	s15 =	simm.s32 $0x6  }
0x7: {  	s16 =	simm.s32 $0x7;
	s31 =	simm.s32 $0xB00;
	s29 =	simm.s32 $0xB80  }
0x8: {  	[smem:$0x7FF] =	sst s21;
	s5 =	sadd.s32 $0x31E00, s0;
	s7 =	smul.u32 $0x64000, s13  }
0x9: {  	s4 =	sand.u32 $0x1, s4;
	s8 =	sadd.s32 $0xE00, s0;
	s11 =	smul.u32 $0x3200, s13  }
0xa: {  	s9 =	sadd.s32 $0x62E00, s0;
	s0 =	sadd.s32 $0xC4A00, s0;
	s19 =	smul.u32 $0x3100, s13  }
0xb: {  	s12 =	smul.u32 $0xC80, s13;
	p0 =	seq.s32 s13, $0xF;
	s13 =	simm.s32 $0x5  }
0xc: {  	_ =	strace $0x80000047;
	s6 =	ssub.s32 $0x2, s4;
	s4 =	smul.u32 $0xC350, s4  }
0xd: {  	s10 =	sshrl.u32 s6, $0x1;
	s17 =	sshrl.u32 s7, $0x2;
	s18 =	sshrl.u32 s11, $0x2  }
0xe: {  	s14 =	sadd.s32 s5, s19;
	s20 =	sadd.s32 s8, s19;
	s11 =	sor.u32 $0x40, s19  }
0xf: {  	s19 =	simm.s32 $0x1;
	s10 =	ssub.s32 s6, s10;
	[dreg:$0x6] =	wrdreg s14  }
0x10: {  	s6 =	sadd.s32 s17, s2;
	s7 =	sadd.s32 s18, s3;
	[dreg:$0x7] =	wrdreg s20  }
0x11: {  	s14 =	sadd.s32 $0xC350, s4;
	s5 =	sadd.s32 s5, s11;
	s22 =	sadd.s32 s12, s4  }
0x12: {  	s8 =	sadd.s32 s8, s11;
	s24 =	sadd.s32 $0xBB80, s4;
	s17 =	simm.s32 $0x4C80  }
0x13: {  	s18 =	simm.s32 $0xA;
	s20 =	simm.s32 $0x80;
	[dreg:$0x8] =	wrdreg s5  }
0x14: {  	s11 =	simm.s32 $0x4;
	v0 =	vmov s4;
	s4 =	simm.s32 $0x9;
	[dreg:$0x9] =	wrdreg s8  }
0x15: {  	s23 =	sshll.u32 s22, $0x2;
	s5 =	sshrl.u32 s22, $0x3;
	s26 =	smax.u32 s10, $0x1  }
0x16: {  	s25 =	sshll.u32 s24, $0x2;
	s8 =	sadd.s32 s9, s23;
	[dreg:$0xe] =	wrdreg s26  }
0x17: {  	s22 =	simm.s32 $0x8;
	s5 =	sadd.s32 s0, s5;
	[dreg:$0xa] =	wrdreg s8  }
0x18: {  	s9 =	sadd.s32 s9, s25;
	s25 =	simm.s32 $0x1C00;
	[dreg:$0xb] =	wrdreg s5  }
0x19: {  	s26 =	simm.s32 $0x2;
	s5 =	sshrl.u32 s24, $0x3;
	[dreg:$0xc] =	wrdreg s9  }
.Ltmp0:
0x1a: {  	s9 =	sadd.s32 $0x177000, s2;
	s0 =	sadd.s32 s0, s5;
	(pc) =	sbr.rel .LBB2_1-.Ltmp0, $4  }
0x1b: {  	s5 =	sshrl.u32 @p0 s9, $0x3;
	[dreg:$0xd] =	wrdreg s0;
	s0 =	sadd.s32 $0xBB80, s3  }
0x1c: {  	s8 =	sadd.s32 s12, s3;
	[dreg:$0xf] =	wrdreg s5;
	s0 =	sshrl.u32 @p0 s0, $0x3  }
0x1d: {  	s24 =	simm.s32 $0xC00;
	[dreg:$0x10] =	wrdreg s0;
	s0 =	sshrl.u32 @!p0 s8, $0x3  }
0x1e: {  	v2 =	vimm.f32 $1.000000000e+00;
	v3 =	vimm.f32 $0.0e+00;
	v1 =	vmov s14;
	s5 =	simm.s32 $0x3;
	[dreg:$0x11] =	wrdreg s0;
	s0 =	simm.s32 $0x4C00  }
.LBB2_9:
0x1f: {  	[bflag:$0x0] =	sbarrier.arrive $0xFFFF  }
0x20: {  	s9 =	rddreg [dreg:$0xc]  }
0x21: {  	s8 =	simm.s32 @p0 $0x1FCA;
	s10 =	rddreg [dreg:$0xf]  }
0x22: {  	[hbm:s9], [sflag:s8] =	dma.local @p0 [spmem:s10], $0x1F40  }
0x23: {  	s9 =	simm.s32 @p0 $0xA  }
0x24: {  	_ =	swait.ge @p0 [sflag:s9], $0x1F40  }
0x25: {  	[sflag:s9] =	ssyncset.done @p0 $0x0;
	s10 =	rddreg [dreg:$0xd]  }
0x26: {  	s12 =	rddreg [dreg:$0x10];
	[sflag:s9] =	ssyncadd.s32 @p0 $0xFFFFE0C0  }
0x27: {  	[hbm:s10], [sflag:s8] =	dma.local @p0 [spmem:s12], $0xFA  }
0x28: {  	s8 =	stileid.u32  }
0x29: {  	_ =	swait.ge @p0 [sflag:s9], $0xFA;
	s8 =	sshll.u32 @!p0 s8, $0x6  }
0x2a: {  	[sflag:s9] =	ssyncset.done @p0 $0x0;
	s8 =	sor.u32 @!p0 $0x1C0A, s8  }
0x2b: {  	s10 =	rddreg [dreg:$0xa];
	[sflag:s9] =	ssyncadd.s32 @p0 $0xFFFFFF06;
	s9 =	sshrl.u32 @!p0 s6, $0x3  }
0x2c: {  	[hbm:s10], [sflag:s8] =	dma.local @!p0 [spmem:s9], $0x3200  }
0x2d: {  	s9 =	simm.s32 @!p0 $0xA  }
0x2e: {  	_ =	swait.ge @!p0 [sflag:s9], $0x3200  }
0x2f: {  	[sflag:s9] =	ssyncset.done @!p0 $0x0;
	s10 =	rddreg [dreg:$0xb]  }
0x30: {  	s12 =	rddreg [dreg:$0x11];
	[sflag:s9] =	ssyncadd.s32 @!p0 $0xFFFFCE00  }
0x31: {  	[hbm:s10], [sflag:s8] =	dma.local @!p0 [spmem:s12], $0x190  }
0x32: {  	_ =	swait.ge @!p0 [sflag:s9], $0x190  }
0x33: {  	s21 =	rddreg [dreg:$0x5]  }
0x34: {  	s23 =	rddreg [dreg:$0xe];
	s21 =	sadd.s32 $0x1, s21  }
0x35: {  	p1 =	sne.s32 s21, s23  }
.Ltmp1:
0x36: {  	_ = 	snop;
	(pc) =	sbr.rel @!p1 .LBB2_10-.Ltmp1, $3  }
0x37: {  	_ =	sdelay $0x1  }
0x38: {  	[sflag:s9] =	ssyncset.done @!p0 $0x0  }
0x39: {  	[sflag:s9] =	ssyncadd.s32 @!p0 $0xFFFFFE70  }
.LBB2_1:
0x3a: {  	[tilespmem:$0x4C00] =	vst v2  }
0x3b: {  	[tilespmem:$0x4C10] =	vst v2  }
0x3c: {  	[tilespmem:$0x4C20] =	vst v2  }
0x3d: {  	[tilespmem:$0x4C30] =	vst v2  }
0x3e: {  	[tilespmem:$0x4C40] =	vst v2  }
0x3f: {  	[tilespmem:$0x4C50] =	vst v2  }
0x40: {  	[tilespmem:$0x4C60] =	vst v2  }
0x41: {  	[tilespmem:$0x4C70] =	vst v2  }
0x42: {  	[tilespmem:$0x4C80] =	vst v3  }
0x43: {  	[tilespmem:$0x4C90] =	vst v3  }
0x44: {  	[tilespmem:$0x4CA0] =	vst v3  }
0x45: {  	[tilespmem:$0x4CB0] =	vst v3  }
0x46: {  	[tilespmem:$0x4CC0] =	vst v3  }
0x47: {  	[tilespmem:$0x4CD0] =	vst v3  }
0x48: {  	[tilespmem:$0x4CE0] =	vst v3  }
0x49: {  	[tilespmem:$0x4CF0] =	vst v3  }
0x4a: {  	[tilespmem:$0x4D00] =	vst v3  }
0x4b: {  	[tilespmem:$0x4D10] =	vst v3  }
0x4c: {  	[tilespmem:$0x4D20] =	vst v3  }
0x4d: {  	[tilespmem:$0x4D30] =	vst v3  }
0x4e: {  	[tilespmem:$0x4D40] =	vst v3  }
0x4f: {  	[tilespmem:$0x4D50] =	vst v3  }
0x50: {  	[tilespmem:$0x4D60] =	vst v3  }
0x51: {  	[tilespmem:$0x4D70] =	vst v3  }
0x52: {  	[tilespmem:$0x4D80] =	vst v3  }
0x53: {  	[tilespmem:$0x4D90] =	vst v3  }
0x54: {  	[tilespmem:$0x4DA0] =	vst v3  }
0x55: {  	[tilespmem:$0x4DB0] =	vst v3  }
0x56: {  	[tilespmem:$0x4DC0] =	vst v3  }
0x57: {  	[tilespmem:$0x4DD0] =	vst v3  }
0x58: {  	[tilespmem:$0x4DE0] =	vst v3  }
0x59: {  	[tilespmem:$0x4DF0] =	vst v3  }
0x5a: {  	[tilespmem:$0x4E00] =	vst v3  }
0x5b: {  	[tilespmem:$0x4E10] =	vst v3  }
0x5c: {  	[tilespmem:$0x4E20] =	vst v3  }
0x5d: {  	[tilespmem:$0x4E30] =	vst v3  }
0x5e: {  	[tilespmem:$0x4E40] =	vst v3  }
0x5f: {  	[tilespmem:$0x4E50] =	vst v3  }
0x60: {  	[tilespmem:$0x4E60] =	vst v3  }
0x61: {  	[tilespmem:$0x4E70] =	vst v3  }
0x62: {  	[tilespmem:$0x4E80] =	vst v3  }
0x63: {  	[tilespmem:$0x4E90] =	vst v3  }
0x64: {  	[tilespmem:$0x4EA0] =	vst v3  }
0x65: {  	[tilespmem:$0x4EB0] =	vst v3  }
0x66: {  	[tilespmem:$0x4EC0] =	vst v3  }
0x67: {  	[tilespmem:$0x4ED0] =	vst v3  }
0x68: {  	[tilespmem:$0x4EE0] =	vst v3  }
0x69: {  	[tilespmem:$0x4EF0] =	vst v3  }
0x6a: {  	[tilespmem:$0x4F00] =	vst v3  }
0x6b: {  	[tilespmem:$0x4F10] =	vst v3  }
0x6c: {  	[tilespmem:$0x4F20] =	vst v3  }
0x6d: {  	[tilespmem:$0x4F30] =	vst v3  }
0x6e: {  	[tilespmem:$0x4F40] =	vst v3  }
0x6f: {  	[tilespmem:$0x4F50] =	vst v3  }
0x70: {  	[tilespmem:$0x4F60] =	vst v3  }
0x71: {  	[tilespmem:$0x4F70] =	vst v3  }
0x72: {  	[tilespmem:$0x4F80] =	vst v3  }
0x73: {  	[tilespmem:$0x4F90] =	vst v3  }
0x74: {  	[tilespmem:$0x4FA0] =	vst v3  }
0x75: {  	[tilespmem:$0x4FB0] =	vst v3  }
0x76: {  	[tilespmem:$0x4FC0] =	vst v3  }
0x77: {  	[tilespmem:$0x4FD0] =	vst v3  }
0x78: {  	[tilespmem:$0x4FE0] =	vst v3  }
0x79: {  	[tilespmem:$0x4FF0] =	vst v3  }
0x7a: {  	[tilespmem:$0x5000] =	vst v3  }
0x7b: {  	[tilespmem:$0x5010] =	vst v3  }
0x7c: {  	[tilespmem:$0x5020] =	vst v3  }
0x7d: {  	[tilespmem:$0x5030] =	vst v3  }
0x7e: {  	[tilespmem:$0x5040] =	vst v3  }
0x7f: {  	[tilespmem:$0x5050] =	vst v3  }
0x80: {  	[tilespmem:$0x5060] =	vst v3  }
0x81: {  	[tilespmem:$0x5070] =	vst v3;
	s8 =	sadd.s32 $0x0, s6  }
0x82: {  	[spmem:s8] =	stream.linear.scatter [tilespmem:s17], [sflag:$0xA], $0x400, $0x38;
	[tilespmem:$0x1ED00] =	vst v63  }
0x83: {  	s8 =	simm.s32 $0x1000;
	_ =	swait.ge [sflag:s18], $0x400  }
.LBB2_2:
0x84: {  	s9 =	sshra.s32 s8, $0x2;
	[sflag:s18] =	ssyncset.done $0x0;
	p1 =	sne.s32 s8, $0x63000  }
.Ltmp2:
0x85: {  	s9 =	sadd.s32 s9, s6;
	[sflag:s18] =	ssyncadd.s32 $0xFFFFFC00;
	(pc) =	sbr.rel @p1 .LBB2_2-.Ltmp2, $3  }
0x86: {  	[spmem:s9] =	stream.linear.scatter [tilespmem:s17], [sflag:$0xA], $0x400, $0x38;
	[tilespmem:$0x1ED00] =	vst v63  }
0x87: {  	s8 =	sadd.s32 $0x1000, s8;
	_ =	sdelay $0x1  }
0x88: {  	_ =	swait.ge [sflag:s18], $0x400  }
0x89: {  	[sflag:s18] =	ssyncset.done $0x0  }
0x8a: {  	[dreg:$0x5] =	wrdreg s21;
	s8 =	sadd.s32 $0x0, s7;
	[sflag:s18] =	ssyncadd.s32 $0xFFFFFC00  }
0x8b: {  	[spmem:s8] =	stream.linear.scatter [tilespmem:s17], [sflag:$0xA], $0x20, $0x38;
	[tilespmem:$0x1ED00] =	vst v63  }
0x8c: {  	s8 =	simm.s32 $0x80;
	_ =	swait.ge [sflag:s18], $0x20  }
.LBB2_4:
0x8d: {  	s9 =	sshra.s32 s8, $0x2;
	[sflag:s18] =	ssyncset.done $0x0;
	p1 =	sne.s32 s8, $0x3180  }
.Ltmp3:
0x8e: {  	s9 =	sadd.s32 s9, s7;
	[sflag:s18] =	ssyncadd.s32 $0xFFFFFFE0;
	(pc) =	sbr.rel @p1 .LBB2_4-.Ltmp3, $3  }
0x8f: {  	[spmem:s9] =	stream.linear.scatter [tilespmem:s17], [sflag:$0xA], $0x20, $0x38;
	[tilespmem:$0x1ED00] =	vst v63  }
0x90: {  	s8 =	sadd.s32 $0x80, s8;
	_ =	sdelay $0x1  }
0x91: {  	_ =	swait.ge [sflag:s18], $0x20  }
0x92: {  	[sflag:s18] =	ssyncset.done $0x0  }
0x93: {  	[sflag:s18] =	ssyncadd.s32 $0xFFFFFFE0  }
0x94: {  	[bflag:$0x0] =	sbarrier.arrive $0xFFFF  }
0x95: {  	s8 =	simm.s32 $0x0;
	s9 =	rddreg [dreg:$0x6]  }
0x96: {  	[tilespmem:s8], [sflag:$0xA] =	stream.linear.gather [hbm4b:s9+s8], $0x200, $0x38;
	[tilespmem:$0x1ED00] =	vst v63  }
0x97: {  	_ =	swait.ge [sflag:s18], $0x200  }
0x98: {  	[sflag:s18] =	ssyncset.done $0x0  }
0x99: {  	s10 =	simm.s32 $0x400;
	s21 =	rddreg [dreg:$0x7];
	[sflag:s18] =	ssyncadd.s32 $0xFFFFFE00  }
0x9a: {  	[tilespmem:s10], [sflag:$0xA] =	stream.linear.gather [hbm4b:s21+s8], $0x200, $0x38;
	[tilespmem:$0x1ED00] =	vst v63  }
0x9b: {  	_ =	swait.ge [sflag:s18], $0x200  }
0x9c: {  	[sflag:s18] =	ssyncset.done $0x0  }
0x9d: {  	[sflag:s18] =	ssyncadd.s32 $0xFFFFFE00  }
0x9e: {  	v4 =	vld [tilespmem:$0x400]  }
0x9f: {  	v5 =	vld [tilespmem:$0x410]  }
0xa0: {  	v7 =	vld [tilespmem:$0x420]  }
0xa1: {  	v42 =	vld [tilespmem:$0x430]  }
0xa2: {  	v10 =	vld [tilespmem:$0x440]  }
0xa3: {  	v12 =	vld [tilespmem:$0x450]  }
0xa4: {  	v44 =	vld [tilespmem:$0x460]  }
0xa5: {  	v47 =	vld [tilespmem:$0x470]  }
0xa6: {  	v15 =	vld [tilespmem:$0x480]  }
0xa7: {  	v49 =	vld [tilespmem:$0x490]  }
0xa8: {  	v16 =	vld [tilespmem:$0x4A0]  }
0xa9: {  	v18 =	vld [tilespmem:$0x4B0];
	vm0 =	vge.s32 v4, v0  }
0xaa: {  	v53 =	vld [tilespmem:$0x4C0];
	vm1 =	vlt.s32 v4, v1;
	v6 =	vand.u32 $0x3FF, v4;
	v4 =	vsub.s32 v4, v0  }
0xab: {  	v19 =	vld [tilespmem:$0x4D0];
	vm5 =	vge.s32 v5, v0;
	vm6 =	vlt.s32 v5, v1;
	v8 =	vand.u32 $0x3FF, v5  }
0xac: {  	v21 =	vld [tilespmem:$0x4E0];
	v5 =	vsub.s32 v5, v0;
	vm7 =	vge.s32 v7, v0;
	vm2 =	vlt.s32 v7, v1  }
0xad: {  	v57 =	vld [tilespmem:$0x4F0];
	v9 =	vand.u32 $0x3FF, v7;
	v7 =	vsub.s32 v7, v0;
	vm8 =	vge.s32 v42, v0  }
0xae: {  	v59 =	vld [tilespmem:$0x500];
	vm3 =	vlt.s32 v42, v1;
	v11 =	vand.u32 $0x3FF, v42;
	v13 =	vsub.s32 v42, v0  }
0xaf: {  	v61 =	vld [tilespmem:$0x510];
	vm9 =	vge.s32 v10, v0;
	vm10 =	vlt.s32 v10, v1;
	v45 =	vand.u32 $0x3FF, v10  }
0xb0: {  	v24 =	vld [tilespmem:$0x520];
	v10 =	vsub.s32 v10, v0;
	vm11 =	vge.s32 v12, v0;
	vm12 =	vlt.s32 v12, v1  }
0xb1: {  	v63 =	vld [tilespmem:$0x530];
	v46 =	vand.u32 $0x3FF, v12;
	v12 =	vsub.s32 v12, v0;
	vm13 =	vge.s32 v44, v0  }
0xb2: {  	v27 =	vld [tilespmem:$0x540];
	vm14 =	vlt.s32 v44, v1;
	v14 =	vand.u32 $0x3FF, v44;
	vm15 =	vge.s32 v47, v0  }
0xb3: {  	v32 =	vld [tilespmem:$0x550];
	vm4 =	vlt.s32 v47, v1;
	v50 =	vand.u32 $0x3FF, v47;
	v51 =	vand.u32 $0x3FF, v15  }
0xb4: {  	v34 =	vld [tilespmem:$0x560];
	v17 =	vand.u32 $0x3FF, v49;
	v54 =	vand.u32 $0x3FF, v16;
	v55 =	vand.u32 $0x3FF, v18  }
0xb5: {  	v20 =	vand.u32 $0x3FF, v53;
	v58 =	vand.u32 $0x3FF, v19;
	v22 =	vand.u32 $0x3FF, v21  }
0xb6: {  	v23 =	vand.u32 $0x3FF, v57;
	v62 =	vand.u32 $0x3FF, v59;
	v25 =	vand.u32 $0x3FF, v61  }
0xb7: {  	v26 =	vand.u32 $0x3FF, v24;
	v33 =	vsub.s32 v63, v0;
	v35 =	vand.u32 $0x3FF, v27  }
0xb8: {  	v37 =	vand.u32 $0x3FF, v32;
	v38 =	vsub.s32 v27, v0;
	v40 =	vsub.s32 v32, v0  }
0xb9: {  	v41 =	vand.u32 $0x3FF, v34;
	v42 =	vsub.s32 v34, v0;
	vm0 =	vmand vm0, vm1  }
0xba: {  	v6 =	vadd.s32 $0xC350, v6;
	v8 =	vadd.s32 $0xC350, v8;
	vm1 =	vmand vm7, vm2  }
0xbb: {  	v9 =	vadd.s32 $0xC350, v9;
	vm2 =	vmand vm8, vm3;
	v11 =	vadd.s32 $0xC350, v11  }
0xbc: {  	v14 =	vadd.s32 $0xC350, v14;
	vm7 =	vge.s32 v49, v0;
	vm8 =	vlt.s32 v49, v1  }
0xbd: {  	v36 =	vld [tilespmem:$0x570];
	v17 =	vadd.s32 $0xC350, v17;
	v20 =	vadd.s32 $0xC350, v20;
	v60 =	vadd.s32 $0xC350, v22  }
0xbe: {  	v39 =	vld [tilespmem:$0x580];
	v23 =	vadd.s32 $0xC350, v23;
	v25 =	vadd.s32 $0xC350, v25;
	v22 =	vsub.s32 v61, v0  }
0xbf: {  	v26 =	vadd.s32 $0xC350, v26;
	v4 =	vsel vm0, v4, v6;
	vm0 =	vmand vm5, vm6  }
0xc0: {  	v43 =	vsel vm1, v7, v9;
	v9 =	vadd.s32 $0xC350, v45;
	vm1 =	vmand vm11, vm12  }
0xc1: {  	v7 =	vsub.s32 v44, v0;
	vm5 =	vge.s32 v15, v0;
	vm6 =	vlt.s32 v15, v1  }
0xc2: {  	v15 =	vsub.s32 v15, v0;
	vm11 =	vge.s32 v18, v0;
	vm12 =	vlt.s32 v18, v1  }
0xc3: {  	v18 =	vsub.s32 v18, v0;
	v44 =	vand.u32 $0x3FF, v36;
	v45 =	vand.u32 $0x3FF, v39  }
0xc4: {  	v6 =	vsub.s32 v36, v0;
	v8 =	vsel vm0, v5, v8;
	v5 =	vsel vm2, v13, v11  }
0xc5: {  	vm0 =	vmand vm9, vm10;
	v11 =	vadd.s32 $0xC350, v46;
	vm2 =	vmand vm13, vm14  }
0xc6: {  	v13 =	vsub.s32 v47, v0;
	vm9 =	vge.s32 v16, v0;
	vm10 =	vlt.s32 v16, v1  }
0xc7: {  	v16 =	vsub.s32 v16, v0;
	vm13 =	vge.s32 v53, v0;
	vm14 =	vlt.s32 v53, v1  }
0xc8: {  	[tilespmem:$0x800] =	vst v4;
	v4 =	vand.u32 $0x3FF, v63;
	v9 =	vsel vm0, v10, v9;
	v48 =	vsel vm1, v12, v11  }
0xc9: {  	v7 =	vsel vm2, v7, v14;
	vm0 =	vmand vm15, vm4;
	v12 =	vadd.s32 $0xC350, v50  }
0xca: {  	vm1 =	vmand vm5, vm6;
	v14 =	vadd.s32 $0xC350, v51;
	vm2 =	vmand vm7, vm8  }
0xcb: {  	v11 =	vsub.s32 v49, v0;
	vm15 =	vge.s32 v19, v0;
	vm4 =	vlt.s32 v19, v1  }
0xcc: {  	v19 =	vsub.s32 v19, v0;
	vm5 =	vge.s32 v21, v0;
	vm6 =	vlt.s32 v21, v1  }
0xcd: {  	vm8 =	vge.s32 v57, v0;
	v21 =	vsub.s32 v21, v0;
	[tilespmem:$0x810] =	vst v8;
	v4 =	vadd.s32 $0xC350, v4  }
0xce: {  	[tilespmem:$0x830] =	vst v5;
	v5 =	vadd.s32 $0xC350, v35;
	v8 =	vadd.s32 $0xC350, v37;
	v10 =	vsub.s32 v39, v0  }
0xcf: {  	v12 =	vsel vm0, v13, v12;
	v52 =	vsel vm1, v15, v14;
	v11 =	vsel vm2, v11, v17  }
0xd0: {  	vm0 =	vmand vm9, vm10;
	v15 =	vadd.s32 $0xC350, v54;
	vm1 =	vmand vm11, vm12  }
0xd1: {  	v17 =	vadd.s32 $0xC350, v55;
	vm2 =	vmand vm13, vm14;
	v14 =	vsub.s32 v53, v0  }
0xd2: {  	vm7 =	vmand vm5, vm6;
	vm9 =	vlt.s32 v57, v1;
	vm10 =	vge.s32 v59, v0  }
0xd3: {  	vm11 =	vlt.s32 v59, v1;
	vm13 =	vge.s32 v61, v0;
	vm14 =	vlt.s32 v61, v1  }
0xd4: {  	vm6 =	vlt.s32 v24, v1;
	v13 =	vadd.s32 $0xC350, v45;
	v15 =	vsel vm0, v16, v15  }
0xd5: {  	v56 =	vsel vm1, v18, v17;
	v14 =	vsel vm2, v14, v20;
	vm0 =	vmand vm15, vm4  }
0xd6: {  	v18 =	vadd.s32 $0xC350, v58;
	vm1 =	vmand vm8, vm9;
	v17 =	vsub.s32 v57, v0  }
0xd7: {  	vm12 =	vmand vm10, vm11;
	v20 =	vsub.s32 v59, v0;
	vm15 =	vge.s32 v24, v0  }
0xd8: {  	v24 =	vsub.s32 v24, v0;
	vm8 =	vlt.s32 v63, v1;
	vm9 =	vge.s32 v27, v0  }
0xd9: {  	vm10 =	vlt.s32 v27, v1;
	[tilespmem:$0x870] =	vst v12;
	v12 =	vadd.s32 $0xC350, v44;
	v18 =	vsel vm0, v19, v18  }
0xda: {  	[tilespmem:$0x820] =	vst v43;
	v19 =	vsel vm7, v21, v60;
	v17 =	vsel vm1, v17, v23;
	v21 =	vadd.s32 $0xC350, v62  }
0xdb: {  	[tilespmem:$0x840] =	vst v9;
	vm1 =	vmand vm13, vm14;
	vm2 =	vmand vm15, vm6;
	vm7 =	vge.s32 v63, v0  }
0xdc: {  	v43 =	vld [tilespmem:$0x590];
	[tilespmem:$0x850] =	vst v48;
	vm11 =	vmand vm9, vm10;
	vm13 =	vlt.s32 v32, v1;
	vm14 =	vge.s32 v34, v0  }
0xdd: {  	v46 =	vld [tilespmem:$0x5A0];
	[tilespmem:$0x860] =	vst v7;
	vm15 =	vlt.s32 v34, v1;
	vm9 =	vge.s32 v39, v0;
	vm10 =	vlt.s32 v39, v1  }
0xde: {  	[tilespmem:$0x880] =	vst v52;
	v20 =	vsel vm12, v20, v21;
	v30 =	vsel vm1, v22, v25;
	v31 =	vsel vm2, v24, v26  }
0xdf: {  	[tilespmem:$0x890] =	vst v11;
	vm0 =	vmand vm7, vm8;
	vm12 =	vge.s32 v32, v0;
	v5 =	vsel vm11, v38, v5  }
0xe0: {  	v50 =	vld [tilespmem:$0x5C0];
	[tilespmem:$0x8A0] =	vst v15;
	vm6 =	vmand vm14, vm15;
	vm7 =	vge.s32 v36, v0;
	vm8 =	vlt.s32 v36, v1  }
0xe1: {  	[tilespmem:$0x8B0] =	vst v56;
	vm2 =	vmand vm9, vm10;
	vm11 =	vge.s32 v43, v0;
	v49 =	vand.u32 $0x3FF, v43  }
0xe2: {  	v48 =	vld [tilespmem:$0x5B0];
	[tilespmem:$0x8C0] =	vst v14;
	v11 =	vsub.s32 v43, v0;
	vm14 =	vlt.s32 v46, v1;
	v51 =	vand.u32 $0x3FF, v46  }
0xe3: {  	[tilespmem:$0x8D0] =	vst v18;
	v4 =	vsel vm0, v33, v4;
	vm1 =	vmand vm12, vm13;
	v47 =	vsel vm2, v10, v13  }
0xe4: {  	v53 =	vld [tilespmem:$0x5D0];
	[tilespmem:$0x8E0] =	vst v19;
	vm12 =	vlt.s32 v43, v1;
	vm13 =	vge.s32 v46, v0;
	v52 =	vadd.s32 $0xC350, v51  }
0xe5: {  	v55 =	vld [tilespmem:$0x5E0];
	[tilespmem:$0x8F0] =	vst v17;
	v57 =	vand.u32 $0x3FF, v50;
	v60 =	vsub.s32 v50, v0;
	v7 =	vsel vm1, v40, v8  }
0xe6: {  	[tilespmem:$0x900] =	vst v20;
	v8 =	vadd.s32 $0xC350, v41;
	vm1 =	vmand vm7, vm8;
	vm0 =	vmand vm11, vm12  }
0xe7: {  	[tilespmem:$0x940] =	vst v5;
	vm15 =	vmand vm13, vm14;
	vm5 =	vge.s32 v48, v0;
	v54 =	vand.u32 $0x3FF, v48  }
0xe8: {  	[tilespmem:$0x930] =	vst v4;
	v4 =	vsub.s32 v46, v0;
	v5 =	vsub.s32 v48, v0;
	vm7 =	vge.s32 v50, v0  }
0xe9: {  	[tilespmem:$0x910] =	vst v30;
	vm8 =	vlt.s32 v50, v1;
	vm10 =	vge.s32 v53, v0;
	vm11 =	vlt.s32 v53, v1  }
0xea: {  	v58 =	vld [tilespmem:$0x5F0];
	[tilespmem:$0x920] =	vst v31;
	vm12 =	vge.s32 v55, v0;
	vm13 =	vlt.s32 v55, v1;
	v59 =	vand.u32 $0x3FF, v53  }
0xeb: {  	[tilespmem:$0x980] =	vst v47;
	v61 =	vand.u32 $0x3FF, v55;
	v62 =	vsub.s32 v55, v0;
	v8 =	vsel vm6, v42, v8  }
0xec: {  	v6 =	vsel vm1, v6, v12;
	v12 =	vadd.s32 $0xC350, v49;
	vm6 =	vlt.s32 v48, v1;
	[tilespmem:$0x950] =	vst v7  }
0xed: {  	v56 =	vadd.s32 $0xC350, v54;
	v4 =	vsel vm15, v4, v52;
	vm9 =	vmand vm7, vm8;
	[tilespmem:$0x960] =	vst v8  }
0xee: {  	vm2 =	vmand vm12, vm13;
	v7 =	vadd.s32 $0xC350, v57;
	v10 =	vadd.s32 $0xC350, v61;
	[tilespmem:$0x970] =	vst v6  }
0xef: {  	vm14 =	vge.s32 v58, v0;
	vm15 =	vlt.s32 v58, v1;
	v11 =	vsel vm0, v11, v12;
	[tilespmem:$0x9A0] =	vst v4  }
0xf0: {  	vm1 =	vmand vm5, vm6;
	v8 =	vadd.s32 $0xC350, v59;
	v7 =	vsel vm9, v60, v7;
	[tilespmem:$0x990] =	vst v11  }
0xf1: {  	v4 =	vsub.s32 v53, v0;
	v5 =	vsel vm1, v5, v56;
	vm1 =	vmand vm10, vm11;
	[tilespmem:$0x9C0] =	vst v7  }
0xf2: {  	v63 =	vand.u32 $0x3FF, v58;
	vm0 =	vmand vm14, vm15;
	[tilespmem:$0x9B0] =	vst v5;
	v4 =	vsel vm1, v4, v8  }
0xf3: {  	v6 =	vsub.s32 v58, v0;
	v5 =	vsel vm2, v62, v10;
	[tilespmem:$0x9D0] =	vst v4;
	v4 =	vadd.s32 $0xC350, v63  }
0xf4: {  	[tilespmem:$0x9E0] =	vst v5;
	v4 =	vsel vm0, v6, v4  }
0xf5: {  	[tilespmem:$0x9F0] =	vst v4  }
0xf6: {  	[tilespmem:s24], [sflag:$0x2] =	stream.indirect.gather [hbm4b:s1+s20], $0x20, s8, s20, $0xb8;
	[tilespmem:$0x1ED00] =	vst v63  }
0xf7: {  	_ = 	snop  }
0xf8: {  	[tilespmem:s25], [sflag:$0x3] =	stream.indirect.gather [hbm4b:s1+s20], $0x20, s20, s20, $0xb8;
	[tilespmem:$0x1ED00] =	vst v63  }
0xf9: {  	s23 =	simm.s32 $0x100  }
0xfa: {  	[tilespmem:s28], [sflag:$0x4] =	stream.indirect.gather [hbm4b:s1+s20], $0x20, s23, s20, $0xb8;
	[tilespmem:$0x1ED00] =	vst v63  }
0xfb: {  	s10 =	simm.s32 $0x180  }
0xfc: {  	[tilespmem:s30], [sflag:$0x5] =	stream.indirect.gather [hbm4b:s1+s20], $0x20, s10, s20, $0xb8;
	[tilespmem:$0x1ED00] =	vst v63  }
.Ltmp4:
0xfd: {  	_ = 	snop;
	(pc) =	sbr.rel .LBB2_6-.Ltmp4, $4  }
0xfe: {  	s14 =	simm.s32 $0x200;
	s12 =	rddreg [dreg:$0x8]  }
0xff: {  	[tilespmem:s14], [sflag:$0x1] =	stream.linear.gather [hbm4b:s12+s8], $0x200, $0x38;
	[tilespmem:$0x1ED00] =	vst v63  }
0x100: {  	s9 =	simm.s32 $0x0;
	s21 =	rddreg [dreg:$0x9];
	s23 =	simm.s32 $0x600  }
0x101: {  	[tilespmem:s23], [sflag:$0x1] =	stream.linear.gather [hbm4b:s21+s8], $0x200, $0x38;
	[tilespmem:$0x1ED00] =	vst v63  }
.LBB2_8:
0x102: {  	_ =	swait.ge [sflag:s26], $0x1000  }
0x103: {  	[sflag:s26] =	ssyncset.done $0x0  }
0x104: {  	s21 =	simm.s32 $0xA00;
	[sflag:s26] =	ssyncadd.s32 $0xFFFFF000  }
0x105: {  	[spmem:s2] =	stream.indirect.scatter.add.f32 [tilespmem:s24], [sflag:$0x6], $0x20, s21, s20, $0xb8;
	[tilespmem:$0x1ED00] =	vst v63  }
0x106: {  	_ = 	snop  }
0x107: {  	[spmem:s3] =	stream.indirect.scatter.add.f32 [tilespmem:s0], [sflag:$0x6], $0x1, s21, s20, $0xb8;
	[tilespmem:$0x1ED00] =	vst v63  }
0x108: {  	_ =	swait.ge [sflag:s5], $0x1000  }
0x109: {  	[sflag:s5] =	ssyncset.done $0x0  }
0x10a: {  	s23 =	simm.s32 $0xA80;
	[sflag:s5] =	ssyncadd.s32 $0xFFFFF000  }
0x10b: {  	[spmem:s2] =	stream.indirect.scatter.add.f32 [tilespmem:s25], [sflag:$0x7], $0x20, s23, s20, $0xb8;
	[tilespmem:$0x1ED00] =	vst v63  }
0x10c: {  	_ = 	snop  }
0x10d: {  	[spmem:s3] =	stream.indirect.scatter.add.f32 [tilespmem:s0], [sflag:$0x7], $0x1, s23, s20, $0xb8;
	[tilespmem:$0x1ED00] =	vst v63  }
0x10e: {  	_ =	swait.ge [sflag:s11], $0x1000  }
0x10f: {  	[sflag:s11] =	ssyncset.done $0x0  }
0x110: {  	[sflag:s11] =	ssyncadd.s32 $0xFFFFF000  }
0x111: {  	[spmem:s2] =	stream.indirect.scatter.add.f32 [tilespmem:s28], [sflag:$0x8], $0x20, s31, s20, $0xb8;
	[tilespmem:$0x1ED00] =	vst v63  }
0x112: {  	_ = 	snop  }
0x113: {  	[spmem:s3] =	stream.indirect.scatter.add.f32 [tilespmem:s0], [sflag:$0x8], $0x1, s31, s20, $0xb8;
	[tilespmem:$0x1ED00] =	vst v63  }
0x114: {  	_ =	swait.ge [sflag:s13], $0x1000  }
0x115: {  	[sflag:s13] =	ssyncset.done $0x0  }
0x116: {  	[sflag:s13] =	ssyncadd.s32 $0xFFFFF000  }
0x117: {  	[spmem:s2] =	stream.indirect.scatter.add.f32 [tilespmem:s30], [sflag:$0x9], $0x20, s29, s20, $0xb8;
	[tilespmem:$0x1ED00] =	vst v63  }
0x118: {  	_ = 	snop  }
0x119: {  	[spmem:s3] =	stream.indirect.scatter.add.f32 [tilespmem:s0], [sflag:$0x9], $0x1, s29, s20, $0xb8;
	[tilespmem:$0x1ED00] =	vst v63  }
0x11a: {  	s12 =	sadd.s32 @!p2 $0xC0, s12;
	s21 =	simm.s32 @!p2 $0x200  }
0x11b: {  	[tilespmem:s21], [sflag:$0x1] =	stream.linear.gather @!p2 [hbm4b:s12+s10], $0x200, $0x38;
	[tilespmem:$0x1ED00] =	vst v63  }
0x11c: {  	s12 =	sadd.s32 @!p2 $0xC0, s14;
	s14 =	simm.s32 @!p2 $0x600  }
0x11d: {  	[tilespmem:s14], [sflag:$0x1] =	stream.linear.gather @!p2 [hbm4b:s12+s10], $0x200, $0x38;
	[tilespmem:$0x1ED00] =	vst v63  }
0x11e: {  	_ =	swait.ge [sflag:s15], $0x1000  }
0x11f: {  	[sflag:s15] =	ssyncset.done $0x0  }
0x120: {  	[sflag:s15] =	ssyncadd.s32 $0xFFFFF000  }
0x121: {  	_ =	swait.ge [sflag:s15], $0x80  }
0x122: {  	[sflag:s15] =	ssyncset.done $0x0  }
0x123: {  	s10 =	simm.s32 @p1 $0x7;
	[sflag:s15] =	ssyncadd.s32 $0xFFFFFF80  }
0x124: {  	_ =	swait.ge @p1 [sflag:s10], $0x1000  }
0x125: {  	[sflag:s10] =	ssyncset.done @p1 $0x0  }
0x126: {  	[sflag:s10] =	ssyncadd.s32 @p1 $0xFFFFF000  }
0x127: {  	_ =	swait.ge @p1 [sflag:s10], $0x80  }
0x128: {  	s12 =	simm.s32 @!p1 $0x0;
	[sflag:s10] =	ssyncset.done @p1 $0x0  }
0x129: {  	s14 =	simm.s32 @!p1 $0xC00;
	[sflag:s10] =	ssyncadd.s32 @p1 $0xFFFFFF80;
	s10 =	simm.s32 @!p1 $0x80  }
0x12a: {  	[tilespmem:s14], [sflag:$0x2] =	stream.indirect.gather @!p1 [hbm4b:s1+s10], $0x20, s12, s10, $0xb8;
	[tilespmem:$0x1ED00] =	vst v63  }
0x12b: {  	s12 =	simm.s32 @!p1 $0x7  }
0x12c: {  	_ =	swait.ge @!p1 [sflag:s12], $0x1000  }
0x12d: {  	[sflag:s12] =	ssyncset.done @!p1 $0x0  }
0x12e: {  	[sflag:s12] =	ssyncadd.s32 @!p1 $0xFFFFF000  }
0x12f: {  	_ =	swait.ge @!p1 [sflag:s12], $0x80  }
0x130: {  	[sflag:s12] =	ssyncset.done @!p1 $0x0  }
0x131: {  	[sflag:s12] =	ssyncadd.s32 @!p1 $0xFFFFFF80;
	s12 =	simm.s32 @!p1 $0x1C00  }
0x132: {  	[tilespmem:s12], [sflag:$0x3] =	stream.indirect.gather @!p1 [hbm4b:s1+s10], $0x20, s10, s10, $0xb8;
	[tilespmem:$0x1ED00] =	vst v63  }
0x133: {  	_ =	swait.ge [sflag:s22], $0x1000  }
0x134: {  	[sflag:s22] =	ssyncset.done $0x0  }
0x135: {  	[sflag:s22] =	ssyncadd.s32 $0xFFFFF000  }
0x136: {  	_ =	swait.ge [sflag:s22], $0x80  }
0x137: {  	[sflag:s22] =	ssyncset.done $0x0  }
0x138: {  	s12 =	simm.s32 @p1 $0x9;
	[sflag:s22] =	ssyncadd.s32 $0xFFFFFF80  }
0x139: {  	_ =	swait.ge @p1 [sflag:s12], $0x1000  }
0x13a: {  	[sflag:s12] =	ssyncset.done @p1 $0x0  }
0x13b: {  	[sflag:s12] =	ssyncadd.s32 @p1 $0xFFFFF000  }
0x13c: {  	_ =	swait.ge @p1 [sflag:s12], $0x80  }
0x13d: {  	[sflag:s12] =	ssyncset.done @p1 $0x0  }
0x13e: {  	s14 =	simm.s32 @!p1 $0x2C00;
	[sflag:s12] =	ssyncadd.s32 @p1 $0xFFFFFF80;
	s12 =	simm.s32 @!p1 $0x100  }
0x13f: {  	[tilespmem:s14], [sflag:$0x4] =	stream.indirect.gather @!p1 [hbm4b:s1+s10], $0x20, s12, s10, $0xb8;
	[tilespmem:$0x1ED00] =	vst v63  }
0x140: {  	s12 =	simm.s32 @!p1 $0x9  }
0x141: {  	_ =	swait.ge @!p1 [sflag:s12], $0x1000  }
0x142: {  	[sflag:s12] =	ssyncset.done @!p1 $0x0  }
0x143: {  	[sflag:s12] =	ssyncadd.s32 @!p1 $0xFFFFF000  }
0x144: {  	_ =	swait.ge @!p1 [sflag:s12], $0x80  }
0x145: {  	s8 =	sadd.s32 $0x80, s8;
	[sflag:s12] =	ssyncset.done @!p1 $0x0  }
0x146: {  	s14 =	simm.s32 @!p1 $0x3C00;
	[sflag:s12] =	ssyncadd.s32 @!p1 $0xFFFFFF80;
	s12 =	simm.s32 @!p1 $0x180  }
0x147: {  	[tilespmem:s14], [sflag:$0x5] =	stream.indirect.gather @!p1 [hbm4b:s1+s10], $0x20, s12, s10, $0xb8;
	[tilespmem:$0x1ED00] =	vst v63  }
0x148: {  	p1 =	sne.s32 s8, $0x3100  }
.Ltmp5:
0x149: {  	_ = 	snop;
	(pc) =	sbr.rel @!p1 .LBB2_9-.Ltmp5, $2  }
0x14a: {  	_ =	sdelay $0x2  }
0x14b: {  	s9 =	sadd.s32 $0x1, s9  }
.LBB2_6:
0x14c: {  	_ =	swait.ge [sflag:s19], $0x200  }
0x14d: {  	[sflag:s19] =	ssyncset.done $0x0  }
0x14e: {  	[sflag:s19] =	ssyncadd.s32 $0xFFFFFE00  }
0x14f: {  	_ =	swait.ge [sflag:s19], $0x200  }
0x150: {  	[sflag:s19] =	ssyncset.done $0x0  }
0x151: {  	[sflag:s19] =	ssyncadd.s32 $0xFFFFFE00  }
0x152: {  	v4 =	vld [tilespmem:$0x600]  }
0x153: {  	v5 =	vld [tilespmem:$0x610]  }
0x154: {  	v7 =	vld [tilespmem:$0x620]  }
0x155: {  	v42 =	vld [tilespmem:$0x630]  }
0x156: {  	v10 =	vld [tilespmem:$0x640]  }
0x157: {  	v12 =	vld [tilespmem:$0x650]  }
0x158: {  	v44 =	vld [tilespmem:$0x660]  }
0x159: {  	v47 =	vld [tilespmem:$0x670]  }
0x15a: {  	v15 =	vld [tilespmem:$0x680]  }
0x15b: {  	v49 =	vld [tilespmem:$0x690]  }
0x15c: {  	v16 =	vld [tilespmem:$0x6A0]  }
0x15d: {  	v18 =	vld [tilespmem:$0x6B0];
	vm0 =	vge.s32 v4, v0  }
0x15e: {  	v53 =	vld [tilespmem:$0x6C0];
	vm1 =	vlt.s32 v4, v1;
	v6 =	vand.u32 $0x3FF, v4;
	v4 =	vsub.s32 v4, v0  }
0x15f: {  	v19 =	vld [tilespmem:$0x6D0];
	vm5 =	vge.s32 v5, v0;
	vm6 =	vlt.s32 v5, v1;
	v8 =	vand.u32 $0x3FF, v5  }
0x160: {  	v21 =	vld [tilespmem:$0x6E0];
	v5 =	vsub.s32 v5, v0;
	vm7 =	vge.s32 v7, v0;
	vm2 =	vlt.s32 v7, v1  }
0x161: {  	v57 =	vld [tilespmem:$0x6F0];
	v9 =	vand.u32 $0x3FF, v7;
	v7 =	vsub.s32 v7, v0;
	vm8 =	vge.s32 v42, v0  }
0x162: {  	v59 =	vld [tilespmem:$0x700];
	vm3 =	vlt.s32 v42, v1;
	v11 =	vand.u32 $0x3FF, v42;
	v13 =	vsub.s32 v42, v0  }
0x163: {  	v61 =	vld [tilespmem:$0x710];
	vm9 =	vge.s32 v10, v0;
	vm10 =	vlt.s32 v10, v1;
	v45 =	vand.u32 $0x3FF, v10  }
0x164: {  	v24 =	vld [tilespmem:$0x720];
	v10 =	vsub.s32 v10, v0;
	vm11 =	vge.s32 v12, v0;
	vm12 =	vlt.s32 v12, v1  }
0x165: {  	v63 =	vld [tilespmem:$0x730];
	v46 =	vand.u32 $0x3FF, v12;
	v12 =	vsub.s32 v12, v0;
	vm13 =	vge.s32 v44, v0  }
0x166: {  	v27 =	vld [tilespmem:$0x740];
	vm14 =	vlt.s32 v44, v1;
	v14 =	vand.u32 $0x3FF, v44;
	vm15 =	vge.s32 v47, v0  }
0x167: {  	v32 =	vld [tilespmem:$0x750];
	vm4 =	vlt.s32 v47, v1;
	v50 =	vand.u32 $0x3FF, v47;
	v51 =	vand.u32 $0x3FF, v15  }
0x168: {  	v34 =	vld [tilespmem:$0x760];
	v17 =	vand.u32 $0x3FF, v49;
	v54 =	vand.u32 $0x3FF, v16;
	v55 =	vand.u32 $0x3FF, v18  }
0x169: {  	v20 =	vand.u32 $0x3FF, v53;
	v58 =	vand.u32 $0x3FF, v19;
	v22 =	vand.u32 $0x3FF, v21  }
0x16a: {  	v23 =	vand.u32 $0x3FF, v57;
	v62 =	vand.u32 $0x3FF, v59;
	v25 =	vand.u32 $0x3FF, v61  }
0x16b: {  	v26 =	vand.u32 $0x3FF, v24;
	v33 =	vsub.s32 v63, v0;
	v35 =	vand.u32 $0x3FF, v27  }
0x16c: {  	v37 =	vand.u32 $0x3FF, v32;
	v38 =	vsub.s32 v27, v0;
	v40 =	vsub.s32 v32, v0  }
0x16d: {  	v41 =	vand.u32 $0x3FF, v34;
	v42 =	vsub.s32 v34, v0;
	vm0 =	vmand vm0, vm1  }
0x16e: {  	v6 =	vadd.s32 $0xC350, v6;
	v8 =	vadd.s32 $0xC350, v8;
	vm1 =	vmand vm7, vm2  }
0x16f: {  	v9 =	vadd.s32 $0xC350, v9;
	vm2 =	vmand vm8, vm3;
	v11 =	vadd.s32 $0xC350, v11  }
0x170: {  	v14 =	vadd.s32 $0xC350, v14;
	vm7 =	vge.s32 v49, v0;
	vm8 =	vlt.s32 v49, v1  }
0x171: {  	v36 =	vld [tilespmem:$0x770];
	v17 =	vadd.s32 $0xC350, v17;
	v20 =	vadd.s32 $0xC350, v20;
	v60 =	vadd.s32 $0xC350, v22  }
0x172: {  	v39 =	vld [tilespmem:$0x780];
	v23 =	vadd.s32 $0xC350, v23;
	v25 =	vadd.s32 $0xC350, v25;
	v22 =	vsub.s32 v61, v0  }
0x173: {  	v26 =	vadd.s32 $0xC350, v26;
	v4 =	vsel vm0, v4, v6;
	vm0 =	vmand vm5, vm6  }
0x174: {  	v43 =	vsel vm1, v7, v9;
	v9 =	vadd.s32 $0xC350, v45;
	vm1 =	vmand vm11, vm12  }
0x175: {  	v7 =	vsub.s32 v44, v0;
	vm5 =	vge.s32 v15, v0;
	vm6 =	vlt.s32 v15, v1  }
0x176: {  	v15 =	vsub.s32 v15, v0;
	vm11 =	vge.s32 v18, v0;
	vm12 =	vlt.s32 v18, v1  }
0x177: {  	v18 =	vsub.s32 v18, v0;
	v44 =	vand.u32 $0x3FF, v36;
	v45 =	vand.u32 $0x3FF, v39  }
0x178: {  	v6 =	vsub.s32 v36, v0;
	v8 =	vsel vm0, v5, v8;
	v5 =	vsel vm2, v13, v11  }
0x179: {  	vm0 =	vmand vm9, vm10;
	v11 =	vadd.s32 $0xC350, v46;
	vm2 =	vmand vm13, vm14  }
0x17a: {  	v13 =	vsub.s32 v47, v0;
	vm9 =	vge.s32 v16, v0;
	vm10 =	vlt.s32 v16, v1  }
0x17b: {  	v16 =	vsub.s32 v16, v0;
	vm13 =	vge.s32 v53, v0;
	vm14 =	vlt.s32 v53, v1  }
0x17c: {  	[tilespmem:$0xA00] =	vst v4;
	v4 =	vand.u32 $0x3FF, v63;
	v9 =	vsel vm0, v10, v9;
	v48 =	vsel vm1, v12, v11  }
0x17d: {  	v7 =	vsel vm2, v7, v14;
	vm0 =	vmand vm15, vm4;
	v12 =	vadd.s32 $0xC350, v50  }
0x17e: {  	vm1 =	vmand vm5, vm6;
	v14 =	vadd.s32 $0xC350, v51;
	vm2 =	vmand vm7, vm8  }
0x17f: {  	v11 =	vsub.s32 v49, v0;
	vm15 =	vge.s32 v19, v0;
	vm4 =	vlt.s32 v19, v1  }
0x180: {  	v19 =	vsub.s32 v19, v0;
	vm5 =	vge.s32 v21, v0;
	vm6 =	vlt.s32 v21, v1  }
0x181: {  	vm8 =	vge.s32 v57, v0;
	v21 =	vsub.s32 v21, v0;
	[tilespmem:$0xA10] =	vst v8;
	v4 =	vadd.s32 $0xC350, v4  }
0x182: {  	[tilespmem:$0xA30] =	vst v5;
	v5 =	vadd.s32 $0xC350, v35;
	v8 =	vadd.s32 $0xC350, v37;
	v10 =	vsub.s32 v39, v0  }
0x183: {  	v12 =	vsel vm0, v13, v12;
	v52 =	vsel vm1, v15, v14;
	v11 =	vsel vm2, v11, v17  }
0x184: {  	vm0 =	vmand vm9, vm10;
	v15 =	vadd.s32 $0xC350, v54;
	vm1 =	vmand vm11, vm12  }
0x185: {  	v17 =	vadd.s32 $0xC350, v55;
	vm2 =	vmand vm13, vm14;
	v14 =	vsub.s32 v53, v0  }
0x186: {  	vm7 =	vmand vm5, vm6;
	vm9 =	vlt.s32 v57, v1;
	vm10 =	vge.s32 v59, v0  }
0x187: {  	vm11 =	vlt.s32 v59, v1;
	vm13 =	vge.s32 v61, v0;
	vm14 =	vlt.s32 v61, v1  }
0x188: {  	vm6 =	vlt.s32 v24, v1;
	v13 =	vadd.s32 $0xC350, v45;
	v15 =	vsel vm0, v16, v15  }
0x189: {  	v56 =	vsel vm1, v18, v17;
	v14 =	vsel vm2, v14, v20;
	vm0 =	vmand vm15, vm4  }
0x18a: {  	v18 =	vadd.s32 $0xC350, v58;
	vm1 =	vmand vm8, vm9;
	v17 =	vsub.s32 v57, v0  }
0x18b: {  	vm12 =	vmand vm10, vm11;
	v20 =	vsub.s32 v59, v0;
	vm15 =	vge.s32 v24, v0  }
0x18c: {  	v24 =	vsub.s32 v24, v0;
	vm8 =	vlt.s32 v63, v1;
	vm9 =	vge.s32 v27, v0  }
0x18d: {  	vm10 =	vlt.s32 v27, v1;
	[tilespmem:$0xA70] =	vst v12;
	v12 =	vadd.s32 $0xC350, v44;
	v18 =	vsel vm0, v19, v18  }
0x18e: {  	[tilespmem:$0xA20] =	vst v43;
	v19 =	vsel vm7, v21, v60;
	v17 =	vsel vm1, v17, v23;
	v21 =	vadd.s32 $0xC350, v62  }
0x18f: {  	[tilespmem:$0xA40] =	vst v9;
	vm1 =	vmand vm13, vm14;
	vm2 =	vmand vm15, vm6;
	vm7 =	vge.s32 v63, v0  }
0x190: {  	v43 =	vld [tilespmem:$0x790];
	[tilespmem:$0xA50] =	vst v48;
	vm11 =	vmand vm9, vm10;
	vm13 =	vlt.s32 v32, v1;
	vm14 =	vge.s32 v34, v0  }
0x191: {  	v46 =	vld [tilespmem:$0x7A0];
	[tilespmem:$0xA60] =	vst v7;
	vm15 =	vlt.s32 v34, v1;
	vm9 =	vge.s32 v39, v0;
	vm10 =	vlt.s32 v39, v1  }
0x192: {  	[tilespmem:$0xA80] =	vst v52;
	v20 =	vsel vm12, v20, v21;
	v30 =	vsel vm1, v22, v25;
	v31 =	vsel vm2, v24, v26  }
0x193: {  	[tilespmem:$0xA90] =	vst v11;
	vm0 =	vmand vm7, vm8;
	vm12 =	vge.s32 v32, v0;
	v5 =	vsel vm11, v38, v5  }
0x194: {  	v50 =	vld [tilespmem:$0x7C0];
	[tilespmem:$0xAA0] =	vst v15;
	vm6 =	vmand vm14, vm15;
	vm7 =	vge.s32 v36, v0;
	vm8 =	vlt.s32 v36, v1  }
0x195: {  	[tilespmem:$0xAB0] =	vst v56;
	vm2 =	vmand vm9, vm10;
	vm11 =	vge.s32 v43, v0;
	v49 =	vand.u32 $0x3FF, v43  }
0x196: {  	v48 =	vld [tilespmem:$0x7B0];
	[tilespmem:$0xAC0] =	vst v14;
	v11 =	vsub.s32 v43, v0;
	vm14 =	vlt.s32 v46, v1;
	v51 =	vand.u32 $0x3FF, v46  }
0x197: {  	[tilespmem:$0xAD0] =	vst v18;
	v4 =	vsel vm0, v33, v4;
	vm1 =	vmand vm12, vm13;
	v47 =	vsel vm2, v10, v13  }
0x198: {  	v53 =	vld [tilespmem:$0x7D0];
	[tilespmem:$0xAE0] =	vst v19;
	vm12 =	vlt.s32 v43, v1;
	vm13 =	vge.s32 v46, v0;
	v52 =	vadd.s32 $0xC350, v51  }
0x199: {  	v55 =	vld [tilespmem:$0x7E0];
	[tilespmem:$0xAF0] =	vst v17;
	v57 =	vand.u32 $0x3FF, v50;
	v60 =	vsub.s32 v50, v0;
	v7 =	vsel vm1, v40, v8  }
0x19a: {  	[tilespmem:$0xB00] =	vst v20;
	v8 =	vadd.s32 $0xC350, v41;
	vm1 =	vmand vm7, vm8;
	vm0 =	vmand vm11, vm12  }
0x19b: {  	[tilespmem:$0xB40] =	vst v5;
	vm15 =	vmand vm13, vm14;
	vm5 =	vge.s32 v48, v0;
	v54 =	vand.u32 $0x3FF, v48  }
0x19c: {  	[tilespmem:$0xB30] =	vst v4;
	v4 =	vsub.s32 v46, v0;
	v5 =	vsub.s32 v48, v0;
	vm7 =	vge.s32 v50, v0  }
0x19d: {  	[tilespmem:$0xB10] =	vst v30;
	vm8 =	vlt.s32 v50, v1;
	vm10 =	vge.s32 v53, v0;
	vm11 =	vlt.s32 v53, v1  }
0x19e: {  	v58 =	vld [tilespmem:$0x7F0];
	[tilespmem:$0xB20] =	vst v31;
	vm12 =	vge.s32 v55, v0;
	vm13 =	vlt.s32 v55, v1;
	v59 =	vand.u32 $0x3FF, v53  }
0x19f: {  	[tilespmem:$0xB80] =	vst v47;
	v61 =	vand.u32 $0x3FF, v55;
	v62 =	vsub.s32 v55, v0;
	v8 =	vsel vm6, v42, v8  }
0x1a0: {  	v6 =	vsel vm1, v6, v12;
	v12 =	vadd.s32 $0xC350, v49;
	vm6 =	vlt.s32 v48, v1;
	[tilespmem:$0xB50] =	vst v7  }
0x1a1: {  	v56 =	vadd.s32 $0xC350, v54;
	v4 =	vsel vm15, v4, v52;
	vm9 =	vmand vm7, vm8;
	[tilespmem:$0xB60] =	vst v8  }
0x1a2: {  	vm2 =	vmand vm12, vm13;
	v7 =	vadd.s32 $0xC350, v57;
	v10 =	vadd.s32 $0xC350, v61;
	[tilespmem:$0xB70] =	vst v6  }
0x1a3: {  	vm14 =	vge.s32 v58, v0;
	vm15 =	vlt.s32 v58, v1;
	v11 =	vsel vm0, v11, v12;
	[tilespmem:$0xBA0] =	vst v4  }
0x1a4: {  	vm1 =	vmand vm5, vm6;
	v8 =	vadd.s32 $0xC350, v59;
	v7 =	vsel vm9, v60, v7;
	[tilespmem:$0xB90] =	vst v11  }
0x1a5: {  	v4 =	vsub.s32 v53, v0;
	v5 =	vsel vm1, v5, v56;
	vm1 =	vmand vm10, vm11;
	[tilespmem:$0xBC0] =	vst v7  }
0x1a6: {  	v63 =	vand.u32 $0x3FF, v58;
	vm0 =	vmand vm14, vm15;
	[tilespmem:$0xBB0] =	vst v5;
	v4 =	vsel vm1, v4, v8  }
0x1a7: {  	v6 =	vsub.s32 v58, v0;
	v5 =	vsel vm2, v62, v10;
	[tilespmem:$0xBD0] =	vst v4;
	v4 =	vadd.s32 $0xC350, v63  }
0x1a8: {  	[tilespmem:$0xBE0] =	vst v5;
	v4 =	vsel vm0, v6, v4  }
0x1a9: {  	[tilespmem:$0xBF0] =	vst v4  }
0x1aa: {  	_ =	swait.ge [sflag:s26], $0x1000  }
0x1ab: {  	[sflag:s26] =	ssyncset.done $0x0  }
0x1ac: {  	s10 =	simm.s32 $0x800;
	[sflag:s26] =	ssyncadd.s32 $0xFFFFF000  }
0x1ad: {  	[spmem:s2] =	stream.indirect.scatter.add.f32 [tilespmem:s24], [sflag:$0x6], $0x20, s10, s20, $0xb8;
	[tilespmem:$0x1ED00] =	vst v63  }
0x1ae: {  	_ = 	snop  }
0x1af: {  	[spmem:s3] =	stream.indirect.scatter.add.f32 [tilespmem:s0], [sflag:$0x6], $0x1, s10, s20, $0xb8;
	[tilespmem:$0x1ED00] =	vst v63  }
0x1b0: {  	_ =	swait.ge [sflag:s5], $0x1000  }
0x1b1: {  	[sflag:s5] =	ssyncset.done $0x0  }
0x1b2: {  	s12 =	simm.s32 $0x880;
	[sflag:s5] =	ssyncadd.s32 $0xFFFFF000  }
0x1b3: {  	[spmem:s2] =	stream.indirect.scatter.add.f32 [tilespmem:s25], [sflag:$0x7], $0x20, s12, s20, $0xb8;
	[tilespmem:$0x1ED00] =	vst v63  }
0x1b4: {  	_ = 	snop  }
0x1b5: {  	[spmem:s3] =	stream.indirect.scatter.add.f32 [tilespmem:s0], [sflag:$0x7], $0x1, s12, s20, $0xb8;
	[tilespmem:$0x1ED00] =	vst v63  }
0x1b6: {  	_ =	swait.ge [sflag:s11], $0x1000  }
0x1b7: {  	[sflag:s11] =	ssyncset.done $0x0  }
0x1b8: {  	s14 =	simm.s32 $0x900;
	[sflag:s11] =	ssyncadd.s32 $0xFFFFF000  }
0x1b9: {  	[spmem:s2] =	stream.indirect.scatter.add.f32 [tilespmem:s28], [sflag:$0x8], $0x20, s14, s20, $0xb8;
	[tilespmem:$0x1ED00] =	vst v63  }
0x1ba: {  	_ = 	snop  }
0x1bb: {  	[spmem:s3] =	stream.indirect.scatter.add.f32 [tilespmem:s0], [sflag:$0x8], $0x1, s14, s20, $0xb8;
	[tilespmem:$0x1ED00] =	vst v63  }
0x1bc: {  	_ =	swait.ge [sflag:s13], $0x1000  }
0x1bd: {  	s21 =	simm.s32 $0x980;
	[sflag:s13] =	ssyncset.done $0x0  }
0x1be: {  	p2 =	seq.s32 s8, $0x3080;
	s10 =	rddreg [dreg:$0x6];
	[sflag:s13] =	ssyncadd.s32 $0xFFFFF000  }
0x1bf: {  	[spmem:s2] =	stream.indirect.scatter.add.f32 [tilespmem:s30], [sflag:$0x9], $0x20, s21, s20, $0xb8;
	[tilespmem:$0x1ED00] =	vst v63  }
0x1c0: {  	s12 =	sadd.s32 @!p2 s8, s10  }
0x1c1: {  	[spmem:s3] =	stream.indirect.scatter.add.f32 [tilespmem:s0], [sflag:$0x9], $0x1, s21, s20, $0xb8;
	[tilespmem:$0x1ED00] =	vst v63  }
0x1c2: {  	s10 =	simm.s32 @!p2 $0x0;
	s14 =	sadd.s32 @!p2 $0x80, s12  }
0x1c3: {  	[tilespmem:s10], [sflag:$0x1] =	stream.linear.gather @!p2 [hbm4b:s14+s10], $0x200, $0x38;
	[tilespmem:$0x1ED00] =	vst v63  }
0x1c4: {  	s14 =	rddreg [dreg:$0x7]  }
0x1c5: {  	s14 =	sadd.s32 @!p2 s8, s14  }
0x1c6: {  	s21 =	simm.s32 @!p2 $0x400;
	s23 =	sadd.s32 @!p2 $0x80, s14  }
0x1c7: {  	[tilespmem:s21], [sflag:$0x1] =	stream.linear.gather @!p2 [hbm4b:s23+s10], $0x200, $0x38;
	[tilespmem:$0x1ED00] =	vst v63  }
0x1c8: {  	_ =	swait.ge [sflag:s15], $0x1000  }
0x1c9: {  	[sflag:s15] =	ssyncset.done $0x0  }
0x1ca: {  	[sflag:s15] =	ssyncadd.s32 $0xFFFFF000  }
0x1cb: {  	_ =	swait.ge [sflag:s15], $0x80  }
0x1cc: {  	[sflag:s15] =	ssyncset.done $0x0  }
0x1cd: {  	s23 =	simm.s32 $0x200;
	[sflag:s15] =	ssyncadd.s32 $0xFFFFFF80  }
0x1ce: {  	[tilespmem:s24], [sflag:$0x2] =	stream.indirect.gather [hbm4b:s1+s20], $0x20, s23, s20, $0xb8;
	[tilespmem:$0x1ED00] =	vst v63  }
0x1cf: {  	_ =	swait.ge [sflag:s16], $0x1000  }
0x1d0: {  	[sflag:s16] =	ssyncset.done $0x0  }
0x1d1: {  	[sflag:s16] =	ssyncadd.s32 $0xFFFFF000  }
0x1d2: {  	_ =	swait.ge [sflag:s16], $0x80  }
0x1d3: {  	[sflag:s16] =	ssyncset.done $0x0  }
0x1d4: {  	s23 =	simm.s32 $0x280;
	[sflag:s16] =	ssyncadd.s32 $0xFFFFFF80  }
0x1d5: {  	[tilespmem:s25], [sflag:$0x3] =	stream.indirect.gather [hbm4b:s1+s20], $0x20, s23, s20, $0xb8;
	[tilespmem:$0x1ED00] =	vst v63  }
0x1d6: {  	_ =	swait.ge [sflag:s22], $0x1000  }
0x1d7: {  	[sflag:s22] =	ssyncset.done $0x0  }
0x1d8: {  	[sflag:s22] =	ssyncadd.s32 $0xFFFFF000  }
0x1d9: {  	_ =	swait.ge [sflag:s22], $0x80  }
0x1da: {  	[sflag:s22] =	ssyncset.done $0x0  }
0x1db: {  	s23 =	simm.s32 $0x300;
	[sflag:s22] =	ssyncadd.s32 $0xFFFFFF80  }
0x1dc: {  	[tilespmem:s28], [sflag:$0x4] =	stream.indirect.gather [hbm4b:s1+s20], $0x20, s23, s20, $0xb8;
	[tilespmem:$0x1ED00] =	vst v63  }
0x1dd: {  	_ =	swait.ge [sflag:s4], $0x1000  }
0x1de: {  	p1 =	sgt.u32 s9, $0x60;
	[sflag:s4] =	ssyncset.done $0x0  }
.Ltmp6:
0x1df: {  	[sflag:s4] =	ssyncadd.s32 $0xFFFFF000;
	(pc) =	sbr.rel @p1 .LBB2_8-.Ltmp6, $4  }
0x1e0: {  	_ =	swait.ge [sflag:s4], $0x80  }
0x1e1: {  	[sflag:s4] =	ssyncset.done $0x0  }
0x1e2: {  	s23 =	simm.s32 $0x380;
	[sflag:s4] =	ssyncadd.s32 $0xFFFFFF80  }
0x1e3: {  	[tilespmem:s30], [sflag:$0x5] =	stream.indirect.gather [hbm4b:s1+s20], $0x20, s23, s20, $0xb8;
	[tilespmem:$0x1ED00] =	vst v63  }
0x1e4: {  	_ =	swait.ge [sflag:s19], $0x200  }
0x1e5: {  	[sflag:s19] =	ssyncset.done $0x0  }
0x1e6: {  	[sflag:s19] =	ssyncadd.s32 $0xFFFFFE00  }
0x1e7: {  	_ =	swait.ge [sflag:s19], $0x200  }
0x1e8: {  	[sflag:s19] =	ssyncset.done $0x0  }
0x1e9: {  	[sflag:s19] =	ssyncadd.s32 $0xFFFFFE00  }
0x1ea: {  	v4 =	vld [tilespmem:$0x400]  }
0x1eb: {  	v5 =	vld [tilespmem:$0x410]  }
0x1ec: {  	v7 =	vld [tilespmem:$0x420]  }
0x1ed: {  	v42 =	vld [tilespmem:$0x430]  }
0x1ee: {  	v10 =	vld [tilespmem:$0x440]  }
0x1ef: {  	v12 =	vld [tilespmem:$0x450]  }
0x1f0: {  	v44 =	vld [tilespmem:$0x460]  }
0x1f1: {  	v47 =	vld [tilespmem:$0x470]  }
0x1f2: {  	v15 =	vld [tilespmem:$0x480]  }
0x1f3: {  	v49 =	vld [tilespmem:$0x490]  }
0x1f4: {  	v16 =	vld [tilespmem:$0x4A0]  }
0x1f5: {  	v18 =	vld [tilespmem:$0x4B0];
	vm0 =	vge.s32 v4, v0  }
0x1f6: {  	v53 =	vld [tilespmem:$0x4C0];
	vm1 =	vlt.s32 v4, v1;
	v6 =	vand.u32 $0x3FF, v4;
	v4 =	vsub.s32 v4, v0  }
0x1f7: {  	v19 =	vld [tilespmem:$0x4D0];
	vm5 =	vge.s32 v5, v0;
	vm6 =	vlt.s32 v5, v1;
	v8 =	vand.u32 $0x3FF, v5  }
0x1f8: {  	v21 =	vld [tilespmem:$0x4E0];
	v5 =	vsub.s32 v5, v0;
	vm7 =	vge.s32 v7, v0;
	vm2 =	vlt.s32 v7, v1  }
0x1f9: {  	v57 =	vld [tilespmem:$0x4F0];
	v9 =	vand.u32 $0x3FF, v7;
	v7 =	vsub.s32 v7, v0;
	vm8 =	vge.s32 v42, v0  }
0x1fa: {  	v59 =	vld [tilespmem:$0x500];
	vm3 =	vlt.s32 v42, v1;
	v11 =	vand.u32 $0x3FF, v42;
	v13 =	vsub.s32 v42, v0  }
0x1fb: {  	v61 =	vld [tilespmem:$0x510];
	vm9 =	vge.s32 v10, v0;
	vm10 =	vlt.s32 v10, v1;
	v45 =	vand.u32 $0x3FF, v10  }
0x1fc: {  	v24 =	vld [tilespmem:$0x520];
	v10 =	vsub.s32 v10, v0;
	vm11 =	vge.s32 v12, v0;
	vm12 =	vlt.s32 v12, v1  }
0x1fd: {  	v63 =	vld [tilespmem:$0x530];
	v46 =	vand.u32 $0x3FF, v12;
	v12 =	vsub.s32 v12, v0;
	vm13 =	vge.s32 v44, v0  }
0x1fe: {  	v27 =	vld [tilespmem:$0x540];
	vm14 =	vlt.s32 v44, v1;
	v14 =	vand.u32 $0x3FF, v44;
	vm15 =	vge.s32 v47, v0  }
0x1ff: {  	v32 =	vld [tilespmem:$0x550];
	vm4 =	vlt.s32 v47, v1;
	v50 =	vand.u32 $0x3FF, v47;
	v51 =	vand.u32 $0x3FF, v15  }
0x200: {  	v34 =	vld [tilespmem:$0x560];
	v17 =	vand.u32 $0x3FF, v49;
	v54 =	vand.u32 $0x3FF, v16;
	v55 =	vand.u32 $0x3FF, v18  }
0x201: {  	v20 =	vand.u32 $0x3FF, v53;
	v58 =	vand.u32 $0x3FF, v19;
	v22 =	vand.u32 $0x3FF, v21  }
0x202: {  	v23 =	vand.u32 $0x3FF, v57;
	v62 =	vand.u32 $0x3FF, v59;
	v25 =	vand.u32 $0x3FF, v61  }
0x203: {  	v26 =	vand.u32 $0x3FF, v24;
	v33 =	vsub.s32 v63, v0;
	v35 =	vand.u32 $0x3FF, v27  }
0x204: {  	v37 =	vand.u32 $0x3FF, v32;
	v38 =	vsub.s32 v27, v0;
	v40 =	vsub.s32 v32, v0  }
0x205: {  	v41 =	vand.u32 $0x3FF, v34;
	v42 =	vsub.s32 v34, v0;
	vm0 =	vmand vm0, vm1  }
0x206: {  	v6 =	vadd.s32 $0xC350, v6;
	v8 =	vadd.s32 $0xC350, v8;
	vm1 =	vmand vm7, vm2  }
0x207: {  	v9 =	vadd.s32 $0xC350, v9;
	vm2 =	vmand vm8, vm3;
	v11 =	vadd.s32 $0xC350, v11  }
0x208: {  	v14 =	vadd.s32 $0xC350, v14;
	vm7 =	vge.s32 v49, v0;
	vm8 =	vlt.s32 v49, v1  }
0x209: {  	v36 =	vld [tilespmem:$0x570];
	v17 =	vadd.s32 $0xC350, v17;
	v20 =	vadd.s32 $0xC350, v20;
	v60 =	vadd.s32 $0xC350, v22  }
0x20a: {  	v39 =	vld [tilespmem:$0x580];
	v23 =	vadd.s32 $0xC350, v23;
	v25 =	vadd.s32 $0xC350, v25;
	v22 =	vsub.s32 v61, v0  }
0x20b: {  	v26 =	vadd.s32 $0xC350, v26;
	v4 =	vsel vm0, v4, v6;
	vm0 =	vmand vm5, vm6  }
0x20c: {  	v43 =	vsel vm1, v7, v9;
	v9 =	vadd.s32 $0xC350, v45;
	vm1 =	vmand vm11, vm12  }
0x20d: {  	v7 =	vsub.s32 v44, v0;
	vm5 =	vge.s32 v15, v0;
	vm6 =	vlt.s32 v15, v1  }
0x20e: {  	v15 =	vsub.s32 v15, v0;
	vm11 =	vge.s32 v18, v0;
	vm12 =	vlt.s32 v18, v1  }
0x20f: {  	v18 =	vsub.s32 v18, v0;
	v44 =	vand.u32 $0x3FF, v36;
	v45 =	vand.u32 $0x3FF, v39  }
0x210: {  	v6 =	vsub.s32 v36, v0;
	v8 =	vsel vm0, v5, v8;
	v5 =	vsel vm2, v13, v11  }
0x211: {  	vm0 =	vmand vm9, vm10;
	v11 =	vadd.s32 $0xC350, v46;
	vm2 =	vmand vm13, vm14  }
0x212: {  	v13 =	vsub.s32 v47, v0;
	vm9 =	vge.s32 v16, v0;
	vm10 =	vlt.s32 v16, v1  }
0x213: {  	v16 =	vsub.s32 v16, v0;
	vm13 =	vge.s32 v53, v0;
	vm14 =	vlt.s32 v53, v1  }
0x214: {  	[tilespmem:$0x800] =	vst v4;
	v4 =	vand.u32 $0x3FF, v63;
	v9 =	vsel vm0, v10, v9;
	v48 =	vsel vm1, v12, v11  }
0x215: {  	v7 =	vsel vm2, v7, v14;
	vm0 =	vmand vm15, vm4;
	v12 =	vadd.s32 $0xC350, v50  }
0x216: {  	vm1 =	vmand vm5, vm6;
	v14 =	vadd.s32 $0xC350, v51;
	vm2 =	vmand vm7, vm8  }
0x217: {  	v11 =	vsub.s32 v49, v0;
	vm15 =	vge.s32 v19, v0;
	vm4 =	vlt.s32 v19, v1  }
0x218: {  	v19 =	vsub.s32 v19, v0;
	vm5 =	vge.s32 v21, v0;
	vm6 =	vlt.s32 v21, v1  }
0x219: {  	vm8 =	vge.s32 v57, v0;
	v21 =	vsub.s32 v21, v0;
	[tilespmem:$0x810] =	vst v8;
	v4 =	vadd.s32 $0xC350, v4  }
0x21a: {  	[tilespmem:$0x830] =	vst v5;
	v5 =	vadd.s32 $0xC350, v35;
	v8 =	vadd.s32 $0xC350, v37;
	v10 =	vsub.s32 v39, v0  }
0x21b: {  	v12 =	vsel vm0, v13, v12;
	v52 =	vsel vm1, v15, v14;
	v11 =	vsel vm2, v11, v17  }
0x21c: {  	vm0 =	vmand vm9, vm10;
	v15 =	vadd.s32 $0xC350, v54;
	vm1 =	vmand vm11, vm12  }
0x21d: {  	v17 =	vadd.s32 $0xC350, v55;
	vm2 =	vmand vm13, vm14;
	v14 =	vsub.s32 v53, v0  }
0x21e: {  	vm7 =	vmand vm5, vm6;
	vm9 =	vlt.s32 v57, v1;
	vm10 =	vge.s32 v59, v0  }
0x21f: {  	vm11 =	vlt.s32 v59, v1;
	vm13 =	vge.s32 v61, v0;
	vm14 =	vlt.s32 v61, v1  }
0x220: {  	vm6 =	vlt.s32 v24, v1;
	v13 =	vadd.s32 $0xC350, v45;
	v15 =	vsel vm0, v16, v15  }
0x221: {  	v56 =	vsel vm1, v18, v17;
	v14 =	vsel vm2, v14, v20;
	vm0 =	vmand vm15, vm4  }
0x222: {  	v18 =	vadd.s32 $0xC350, v58;
	vm1 =	vmand vm8, vm9;
	v17 =	vsub.s32 v57, v0  }
0x223: {  	vm12 =	vmand vm10, vm11;
	v20 =	vsub.s32 v59, v0;
	vm15 =	vge.s32 v24, v0  }
0x224: {  	v24 =	vsub.s32 v24, v0;
	vm8 =	vlt.s32 v63, v1;
	vm9 =	vge.s32 v27, v0  }
0x225: {  	vm10 =	vlt.s32 v27, v1;
	[tilespmem:$0x870] =	vst v12;
	v12 =	vadd.s32 $0xC350, v44;
	v18 =	vsel vm0, v19, v18  }
0x226: {  	[tilespmem:$0x820] =	vst v43;
	v19 =	vsel vm7, v21, v60;
	v17 =	vsel vm1, v17, v23;
	v21 =	vadd.s32 $0xC350, v62  }
0x227: {  	[tilespmem:$0x840] =	vst v9;
	vm1 =	vmand vm13, vm14;
	vm2 =	vmand vm15, vm6;
	vm7 =	vge.s32 v63, v0  }
0x228: {  	v43 =	vld [tilespmem:$0x590];
	[tilespmem:$0x850] =	vst v48;
	vm11 =	vmand vm9, vm10;
	vm13 =	vlt.s32 v32, v1;
	vm14 =	vge.s32 v34, v0  }
0x229: {  	v46 =	vld [tilespmem:$0x5A0];
	[tilespmem:$0x860] =	vst v7;
	vm15 =	vlt.s32 v34, v1;
	vm9 =	vge.s32 v39, v0;
	vm10 =	vlt.s32 v39, v1  }
0x22a: {  	[tilespmem:$0x880] =	vst v52;
	v20 =	vsel vm12, v20, v21;
	v30 =	vsel vm1, v22, v25;
	v31 =	vsel vm2, v24, v26  }
0x22b: {  	[tilespmem:$0x890] =	vst v11;
	vm0 =	vmand vm7, vm8;
	vm12 =	vge.s32 v32, v0;
	v5 =	vsel vm11, v38, v5  }
0x22c: {  	v50 =	vld [tilespmem:$0x5C0];
	[tilespmem:$0x8A0] =	vst v15;
	vm6 =	vmand vm14, vm15;
	vm7 =	vge.s32 v36, v0;
	vm8 =	vlt.s32 v36, v1  }
0x22d: {  	[tilespmem:$0x8B0] =	vst v56;
	vm2 =	vmand vm9, vm10;
	vm11 =	vge.s32 v43, v0;
	v49 =	vand.u32 $0x3FF, v43  }
0x22e: {  	v48 =	vld [tilespmem:$0x5B0];
	[tilespmem:$0x8C0] =	vst v14;
	v11 =	vsub.s32 v43, v0;
	vm14 =	vlt.s32 v46, v1;
	v51 =	vand.u32 $0x3FF, v46  }
0x22f: {  	[tilespmem:$0x8D0] =	vst v18;
	v4 =	vsel vm0, v33, v4;
	vm1 =	vmand vm12, vm13;
	v47 =	vsel vm2, v10, v13  }
0x230: {  	v53 =	vld [tilespmem:$0x5D0];
	[tilespmem:$0x8E0] =	vst v19;
	vm12 =	vlt.s32 v43, v1;
	vm13 =	vge.s32 v46, v0;
	v52 =	vadd.s32 $0xC350, v51  }
0x231: {  	v55 =	vld [tilespmem:$0x5E0];
	[tilespmem:$0x8F0] =	vst v17;
	v57 =	vand.u32 $0x3FF, v50;
	v60 =	vsub.s32 v50, v0;
	v7 =	vsel vm1, v40, v8  }
0x232: {  	[tilespmem:$0x900] =	vst v20;
	v8 =	vadd.s32 $0xC350, v41;
	vm1 =	vmand vm7, vm8;
	vm0 =	vmand vm11, vm12  }
0x233: {  	[tilespmem:$0x940] =	vst v5;
	vm15 =	vmand vm13, vm14;
	vm5 =	vge.s32 v48, v0;
	v54 =	vand.u32 $0x3FF, v48  }
0x234: {  	[tilespmem:$0x930] =	vst v4;
	v4 =	vsub.s32 v46, v0;
	v5 =	vsub.s32 v48, v0;
	vm7 =	vge.s32 v50, v0  }
0x235: {  	[tilespmem:$0x910] =	vst v30;
	vm8 =	vlt.s32 v50, v1;
	vm10 =	vge.s32 v53, v0;
	vm11 =	vlt.s32 v53, v1  }
0x236: {  	v58 =	vld [tilespmem:$0x5F0];
	[tilespmem:$0x920] =	vst v31;
	vm12 =	vge.s32 v55, v0;
	vm13 =	vlt.s32 v55, v1;
	v59 =	vand.u32 $0x3FF, v53  }
0x237: {  	[tilespmem:$0x980] =	vst v47;
	v61 =	vand.u32 $0x3FF, v55;
	v62 =	vsub.s32 v55, v0;
	v8 =	vsel vm6, v42, v8  }
0x238: {  	v6 =	vsel vm1, v6, v12;
	v12 =	vadd.s32 $0xC350, v49;
	vm6 =	vlt.s32 v48, v1;
	[tilespmem:$0x950] =	vst v7  }
0x239: {  	v56 =	vadd.s32 $0xC350, v54;
	v4 =	vsel vm15, v4, v52;
	vm9 =	vmand vm7, vm8;
	[tilespmem:$0x960] =	vst v8  }
0x23a: {  	vm2 =	vmand vm12, vm13;
	v7 =	vadd.s32 $0xC350, v57;
	v10 =	vadd.s32 $0xC350, v61;
	[tilespmem:$0x970] =	vst v6  }
0x23b: {  	vm14 =	vge.s32 v58, v0;
	vm15 =	vlt.s32 v58, v1;
	v11 =	vsel vm0, v11, v12;
	[tilespmem:$0x9A0] =	vst v4  }
0x23c: {  	vm1 =	vmand vm5, vm6;
	v8 =	vadd.s32 $0xC350, v59;
	v7 =	vsel vm9, v60, v7;
	[tilespmem:$0x990] =	vst v11  }
.Ltmp7:
0x23d: {  	v4 =	vsub.s32 v53, v0;
	v5 =	vsel vm1, v5, v56;
	vm1 =	vmand vm10, vm11;
	[tilespmem:$0x9C0] =	vst v7;
	(pc) =	sbr.rel .LBB2_8-.Ltmp7, $4  }
0x23e: {  	v63 =	vand.u32 $0x3FF, v58;
	vm0 =	vmand vm14, vm15;
	[tilespmem:$0x9B0] =	vst v5;
	v4 =	vsel vm1, v4, v8  }
0x23f: {  	v6 =	vsub.s32 v58, v0;
	v5 =	vsel vm2, v62, v10;
	[tilespmem:$0x9D0] =	vst v4;
	v4 =	vadd.s32 $0xC350, v63  }
0x240: {  	[tilespmem:$0x9E0] =	vst v5;
	v4 =	vsel vm0, v6, v4  }
0x241: {  	[tilespmem:$0x9F0] =	vst v4  }
.LBB2_10:
0x242: {  	_ =	sfence.sel $0x180000  }
0x243: {  	[bflag:$0x0] =	sbarrier.arrive $0xFFFF  }
0x244: {  	_ =	strace $0x90000047  }
0x245: {  	s0 =	stileid.u32;
	[bflag:$0x2] =	sbarrier.arrive $0xFFFF  }
0x246: {  	p0 =	sne.s32 s0, $0x0;
	s0 =	rddreg [dreg:$0x4]  }
0x247: {  	s0 =	sadd.s32 @!p0 $0x100000, s0  }
0x248: {  	[sflag:s0] =	ssyncadd.tile.s32 @!p0 $0x1;
	_ =	shalt  }
.Lfunc_end2:
_tile_overlayer_lowered:
.L_overlay_start_2:
0x249: {  	(tag) =	ssettag $0x2  }
0x24a: {  	s0 =	rddreg [dreg:$0x0];
	s2 =	stileid.u32  }
0x24b: {  	s1 =	rddreg [dreg:$0x1];
	p0 =	sne.s32 s2, $0x0  }
0x24c: {  	s3 =	rddreg [dreg:$0x2];
	[bflag:$0x3] =	sbarrier.arrive $0xFFFF;
	s2 =	simm.s32 @!p0 $0x1C0A  }
0x24d: {  	[timem:s3], [sflag:s2] =	dma.local @!p0 [hbm:s0], s1  }
0x24e: {  	s0 =	simm.s32 @!p0 $0xA  }
0x24f: {  	_ =	swait.ge @!p0 [sflag:s0], s1  }
0x250: {  	s1 =	ssub.s32 @!p0 $0x0, s1;
	[sflag:s0] =	ssyncset.done @!p0 $0x0  }
0x251: {  	[sflag:s0] =	ssyncadd.s32 @!p0 s1  }
0x252: {  	[bflag:$0x3] =	sbarrier.arrive $0xFFFF  }
0x253: {  	_ =	shalt  }

</sc_bundles>
